<compile_context>
chip_gen: v7x
topology: tpu7x:2x2x1
jax: 0.10.2.dev20260603
libtpu: 0.0.44.dev20260713+nightly
codegen_flags: <defaults>
</compile_context>

<pallas_src>
import functools

import jax
import jax.numpy as jnp
from jax import lax
from jax.experimental import pallas as pl
from jax.experimental.pallas import tpu as pltpu
from jax.experimental.pallas import tpu_sc as plsc

N = 10000
E = 320000
D = 128
K = 3

NW = 32
CH = 128
NCHUNK = 80
EPT = NCHUNK * CH
EP = NW * EPT
NP = 10112
RPT = NP // 16
R = 1000
G = N // R

_mesh = plsc.VectorSubcoreMesh(core_axis_name="c", subcore_axis_name="s")



def _sc_degree_body(colc_hbm, ones_hbm, z_hbm, out_hbm, colv, onesv, acc):
    cid = lax.axis_index("c")
    sid = lax.axis_index("s")
    wid = sid * 2 + cid
    pltpu.sync_copy(colc_hbm.at[wid], colv)
    pltpu.sync_copy(ones_hbm, onesv)
    pltpu.sync_copy(z_hbm, acc.at[pl.ds(sid * RPT, RPT)])
    plsc.subcore_barrier()

    def body(j, carry):
        pltpu.sync_copy(onesv, acc.at[colv.at[j]], add=True)
        return carry

    lax.fori_loop(0, NCHUNK, body, 0)
    plsc.subcore_barrier()
    pltpu.sync_copy(acc.at[pl.ds(sid * RPT, RPT)],
                    out_hbm.at[cid, pl.ds(sid * RPT, RPT)])


def _sc_scatter_body(g_hbm, rowc_hbm, colc_hbm, z_hbm, out_hbm,
                     rowv, colv, bufa, bufb, acc, sema, semb):
    cid = lax.axis_index("c")
    sid = lax.axis_index("s")
    wid = sid * 2 + cid
    half = NCHUNK // 2
    pltpu.sync_copy(z_hbm, acc.at[pl.ds(sid * RPT, RPT)])
    plsc.subcore_barrier()

    for phase in range(2):
        pltpu.sync_copy(rowc_hbm.at[wid, pl.ds(phase * half, half)], rowv)
        pltpu.sync_copy(colc_hbm.at[wid, pl.ds(phase * half, half)], colv)
        pltpu.async_copy(g_hbm.at[rowv.at[0]], bufa, sema)

        def pair(i, carry):
            j = 2 * i
            pltpu.async_copy(g_hbm.at[rowv.at[j + 1]], bufb, semb)
            pltpu.make_async_copy(g_hbm.at[rowv.at[j]], bufa, sema).wait()
            pltpu.sync_copy(bufa, acc.at[colv.at[j]], add=True)

            @pl.when(j + 2 < half)
            def _():
                pltpu.async_copy(g_hbm.at[rowv.at[j + 2]], bufa, sema)

            pltpu.make_async_copy(g_hbm.at[rowv.at[j + 1]], bufb, semb).wait()
            pltpu.sync_copy(bufb, acc.at[colv.at[j + 1]], add=True)
            return carry

        lax.fori_loop(0, half // 2, pair, 0)
    plsc.subcore_barrier()
    pltpu.sync_copy(acc.at[pl.ds(sid * RPT, RPT)],
                    out_hbm.at[cid, pl.ds(sid * RPT, RPT)])


def _make_sc_kernels(interpret=False):
    deg = pl.kernel(
        _sc_degree_body,
        out_type=jax.ShapeDtypeStruct((2, NP, D), jnp.float32),
        mesh=_mesh,
        scratch_types=[
            pltpu.VMEM((NCHUNK, CH), jnp.int32),
            pltpu.VMEM((CH, D), jnp.float32),
            pltpu.VMEM_SHARED((NP, D), jnp.float32),
        ],
        interpret=interpret,
    )
    scat = pl.kernel(
        _sc_scatter_body,
        out_type=jax.ShapeDtypeStruct((2, NP, D), jnp.float32),
        mesh=_mesh,
        scratch_types=[
            pltpu.VMEM((NCHUNK // 2, CH), jnp.int32),
            pltpu.VMEM((NCHUNK // 2, CH), jnp.int32),
            pltpu.VMEM((CH, D), jnp.float32),
            pltpu.VMEM((CH, D), jnp.float32),
            pltpu.VMEM_SHARED((NP, D), jnp.float32),
            pltpu.SemaphoreType.DMA,
            pltpu.SemaphoreType.DMA,
        ],
        interpret=interpret,
    )
    return deg, scat


_sc_degree, _sc_scatter = _make_sc_kernels()



def _prep_body(degp0_ref, degp1_ref, x_ref, w_ref, dinv_ref, g_ref, out_ref):
    d = degp0_ref[0] + degp1_ref[0]
    d0 = d[:, 0:1]
    dinv = jnp.where(d0 > 0, 1.0 / jnp.sqrt(d0), 0.0)
    dinvb = jnp.broadcast_to(dinv, (R, D))
    x = x_ref[...]
    dinv_ref[...] = dinvb
    g_ref[...] = dinvb * x
    out_ref[...] = jnp.dot(x, w_ref[...], preferred_element_type=jnp.float32)


def _mid_body(p_ref0, p_ref1, dinv_ref, w_ref, oin_ref, oout_ref, g_ref):
    dinv = dinv_ref[...]
    h = dinv * (p_ref0[0] + p_ref1[0])
    oout_ref[...] = oin_ref[...] + jnp.dot(h, w_ref[...],
                                           preferred_element_type=jnp.float32)
    g_ref[...] = dinv * h


def _end1_body(p_ref0, p_ref1, dinv_ref, w_ref, b_ref, w20_ref, oin_ref,
               oout_ref, g_ref):
    dinv = dinv_ref[...]
    h = dinv * (p_ref0[0] + p_ref1[0])
    o = oin_ref[...] + jnp.dot(h, w_ref[...],
                               preferred_element_type=jnp.float32) + b_ref[...]
    a = jnp.maximum(o, 0.0)
    g_ref[...] = dinv * a
    oout_ref[...] = jnp.dot(a, w20_ref[...], preferred_element_type=jnp.float32)


def _end2_body(p_ref0, p_ref1, dinv_ref, w_ref, b_ref, oin_ref, out_ref):
    dinv = dinv_ref[...]
    h = dinv * (p_ref0[0] + p_ref1[0])
    z = oin_ref[...] + jnp.dot(h, w_ref[...],
                               preferred_element_type=jnp.float32) + b_ref[...]
    m = jnp.max(z, axis=1, keepdims=True)
    zs = z - m
    out_ref[...] = zs - jnp.log(jnp.sum(jnp.exp(zs), axis=1, keepdims=True))


_spec_r = pl.BlockSpec((R, D), lambda i: (i, 0))
_spec_p0 = pl.BlockSpec((1, R, D), lambda i: (0, i, 0))
_spec_p1 = pl.BlockSpec((1, R, D), lambda i: (1, i, 0))
_spec_w = pl.BlockSpec((D, D), lambda i: (0, 0))
_spec_b = pl.BlockSpec((1, D), lambda i: (0, 0))
_out_r = jax.ShapeDtypeStruct((N, D), jnp.float32)

def _make_tc_kernels(interpret=False):
    prep = pl.pallas_call(
        _prep_body,
        grid=(G,),
        in_specs=[_spec_p0, _spec_p1, _spec_r, _spec_w],
        out_specs=[_spec_r, _spec_r, _spec_r],
        out_shape=[_out_r, _out_r, _out_r],
        interpret=interpret,
    )
    mid = pl.pallas_call(
        _mid_body,
        grid=(G,),
        in_specs=[_spec_p0, _spec_p1, _spec_r, _spec_w, _spec_r],
        out_specs=[_spec_r, _spec_r],
        out_shape=[_out_r, _out_r],
        interpret=interpret,
    )
    end1 = pl.pallas_call(
        _end1_body,
        grid=(G,),
        in_specs=[_spec_p0, _spec_p1, _spec_r, _spec_w, _spec_b, _spec_w,
                  _spec_r],
        out_specs=[_spec_r, _spec_r],
        out_shape=[_out_r, _out_r],
        interpret=interpret,
    )
    end2 = pl.pallas_call(
        _end2_body,
        grid=(G,),
        in_specs=[_spec_p0, _spec_p1, _spec_r, _spec_w, _spec_b, _spec_r],
        out_specs=_spec_r,
        out_shape=_out_r,
        interpret=interpret,
    )
    return prep, mid, end1, end2


_tc_prep, _tc_mid, _tc_end1, _tc_end2 = _make_tc_kernels()



def kernel(x, edge_index, W1, b1, W2, b2):
    row = edge_index[0]
    col = edge_index[1]
    pad = EP - E
    rowc = jnp.concatenate(
        [row, jnp.zeros((pad,), jnp.int32)]).reshape(NW, NCHUNK, CH)
    colc = jnp.concatenate(
        [col, jnp.full((pad,), N, jnp.int32)]).reshape(NW, NCHUNK, CH)
    zrows = jnp.zeros((RPT, D), jnp.float32)
    onesc = jnp.ones((CH, D), jnp.float32)

    degp = _sc_degree(colc, onesc, zrows)
    dinvb, g, oacc = _tc_prep(degp, degp, x, W1[0])

    b1r = b1.reshape(1, D)
    b2r = b2.reshape(1, D)

    for k in (1, 2):
        p = _sc_scatter(g, rowc, colc, zrows)
        oacc, g = _tc_mid(p, p, dinvb, W1[k], oacc)
    p = _sc_scatter(g, rowc, colc, zrows)
    oacc, g = _tc_end1(p, p, dinvb, W1[3], b1r, W2[0], oacc)

    for k in (1, 2):
        p = _sc_scatter(g, rowc, colc, zrows)
        oacc, g = _tc_mid(p, p, dinvb, W2[k], oacc)
    p = _sc_scatter(g, rowc, colc, zrows)
    return _tc_end2(p, p, dinvb, W2[3], b2r, oacc)

# --- scband reference (transcript-rebuilt; emitter-appended) ---
"""Pipeline reference for scband-tagcn-49289044689243 (READ-ONLY COPY).

The authoritative reference and input builder live on the scoring server;
editing this copy changes nothing except your own understanding.
"""

import jax, jax.numpy as jnp
import numpy as np

N = 10000
E = 320000
D_IN = 128
D_HID = 128
D_OUT = 128
K = 3


def setup_inputs(seed: int = 0) -> dict:
    key = jax.random.key(seed)
    ks = jax.random.split(key, 8)
    x = jax.random.normal(ks[0], (N, D_IN), dtype=jnp.float32)
    edge_index = jax.random.randint(ks[1], (2, E), 0, N, dtype=jnp.int32)
    # TAGConv has K+1 linear layers (bias folded into a single bias param, PyG-style)
    s1 = 1.0 / np.sqrt(D_IN)
    s2 = 1.0 / np.sqrt(D_HID)
    W1 = jax.random.uniform(ks[2], (K + 1, D_IN, D_HID), dtype=jnp.float32, minval=-s1, maxval=s1)
    b1 = jax.random.uniform(ks[3], (D_HID,), dtype=jnp.float32, minval=-s1, maxval=s1)
    W2 = jax.random.uniform(ks[4], (K + 1, D_HID, D_OUT), dtype=jnp.float32, minval=-s2, maxval=s2)
    b2 = jax.random.uniform(ks[5], (D_OUT,), dtype=jnp.float32, minval=-s2, maxval=s2)
    return {"x": x, "edge_index": edge_index, "W1": W1, "b1": b1, "W2": W2, "b2": b2}


def _gcn_norm(edge_index, num_nodes):
    # gcn_norm with add_self_loops=False (TAGConv default), edge_weight = ones
    row, col = edge_index[0], edge_index[1]
    deg = jnp.zeros((num_nodes,), dtype=jnp.float32).at[col].add(1.0)
    deg_inv_sqrt = jnp.where(deg > 0, deg ** -0.5, 0.0)
    norm = deg_inv_sqrt[row] * deg_inv_sqrt[col]
    return norm


def _tag_conv(x, edge_index, norm, W, b):
    row, col = edge_index[0], edge_index[1]
    out = x @ W[0]
    h = x
    for k in range(1, K + 1):
        msg = h[row] * norm[:, None]           # gather over src nodes
        h = jnp.zeros((x.shape[0], x.shape[1]), dtype=x.dtype).at[col].add(msg)  # scatter-add to dst
        out = out + h @ W[k]
    return out + b


def reference(x, edge_index, W1, b1, W2, b2):
    norm = _gcn_norm(edge_index, N)
    h = jax.nn.relu(_tag_conv(x, edge_index, norm, W1, b1))
    # dropout is identity in eval mode
    h = _tag_conv(h, edge_index, norm, W2, b2)
    return jax.nn.log_softmax(h, axis=1)

if __name__ == "__main__":
    import jax
    _d = setup_inputs()
    print(jax.jit(kernel)(*tuple(_d.values())))

</pallas_src>

<mosaic_0001>
#map = affine_map<(d0, d1) -> (0, 0)>
#map1 = affine_map<(d0, d1) -> (0, 0, 0)>
module attributes {stable_mosaic.version = 14 : i64} {
  func.func @_sc_scatter_body(%arg0: i32, %arg1: i32, %arg2: memref<10000x128xf32, #tpu.memory_space<hbm>>, %arg3: memref<32x80x128xi32, #tpu.memory_space<hbm>>, %arg4: memref<32x80x128xi32, #tpu.memory_space<hbm>>, %arg5: memref<632x128xf32, #tpu.memory_space<hbm>>, %arg6: memref<2x10112x128xf32, #tpu.memory_space<hbm>>, %arg7: memref<40x128xi32, #tpu.memory_space<vmem>>, %arg8: memref<40x128xi32, #tpu.memory_space<vmem>>, %arg9: memref<128x128xf32, #tpu.memory_space<vmem>>, %arg10: memref<128x128xf32, #tpu.memory_space<vmem>>, %arg11: memref<10112x128xf32, #tpu.memory_space<vmem_shared>>, %arg12: memref<!tpu.dma_semaphore, #tpu.memory_space<semaphore_mem>>, %arg13: memref<!tpu.dma_semaphore, #tpu.memory_space<semaphore_mem>>) attributes {dimension_semantics = [#tpu.dimension_semantics<core_parallel>, #tpu.dimension_semantics<subcore_parallel>], iteration_bounds = array<i64: 2, 16>, scalar_prefetch = 0 : i64, scratch_operands = 7 : i64, tpu.core_type = #tpu.core_type<sc_vector_subcore>, window_params = [{transform_indices = #map}, {transform_indices = #map1}, {transform_indices = #map1}, {transform_indices = #map}, {transform_indices = #map1}]} {
    %mul3A = arith.constant 2 : i32
    %mul3A_0 = arith.muli %arg1, %mul3A : i32
    %add3A = arith.addi %mul3A_0, %arg0 : i32
    %mul3A_1 = arith.constant 632 : i32
    %mul3A_2 = arith.muli %arg1, %mul3A_1 : i32
    "tpu.region"() ({
      %run_scoped3A = tpu.sem_alloc : memref<!tpu.dma_semaphore, #tpu.memory_space<semaphore_mem>>
      %dma_start3A_32 = arith.constant 0 : i32
      %dma_start3A_33 = tpu.memref_slice %arg11[%mul3A_2, %dma_start3A_32] : memref<10112x128xf32, #tpu.memory_space<vmem_shared>> -> memref<632x128xf32, #tpu.memory_space<vmem_shared>>
      tpu.enqueue_dma source(%arg5 : memref<632x128xf32, #tpu.memory_space<hbm>>) target(%dma_start3A_33 : memref<632x128xf32, #tpu.memory_space<vmem_shared>>) target_semaphore(%run_scoped3A : memref<!tpu.dma_semaphore, #tpu.memory_space<semaphore_mem>>)
      %dma_wait3A = arith.constant 0 : i32
      %dma_wait3A_34 = tpu.memref_slice %arg11[%mul3A_2, %dma_wait3A] : memref<10112x128xf32, #tpu.memory_space<vmem_shared>> -> memref<632x128xf32, #tpu.memory_space<vmem_shared>>
      tpu.wait_dma2 semaphore(%run_scoped3A : memref<!tpu.dma_semaphore, #tpu.memory_space<semaphore_mem>>) src(%arg5 : memref<632x128xf32, #tpu.memory_space<hbm>>) dst(%dma_wait3A_34 : memref<632x128xf32, #tpu.memory_space<vmem_shared>>)
      tpu.yield
    }) : () -> ()
    %barrier3A = arith.constant 0 : index
    tpu.barrier barrier_id(%barrier3A)
    "tpu.region"() ({
      %run_scoped3A = tpu.sem_alloc : memref<!tpu.dma_semaphore, #tpu.memory_space<semaphore_mem>>
      %dma_start3A_32 = arith.constant 0 : i32
      %dma_start3A_33 = arith.constant 0 : i32
      %dma_start3A_34 = tpu.memref_slice %arg3[%add3A, %dma_start3A_32, %dma_start3A_33] : memref<32x80x128xi32, #tpu.memory_space<hbm>> -> memref<1x40x128xi32, #tpu.memory_space<hbm>>
      %dma_start3A_35 = tpu.memref_squeeze %dma_start3A_34 : memref<1x40x128xi32, #tpu.memory_space<hbm>> -> memref<40x128xi32, #tpu.memory_space<hbm>>
      %dma_start3A_36 = arith.constant 0 : i32
      %dma_start3A_37 = arith.constant 0 : i32
      %dma_start3A_38 = tpu.memref_slice %arg3[%add3A, %dma_start3A_36, %dma_start3A_37] : memref<32x80x128xi32, #tpu.memory_space<hbm>> -> memref<1x40x128xi32, #tpu.memory_space<hbm>>
      %dma_start3A_39 = tpu.memref_squeeze %dma_start3A_38 : memref<1x40x128xi32, #tpu.memory_space<hbm>> -> memref<40x128xi32, #tpu.memory_space<hbm>>
      tpu.enqueue_dma source(%dma_start3A_39 : memref<40x128xi32, #tpu.memory_space<hbm>>) target(%arg7 : memref<40x128xi32, #tpu.memory_space<vmem>>) target_semaphore(%run_scoped3A : memref<!tpu.dma_semaphore, #tpu.memory_space<semaphore_mem>>)
      %dma_wait3A = arith.constant 0 : i32
      %dma_wait3A_40 = arith.constant 0 : i32
      %dma_wait3A_41 = tpu.memref_slice %arg3[%add3A, %dma_wait3A, %dma_wait3A_40] : memref<32x80x128xi32, #tpu.memory_space<hbm>> -> memref<1x40x128xi32, #tpu.memory_space<hbm>>
      %dma_wait3A_42 = tpu.memref_squeeze %dma_wait3A_41 : memref<1x40x128xi32, #tpu.memory_space<hbm>> -> memref<40x128xi32, #tpu.memory_space<hbm>>
      %dma_wait3A_43 = arith.constant 0 : i32
      %dma_wait3A_44 = arith.constant 0 : i32
      %dma_wait3A_45 = tpu.memref_slice %arg3[%add3A, %dma_wait3A_43, %dma_wait3A_44] : memref<32x80x128xi32, #tpu.memory_space<hbm>> -> memref<1x40x128xi32, #tpu.memory_space<hbm>>
      %dma_wait3A_46 = tpu.memref_squeeze %dma_wait3A_45 : memref<1x40x128xi32, #tpu.memory_space<hbm>> -> memref<40x128xi32, #tpu.memory_space<hbm>>
      tpu.wait_dma2 semaphore(%run_scoped3A : memref<!tpu.dma_semaphore, #tpu.memory_space<semaphore_mem>>) src(%dma_wait3A_46 : memref<40x128xi32, #tpu.memory_space<hbm>>) dst(%arg7 : memref<40x128xi32, #tpu.memory_space<vmem>>)
      tpu.yield
    }) : () -> ()
    "tpu.region"() ({
      %run_scoped3A = tpu.sem_alloc : memref<!tpu.dma_semaphore, #tpu.memory_space<semaphore_mem>>
      %dma_start3A_32 = arith.constant 0 : i32
      %dma_start3A_33 = arith.constant 0 : i32
      %dma_start3A_34 = tpu.memref_slice %arg4[%add3A, %dma_start3A_32, %dma_start3A_33] : memref<32x80x128xi32, #tpu.memory_space<hbm>> -> memref<1x40x128xi32, #tpu.memory_space<hbm>>
      %dma_start3A_35 = tpu.memref_squeeze %dma_start3A_34 : memref<1x40x128xi32, #tpu.memory_space<hbm>> -> memref<40x128xi32, #tpu.memory_space<hbm>>
      %dma_start3A_36 = arith.constant 0 : i32
      %dma_start3A_37 = arith.constant 0 : i32
      %dma_start3A_38 = tpu.memref_slice %arg4[%add3A, %dma_start3A_36, %dma_start3A_37] : memref<32x80x128xi32, #tpu.memory_space<hbm>> -> memref<1x40x128xi32, #tpu.memory_space<hbm>>
      %dma_start3A_39 = tpu.memref_squeeze %dma_start3A_38 : memref<1x40x128xi32, #tpu.memory_space<hbm>> -> memref<40x128xi32, #tpu.memory_space<hbm>>
      tpu.enqueue_dma source(%dma_start3A_39 : memref<40x128xi32, #tpu.memory_space<hbm>>) target(%arg8 : memref<40x128xi32, #tpu.memory_space<vmem>>) target_semaphore(%run_scoped3A : memref<!tpu.dma_semaphore, #tpu.memory_space<semaphore_mem>>)
      %dma_wait3A = arith.constant 0 : i32
      %dma_wait3A_40 = arith.constant 0 : i32
      %dma_wait3A_41 = tpu.memref_slice %arg4[%add3A, %dma_wait3A, %dma_wait3A_40] : memref<32x80x128xi32, #tpu.memory_space<hbm>> -> memref<1x40x128xi32, #tpu.memory_space<hbm>>
      %dma_wait3A_42 = tpu.memref_squeeze %dma_wait3A_41 : memref<1x40x128xi32, #tpu.memory_space<hbm>> -> memref<40x128xi32, #tpu.memory_space<hbm>>
      %dma_wait3A_43 = arith.constant 0 : i32
      %dma_wait3A_44 = arith.constant 0 : i32
      %dma_wait3A_45 = tpu.memref_slice %arg4[%add3A, %dma_wait3A_43, %dma_wait3A_44] : memref<32x80x128xi32, #tpu.memory_space<hbm>> -> memref<1x40x128xi32, #tpu.memory_space<hbm>>
      %dma_wait3A_46 = tpu.memref_squeeze %dma_wait3A_45 : memref<1x40x128xi32, #tpu.memory_space<hbm>> -> memref<40x128xi32, #tpu.memory_space<hbm>>
      tpu.wait_dma2 semaphore(%run_scoped3A : memref<!tpu.dma_semaphore, #tpu.memory_space<semaphore_mem>>) src(%dma_wait3A_46 : memref<40x128xi32, #tpu.memory_space<hbm>>) dst(%arg8 : memref<40x128xi32, #tpu.memory_space<vmem>>)
      tpu.yield
    }) : () -> ()
    %dma_start3A = arith.constant 0 : i32
    %dma_start3A_3 = arith.constant 0 : i32
    %dma_start3A_4 = tpu.memref_slice %arg7[%dma_start3A, %dma_start3A_3] : memref<40x128xi32, #tpu.memory_space<vmem>> -> memref<1x128xi32, #tpu.memory_space<vmem>>
    %dma_start3A_5 = tpu.memref_squeeze %dma_start3A_4 : memref<1x128xi32, #tpu.memory_space<vmem>> -> memref<128xi32, #tpu.memory_space<vmem>>
    %dma_start3A_6 = arith.constant 0 : i32
    %dma_start3A_7 = arith.constant 0 : i32
    %dma_start3A_8 = tpu.memref_slice %arg2[%dma_start3A_6, %dma_start3A_7] : memref<10000x128xf32, #tpu.memory_space<hbm>> -> memref<10000x128xf32, #tpu.memory_space<hbm>>
    tpu.enqueue_indirect_dma source(%dma_start3A_8 : memref<10000x128xf32, #tpu.memory_space<hbm>>) target(%arg9 : memref<128x128xf32, #tpu.memory_space<vmem>>) offsets(%dma_start3A_5 : memref<128xi32, #tpu.memory_space<vmem>>) semaphore(%arg12 : memref<!tpu.dma_semaphore, #tpu.memory_space<semaphore_mem>>)
    %scan3A = arith.constant 0 : i32
    %scan3A_9 = arith.constant 0 : i32
    %scan3A_10 = arith.constant 20 : i32
    %scan3A_11 = arith.addi %scan3A_9, %scan3A_10 : i32
    %scan3A_12 = arith.constant 1 : i32
    scf.for %scan3A_32 = %scan3A_9 to %scan3A_11 step %scan3A_12  : i32 {
      %mul3A_33 = arith.constant 2 : i32
      %mul3A_34 = arith.muli %mul3A_33, %scan3A_32 : i32
      %add3A_35 = arith.constant 1 : i32
      %add3A_36 = arith.addi %mul3A_34, %add3A_35 : i32
      %dma_start3A_37 = arith.constant 0 : i32
      %dma_start3A_38 = tpu.memref_slice %arg7[%add3A_36, %dma_start3A_37] : memref<40x128xi32, #tpu.memory_space<vmem>> -> memref<1x128xi32, #tpu.memory_space<vmem>>
      %dma_start3A_39 = tpu.memref_squeeze %dma_start3A_38 : memref<1x128xi32, #tpu.memory_space<vmem>> -> memref<128xi32, #tpu.memory_space<vmem>>
      %dma_start3A_40 = arith.constant 0 : i32
      %dma_start3A_41 = arith.constant 0 : i32
      %dma_start3A_42 = tpu.memref_slice %arg2[%dma_start3A_40, %dma_start3A_41] : memref<10000x128xf32, #tpu.memory_space<hbm>> -> memref<10000x128xf32, #tpu.memory_space<hbm>>
      tpu.enqueue_indirect_dma source(%dma_start3A_42 : memref<10000x128xf32, #tpu.memory_space<hbm>>) target(%arg10 : memref<128x128xf32, #tpu.memory_space<vmem>>) offsets(%dma_start3A_39 : memref<128xi32, #tpu.memory_space<vmem>>) semaphore(%arg13 : memref<!tpu.dma_semaphore, #tpu.memory_space<semaphore_mem>>)
      %dma_wait3A = arith.constant 0 : i32
      %dma_wait3A_43 = tpu.memref_slice %arg7[%mul3A_34, %dma_wait3A] : memref<40x128xi32, #tpu.memory_space<vmem>> -> memref<1x128xi32, #tpu.memory_space<vmem>>
      %dma_wait3A_44 = tpu.memref_squeeze %dma_wait3A_43 : memref<1x128xi32, #tpu.memory_space<vmem>> -> memref<128xi32, #tpu.memory_space<vmem>>
      %dma_wait3A_45 = arith.constant 0 : i32
      %dma_wait3A_46 = arith.constant 0 : i32
      %dma_wait3A_47 = tpu.memref_slice %arg2[%dma_wait3A_45, %dma_wait3A_46] : memref<10000x128xf32, #tpu.memory_space<hbm>> -> memref<10000x128xf32, #tpu.memory_space<hbm>>
      tpu.wait_indirect_dma semaphore(%arg12 : memref<!tpu.dma_semaphore, #tpu.memory_space<semaphore_mem>>) src(%dma_wait3A_47 : memref<10000x128xf32, #tpu.memory_space<hbm>>) dst(%arg9 : memref<128x128xf32, #tpu.memory_space<vmem>>)
      "tpu.region"() ({
        %run_scoped3A = tpu.sem_alloc : memref<!tpu.dma_semaphore, #tpu.memory_space<semaphore_mem>>
        %dma_start3A_62 = arith.constant 0 : i32
        %dma_start3A_63 = tpu.memref_slice %arg8[%mul3A_34, %dma_start3A_62] : memref<40x128xi32, #tpu.memory_space<vmem>> -> memref<1x128xi32, #tpu.memory_space<vmem>>
        %dma_start3A_64 = tpu.memref_squeeze %dma_start3A_63 : memref<1x128xi32, #tpu.memory_space<vmem>> -> memref<128xi32, #tpu.memory_space<vmem>>
        %dma_start3A_65 = arith.constant 0 : i32
        %dma_start3A_66 = arith.constant 0 : i32
        %dma_start3A_67 = tpu.memref_slice %arg11[%dma_start3A_65, %dma_start3A_66] : memref<10112x128xf32, #tpu.memory_space<vmem_shared>> -> memref<10112x128xf32, #tpu.memory_space<vmem_shared>>
        tpu.enqueue_indirect_dma source(%arg9 : memref<128x128xf32, #tpu.memory_space<vmem>>) target(%dma_start3A_67 : memref<10112x128xf32, #tpu.memory_space<vmem_shared>>) offsets(%dma_start3A_64 : memref<128xi32, #tpu.memory_space<vmem>>) semaphore(%run_scoped3A : memref<!tpu.dma_semaphore, #tpu.memory_space<semaphore_mem>>) {add = true}
        %dma_wait3A_68 = arith.constant 0 : i32
        %dma_wait3A_69 = tpu.memref_slice %arg8[%mul3A_34, %dma_wait3A_68] : memref<40x128xi32, #tpu.memory_space<vmem>> -> memref<1x128xi32, #tpu.memory_space<vmem>>
        %dma_wait3A_70 = tpu.memref_squeeze %dma_wait3A_69 : memref<1x128xi32, #tpu.memory_space<vmem>> -> memref<128xi32, #tpu.memory_space<vmem>>
        %dma_wait3A_71 = arith.constant 0 : i32
        %dma_wait3A_72 = arith.constant 0 : i32
        %dma_wait3A_73 = tpu.memref_slice %arg11[%dma_wait3A_71, %dma_wait3A_72] : memref<10112x128xf32, #tpu.memory_space<vmem_shared>> -> memref<10112x128xf32, #tpu.memory_space<vmem_shared>>
        tpu.wait_indirect_dma semaphore(%run_scoped3A : memref<!tpu.dma_semaphore, #tpu.memory_space<semaphore_mem>>) src(%arg9 : memref<128x128xf32, #tpu.memory_space<vmem>>) dst(%dma_wait3A_73 : memref<10112x128xf32, #tpu.memory_space<vmem_shared>>)
        tpu.yield
      }) : () -> ()
      %add3A_48 = arith.constant 2 : i32
      %add3A_49 = arith.addi %mul3A_34, %add3A_48 : i32
      %lt3A = arith.constant 40 : i32
      %lt3A_50 = arith.cmpi slt, %add3A_49, %lt3A : i32
      %convert_element_type3A = arith.extui %lt3A_50 : i1 to i32
      %cond3A = arith.constant 0 : i32
      %cond3A_51 = arith.cmpi ne, %convert_element_type3A, %cond3A : i32
      scf.if %cond3A_51 {
        %add3A_62 = arith.constant 2 : i32
        %add3A_63 = arith.addi %mul3A_34, %add3A_62 : i32
        %dma_start3A_64 = arith.constant 0 : i32
        %dma_start3A_65 = tpu.memref_slice %arg7[%add3A_63, %dma_start3A_64] : memref<40x128xi32, #tpu.memory_space<vmem>> -> memref<1x128xi32, #tpu.memory_space<vmem>>
        %dma_start3A_66 = tpu.memref_squeeze %dma_start3A_65 : memref<1x128xi32, #tpu.memory_space<vmem>> -> memref<128xi32, #tpu.memory_space<vmem>>
        %dma_start3A_67 = arith.constant 0 : i32
        %dma_start3A_68 = arith.constant 0 : i32
        %dma_start3A_69 = tpu.memref_slice %arg2[%dma_start3A_67, %dma_start3A_68] : memref<10000x128xf32, #tpu.memory_space<hbm>> -> memref<10000x128xf32, #tpu.memory_space<hbm>>
        tpu.enqueue_indirect_dma source(%dma_start3A_69 : memref<10000x128xf32, #tpu.memory_space<hbm>>) target(%arg9 : memref<128x128xf32, #tpu.memory_space<vmem>>) offsets(%dma_start3A_66 : memref<128xi32, #tpu.memory_space<vmem>>) semaphore(%arg12 : memref<!tpu.dma_semaphore, #tpu.memory_space<semaphore_mem>>)
      } else {
      }
      %add3A_52 = arith.constant 1 : i32
      %add3A_53 = arith.addi %mul3A_34, %add3A_52 : i32
      %dma_wait3A_54 = arith.constant 0 : i32
      %dma_wait3A_55 = tpu.memref_slice %arg7[%add3A_53, %dma_wait3A_54] : memref<40x128xi32, #tpu.memory_space<vmem>> -> memref<1x128xi32, #tpu.memory_space<vmem>>
      %dma_wait3A_56 = tpu.memref_squeeze %dma_wait3A_55 : memref<1x128xi32, #tpu.memory_space<vmem>> -> memref<128xi32, #tpu.memory_space<vmem>>
      %dma_wait3A_57 = arith.constant 0 : i32
      %dma_wait3A_58 = arith.constant 0 : i32
      %dma_wait3A_59 = tpu.memref_slice %arg2[%dma_wait3A_57, %dma_wait3A_58] : memref<10000x128xf32, #tpu.memory_space<hbm>> -> memref<10000x128xf32, #tpu.memory_space<hbm>>
      tpu.wait_indirect_dma semaphore(%arg13 : memref<!tpu.dma_semaphore, #tpu.memory_space<semaphore_mem>>) src(%dma_wait3A_59 : memref<10000x128xf32, #tpu.memory_space<hbm>>) dst(%arg10 : memref<128x128xf32, #tpu.memory_space<vmem>>)
      %add3A_60 = arith.constant 1 : i32
      %add3A_61 = arith.addi %mul3A_34, %add3A_60 : i32
      "tpu.region"() ({
        %run_scoped3A = tpu.sem_alloc : memref<!tpu.dma_semaphore, #tpu.memory_space<semaphore_mem>>
        %dma_start3A_62 = arith.constant 0 : i32
        %dma_start3A_63 = tpu.memref_slice %arg8[%add3A_61, %dma_start3A_62] : memref<40x128xi32, #tpu.memory_space<vmem>> -> memref<1x128xi32, #tpu.memory_space<vmem>>
        %dma_start3A_64 = tpu.memref_squeeze %dma_start3A_63 : memref<1x128xi32, #tpu.memory_space<vmem>> -> memref<128xi32, #tpu.memory_space<vmem>>
        %dma_start3A_65 = arith.constant 0 : i32
        %dma_start3A_66 = arith.constant 0 : i32
        %dma_start3A_67 = tpu.memref_slice %arg11[%dma_start3A_65, %dma_start3A_66] : memref<10112x128xf32, #tpu.memory_space<vmem_shared>> -> memref<10112x128xf32, #tpu.memory_space<vmem_shared>>
        tpu.enqueue_indirect_dma source(%arg10 : memref<128x128xf32, #tpu.memory_space<vmem>>) target(%dma_start3A_67 : memref<10112x128xf32, #tpu.memory_space<vmem_shared>>) offsets(%dma_start3A_64 : memref<128xi32, #tpu.memory_space<vmem>>) semaphore(%run_scoped3A : memref<!tpu.dma_semaphore, #tpu.memory_space<semaphore_mem>>) {add = true}
        %dma_wait3A_68 = arith.constant 0 : i32
        %dma_wait3A_69 = tpu.memref_slice %arg8[%add3A_61, %dma_wait3A_68] : memref<40x128xi32, #tpu.memory_space<vmem>> -> memref<1x128xi32, #tpu.memory_space<vmem>>
        %dma_wait3A_70 = tpu.memref_squeeze %dma_wait3A_69 : memref<1x128xi32, #tpu.memory_space<vmem>> -> memref<128xi32, #tpu.memory_space<vmem>>
        %dma_wait3A_71 = arith.constant 0 : i32
        %dma_wait3A_72 = arith.constant 0 : i32
        %dma_wait3A_73 = tpu.memref_slice %arg11[%dma_wait3A_71, %dma_wait3A_72] : memref<10112x128xf32, #tpu.memory_space<vmem_shared>> -> memref<10112x128xf32, #tpu.memory_space<vmem_shared>>
        tpu.wait_indirect_dma semaphore(%run_scoped3A : memref<!tpu.dma_semaphore, #tpu.memory_space<semaphore_mem>>) src(%arg10 : memref<128x128xf32, #tpu.memory_space<vmem>>) dst(%dma_wait3A_73 : memref<10112x128xf32, #tpu.memory_space<vmem_shared>>)
        tpu.yield
      }) : () -> ()
    }
    %scan3A_13 = arith.constant 20 : i32
    "tpu.region"() ({
      %run_scoped3A = tpu.sem_alloc : memref<!tpu.dma_semaphore, #tpu.memory_space<semaphore_mem>>
      %dma_start3A_32 = arith.constant 40 : i32
      %dma_start3A_33 = arith.constant 0 : i32
      %dma_start3A_34 = tpu.memref_slice %arg3[%add3A, %dma_start3A_32, %dma_start3A_33] : memref<32x80x128xi32, #tpu.memory_space<hbm>> -> memref<1x40x128xi32, #tpu.memory_space<hbm>>
      %dma_start3A_35 = tpu.memref_squeeze %dma_start3A_34 : memref<1x40x128xi32, #tpu.memory_space<hbm>> -> memref<40x128xi32, #tpu.memory_space<hbm>>
      %dma_start3A_36 = arith.constant 40 : i32
      %dma_start3A_37 = arith.constant 0 : i32
      %dma_start3A_38 = tpu.memref_slice %arg3[%add3A, %dma_start3A_36, %dma_start3A_37] : memref<32x80x128xi32, #tpu.memory_space<hbm>> -> memref<1x40x128xi32, #tpu.memory_space<hbm>>
      %dma_start3A_39 = tpu.memref_squeeze %dma_start3A_38 : memref<1x40x128xi32, #tpu.memory_space<hbm>> -> memref<40x128xi32, #tpu.memory_space<hbm>>
      tpu.enqueue_dma source(%dma_start3A_39 : memref<40x128xi32, #tpu.memory_space<hbm>>) target(%arg7 : memref<40x128xi32, #tpu.memory_space<vmem>>) target_semaphore(%run_scoped3A : memref<!tpu.dma_semaphore, #tpu.memory_space<semaphore_mem>>)
      %dma_wait3A = arith.constant 40 : i32
      %dma_wait3A_40 = arith.constant 0 : i32
      %dma_wait3A_41 = tpu.memref_slice %arg3[%add3A, %dma_wait3A, %dma_wait3A_40] : memref<32x80x128xi32, #tpu.memory_space<hbm>> -> memref<1x40x128xi32, #tpu.memory_space<hbm>>
      %dma_wait3A_42 = tpu.memref_squeeze %dma_wait3A_41 : memref<1x40x128xi32, #tpu.memory_space<hbm>> -> memref<40x128xi32, #tpu.memory_space<hbm>>
      %dma_wait3A_43 = arith.constant 40 : i32
      %dma_wait3A_44 = arith.constant 0 : i32
      %dma_wait3A_45 = tpu.memref_slice %arg3[%add3A, %dma_wait3A_43, %dma_wait3A_44] : memref<32x80x128xi32, #tpu.memory_space<hbm>> -> memref<1x40x128xi32, #tpu.memory_space<hbm>>
      %dma_wait3A_46 = tpu.memref_squeeze %dma_wait3A_45 : memref<1x40x128xi32, #tpu.memory_space<hbm>> -> memref<40x128xi32, #tpu.memory_space<hbm>>
      tpu.wait_dma2 semaphore(%run_scoped3A : memref<!tpu.dma_semaphore, #tpu.memory_space<semaphore_mem>>) src(%dma_wait3A_46 : memref<40x128xi32, #tpu.memory_space<hbm>>) dst(%arg7 : memref<40x128xi32, #tpu.memory_space<vmem>>)
      tpu.yield
    }) : () -> ()
    "tpu.region"() ({
      %run_scoped3A = tpu.sem_alloc : memref<!tpu.dma_semaphore, #tpu.memory_space<semaphore_mem>>
      %dma_start3A_32 = arith.constant 40 : i32
      %dma_start3A_33 = arith.constant 0 : i32
      %dma_start3A_34 = tpu.memref_slice %arg4[%add3A, %dma_start3A_32, %dma_start3A_33] : memref<32x80x128xi32, #tpu.memory_space<hbm>> -> memref<1x40x128xi32, #tpu.memory_space<hbm>>
      %dma_start3A_35 = tpu.memref_squeeze %dma_start3A_34 : memref<1x40x128xi32, #tpu.memory_space<hbm>> -> memref<40x128xi32, #tpu.memory_space<hbm>>
      %dma_start3A_36 = arith.constant 40 : i32
      %dma_start3A_37 = arith.constant 0 : i32
      %dma_start3A_38 = tpu.memref_slice %arg4[%add3A, %dma_start3A_36, %dma_start3A_37] : memref<32x80x128xi32, #tpu.memory_space<hbm>> -> memref<1x40x128xi32, #tpu.memory_space<hbm>>
      %dma_start3A_39 = tpu.memref_squeeze %dma_start3A_38 : memref<1x40x128xi32, #tpu.memory_space<hbm>> -> memref<40x128xi32, #tpu.memory_space<hbm>>
      tpu.enqueue_dma source(%dma_start3A_39 : memref<40x128xi32, #tpu.memory_space<hbm>>) target(%arg8 : memref<40x128xi32, #tpu.memory_space<vmem>>) target_semaphore(%run_scoped3A : memref<!tpu.dma_semaphore, #tpu.memory_space<semaphore_mem>>)
      %dma_wait3A = arith.constant 40 : i32
      %dma_wait3A_40 = arith.constant 0 : i32
      %dma_wait3A_41 = tpu.memref_slice %arg4[%add3A, %dma_wait3A, %dma_wait3A_40] : memref<32x80x128xi32, #tpu.memory_space<hbm>> -> memref<1x40x128xi32, #tpu.memory_space<hbm>>
      %dma_wait3A_42 = tpu.memref_squeeze %dma_wait3A_41 : memref<1x40x128xi32, #tpu.memory_space<hbm>> -> memref<40x128xi32, #tpu.memory_space<hbm>>
      %dma_wait3A_43 = arith.constant 40 : i32
      %dma_wait3A_44 = arith.constant 0 : i32
      %dma_wait3A_45 = tpu.memref_slice %arg4[%add3A, %dma_wait3A_43, %dma_wait3A_44] : memref<32x80x128xi32, #tpu.memory_space<hbm>> -> memref<1x40x128xi32, #tpu.memory_space<hbm>>
      %dma_wait3A_46 = tpu.memref_squeeze %dma_wait3A_45 : memref<1x40x128xi32, #tpu.memory_space<hbm>> -> memref<40x128xi32, #tpu.memory_space<hbm>>
      tpu.wait_dma2 semaphore(%run_scoped3A : memref<!tpu.dma_semaphore, #tpu.memory_space<semaphore_mem>>) src(%dma_wait3A_46 : memref<40x128xi32, #tpu.memory_space<hbm>>) dst(%arg8 : memref<40x128xi32, #tpu.memory_space<vmem>>)
      tpu.yield
    }) : () -> ()
    %dma_start3A_14 = arith.constant 0 : i32
    %dma_start3A_15 = arith.constant 0 : i32
    %dma_start3A_16 = tpu.memref_slice %arg7[%dma_start3A_14, %dma_start3A_15] : memref<40x128xi32, #tpu.memory_space<vmem>> -> memref<1x128xi32, #tpu.memory_space<vmem>>
    %dma_start3A_17 = tpu.memref_squeeze %dma_start3A_16 : memref<1x128xi32, #tpu.memory_space<vmem>> -> memref<128xi32, #tpu.memory_space<vmem>>
    %dma_start3A_18 = arith.constant 0 : i32
    %dma_start3A_19 = arith.constant 0 : i32
    %dma_start3A_20 = tpu.memref_slice %arg2[%dma_start3A_18, %dma_start3A_19] : memref<10000x128xf32, #tpu.memory_space<hbm>> -> memref<10000x128xf32, #tpu.memory_space<hbm>>
    tpu.enqueue_indirect_dma source(%dma_start3A_20 : memref<10000x128xf32, #tpu.memory_space<hbm>>) target(%arg9 : memref<128x128xf32, #tpu.memory_space<vmem>>) offsets(%dma_start3A_17 : memref<128xi32, #tpu.memory_space<vmem>>) semaphore(%arg12 : memref<!tpu.dma_semaphore, #tpu.memory_space<semaphore_mem>>)
    %scan3A_21 = arith.constant 0 : i32
    %scan3A_22 = arith.constant 0 : i32
    %scan3A_23 = arith.constant 20 : i32
    %scan3A_24 = arith.addi %scan3A_22, %scan3A_23 : i32
    %scan3A_25 = arith.constant 1 : i32
    scf.for %scan3A_32 = %scan3A_22 to %scan3A_24 step %scan3A_25  : i32 {
      %mul3A_33 = arith.constant 2 : i32
      %mul3A_34 = arith.muli %mul3A_33, %scan3A_32 : i32
      %add3A_35 = arith.constant 1 : i32
      %add3A_36 = arith.addi %mul3A_34, %add3A_35 : i32
      %dma_start3A_37 = arith.constant 0 : i32
      %dma_start3A_38 = tpu.memref_slice %arg7[%add3A_36, %dma_start3A_37] : memref<40x128xi32, #tpu.memory_space<vmem>> -> memref<1x128xi32, #tpu.memory_space<vmem>>
      %dma_start3A_39 = tpu.memref_squeeze %dma_start3A_38 : memref<1x128xi32, #tpu.memory_space<vmem>> -> memref<128xi32, #tpu.memory_space<vmem>>
      %dma_start3A_40 = arith.constant 0 : i32
      %dma_start3A_41 = arith.constant 0 : i32
      %dma_start3A_42 = tpu.memref_slice %arg2[%dma_start3A_40, %dma_start3A_41] : memref<10000x128xf32, #tpu.memory_space<hbm>> -> memref<10000x128xf32, #tpu.memory_space<hbm>>
      tpu.enqueue_indirect_dma source(%dma_start3A_42 : memref<10000x128xf32, #tpu.memory_space<hbm>>) target(%arg10 : memref<128x128xf32, #tpu.memory_space<vmem>>) offsets(%dma_start3A_39 : memref<128xi32, #tpu.memory_space<vmem>>) semaphore(%arg13 : memref<!tpu.dma_semaphore, #tpu.memory_space<semaphore_mem>>)
      %dma_wait3A = arith.constant 0 : i32
      %dma_wait3A_43 = tpu.memref_slice %arg7[%mul3A_34, %dma_wait3A] : memref<40x128xi32, #tpu.memory_space<vmem>> -> memref<1x128xi32, #tpu.memory_space<vmem>>
      %dma_wait3A_44 = tpu.memref_squeeze %dma_wait3A_43 : memref<1x128xi32, #tpu.memory_space<vmem>> -> memref<128xi32, #tpu.memory_space<vmem>>
      %dma_wait3A_45 = arith.constant 0 : i32
      %dma_wait3A_46 = arith.constant 0 : i32
      %dma_wait3A_47 = tpu.memref_slice %arg2[%dma_wait3A_45, %dma_wait3A_46] : memref<10000x128xf32, #tpu.memory_space<hbm>> -> memref<10000x128xf32, #tpu.memory_space<hbm>>
      tpu.wait_indirect_dma semaphore(%arg12 : memref<!tpu.dma_semaphore, #tpu.memory_space<semaphore_mem>>) src(%dma_wait3A_47 : memref<10000x128xf32, #tpu.memory_space<hbm>>) dst(%arg9 : memref<128x128xf32, #tpu.memory_space<vmem>>)
      "tpu.region"() ({
        %run_scoped3A = tpu.sem_alloc : memref<!tpu.dma_semaphore, #tpu.memory_space<semaphore_mem>>
        %dma_start3A_62 = arith.constant 0 : i32
        %dma_start3A_63 = tpu.memref_slice %arg8[%mul3A_34, %dma_start3A_62] : memref<40x128xi32, #tpu.memory_space<vmem>> -> memref<1x128xi32, #tpu.memory_space<vmem>>
        %dma_start3A_64 = tpu.memref_squeeze %dma_start3A_63 : memref<1x128xi32, #tpu.memory_space<vmem>> -> memref<128xi32, #tpu.memory_space<vmem>>
        %dma_start3A_65 = arith.constant 0 : i32
        %dma_start3A_66 = arith.constant 0 : i32
        %dma_start3A_67 = tpu.memref_slice %arg11[%dma_start3A_65, %dma_start3A_66] : memref<10112x128xf32, #tpu.memory_space<vmem_shared>> -> memref<10112x128xf32, #tpu.memory_space<vmem_shared>>
        tpu.enqueue_indirect_dma source(%arg9 : memref<128x128xf32, #tpu.memory_space<vmem>>) target(%dma_start3A_67 : memref<10112x128xf32, #tpu.memory_space<vmem_shared>>) offsets(%dma_start3A_64 : memref<128xi32, #tpu.memory_space<vmem>>) semaphore(%run_scoped3A : memref<!tpu.dma_semaphore, #tpu.memory_space<semaphore_mem>>) {add = true}
        %dma_wait3A_68 = arith.constant 0 : i32
        %dma_wait3A_69 = tpu.memref_slice %arg8[%mul3A_34, %dma_wait3A_68] : memref<40x128xi32, #tpu.memory_space<vmem>> -> memref<1x128xi32, #tpu.memory_space<vmem>>
        %dma_wait3A_70 = tpu.memref_squeeze %dma_wait3A_69 : memref<1x128xi32, #tpu.memory_space<vmem>> -> memref<128xi32, #tpu.memory_space<vmem>>
        %dma_wait3A_71 = arith.constant 0 : i32
        %dma_wait3A_72 = arith.constant 0 : i32
        %dma_wait3A_73 = tpu.memref_slice %arg11[%dma_wait3A_71, %dma_wait3A_72] : memref<10112x128xf32, #tpu.memory_space<vmem_shared>> -> memref<10112x128xf32, #tpu.memory_space<vmem_shared>>
        tpu.wait_indirect_dma semaphore(%run_scoped3A : memref<!tpu.dma_semaphore, #tpu.memory_space<semaphore_mem>>) src(%arg9 : memref<128x128xf32, #tpu.memory_space<vmem>>) dst(%dma_wait3A_73 : memref<10112x128xf32, #tpu.memory_space<vmem_shared>>)
        tpu.yield
      }) : () -> ()
      %add3A_48 = arith.constant 2 : i32
      %add3A_49 = arith.addi %mul3A_34, %add3A_48 : i32
      %lt3A = arith.constant 40 : i32
      %lt3A_50 = arith.cmpi slt, %add3A_49, %lt3A : i32
      %convert_element_type3A = arith.extui %lt3A_50 : i1 to i32
      %cond3A = arith.constant 0 : i32
      %cond3A_51 = arith.cmpi ne, %convert_element_type3A, %cond3A : i32
      scf.if %cond3A_51 {
        %add3A_62 = arith.constant 2 : i32
        %add3A_63 = arith.addi %mul3A_34, %add3A_62 : i32
        %dma_start3A_64 = arith.constant 0 : i32
        %dma_start3A_65 = tpu.memref_slice %arg7[%add3A_63, %dma_start3A_64] : memref<40x128xi32, #tpu.memory_space<vmem>> -> memref<1x128xi32, #tpu.memory_space<vmem>>
        %dma_start3A_66 = tpu.memref_squeeze %dma_start3A_65 : memref<1x128xi32, #tpu.memory_space<vmem>> -> memref<128xi32, #tpu.memory_space<vmem>>
        %dma_start3A_67 = arith.constant 0 : i32
        %dma_start3A_68 = arith.constant 0 : i32
        %dma_start3A_69 = tpu.memref_slice %arg2[%dma_start3A_67, %dma_start3A_68] : memref<10000x128xf32, #tpu.memory_space<hbm>> -> memref<10000x128xf32, #tpu.memory_space<hbm>>
        tpu.enqueue_indirect_dma source(%dma_start3A_69 : memref<10000x128xf32, #tpu.memory_space<hbm>>) target(%arg9 : memref<128x128xf32, #tpu.memory_space<vmem>>) offsets(%dma_start3A_66 : memref<128xi32, #tpu.memory_space<vmem>>) semaphore(%arg12 : memref<!tpu.dma_semaphore, #tpu.memory_space<semaphore_mem>>)
      } else {
      }
      %add3A_52 = arith.constant 1 : i32
      %add3A_53 = arith.addi %mul3A_34, %add3A_52 : i32
      %dma_wait3A_54 = arith.constant 0 : i32
      %dma_wait3A_55 = tpu.memref_slice %arg7[%add3A_53, %dma_wait3A_54] : memref<40x128xi32, #tpu.memory_space<vmem>> -> memref<1x128xi32, #tpu.memory_space<vmem>>
      %dma_wait3A_56 = tpu.memref_squeeze %dma_wait3A_55 : memref<1x128xi32, #tpu.memory_space<vmem>> -> memref<128xi32, #tpu.memory_space<vmem>>
      %dma_wait3A_57 = arith.constant 0 : i32
      %dma_wait3A_58 = arith.constant 0 : i32
      %dma_wait3A_59 = tpu.memref_slice %arg2[%dma_wait3A_57, %dma_wait3A_58] : memref<10000x128xf32, #tpu.memory_space<hbm>> -> memref<10000x128xf32, #tpu.memory_space<hbm>>
      tpu.wait_indirect_dma semaphore(%arg13 : memref<!tpu.dma_semaphore, #tpu.memory_space<semaphore_mem>>) src(%dma_wait3A_59 : memref<10000x128xf32, #tpu.memory_space<hbm>>) dst(%arg10 : memref<128x128xf32, #tpu.memory_space<vmem>>)
      %add3A_60 = arith.constant 1 : i32
      %add3A_61 = arith.addi %mul3A_34, %add3A_60 : i32
      "tpu.region"() ({
        %run_scoped3A = tpu.sem_alloc : memref<!tpu.dma_semaphore, #tpu.memory_space<semaphore_mem>>
        %dma_start3A_62 = arith.constant 0 : i32
        %dma_start3A_63 = tpu.memref_slice %arg8[%add3A_61, %dma_start3A_62] : memref<40x128xi32, #tpu.memory_space<vmem>> -> memref<1x128xi32, #tpu.memory_space<vmem>>
        %dma_start3A_64 = tpu.memref_squeeze %dma_start3A_63 : memref<1x128xi32, #tpu.memory_space<vmem>> -> memref<128xi32, #tpu.memory_space<vmem>>
        %dma_start3A_65 = arith.constant 0 : i32
        %dma_start3A_66 = arith.constant 0 : i32
        %dma_start3A_67 = tpu.memref_slice %arg11[%dma_start3A_65, %dma_start3A_66] : memref<10112x128xf32, #tpu.memory_space<vmem_shared>> -> memref<10112x128xf32, #tpu.memory_space<vmem_shared>>
        tpu.enqueue_indirect_dma source(%arg10 : memref<128x128xf32, #tpu.memory_space<vmem>>) target(%dma_start3A_67 : memref<10112x128xf32, #tpu.memory_space<vmem_shared>>) offsets(%dma_start3A_64 : memref<128xi32, #tpu.memory_space<vmem>>) semaphore(%run_scoped3A : memref<!tpu.dma_semaphore, #tpu.memory_space<semaphore_mem>>) {add = true}
        %dma_wait3A_68 = arith.constant 0 : i32
        %dma_wait3A_69 = tpu.memref_slice %arg8[%add3A_61, %dma_wait3A_68] : memref<40x128xi32, #tpu.memory_space<vmem>> -> memref<1x128xi32, #tpu.memory_space<vmem>>
        %dma_wait3A_70 = tpu.memref_squeeze %dma_wait3A_69 : memref<1x128xi32, #tpu.memory_space<vmem>> -> memref<128xi32, #tpu.memory_space<vmem>>
        %dma_wait3A_71 = arith.constant 0 : i32
        %dma_wait3A_72 = arith.constant 0 : i32
        %dma_wait3A_73 = tpu.memref_slice %arg11[%dma_wait3A_71, %dma_wait3A_72] : memref<10112x128xf32, #tpu.memory_space<vmem_shared>> -> memref<10112x128xf32, #tpu.memory_space<vmem_shared>>
        tpu.wait_indirect_dma semaphore(%run_scoped3A : memref<!tpu.dma_semaphore, #tpu.memory_space<semaphore_mem>>) src(%arg10 : memref<128x128xf32, #tpu.memory_space<vmem>>) dst(%dma_wait3A_73 : memref<10112x128xf32, #tpu.memory_space<vmem_shared>>)
        tpu.yield
      }) : () -> ()
    }
    %scan3A_26 = arith.constant 20 : i32
    %barrier3A_27 = arith.constant 0 : index
    tpu.barrier barrier_id(%barrier3A_27)
    %mul3A_28 = arith.constant 632 : i32
    %mul3A_29 = arith.muli %arg1, %mul3A_28 : i32
    %mul3A_30 = arith.constant 632 : i32
    %mul3A_31 = arith.muli %arg1, %mul3A_30 : i32
    "tpu.region"() ({
      %run_scoped3A = tpu.sem_alloc : memref<!tpu.dma_semaphore, #tpu.memory_space<semaphore_mem>>
      %dma_start3A_32 = arith.constant 0 : i32
      %dma_start3A_33 = tpu.memref_slice %arg6[%arg0, %mul3A_31, %dma_start3A_32] : memref<2x10112x128xf32, #tpu.memory_space<hbm>> -> memref<1x632x128xf32, #tpu.memory_space<hbm>>
      %dma_start3A_34 = tpu.memref_squeeze %dma_start3A_33 : memref<1x632x128xf32, #tpu.memory_space<hbm>> -> memref<632x128xf32, #tpu.memory_space<hbm>>
      %dma_start3A_35 = arith.constant 0 : i32
      %dma_start3A_36 = tpu.memref_slice %arg11[%mul3A_29, %dma_start3A_35] : memref<10112x128xf32, #tpu.memory_space<vmem_shared>> -> memref<632x128xf32, #tpu.memory_space<vmem_shared>>
      tpu.enqueue_dma source(%dma_start3A_36 : memref<632x128xf32, #tpu.memory_space<vmem_shared>>) target(%dma_start3A_34 : memref<632x128xf32, #tpu.memory_space<hbm>>) target_semaphore(%run_scoped3A : memref<!tpu.dma_semaphore, #tpu.memory_space<semaphore_mem>>)
      %dma_wait3A = arith.constant 0 : i32
      %dma_wait3A_37 = tpu.memref_slice %arg6[%arg0, %mul3A_31, %dma_wait3A] : memref<2x10112x128xf32, #tpu.memory_space<hbm>> -> memref<1x632x128xf32, #tpu.memory_space<hbm>>
      %dma_wait3A_38 = tpu.memref_squeeze %dma_wait3A_37 : memref<1x632x128xf32, #tpu.memory_space<hbm>> -> memref<632x128xf32, #tpu.memory_space<hbm>>
      %dma_wait3A_39 = arith.constant 0 : i32
      %dma_wait3A_40 = tpu.memref_slice %arg11[%mul3A_29, %dma_wait3A_39] : memref<10112x128xf32, #tpu.memory_space<vmem_shared>> -> memref<632x128xf32, #tpu.memory_space<vmem_shared>>
      tpu.wait_dma2 semaphore(%run_scoped3A : memref<!tpu.dma_semaphore, #tpu.memory_space<semaphore_mem>>) src(%dma_wait3A_40 : memref<632x128xf32, #tpu.memory_space<vmem_shared>>) dst(%dma_wait3A_38 : memref<632x128xf32, #tpu.memory_space<hbm>>)
      tpu.yield
    }) : () -> ()
    return
  }
}

#map = affine_map<(d0, d1) -> (0, 0)>
#map1 = affine_map<(d0, d1) -> (0, 0, 0)>
module attributes {stable_mosaic.version = 14 : i64} {
  func.func @_sc_scatter_body(%arg0: i32, %arg1: i32, %arg2: memref<10000x128xf32, #tpu.memory_space<hbm>>, %arg3: memref<32x80x128xi32, #tpu.memory_space<hbm>>, %arg4: memref<32x80x128xi32, #tpu.memory_space<hbm>>, %arg5: memref<632x128xf32, #tpu.memory_space<hbm>>, %arg6: memref<2x10112x128xf32, #tpu.memory_space<hbm>>, %arg7: memref<40x128xi32, #tpu.memory_space<vmem>>, %arg8: memref<40x128xi32, #tpu.memory_space<vmem>>, %arg9: memref<128x128xf32, #tpu.memory_space<vmem>>, %arg10: memref<128x128xf32, #tpu.memory_space<vmem>>, %arg11: memref<10112x128xf32, #tpu.memory_space<vmem_shared>>, %arg12: memref<!tpu.dma_semaphore, #tpu.memory_space<semaphore_mem>>, %arg13: memref<!tpu.dma_semaphore, #tpu.memory_space<semaphore_mem>>) attributes {dimension_semantics = [#tpu.dimension_semantics<core_parallel>, #tpu.dimension_semantics<subcore_parallel>], iteration_bounds = array<i64: 2, 16>, scalar_prefetch = 0 : i64, scratch_operands = 7 : i64, tpu.core_type = #tpu.core_type<sc_vector_subcore>, window_params = [{transform_indices = #map}, {transform_indices = #map1}, {transform_indices = #map1}, {transform_indices = #map}, {transform_indices = #map1}]} {
    %mul3A = arith.constant 2 : i32
    %mul3A_0 = arith.muli %arg1, %mul3A : i32
    %add3A = arith.addi %mul3A_0, %arg0 : i32
    %mul3A_1 = arith.constant 632 : i32
    %mul3A_2 = arith.muli %arg1, %mul3A_1 : i32
    "tpu.region"() ({
      %run_scoped3A = tpu.sem_alloc : memref<!tpu.dma_semaphore, #tpu.memory_space<semaphore_mem>>
      %dma_start3A_32 = arith.constant 0 : i32
      %dma_start3A_33 = tpu.memref_slice %arg11[%mul3A_2, %dma_start3A_32] : memref<10112x128xf32, #tpu.memory_space<vmem_shared>> -> memref<632x128xf32, #tpu.memory_space<vmem_shared>>
      tpu.enqueue_dma source(%arg5 : memref<632x128xf32, #tpu.memory_space<hbm>>) target(%dma_start3A_33 : memref<632x128xf32, #tpu.memory_space<vmem_shared>>) target_semaphore(%run_scoped3A : memref<!tpu.dma_semaphore, #tpu.memory_space<semaphore_mem>>)
      %dma_wait3A = arith.constant 0 : i32
      %dma_wait3A_34 = tpu.memref_slice %arg11[%mul3A_2, %dma_wait3A] : memref<10112x128xf32, #tpu.memory_space<vmem_shared>> -> memref<632x128xf32, #tpu.memory_space<vmem_shared>>
      tpu.wait_dma2 semaphore(%run_scoped3A : memref<!tpu.dma_semaphore, #tpu.memory_space<semaphore_mem>>) src(%arg5 : memref<632x128xf32, #tpu.memory_space<hbm>>) dst(%dma_wait3A_34 : memref<632x128xf32, #tpu.memory_space<vmem_shared>>)
      tpu.yield
    }) : () -> ()
    %barrier3A = arith.constant 0 : index
    tpu.barrier barrier_id(%barrier3A)
    "tpu.region"() ({
      %run_scoped3A = tpu.sem_alloc : memref<!tpu.dma_semaphore, #tpu.memory_space<semaphore_mem>>
      %dma_start3A_32 = arith.constant 0 : i32
      %dma_start3A_33 = arith.constant 0 : i32
      %dma_start3A_34 = tpu.memref_slice %arg3[%add3A, %dma_start3A_32, %dma_start3A_33] : memref<32x80x128xi32, #tpu.memory_space<hbm>> -> memref<1x40x128xi32, #tpu.memory_space<hbm>>
      %dma_start3A_35 = tpu.memref_squeeze %dma_start3A_34 : memref<1x40x128xi32, #tpu.memory_space<hbm>> -> memref<40x128xi32, #tpu.memory_space<hbm>>
      %dma_start3A_36 = arith.constant 0 : i32
      %dma_start3A_37 = arith.constant 0 : i32
      %dma_start3A_38 = tpu.memref_slice %arg3[%add3A, %dma_start3A_36, %dma_start3A_37] : memref<32x80x128xi32, #tpu.memory_space<hbm>> -> memref<1x40x128xi32, #tpu.memory_space<hbm>>
      %dma_start3A_39 = tpu.memref_squeeze %dma_start3A_38 : memref<1x40x128xi32, #tpu.memory_space<hbm>> -> memref<40x128xi32, #tpu.memory_space<hbm>>
      tpu.enqueue_dma source(%dma_start3A_39 : memref<40x128xi32, #tpu.memory_space<hbm>>) target(%arg7 : memref<40x128xi32, #tpu.memory_space<vmem>>) target_semaphore(%run_scoped3A : memref<!tpu.dma_semaphore, #tpu.memory_space<semaphore_mem>>)
      %dma_wait3A = arith.constant 0 : i32
      %dma_wait3A_40 = arith.constant 0 : i32
      %dma_wait3A_41 = tpu.memref_slice %arg3[%add3A, %dma_wait3A, %dma_wait3A_40] : memref<32x80x128xi32, #tpu.memory_space<hbm>> -> memref<1x40x128xi32, #tpu.memory_space<hbm>>
      %dma_wait3A_42 = tpu.memref_squeeze %dma_wait3A_41 : memref<1x40x128xi32, #tpu.memory_space<hbm>> -> memref<40x128xi32, #tpu.memory_space<hbm>>
      %dma_wait3A_43 = arith.constant 0 : i32
      %dma_wait3A_44 = arith.constant 0 : i32
      %dma_wait3A_45 = tpu.memref_slice %arg3[%add3A, %dma_wait3A_43, %dma_wait3A_44] : memref<32x80x128xi32, #tpu.memory_space<hbm>> -> memref<1x40x128xi32, #tpu.memory_space<hbm>>
      %dma_wait3A_46 = tpu.memref_squeeze %dma_wait3A_45 : memref<1x40x128xi32, #tpu.memory_space<hbm>> -> memref<40x128xi32, #tpu.memory_space<hbm>>
      tpu.wait_dma2 semaphore(%run_scoped3A : memref<!tpu.dma_semaphore, #tpu.memory_space<semaphore_mem>>) src(%dma_wait3A_46 : memref<40x128xi32, #tpu.memory_space<hbm>>) dst(%arg7 : memref<40x128xi32, #tpu.memory_space<vmem>>)
      tpu.yield
    }) : () -> ()
    "tpu.region"() ({
      %run_scoped3A = tpu.sem_alloc : memref<!tpu.dma_semaphore, #tpu.memory_space<semaphore_mem>>
      %dma_start3A_32 = arith.constant 0 : i32
      %dma_start3A_33 = arith.constant 0 : i32
      %dma_start3A_34 = tpu.memref_slice %arg4[%add3A, %dma_start3A_32, %dma_start3A_33] : memref<32x80x128xi32, #tpu.memory_space<hbm>> -> memref<1x40x128xi32, #tpu.memory_space<hbm>>
      %dma_start3A_35 = tpu.memref_squeeze %dma_start3A_34 : memref<1x40x128xi32, #tpu.memory_space<hbm>> -> memref<40x128xi32, #tpu.memory_space<hbm>>
      %dma_start3A_36 = arith.constant 0 : i32
      %dma_start3A_37 = arith.constant 0 : i32
      %dma_start3A_38 = tpu.memref_slice %arg4[%add3A, %dma_start3A_36, %dma_start3A_37] : memref<32x80x128xi32, #tpu.memory_space<hbm>> -> memref<1x40x128xi32, #tpu.memory_space<hbm>>
      %dma_start3A_39 = tpu.memref_squeeze %dma_start3A_38 : memref<1x40x128xi32, #tpu.memory_space<hbm>> -> memref<40x128xi32, #tpu.memory_space<hbm>>
      tpu.enqueue_dma source(%dma_start3A_39 : memref<40x128xi32, #tpu.memory_space<hbm>>) target(%arg8 : memref<40x128xi32, #tpu.memory_space<vmem>>) target_semaphore(%run_scoped3A : memref<!tpu.dma_semaphore, #tpu.memory_space<semaphore_mem>>)
      %dma_wait3A = arith.constant 0 : i32
      %dma_wait3A_40 = arith.constant 0 : i32
      %dma_wait3A_41 = tpu.memref_slice %arg4[%add3A, %dma_wait3A, %dma_wait3A_40] : memref<32x80x128xi32, #tpu.memory_space<hbm>> -> memref<1x40x128xi32, #tpu.memory_space<hbm>>
      %dma_wait3A_42 = tpu.memref_squeeze %dma_wait3A_41 : memref<1x40x128xi32, #tpu.memory_space<hbm>> -> memref<40x128xi32, #tpu.memory_space<hbm>>
      %dma_wait3A_43 = arith.constant 0 : i32
      %dma_wait3A_44 = arith.constant 0 : i32
      %dma_wait3A_45 = tpu.memref_slice %arg4[%add3A, %dma_wait3A_43, %dma_wait3A_44] : memref<32x80x128xi32, #tpu.memory_space<hbm>> -> memref<1x40x128xi32, #tpu.memory_space<hbm>>
      %dma_wait3A_46 = tpu.memref_squeeze %dma_wait3A_45 : memref<1x40x128xi32, #tpu.memory_space<hbm>> -> memref<40x128xi32, #tpu.memory_space<hbm>>
      tpu.wait_dma2 semaphore(%run_scoped3A : memref<!tpu.dma_semaphore, #tpu.memory_space<semaphore_mem>>) src(%dma_wait3A_46 : memref<40x128xi32, #tpu.memory_space<hbm>>) dst(%arg8 : memref<40x128xi32, #tpu.memory_space<vmem>>)
      tpu.yield
    }) : () -> ()
    %dma_start3A = arith.constant 0 : i32
    %dma_start3A_3 = arith.constant 0 : i32
    %dma_start3A_4 = tpu.memref_slice %arg7[%dma_start3A, %dma_start3A_3] : memref<40x128xi32, #tpu.memory_space<vmem>> -> memref<1x128xi32, #tpu.memory_space<vmem>>
    %dma_start3A_5 = tpu.memref_squeeze %dma_start3A_4 : memref<1x128xi32, #tpu.memory_space<vmem>> -> memref<128xi32, #tpu.memory_space<vmem>>
    %dma_start3A_6 = arith.constant 0 : i32
    %dma_start3A_7 = arith.constant 0 : i32
    %dma_start3A_8 = tpu.memref_slice %arg2[%dma_start3A_6, %dma_start3A_7] : memref<10000x128xf32, #tpu.memory_space<hbm>> -> memref<10000x128xf32, #tpu.memory_space<hbm>>
    tpu.enqueue_indirect_dma source(%dma_start3A_8 : memref<10000x128xf32, #tpu.memory_space<hbm>>) target(%arg9 : memref<128x128xf32, #tpu.memory_space<vmem>>) offsets(%dma_start3A_5 : memref<128xi32, #tpu.memory_space<vmem>>) semaphore(%arg12 : memref<!tpu.dma_semaphore, #tpu.memory_space<semaphore_mem>>)
    %scan3A = arith.constant 0 : i32
    %scan3A_9 = arith.constant 0 : i32
    %scan3A_10 = arith.constant 20 : i32
    %scan3A_11 = arith.addi %scan3A_9, %scan3A_10 : i32
    %scan3A_12 = arith.constant 1 : i32
    scf.for %scan3A_32 = %scan3A_9 to %scan3A_11 step %scan3A_12  : i32 {
      %mul3A_33 = arith.constant 2 : i32
      %mul3A_34 = arith.muli %mul3A_33, %scan3A_32 : i32
      %add3A_35 = arith.constant 1 : i32
      %add3A_36 = arith.addi %mul3A_34, %add3A_35 : i32
      %dma_start3A_37 = arith.constant 0 : i32
      %dma_start3A_38 = tpu.memref_slice %arg7[%add3A_36, %dma_start3A_37] : memref<40x128xi32, #tpu.memory_space<vmem>> -> memref<1x128xi32, #tpu.memory_space<vmem>>
      %dma_start3A_39 = tpu.memref_squeeze %dma_start3A_38 : memref<1x128xi32, #tpu.memory_space<vmem>> -> memref<128xi32, #tpu.memory_space<vmem>>
      %dma_start3A_40 = arith.constant 0 : i32
      %dma_start3A_41 = arith.constant 0 : i32
      %dma_start3A_42 = tpu.memref_slice %arg2[%dma_start3A_40, %dma_start3A_41] : memref<10000x128xf32, #tpu.memory_space<hbm>> -> memref<10000x128xf32, #tpu.memory_space<hbm>>
      tpu.enqueue_indirect_dma source(%dma_start3A_42 : memref<10000x128xf32, #tpu.memory_space<hbm>>) target(%arg10 : memref<128x128xf32, #tpu.memory_space<vmem>>) offsets(%dma_start3A_39 : memref<128xi32, #tpu.memory_space<vmem>>) semaphore(%arg13 : memref<!tpu.dma_semaphore, #tpu.memory_space<semaphore_mem>>)
      %dma_wait3A = arith.constant 0 : i32
      %dma_wait3A_43 = tpu.memref_slice %arg7[%mul3A_34, %dma_wait3A] : memref<40x128xi32, #tpu.memory_space<vmem>> -> memref<1x128xi32, #tpu.memory_space<vmem>>
      %dma_wait3A_44 = tpu.memref_squeeze %dma_wait3A_43 : memref<1x128xi32, #tpu.memory_space<vmem>> -> memref<128xi32, #tpu.memory_space<vmem>>
      %dma_wait3A_45 = arith.constant 0 : i32
      %dma_wait3A_46 = arith.constant 0 : i32
      %dma_wait3A_47 = tpu.memref_slice %arg2[%dma_wait3A_45, %dma_wait3A_46] : memref<10000x128xf32, #tpu.memory_space<hbm>> -> memref<10000x128xf32, #tpu.memory_space<hbm>>
      tpu.wait_indirect_dma semaphore(%arg12 : memref<!tpu.dma_semaphore, #tpu.memory_space<semaphore_mem>>) src(%dma_wait3A_47 : memref<10000x128xf32, #tpu.memory_space<hbm>>) dst(%arg9 : memref<128x128xf32, #tpu.memory_space<vmem>>)
      "tpu.region"() ({
        %run_scoped3A = tpu.sem_alloc : memref<!tpu.dma_semaphore, #tpu.memory_space<semaphore_mem>>
        %dma_start3A_62 = arith.constant 0 : i32
        %dma_start3A_63 = tpu.memref_slice %arg8[%mul3A_34, %dma_start3A_62] : memref<40x128xi32, #tpu.memory_space<vmem>> -> memref<1x128xi32, #tpu.memory_space<vmem>>
        %dma_start3A_64 = tpu.memref_squeeze %dma_start3A_63 : memref<1x128xi32, #tpu.memory_space<vmem>> -> memref<128xi32, #tpu.memory_space<vmem>>
        %dma_start3A_65 = arith.constant 0 : i32
        %dma_start3A_66 = arith.constant 0 : i32
        %dma_start3A_67 = tpu.memref_slice %arg11[%dma_start3A_65, %dma_start3A_66] : memref<10112x128xf32, #tpu.memory_space<vmem_shared>> -> memref<10112x128xf32, #tpu.memory_space<vmem_shared>>
        tpu.enqueue_indirect_dma source(%arg9 : memref<128x128xf32, #tpu.memory_space<vmem>>) target(%dma_start3A_67 : memref<10112x128xf32, #tpu.memory_space<vmem_shared>>) offsets(%dma_start3A_64 : memref<128xi32, #tpu.memory_space<vmem>>) semaphore(%run_scoped3A : memref<!tpu.dma_semaphore, #tpu.memory_space<semaphore_mem>>) {add = true}
        %dma_wait3A_68 = arith.constant 0 : i32
        %dma_wait3A_69 = tpu.memref_slice %arg8[%mul3A_34, %dma_wait3A_68] : memref<40x128xi32, #tpu.memory_space<vmem>> -> memref<1x128xi32, #tpu.memory_space<vmem>>
        %dma_wait3A_70 = tpu.memref_squeeze %dma_wait3A_69 : memref<1x128xi32, #tpu.memory_space<vmem>> -> memref<128xi32, #tpu.memory_space<vmem>>
        %dma_wait3A_71 = arith.constant 0 : i32
        %dma_wait3A_72 = arith.constant 0 : i32
        %dma_wait3A_73 = tpu.memref_slice %arg11[%dma_wait3A_71, %dma_wait3A_72] : memref<10112x128xf32, #tpu.memory_space<vmem_shared>> -> memref<10112x128xf32, #tpu.memory_space<vmem_shared>>
        tpu.wait_indirect_dma semaphore(%run_scoped3A : memref<!tpu.dma_semaphore, #tpu.memory_space<semaphore_mem>>) src(%arg9 : memref<128x128xf32, #tpu.memory_space<vmem>>) dst(%dma_wait3A_73 : memref<10112x128xf32, #tpu.memory_space<vmem_shared>>)
        tpu.yield
      }) : () -> ()
      %add3A_48 = arith.constant 2 : i32
      %add3A_49 = arith.addi %mul3A_34, %add3A_48 : i32
      %lt3A = arith.constant 40 : i32
      %lt3A_50 = arith.cmpi slt, %add3A_49, %lt3A : i32
      %convert_element_type3A = arith.extui %lt3A_50 : i1 to i32
      %cond3A = arith.constant 0 : i32
      %cond3A_51 = arith.cmpi ne, %convert_element_type3A, %cond3A : i32
      scf.if %cond3A_51 {
        %add3A_62 = arith.constant 2 : i32
        %add3A_63 = arith.addi %mul3A_34, %add3A_62 : i32
        %dma_start3A_64 = arith.constant 0 : i32
        %dma_start3A_65 = tpu.memref_slice %arg7[%add3A_63, %dma_start3A_64] : memref<40x128xi32, #tpu.memory_space<vmem>> -> memref<1x128xi32, #tpu.memory_space<vmem>>
        %dma_start3A_66 = tpu.memref_squeeze %dma_start3A_65 : memref<1x128xi32, #tpu.memory_space<vmem>> -> memref<128xi32, #tpu.memory_space<vmem>>
        %dma_start3A_67 = arith.constant 0 : i32
        %dma_start3A_68 = arith.constant 0 : i32
        %dma_start3A_69 = tpu.memref_slice %arg2[%dma_start3A_67, %dma_start3A_68] : memref<10000x128xf32, #tpu.memory_space<hbm>> -> memref<10000x128xf32, #tpu.memory_space<hbm>>
        tpu.enqueue_indirect_dma source(%dma_start3A_69 : memref<10000x128xf32, #tpu.memory_space<hbm>>) target(%arg9 : memref<128x128xf32, #tpu.memory_space<vmem>>) offsets(%dma_start3A_66 : memref<128xi32, #tpu.memory_space<vmem>>) semaphore(%arg12 : memref<!tpu.dma_semaphore, #tpu.memory_space<semaphore_mem>>)
      } else {
      }
      %add3A_52 = arith.constant 1 : i32
      %add3A_53 = arith.addi %mul3A_34, %add3A_52 : i32
      %dma_wait3A_54 = arith.constant 0 : i32
      %dma_wait3A_55 = tpu.memref_slice %arg7[%add3A_53, %dma_wait3A_54] : memref<40x128xi32, #tpu.memory_space<vmem>> -> memref<1x128xi32, #tpu.memory_space<vmem>>
      %dma_wait3A_56 = tpu.memref_squeeze %dma_wait3A_55 : memref<1x128xi32, #tpu.memory_space<vmem>> -> memref<128xi32, #tpu.memory_space<vmem>>
      %dma_wait3A_57 = arith.constant 0 : i32
      %dma_wait3A_58 = arith.constant 0 : i32
      %dma_wait3A_59 = tpu.memref_slice %arg2[%dma_wait3A_57, %dma_wait3A_58] : memref<10000x128xf32, #tpu.memory_space<hbm>> -> memref<10000x128xf32, #tpu.memory_space<hbm>>
      tpu.wait_indirect_dma semaphore(%arg13 : memref<!tpu.dma_semaphore, #tpu.memory_space<semaphore_mem>>) src(%dma_wait3A_59 : memref<10000x128xf32, #tpu.memory_space<hbm>>) dst(%arg10 : memref<128x128xf32, #tpu.memory_space<vmem>>)
      %add3A_60 = arith.constant 1 : i32
      %add3A_61 = arith.addi %mul3A_34, %add3A_60 : i32
      "tpu.region"() ({
        %run_scoped3A = tpu.sem_alloc : memref<!tpu.dma_semaphore, #tpu.memory_space<semaphore_mem>>
        %dma_start3A_62 = arith.constant 0 : i32
        %dma_start3A_63 = tpu.memref_slice %arg8[%add3A_61, %dma_start3A_62] : memref<40x128xi32, #tpu.memory_space<vmem>> -> memref<1x128xi32, #tpu.memory_space<vmem>>
        %dma_start3A_64 = tpu.memref_squeeze %dma_start3A_63 : memref<1x128xi32, #tpu.memory_space<vmem>> -> memref<128xi32, #tpu.memory_space<vmem>>
        %dma_start3A_65 = arith.constant 0 : i32
        %dma_start3A_66 = arith.constant 0 : i32
        %dma_start3A_67 = tpu.memref_slice %arg11[%dma_start3A_65, %dma_start3A_66] : memref<10112x128xf32, #tpu.memory_space<vmem_shared>> -> memref<10112x128xf32, #tpu.memory_space<vmem_shared>>
        tpu.enqueue_indirect_dma source(%arg10 : memref<128x128xf32, #tpu.memory_space<vmem>>) target(%dma_start3A_67 : memref<10112x128xf32, #tpu.memory_space<vmem_shared>>) offsets(%dma_start3A_64 : memref<128xi32, #tpu.memory_space<vmem>>) semaphore(%run_scoped3A : memref<!tpu.dma_semaphore, #tpu.memory_space<semaphore_mem>>) {add = true}
        %dma_wait3A_68 = arith.constant 0 : i32
        %dma_wait3A_69 = tpu.memref_slice %arg8[%add3A_61, %dma_wait3A_68] : memref<40x128xi32, #tpu.memory_space<vmem>> -> memref<1x128xi32, #tpu.memory_space<vmem>>
        %dma_wait3A_70 = tpu.memref_squeeze %dma_wait3A_69 : memref<1x128xi32, #tpu.memory_space<vmem>> -> memref<128xi32, #tpu.memory_space<vmem>>
        %dma_wait3A_71 = arith.constant 0 : i32
        %dma_wait3A_72 = arith.constant 0 : i32
        %dma_wait3A_73 = tpu.memref_slice %arg11[%dma_wait3A_71, %dma_wait3A_72] : memref<10112x128xf32, #tpu.memory_space<vmem_shared>> -> memref<10112x128xf32, #tpu.memory_space<vmem_shared>>
        tpu.wait_indirect_dma semaphore(%run_scoped3A : memref<!tpu.dma_semaphore, #tpu.memory_space<semaphore_mem>>) src(%arg10 : memref<128x128xf32, #tpu.memory_space<vmem>>) dst(%dma_wait3A_73 : memref<10112x128xf32, #tpu.memory_space<vmem_shared>>)
        tpu.yield
      }) : () -> ()
    }
    %scan3A_13 = arith.constant 20 : i32
    "tpu.region"() ({
      %run_scoped3A = tpu.sem_alloc : memref<!tpu.dma_semaphore, #tpu.memory_space<semaphore_mem>>
      %dma_start3A_32 = arith.constant 40 : i32
      %dma_start3A_33 = arith.constant 0 : i32
      %dma_start3A_34 = tpu.memref_slice %arg3[%add3A, %dma_start3A_32, %dma_start3A_33] : memref<32x80x128xi32, #tpu.memory_space<hbm>> -> memref<1x40x128xi32, #tpu.memory_space<hbm>>
      %dma_start3A_35 = tpu.memref_squeeze %dma_start3A_34 : memref<1x40x128xi32, #tpu.memory_space<hbm>> -> memref<40x128xi32, #tpu.memory_space<hbm>>
      %dma_start3A_36 = arith.constant 40 : i32
      %dma_start3A_37 = arith.constant 0 : i32
      %dma_start3A_38 = tpu.memref_slice %arg3[%add3A, %dma_start3A_36, %dma_start3A_37] : memref<32x80x128xi32, #tpu.memory_space<hbm>> -> memref<1x40x128xi32, #tpu.memory_space<hbm>>
      %dma_start3A_39 = tpu.memref_squeeze %dma_start3A_38 : memref<1x40x128xi32, #tpu.memory_space<hbm>> -> memref<40x128xi32, #tpu.memory_space<hbm>>
      tpu.enqueue_dma source(%dma_start3A_39 : memref<40x128xi32, #tpu.memory_space<hbm>>) target(%arg7 : memref<40x128xi32, #tpu.memory_space<vmem>>) target_semaphore(%run_scoped3A : memref<!tpu.dma_semaphore, #tpu.memory_space<semaphore_mem>>)
      %dma_wait3A = arith.constant 40 : i32
      %dma_wait3A_40 = arith.constant 0 : i32
      %dma_wait3A_41 = tpu.memref_slice %arg3[%add3A, %dma_wait3A, %dma_wait3A_40] : memref<32x80x128xi32, #tpu.memory_space<hbm>> -> memref<1x40x128xi32, #tpu.memory_space<hbm>>
      %dma_wait3A_42 = tpu.memref_squeeze %dma_wait3A_41 : memref<1x40x128xi32, #tpu.memory_space<hbm>> -> memref<40x128xi32, #tpu.memory_space<hbm>>
      %dma_wait3A_43 = arith.constant 40 : i32
      %dma_wait3A_44 = arith.constant 0 : i32
      %dma_wait3A_45 = tpu.memref_slice %arg3[%add3A, %dma_wait3A_43, %dma_wait3A_44] : memref<32x80x128xi32, #tpu.memory_space<hbm>> -> memref<1x40x128xi32, #tpu.memory_space<hbm>>
      %dma_wait3A_46 = tpu.memref_squeeze %dma_wait3A_45 : memref<1x40x128xi32, #tpu.memory_space<hbm>> -> memref<40x128xi32, #tpu.memory_space<hbm>>
      tpu.wait_dma2 semaphore(%run_scoped3A : memref<!tpu.dma_semaphore, #tpu.memory_space<semaphore_mem>>) src(%dma_wait3A_46 : memref<40x128xi32, #tpu.memory_space<hbm>>) dst(%arg7 : memref<40x128xi32, #tpu.memory_space<vmem>>)
      tpu.yield
    }) : () -> ()
    "tpu.region"() ({
      %run_scoped3A = tpu.sem_alloc : memref<!tpu.dma_semaphore, #tpu.memory_space<semaphore_mem>>
      %dma_start3A_32 = arith.constant 40 : i32
      %dma_start3A_33 = arith.constant 0 : i32
      %dma_start3A_34 = tpu.memref_slice %arg4[%add3A, %dma_start3A_32, %dma_start3A_33] : memref<32x80x128xi32, #tpu.memory_space<hbm>> -> memref<1x40x128xi32, #tpu.memory_space<hbm>>
      %dma_start3A_35 = tpu.memref_squeeze %dma_start3A_34 : memref<1x40x128xi32, #tpu.memory_space<hbm>> -> memref<40x128xi32, #tpu.memory_space<hbm>>
      %dma_start3A_36 = arith.constant 40 : i32
      %dma_start3A_37 = arith.constant 0 : i32
      %dma_start3A_38 = tpu.memref_slice %arg4[%add3A, %dma_start3A_36, %dma_start3A_37] : memref<32x80x128xi32, #tpu.memory_space<hbm>> -> memref<1x40x128xi32, #tpu.memory_space<hbm>>
      %dma_start3A_39 = tpu.memref_squeeze %dma_start3A_38 : memref<1x40x128xi32, #tpu.memory_space<hbm>> -> memref<40x128xi32, #tpu.memory_space<hbm>>
      tpu.enqueue_dma source(%dma_start3A_39 : memref<40x128xi32, #tpu.memory_space<hbm>>) target(%arg8 : memref<40x128xi32, #tpu.memory_space<vmem>>) target_semaphore(%run_scoped3A : memref<!tpu.dma_semaphore, #tpu.memory_space<semaphore_mem>>)
      %dma_wait3A = arith.constant 40 : i32
      %dma_wait3A_40 = arith.constant 0 : i32
      %dma_wait3A_41 = tpu.memref_slice %arg4[%add3A, %dma_wait3A, %dma_wait3A_40] : memref<32x80x128xi32, #tpu.memory_space<hbm>> -> memref<1x40x128xi32, #tpu.memory_space<hbm>>
      %dma_wait3A_42 = tpu.memref_squeeze %dma_wait3A_41 : memref<1x40x128xi32, #tpu.memory_space<hbm>> -> memref<40x128xi32, #tpu.memory_space<hbm>>
      %dma_wait3A_43 = arith.constant 40 : i32
      %dma_wait3A_44 = arith.constant 0 : i32
      %dma_wait3A_45 = tpu.memref_slice %arg4[%add3A, %dma_wait3A_43, %dma_wait3A_44] : memref<32x80x128xi32, #tpu.memory_space<hbm>> -> memref<1x40x128xi32, #tpu.memory_space<hbm>>
      %dma_wait3A_46 = tpu.memref_squeeze %dma_wait3A_45 : memref<1x40x128xi32, #tpu.memory_space<hbm>> -> memref<40x128xi32, #tpu.memory_space<hbm>>
      tpu.wait_dma2 semaphore(%run_scoped3A : memref<!tpu.dma_semaphore, #tpu.memory_space<semaphore_mem>>) src(%dma_wait3A_46 : memref<40x128xi32, #tpu.memory_space<hbm>>) dst(%arg8 : memref<40x128xi32, #tpu.memory_space<vmem>>)
      tpu.yield
    }) : () -> ()
    %dma_start3A_14 = arith.constant 0 : i32
    %dma_start3A_15 = arith.constant 0 : i32
    %dma_start3A_16 = tpu.memref_slice %arg7[%dma_start3A_14, %dma_start3A_15] : memref<40x128xi32, #tpu.memory_space<vmem>> -> memref<1x128xi32, #tpu.memory_space<vmem>>
    %dma_start3A_17 = tpu.memref_squeeze %dma_start3A_16 : memref<1x128xi32, #tpu.memory_space<vmem>> -> memref<128xi32, #tpu.memory_space<vmem>>
    %dma_start3A_18 = arith.constant 0 : i32
    %dma_start3A_19 = arith.constant 0 : i32
    %dma_start3A_20 = tpu.memref_slice %arg2[%dma_start3A_18, %dma_start3A_19] : memref<10000x128xf32, #tpu.memory_space<hbm>> -> memref<10000x128xf32, #tpu.memory_space<hbm>>
    tpu.enqueue_indirect_dma source(%dma_start3A_20 : memref<10000x128xf32, #tpu.memory_space<hbm>>) target(%arg9 : memref<128x128xf32, #tpu.memory_space<vmem>>) offsets(%dma_start3A_17 : memref<128xi32, #tpu.memory_space<vmem>>) semaphore(%arg12 : memref<!tpu.dma_semaphore, #tpu.memory_space<semaphore_mem>>)
    %scan3A_21 = arith.constant 0 : i32
    %scan3A_22 = arith.constant 0 : i32
    %scan3A_23 = arith.constant 20 : i32
    %scan3A_24 = arith.addi %scan3A_22, %scan3A_23 : i32
    %scan3A_25 = arith.constant 1 : i32
    scf.for %scan3A_32 = %scan3A_22 to %scan3A_24 step %scan3A_25  : i32 {
      %mul3A_33 = arith.constant 2 : i32
      %mul3A_34 = arith.muli %mul3A_33, %scan3A_32 : i32
      %add3A_35 = arith.constant 1 : i32
      %add3A_36 = arith.addi %mul3A_34, %add3A_35 : i32
      %dma_start3A_37 = arith.constant 0 : i32
      %dma_start3A_38 = tpu.memref_slice %arg7[%add3A_36, %dma_start3A_37] : memref<40x128xi32, #tpu.memory_space<vmem>> -> memref<1x128xi32, #tpu.memory_space<vmem>>
      %dma_start3A_39 = tpu.memref_squeeze %dma_start3A_38 : memref<1x128xi32, #tpu.memory_space<vmem>> -> memref<128xi32, #tpu.memory_space<vmem>>
      %dma_start3A_40 = arith.constant 0 : i32
      %dma_start3A_41 = arith.constant 0 : i32
      %dma_start3A_42 = tpu.memref_slice %arg2[%dma_start3A_40, %dma_start3A_41] : memref<10000x128xf32, #tpu.memory_space<hbm>> -> memref<10000x128xf32, #tpu.memory_space<hbm>>
      tpu.enqueue_indirect_dma source(%dma_start3A_42 : memref<10000x128xf32, #tpu.memory_space<hbm>>) target(%arg10 : memref<128x128xf32, #tpu.memory_space<vmem>>) offsets(%dma_start3A_39 : memref<128xi32, #tpu.memory_space<vmem>>) semaphore(%arg13 : memref<!tpu.dma_semaphore, #tpu.memory_space<semaphore_mem>>)
      %dma_wait3A = arith.constant 0 : i32
      %dma_wait3A_43 = tpu.memref_slice %arg7[%mul3A_34, %dma_wait3A] : memref<40x128xi32, #tpu.memory_space<vmem>> -> memref<1x128xi32, #tpu.memory_space<vmem>>
      %dma_wait3A_44 = tpu.memref_squeeze %dma_wait3A_43 : memref<1x128xi32, #tpu.memory_space<vmem>> -> memref<128xi32, #tpu.memory_space<vmem>>
      %dma_wait3A_45 = arith.constant 0 : i32
      %dma_wait3A_46 = arith.constant 0 : i32
      %dma_wait3A_47 = tpu.memref_slice %arg2[%dma_wait3A_45, %dma_wait3A_46] : memref<10000x128xf32, #tpu.memory_space<hbm>> -> memref<10000x128xf32, #tpu.memory_space<hbm>>
      tpu.wait_indirect_dma semaphore(%arg12 : memref<!tpu.dma_semaphore, #tpu.memory_space<semaphore_mem>>) src(%dma_wait3A_47 : memref<10000x128xf32, #tpu.memory_space<hbm>>) dst(%arg9 : memref<128x128xf32, #tpu.memory_space<vmem>>)
      "tpu.region"() ({
        %run_scoped3A = tpu.sem_alloc : memref<!tpu.dma_semaphore, #tpu.memory_space<semaphore_mem>>
        %dma_start3A_62 = arith.constant 0 : i32
        %dma_start3A_63 = tpu.memref_slice %arg8[%mul3A_34, %dma_start3A_62] : memref<40x128xi32, #tpu.memory_space<vmem>> -> memref<1x128xi32, #tpu.memory_space<vmem>>
        %dma_start3A_64 = tpu.memref_squeeze %dma_start3A_63 : memref<1x128xi32, #tpu.memory_space<vmem>> -> memref<128xi32, #tpu.memory_space<vmem>>
        %dma_start3A_65 = arith.constant 0 : i32
        %dma_start3A_66 = arith.constant 0 : i32
        %dma_start3A_67 = tpu.memref_slice %arg11[%dma_start3A_65, %dma_start3A_66] : memref<10112x128xf32, #tpu.memory_space<vmem_shared>> -> memref<10112x128xf32, #tpu.memory_space<vmem_shared>>
        tpu.enqueue_indirect_dma source(%arg9 : memref<128x128xf32, #tpu.memory_space<vmem>>) target(%dma_start3A_67 : memref<10112x128xf32, #tpu.memory_space<vmem_shared>>) offsets(%dma_start3A_64 : memref<128xi32, #tpu.memory_space<vmem>>) semaphore(%run_scoped3A : memref<!tpu.dma_semaphore, #tpu.memory_space<semaphore_mem>>) {add = true}
        %dma_wait3A_68 = arith.constant 0 : i32
        %dma_wait3A_69 = tpu.memref_slice %arg8[%mul3A_34, %dma_wait3A_68] : memref<40x128xi32, #tpu.memory_space<vmem>> -> memref<1x128xi32, #tpu.memory_space<vmem>>
        %dma_wait3A_70 = tpu.memref_squeeze %dma_wait3A_69 : memref<1x128xi32, #tpu.memory_space<vmem>> -> memref<128xi32, #tpu.memory_space<vmem>>
        %dma_wait3A_71 = arith.constant 0 : i32
        %dma_wait3A_72 = arith.constant 0 : i32
        %dma_wait3A_73 = tpu.memref_slice %arg11[%dma_wait3A_71, %dma_wait3A_72] : memref<10112x128xf32, #tpu.memory_space<vmem_shared>> -> memref<10112x128xf32, #tpu.memory_space<vmem_shared>>
        tpu.wait_indirect_dma semaphore(%run_scoped3A : memref<!tpu.dma_semaphore, #tpu.memory_space<semaphore_mem>>) src(%arg9 : memref<128x128xf32, #tpu.memory_space<vmem>>) dst(%dma_wait3A_73 : memref<10112x128xf32, #tpu.memory_space<vmem_shared>>)
        tpu.yield
      }) : () -> ()
      %add3A_48 = arith.constant 2 : i32
      %add3A_49 = arith.addi %mul3A_34, %add3A_48 : i32
      %lt3A = arith.constant 40 : i32
      %lt3A_50 = arith.cmpi slt, %add3A_49, %lt3A : i32
      %convert_element_type3A = arith.extui %lt3A_50 : i1 to i32
      %cond3A = arith.constant 0 : i32
      %cond3A_51 = arith.cmpi ne, %convert_element_type3A, %cond3A : i32
      scf.if %cond3A_51 {
        %add3A_62 = arith.constant 2 : i32
        %add3A_63 = arith.addi %mul3A_34, %add3A_62 : i32
        %dma_start3A_64 = arith.constant 0 : i32
        %dma_start3A_65 = tpu.memref_slice %arg7[%add3A_63, %dma_start3A_64] : memref<40x128xi32, #tpu.memory_space<vmem>> -> memref<1x128xi32, #tpu.memory_space<vmem>>
        %dma_start3A_66 = tpu.memref_squeeze %dma_start3A_65 : memref<1x128xi32, #tpu.memory_space<vmem>> -> memref<128xi32, #tpu.memory_space<vmem>>
        %dma_start3A_67 = arith.constant 0 : i32
        %dma_start3A_68 = arith.constant 0 : i32
        %dma_start3A_69 = tpu.memref_slice %arg2[%dma_start3A_67, %dma_start3A_68] : memref<10000x128xf32, #tpu.memory_space<hbm>> -> memref<10000x128xf32, #tpu.memory_space<hbm>>
        tpu.enqueue_indirect_dma source(%dma_start3A_69 : memref<10000x128xf32, #tpu.memory_space<hbm>>) target(%arg9 : memref<128x128xf32, #tpu.memory_space<vmem>>) offsets(%dma_start3A_66 : memref<128xi32, #tpu.memory_space<vmem>>) semaphore(%arg12 : memref<!tpu.dma_semaphore, #tpu.memory_space<semaphore_mem>>)
      } else {
      }
      %add3A_52 = arith.constant 1 : i32
      %add3A_53 = arith.addi %mul3A_34, %add3A_52 : i32
      %dma_wait3A_54 = arith.constant 0 : i32
      %dma_wait3A_55 = tpu.memref_slice %arg7[%add3A_53, %dma_wait3A_54] : memref<40x128xi32, #tpu.memory_space<vmem>> -> memref<1x128xi32, #tpu.memory_space<vmem>>
      %dma_wait3A_56 = tpu.memref_squeeze %dma_wait3A_55 : memref<1x128xi32, #tpu.memory_space<vmem>> -> memref<128xi32, #tpu.memory_space<vmem>>
      %dma_wait3A_57 = arith.constant 0 : i32
      %dma_wait3A_58 = arith.constant 0 : i32
      %dma_wait3A_59 = tpu.memref_slice %arg2[%dma_wait3A_57, %dma_wait3A_58] : memref<10000x128xf32, #tpu.memory_space<hbm>> -> memref<10000x128xf32, #tpu.memory_space<hbm>>
      tpu.wait_indirect_dma semaphore(%arg13 : memref<!tpu.dma_semaphore, #tpu.memory_space<semaphore_mem>>) src(%dma_wait3A_59 : memref<10000x128xf32, #tpu.memory_space<hbm>>) dst(%arg10 : memref<128x128xf32, #tpu.memory_space<vmem>>)
      %add3A_60 = arith.constant 1 : i32
      %add3A_61 = arith.addi %mul3A_34, %add3A_60 : i32
      "tpu.region"() ({
        %run_scoped3A = tpu.sem_alloc : memref<!tpu.dma_semaphore, #tpu.memory_space<semaphore_mem>>
        %dma_start3A_62 = arith.constant 0 : i32
        %dma_start3A_63 = tpu.memref_slice %arg8[%add3A_61, %dma_start3A_62] : memref<40x128xi32, #tpu.memory_space<vmem>> -> memref<1x128xi32, #tpu.memory_space<vmem>>
        %dma_start3A_64 = tpu.memref_squeeze %dma_start3A_63 : memref<1x128xi32, #tpu.memory_space<vmem>> -> memref<128xi32, #tpu.memory_space<vmem>>
        %dma_start3A_65 = arith.constant 0 : i32
        %dma_start3A_66 = arith.constant 0 : i32
        %dma_start3A_67 = tpu.memref_slice %arg11[%dma_start3A_65, %dma_start3A_66] : memref<10112x128xf32, #tpu.memory_space<vmem_shared>> -> memref<10112x128xf32, #tpu.memory_space<vmem_shared>>
        tpu.enqueue_indirect_dma source(%arg10 : memref<128x128xf32, #tpu.memory_space<vmem>>) target(%dma_start3A_67 : memref<10112x128xf32, #tpu.memory_space<vmem_shared>>) offsets(%dma_start3A_64 : memref<128xi32, #tpu.memory_space<vmem>>) semaphore(%run_scoped3A : memref<!tpu.dma_semaphore, #tpu.memory_space<semaphore_mem>>) {add = true}
        %dma_wait3A_68 = arith.constant 0 : i32
        %dma_wait3A_69 = tpu.memref_slice %arg8[%add3A_61, %dma_wait3A_68] : memref<40x128xi32, #tpu.memory_space<vmem>> -> memref<1x128xi32, #tpu.memory_space<vmem>>
        %dma_wait3A_70 = tpu.memref_squeeze %dma_wait3A_69 : memref<1x128xi32, #tpu.memory_space<vmem>> -> memref<128xi32, #tpu.memory_space<vmem>>
        %dma_wait3A_71 = arith.constant 0 : i32
        %dma_wait3A_72 = arith.constant 0 : i32
        %dma_wait3A_73 = tpu.memref_slice %arg11[%dma_wait3A_71, %dma_wait3A_72] : memref<10112x128xf32, #tpu.memory_space<vmem_shared>> -> memref<10112x128xf32, #tpu.memory_space<vmem_shared>>
        tpu.wait_indirect_dma semaphore(%run_scoped3A : memref<!tpu.dma_semaphore, #tpu.memory_space<semaphore_mem>>) src(%arg10 : memref<128x128xf32, #tpu.memory_space<vmem>>) dst(%dma_wait3A_73 : memref<10112x128xf32, #tpu.memory_space<vmem_shared>>)
        tpu.yield
      }) : () -> ()
    }
    %scan3A_26 = arith.constant 20 : i32
    %barrier3A_27 = arith.constant 0 : index
    tpu.barrier barrier_id(%barrier3A_27)
    %mul3A_28 = arith.constant 632 : i32
    %mul3A_29 = arith.muli %arg1, %mul3A_28 : i32
    %mul3A_30 = arith.constant 632 : i32
    %mul3A_31 = arith.muli %arg1, %mul3A_30 : i32
    "tpu.region"() ({
      %run_scoped3A = tpu.sem_alloc : memref<!tpu.dma_semaphore, #tpu.memory_space<semaphore_mem>>
      %dma_start3A_32 = arith.constant 0 : i32
      %dma_start3A_33 = tpu.memref_slice %arg6[%arg0, %mul3A_31, %dma_start3A_32] : memref<2x10112x128xf32, #tpu.memory_space<hbm>> -> memref<1x632x128xf32, #tpu.memory_space<hbm>>
      %dma_start3A_34 = tpu.memref_squeeze %dma_start3A_33 : memref<1x632x128xf32, #tpu.memory_space<hbm>> -> memref<632x128xf32, #tpu.memory_space<hbm>>
      %dma_start3A_35 = arith.constant 0 : i32
      %dma_start3A_36 = tpu.memref_slice %arg11[%mul3A_29, %dma_start3A_35] : memref<10112x128xf32, #tpu.memory_space<vmem_shared>> -> memref<632x128xf32, #tpu.memory_space<vmem_shared>>
      tpu.enqueue_dma source(%dma_start3A_36 : memref<632x128xf32, #tpu.memory_space<vmem_shared>>) target(%dma_start3A_34 : memref<632x128xf32, #tpu.memory_space<hbm>>) target_semaphore(%run_scoped3A : memref<!tpu.dma_semaphore, #tpu.memory_space<semaphore_mem>>)
      %dma_wait3A = arith.constant 0 : i32
      %dma_wait3A_37 = tpu.memref_slice %arg6[%arg0, %mul3A_31, %dma_wait3A] : memref<2x10112x128xf32, #tpu.memory_space<hbm>> -> memref<1x632x128xf32, #tpu.memory_space<hbm>>
      %dma_wait3A_38 = tpu.memref_squeeze %dma_wait3A_37 : memref<1x632x128xf32, #tpu.memory_space<hbm>> -> memref<632x128xf32, #tpu.memory_space<hbm>>
      %dma_wait3A_39 = arith.constant 0 : i32
      %dma_wait3A_40 = tpu.memref_slice %arg11[%mul3A_29, %dma_wait3A_39] : memref<10112x128xf32, #tpu.memory_space<vmem_shared>> -> memref<632x128xf32, #tpu.memory_space<vmem_shared>>
      tpu.wait_dma2 semaphore(%run_scoped3A : memref<!tpu.dma_semaphore, #tpu.memory_space<semaphore_mem>>) src(%dma_wait3A_40 : memref<632x128xf32, #tpu.memory_space<vmem_shared>>) dst(%dma_wait3A_38 : memref<632x128xf32, #tpu.memory_space<hbm>>)
      tpu.yield
    }) : () -> ()
    return
  }
}

#map = affine_map<(d0, d1) -> (0, 0, 0)>
#map1 = affine_map<(d0, d1) -> (0, 0)>
module attributes {stable_mosaic.version = 14 : i64} {
  func.func @_sc_degree_body(%arg0: i32, %arg1: i32, %arg2: memref<32x80x128xi32, #tpu.memory_space<hbm>>, %arg3: memref<128x128xf32, #tpu.memory_space<hbm>>, %arg4: memref<632x128xf32, #tpu.memory_space<hbm>>, %arg5: memref<2x10112x128xf32, #tpu.memory_space<hbm>>, %arg6: memref<80x128xi32, #tpu.memory_space<vmem>>, %arg7: memref<128x128xf32, #tpu.memory_space<vmem>>, %arg8: memref<10112x128xf32, #tpu.memory_space<vmem_shared>>) attributes {dimension_semantics = [#tpu.dimension_semantics<core_parallel>, #tpu.dimension_semantics<subcore_parallel>], iteration_bounds = array<i64: 2, 16>, scalar_prefetch = 0 : i64, scratch_operands = 3 : i64, tpu.core_type = #tpu.core_type<sc_vector_subcore>, window_params = [{transform_indices = #map}, {transform_indices = #map1}, {transform_indices = #map1}, {transform_indices = #map}]} {
    %mul3A = arith.constant 2 : i32
    %mul3A_0 = arith.muli %arg1, %mul3A : i32
    %add3A = arith.addi %mul3A_0, %arg0 : i32
    "tpu.region"() ({
      %run_scoped3A = tpu.sem_alloc : memref<!tpu.dma_semaphore, #tpu.memory_space<semaphore_mem>>
      %dma_start3A = arith.constant 0 : i32
      %dma_start3A_13 = arith.constant 0 : i32
      %dma_start3A_14 = tpu.memref_slice %arg2[%add3A, %dma_start3A, %dma_start3A_13] : memref<32x80x128xi32, #tpu.memory_space<hbm>> -> memref<1x80x128xi32, #tpu.memory_space<hbm>>
      %dma_start3A_15 = tpu.memref_squeeze %dma_start3A_14 : memref<1x80x128xi32, #tpu.memory_space<hbm>> -> memref<80x128xi32, #tpu.memory_space<hbm>>
      %dma_start3A_16 = arith.constant 0 : i32
      %dma_start3A_17 = arith.constant 0 : i32
      %dma_start3A_18 = tpu.memref_slice %arg2[%add3A, %dma_start3A_16, %dma_start3A_17] : memref<32x80x128xi32, #tpu.memory_space<hbm>> -> memref<1x80x128xi32, #tpu.memory_space<hbm>>
      %dma_start3A_19 = tpu.memref_squeeze %dma_start3A_18 : memref<1x80x128xi32, #tpu.memory_space<hbm>> -> memref<80x128xi32, #tpu.memory_space<hbm>>
      tpu.enqueue_dma source(%dma_start3A_19 : memref<80x128xi32, #tpu.memory_space<hbm>>) target(%arg6 : memref<80x128xi32, #tpu.memory_space<vmem>>) target_semaphore(%run_scoped3A : memref<!tpu.dma_semaphore, #tpu.memory_space<semaphore_mem>>)
      %dma_wait3A = arith.constant 0 : i32
      %dma_wait3A_20 = arith.constant 0 : i32
      %dma_wait3A_21 = tpu.memref_slice %arg2[%add3A, %dma_wait3A, %dma_wait3A_20] : memref<32x80x128xi32, #tpu.memory_space<hbm>> -> memref<1x80x128xi32, #tpu.memory_space<hbm>>
      %dma_wait3A_22 = tpu.memref_squeeze %dma_wait3A_21 : memref<1x80x128xi32, #tpu.memory_space<hbm>> -> memref<80x128xi32, #tpu.memory_space<hbm>>
      %dma_wait3A_23 = arith.constant 0 : i32
      %dma_wait3A_24 = arith.constant 0 : i32
      %dma_wait3A_25 = tpu.memref_slice %arg2[%add3A, %dma_wait3A_23, %dma_wait3A_24] : memref<32x80x128xi32, #tpu.memory_space<hbm>> -> memref<1x80x128xi32, #tpu.memory_space<hbm>>
      %dma_wait3A_26 = tpu.memref_squeeze %dma_wait3A_25 : memref<1x80x128xi32, #tpu.memory_space<hbm>> -> memref<80x128xi32, #tpu.memory_space<hbm>>
      tpu.wait_dma2 semaphore(%run_scoped3A : memref<!tpu.dma_semaphore, #tpu.memory_space<semaphore_mem>>) src(%dma_wait3A_26 : memref<80x128xi32, #tpu.memory_space<hbm>>) dst(%arg6 : memref<80x128xi32, #tpu.memory_space<vmem>>)
      tpu.yield
    }) : () -> ()
    "tpu.region"() ({
      %run_scoped3A = tpu.sem_alloc : memref<!tpu.dma_semaphore, #tpu.memory_space<semaphore_mem>>
      tpu.enqueue_dma source(%arg3 : memref<128x128xf32, #tpu.memory_space<hbm>>) target(%arg7 : memref<128x128xf32, #tpu.memory_space<vmem>>) target_semaphore(%run_scoped3A : memref<!tpu.dma_semaphore, #tpu.memory_space<semaphore_mem>>)
      tpu.wait_dma2 semaphore(%run_scoped3A : memref<!tpu.dma_semaphore, #tpu.memory_space<semaphore_mem>>) src(%arg3 : memref<128x128xf32, #tpu.memory_space<hbm>>) dst(%arg7 : memref<128x128xf32, #tpu.memory_space<vmem>>)
      tpu.yield
    }) : () -> ()
    %mul3A_1 = arith.constant 632 : i32
    %mul3A_2 = arith.muli %arg1, %mul3A_1 : i32
    "tpu.region"() ({
      %run_scoped3A = tpu.sem_alloc : memref<!tpu.dma_semaphore, #tpu.memory_space<semaphore_mem>>
      %dma_start3A = arith.constant 0 : i32
      %dma_start3A_13 = tpu.memref_slice %arg8[%mul3A_2, %dma_start3A] : memref<10112x128xf32, #tpu.memory_space<vmem_shared>> -> memref<632x128xf32, #tpu.memory_space<vmem_shared>>
      tpu.enqueue_dma source(%arg4 : memref<632x128xf32, #tpu.memory_space<hbm>>) target(%dma_start3A_13 : memref<632x128xf32, #tpu.memory_space<vmem_shared>>) target_semaphore(%run_scoped3A : memref<!tpu.dma_semaphore, #tpu.memory_space<semaphore_mem>>)
      %dma_wait3A = arith.constant 0 : i32
      %dma_wait3A_14 = tpu.memref_slice %arg8[%mul3A_2, %dma_wait3A] : memref<10112x128xf32, #tpu.memory_space<vmem_shared>> -> memref<632x128xf32, #tpu.memory_space<vmem_shared>>
      tpu.wait_dma2 semaphore(%run_scoped3A : memref<!tpu.dma_semaphore, #tpu.memory_space<semaphore_mem>>) src(%arg4 : memref<632x128xf32, #tpu.memory_space<hbm>>) dst(%dma_wait3A_14 : memref<632x128xf32, #tpu.memory_space<vmem_shared>>)
      tpu.yield
    }) : () -> ()
    %barrier3A = arith.constant 0 : index
    tpu.barrier barrier_id(%barrier3A)
    %scan3A = arith.constant 0 : i32
    %scan3A_3 = arith.constant 0 : i32
    %scan3A_4 = arith.constant 80 : i32
    %scan3A_5 = arith.addi %scan3A_3, %scan3A_4 : i32
    %scan3A_6 = arith.constant 1 : i32
    scf.for %scan3A_13 = %scan3A_3 to %scan3A_5 step %scan3A_6  : i32 {
      "tpu.region"() ({
        %run_scoped3A = tpu.sem_alloc : memref<!tpu.dma_semaphore, #tpu.memory_space<semaphore_mem>>
        %dma_start3A = arith.constant 0 : i32
        %dma_start3A_14 = tpu.memref_slice %arg6[%scan3A_13, %dma_start3A] : memref<80x128xi32, #tpu.memory_space<vmem>> -> memref<1x128xi32, #tpu.memory_space<vmem>>
        %dma_start3A_15 = tpu.memref_squeeze %dma_start3A_14 : memref<1x128xi32, #tpu.memory_space<vmem>> -> memref<128xi32, #tpu.memory_space<vmem>>
        %dma_start3A_16 = arith.constant 0 : i32
        %dma_start3A_17 = arith.constant 0 : i32
        %dma_start3A_18 = tpu.memref_slice %arg8[%dma_start3A_16, %dma_start3A_17] : memref<10112x128xf32, #tpu.memory_space<vmem_shared>> -> memref<10112x128xf32, #tpu.memory_space<vmem_shared>>
        tpu.enqueue_indirect_dma source(%arg7 : memref<128x128xf32, #tpu.memory_space<vmem>>) target(%dma_start3A_18 : memref<10112x128xf32, #tpu.memory_space<vmem_shared>>) offsets(%dma_start3A_15 : memref<128xi32, #tpu.memory_space<vmem>>) semaphore(%run_scoped3A : memref<!tpu.dma_semaphore, #tpu.memory_space<semaphore_mem>>) {add = true}
        %dma_wait3A = arith.constant 0 : i32
        %dma_wait3A_19 = tpu.memref_slice %arg6[%scan3A_13, %dma_wait3A] : memref<80x128xi32, #tpu.memory_space<vmem>> -> memref<1x128xi32, #tpu.memory_space<vmem>>
        %dma_wait3A_20 = tpu.memref_squeeze %dma_wait3A_19 : memref<1x128xi32, #tpu.memory_space<vmem>> -> memref<128xi32, #tpu.memory_space<vmem>>
        %dma_wait3A_21 = arith.constant 0 : i32
        %dma_wait3A_22 = arith.constant 0 : i32
        %dma_wait3A_23 = tpu.memref_slice %arg8[%dma_wait3A_21, %dma_wait3A_22] : memref<10112x128xf32, #tpu.memory_space<vmem_shared>> -> memref<10112x128xf32, #tpu.memory_space<vmem_shared>>
        tpu.wait_indirect_dma semaphore(%run_scoped3A : memref<!tpu.dma_semaphore, #tpu.memory_space<semaphore_mem>>) src(%arg7 : memref<128x128xf32, #tpu.memory_space<vmem>>) dst(%dma_wait3A_23 : memref<10112x128xf32, #tpu.memory_space<vmem_shared>>)
        tpu.yield
      }) : () -> ()
    }
    %scan3A_7 = arith.constant 80 : i32
    %barrier3A_8 = arith.constant 0 : index
    tpu.barrier barrier_id(%barrier3A_8)
    %mul3A_9 = arith.constant 632 : i32
    %mul3A_10 = arith.muli %arg1, %mul3A_9 : i32
    %mul3A_11 = arith.constant 632 : i32
    %mul3A_12 = arith.muli %arg1, %mul3A_11 : i32
    "tpu.region"() ({
      %run_scoped3A = tpu.sem_alloc : memref<!tpu.dma_semaphore, #tpu.memory_space<semaphore_mem>>
      %dma_start3A = arith.constant 0 : i32
      %dma_start3A_13 = tpu.memref_slice %arg5[%arg0, %mul3A_12, %dma_start3A] : memref<2x10112x128xf32, #tpu.memory_space<hbm>> -> memref<1x632x128xf32, #tpu.memory_space<hbm>>
      %dma_start3A_14 = tpu.memref_squeeze %dma_start3A_13 : memref<1x632x128xf32, #tpu.memory_space<hbm>> -> memref<632x128xf32, #tpu.memory_space<hbm>>
      %dma_start3A_15 = arith.constant 0 : i32
      %dma_start3A_16 = tpu.memref_slice %arg8[%mul3A_10, %dma_start3A_15] : memref<10112x128xf32, #tpu.memory_space<vmem_shared>> -> memref<632x128xf32, #tpu.memory_space<vmem_shared>>
      tpu.enqueue_dma source(%dma_start3A_16 : memref<632x128xf32, #tpu.memory_space<vmem_shared>>) target(%dma_start3A_14 : memref<632x128xf32, #tpu.memory_space<hbm>>) target_semaphore(%run_scoped3A : memref<!tpu.dma_semaphore, #tpu.memory_space<semaphore_mem>>)
      %dma_wait3A = arith.constant 0 : i32
      %dma_wait3A_17 = tpu.memref_slice %arg5[%arg0, %mul3A_12, %dma_wait3A] : memref<2x10112x128xf32, #tpu.memory_space<hbm>> -> memref<1x632x128xf32, #tpu.memory_space<hbm>>
      %dma_wait3A_18 = tpu.memref_squeeze %dma_wait3A_17 : memref<1x632x128xf32, #tpu.memory_space<hbm>> -> memref<632x128xf32, #tpu.memory_space<hbm>>
      %dma_wait3A_19 = arith.constant 0 : i32
      %dma_wait3A_20 = tpu.memref_slice %arg8[%mul3A_10, %dma_wait3A_19] : memref<10112x128xf32, #tpu.memory_space<vmem_shared>> -> memref<632x128xf32, #tpu.memory_space<vmem_shared>>
      tpu.wait_dma2 semaphore(%run_scoped3A : memref<!tpu.dma_semaphore, #tpu.memory_space<semaphore_mem>>) src(%dma_wait3A_20 : memref<632x128xf32, #tpu.memory_space<vmem_shared>>) dst(%dma_wait3A_18 : memref<632x128xf32, #tpu.memory_space<hbm>>)
      tpu.yield
    }) : () -> ()
    return
  }
}

#map = affine_map<(d0, d1) -> (0, 0)>
#map1 = affine_map<(d0, d1) -> (0, 0, 0)>
module attributes {stable_mosaic.version = 14 : i64} {
  func.func @_sc_scatter_body(%arg0: i32, %arg1: i32, %arg2: memref<10000x128xf32, #tpu.memory_space<hbm>>, %arg3: memref<32x80x128xi32, #tpu.memory_space<hbm>>, %arg4: memref<32x80x128xi32, #tpu.memory_space<hbm>>, %arg5: memref<632x128xf32, #tpu.memory_space<hbm>>, %arg6: memref<2x10112x128xf32, #tpu.memory_space<hbm>>, %arg7: memref<40x128xi32, #tpu.memory_space<vmem>>, %arg8: memref<40x128xi32, #tpu.memory_space<vmem>>, %arg9: memref<128x128xf32, #tpu.memory_space<vmem>>, %arg10: memref<128x128xf32, #tpu.memory_space<vmem>>, %arg11: memref<10112x128xf32, #tpu.memory_space<vmem_shared>>, %arg12: memref<!tpu.dma_semaphore, #tpu.memory_space<semaphore_mem>>, %arg13: memref<!tpu.dma_semaphore, #tpu.memory_space<semaphore_mem>>) attributes {dimension_semantics = [#tpu.dimension_semantics<core_parallel>, #tpu.dimension_semantics<subcore_parallel>], iteration_bounds = array<i64: 2, 16>, scalar_prefetch = 0 : i64, scratch_operands = 7 : i64, tpu.core_type = #tpu.core_type<sc_vector_subcore>, window_params = [{transform_indices = #map}, {transform_indices = #map1}, {transform_indices = #map1}, {transform_indices = #map}, {transform_indices = #map1}]} {
    %mul3A = arith.constant 2 : i32
    %mul3A_0 = arith.muli %arg1, %mul3A : i32
    %add3A = arith.addi %mul3A_0, %arg0 : i32
    %mul3A_1 = arith.constant 632 : i32
    %mul3A_2 = arith.muli %arg1, %mul3A_1 : i32
    "tpu.region"() ({
      %run_scoped3A = tpu.sem_alloc : memref<!tpu.dma_semaphore, #tpu.memory_space<semaphore_mem>>
      %dma_start3A_32 = arith.constant 0 : i32
      %dma_start3A_33 = tpu.memref_slice %arg11[%mul3A_2, %dma_start3A_32] : memref<10112x128xf32, #tpu.memory_space<vmem_shared>> -> memref<632x128xf32, #tpu.memory_space<vmem_shared>>
      tpu.enqueue_dma source(%arg5 : memref<632x128xf32, #tpu.memory_space<hbm>>) target(%dma_start3A_33 : memref<632x128xf32, #tpu.memory_space<vmem_shared>>) target_semaphore(%run_scoped3A : memref<!tpu.dma_semaphore, #tpu.memory_space<semaphore_mem>>)
      %dma_wait3A = arith.constant 0 : i32
      %dma_wait3A_34 = tpu.memref_slice %arg11[%mul3A_2, %dma_wait3A] : memref<10112x128xf32, #tpu.memory_space<vmem_shared>> -> memref<632x128xf32, #tpu.memory_space<vmem_shared>>
      tpu.wait_dma2 semaphore(%run_scoped3A : memref<!tpu.dma_semaphore, #tpu.memory_space<semaphore_mem>>) src(%arg5 : memref<632x128xf32, #tpu.memory_space<hbm>>) dst(%dma_wait3A_34 : memref<632x128xf32, #tpu.memory_space<vmem_shared>>)
      tpu.yield
    }) : () -> ()
    %barrier3A = arith.constant 0 : index
    tpu.barrier barrier_id(%barrier3A)
    "tpu.region"() ({
      %run_scoped3A = tpu.sem_alloc : memref<!tpu.dma_semaphore, #tpu.memory_space<semaphore_mem>>
      %dma_start3A_32 = arith.constant 0 : i32
      %dma_start3A_33 = arith.constant 0 : i32
      %dma_start3A_34 = tpu.memref_slice %arg3[%add3A, %dma_start3A_32, %dma_start3A_33] : memref<32x80x128xi32, #tpu.memory_space<hbm>> -> memref<1x40x128xi32, #tpu.memory_space<hbm>>
      %dma_start3A_35 = tpu.memref_squeeze %dma_start3A_34 : memref<1x40x128xi32, #tpu.memory_space<hbm>> -> memref<40x128xi32, #tpu.memory_space<hbm>>
      %dma_start3A_36 = arith.constant 0 : i32
      %dma_start3A_37 = arith.constant 0 : i32
      %dma_start3A_38 = tpu.memref_slice %arg3[%add3A, %dma_start3A_36, %dma_start3A_37] : memref<32x80x128xi32, #tpu.memory_space<hbm>> -> memref<1x40x128xi32, #tpu.memory_space<hbm>>
      %dma_start3A_39 = tpu.memref_squeeze %dma_start3A_38 : memref<1x40x128xi32, #tpu.memory_space<hbm>> -> memref<40x128xi32, #tpu.memory_space<hbm>>
      tpu.enqueue_dma source(%dma_start3A_39 : memref<40x128xi32, #tpu.memory_space<hbm>>) target(%arg7 : memref<40x128xi32, #tpu.memory_space<vmem>>) target_semaphore(%run_scoped3A : memref<!tpu.dma_semaphore, #tpu.memory_space<semaphore_mem>>)
      %dma_wait3A = arith.constant 0 : i32
      %dma_wait3A_40 = arith.constant 0 : i32
      %dma_wait3A_41 = tpu.memref_slice %arg3[%add3A, %dma_wait3A, %dma_wait3A_40] : memref<32x80x128xi32, #tpu.memory_space<hbm>> -> memref<1x40x128xi32, #tpu.memory_space<hbm>>
      %dma_wait3A_42 = tpu.memref_squeeze %dma_wait3A_41 : memref<1x40x128xi32, #tpu.memory_space<hbm>> -> memref<40x128xi32, #tpu.memory_space<hbm>>
      %dma_wait3A_43 = arith.constant 0 : i32
      %dma_wait3A_44 = arith.constant 0 : i32
      %dma_wait3A_45 = tpu.memref_slice %arg3[%add3A, %dma_wait3A_43, %dma_wait3A_44] : memref<32x80x128xi32, #tpu.memory_space<hbm>> -> memref<1x40x128xi32, #tpu.memory_space<hbm>>
      %dma_wait3A_46 = tpu.memref_squeeze %dma_wait3A_45 : memref<1x40x128xi32, #tpu.memory_space<hbm>> -> memref<40x128xi32, #tpu.memory_space<hbm>>
      tpu.wait_dma2 semaphore(%run_scoped3A : memref<!tpu.dma_semaphore, #tpu.memory_space<semaphore_mem>>) src(%dma_wait3A_46 : memref<40x128xi32, #tpu.memory_space<hbm>>) dst(%arg7 : memref<40x128xi32, #tpu.memory_space<vmem>>)
      tpu.yield
    }) : () -> ()
    "tpu.region"() ({
      %run_scoped3A = tpu.sem_alloc : memref<!tpu.dma_semaphore, #tpu.memory_space<semaphore_mem>>
      %dma_start3A_32 = arith.constant 0 : i32
      %dma_start3A_33 = arith.constant 0 : i32
      %dma_start3A_34 = tpu.memref_slice %arg4[%add3A, %dma_start3A_32, %dma_start3A_33] : memref<32x80x128xi32, #tpu.memory_space<hbm>> -> memref<1x40x128xi32, #tpu.memory_space<hbm>>
      %dma_start3A_35 = tpu.memref_squeeze %dma_start3A_34 : memref<1x40x128xi32, #tpu.memory_space<hbm>> -> memref<40x128xi32, #tpu.memory_space<hbm>>
      %dma_start3A_36 = arith.constant 0 : i32
      %dma_start3A_37 = arith.constant 0 : i32
      %dma_start3A_38 = tpu.memref_slice %arg4[%add3A, %dma_start3A_36, %dma_start3A_37] : memref<32x80x128xi32, #tpu.memory_space<hbm>> -> memref<1x40x128xi32, #tpu.memory_space<hbm>>
      %dma_start3A_39 = tpu.memref_squeeze %dma_start3A_38 : memref<1x40x128xi32, #tpu.memory_space<hbm>> -> memref<40x128xi32, #tpu.memory_space<hbm>>
      tpu.enqueue_dma source(%dma_start3A_39 : memref<40x128xi32, #tpu.memory_space<hbm>>) target(%arg8 : memref<40x128xi32, #tpu.memory_space<vmem>>) target_semaphore(%run_scoped3A : memref<!tpu.dma_semaphore, #tpu.memory_space<semaphore_mem>>)
      %dma_wait3A = arith.constant 0 : i32
      %dma_wait3A_40 = arith.constant 0 : i32
      %dma_wait3A_41 = tpu.memref_slice %arg4[%add3A, %dma_wait3A, %dma_wait3A_40] : memref<32x80x128xi32, #tpu.memory_space<hbm>> -> memref<1x40x128xi32, #tpu.memory_space<hbm>>
      %dma_wait3A_42 = tpu.memref_squeeze %dma_wait3A_41 : memref<1x40x128xi32, #tpu.memory_space<hbm>> -> memref<40x128xi32, #tpu.memory_space<hbm>>
      %dma_wait3A_43 = arith.constant 0 : i32
      %dma_wait3A_44 = arith.constant 0 : i32
      %dma_wait3A_45 = tpu.memref_slice %arg4[%add3A, %dma_wait3A_43, %dma_wait3A_44] : memref<32x80x128xi32, #tpu.memory_space<hbm>> -> memref<1x40x128xi32, #tpu.memory_space<hbm>>
      %dma_wait3A_46 = tpu.memref_squeeze %dma_wait3A_45 : memref<1x40x128xi32, #tpu.memory_space<hbm>> -> memref<40x128xi32, #tpu.memory_space<hbm>>
      tpu.wait_dma2 semaphore(%run_scoped3A : memref<!tpu.dma_semaphore, #tpu.memory_space<semaphore_mem>>) src(%dma_wait3A_46 : memref<40x128xi32, #tpu.memory_space<hbm>>) dst(%arg8 : memref<40x128xi32, #tpu.memory_space<vmem>>)
      tpu.yield
    }) : () -> ()
    %dma_start3A = arith.constant 0 : i32
    %dma_start3A_3 = arith.constant 0 : i32
    %dma_start3A_4 = tpu.memref_slice %arg7[%dma_start3A, %dma_start3A_3] : memref<40x128xi32, #tpu.memory_space<vmem>> -> memref<1x128xi32, #tpu.memory_space<vmem>>
    %dma_start3A_5 = tpu.memref_squeeze %dma_start3A_4 : memref<1x128xi32, #tpu.memory_space<vmem>> -> memref<128xi32, #tpu.memory_space<vmem>>
    %dma_start3A_6 = arith.constant 0 : i32
    %dma_start3A_7 = arith.constant 0 : i32
    %dma_start3A_8 = tpu.memref_slice %arg2[%dma_start3A_6, %dma_start3A_7] : memref<10000x128xf32, #tpu.memory_space<hbm>> -> memref<10000x128xf32, #tpu.memory_space<hbm>>
    tpu.enqueue_indirect_dma source(%dma_start3A_8 : memref<10000x128xf32, #tpu.memory_space<hbm>>) target(%arg9 : memref<128x128xf32, #tpu.memory_space<vmem>>) offsets(%dma_start3A_5 : memref<128xi32, #tpu.memory_space<vmem>>) semaphore(%arg12 : memref<!tpu.dma_semaphore, #tpu.memory_space<semaphore_mem>>)
    %scan3A = arith.constant 0 : i32
    %scan3A_9 = arith.constant 0 : i32
    %scan3A_10 = arith.constant 20 : i32
    %scan3A_11 = arith.addi %scan3A_9, %scan3A_10 : i32
    %scan3A_12 = arith.constant 1 : i32
    scf.for %scan3A_32 = %scan3A_9 to %scan3A_11 step %scan3A_12  : i32 {
      %mul3A_33 = arith.constant 2 : i32
      %mul3A_34 = arith.muli %mul3A_33, %scan3A_32 : i32
      %add3A_35 = arith.constant 1 : i32
      %add3A_36 = arith.addi %mul3A_34, %add3A_35 : i32
      %dma_start3A_37 = arith.constant 0 : i32
      %dma_start3A_38 = tpu.memref_slice %arg7[%add3A_36, %dma_start3A_37] : memref<40x128xi32, #tpu.memory_space<vmem>> -> memref<1x128xi32, #tpu.memory_space<vmem>>
      %dma_start3A_39 = tpu.memref_squeeze %dma_start3A_38 : memref<1x128xi32, #tpu.memory_space<vmem>> -> memref<128xi32, #tpu.memory_space<vmem>>
      %dma_start3A_40 = arith.constant 0 : i32
      %dma_start3A_41 = arith.constant 0 : i32
      %dma_start3A_42 = tpu.memref_slice %arg2[%dma_start3A_40, %dma_start3A_41] : memref<10000x128xf32, #tpu.memory_space<hbm>> -> memref<10000x128xf32, #tpu.memory_space<hbm>>
      tpu.enqueue_indirect_dma source(%dma_start3A_42 : memref<10000x128xf32, #tpu.memory_space<hbm>>) target(%arg10 : memref<128x128xf32, #tpu.memory_space<vmem>>) offsets(%dma_start3A_39 : memref<128xi32, #tpu.memory_space<vmem>>) semaphore(%arg13 : memref<!tpu.dma_semaphore, #tpu.memory_space<semaphore_mem>>)
      %dma_wait3A = arith.constant 0 : i32
      %dma_wait3A_43 = tpu.memref_slice %arg7[%mul3A_34, %dma_wait3A] : memref<40x128xi32, #tpu.memory_space<vmem>> -> memref<1x128xi32, #tpu.memory_space<vmem>>
      %dma_wait3A_44 = tpu.memref_squeeze %dma_wait3A_43 : memref<1x128xi32, #tpu.memory_space<vmem>> -> memref<128xi32, #tpu.memory_space<vmem>>
      %dma_wait3A_45 = arith.constant 0 : i32
      %dma_wait3A_46 = arith.constant 0 : i32
      %dma_wait3A_47 = tpu.memref_slice %arg2[%dma_wait3A_45, %dma_wait3A_46] : memref<10000x128xf32, #tpu.memory_space<hbm>> -> memref<10000x128xf32, #tpu.memory_space<hbm>>
      tpu.wait_indirect_dma semaphore(%arg12 : memref<!tpu.dma_semaphore, #tpu.memory_space<semaphore_mem>>) src(%dma_wait3A_47 : memref<10000x128xf32, #tpu.memory_space<hbm>>) dst(%arg9 : memref<128x128xf32, #tpu.memory_space<vmem>>)
      "tpu.region"() ({
        %run_scoped3A = tpu.sem_alloc : memref<!tpu.dma_semaphore, #tpu.memory_space<semaphore_mem>>
        %dma_start3A_62 = arith.constant 0 : i32
        %dma_start3A_63 = tpu.memref_slice %arg8[%mul3A_34, %dma_start3A_62] : memref<40x128xi32, #tpu.memory_space<vmem>> -> memref<1x128xi32, #tpu.memory_space<vmem>>
        %dma_start3A_64 = tpu.memref_squeeze %dma_start3A_63 : memref<1x128xi32, #tpu.memory_space<vmem>> -> memref<128xi32, #tpu.memory_space<vmem>>
        %dma_start3A_65 = arith.constant 0 : i32
        %dma_start3A_66 = arith.constant 0 : i32
        %dma_start3A_67 = tpu.memref_slice %arg11[%dma_start3A_65, %dma_start3A_66] : memref<10112x128xf32, #tpu.memory_space<vmem_shared>> -> memref<10112x128xf32, #tpu.memory_space<vmem_shared>>
        tpu.enqueue_indirect_dma source(%arg9 : memref<128x128xf32, #tpu.memory_space<vmem>>) target(%dma_start3A_67 : memref<10112x128xf32, #tpu.memory_space<vmem_shared>>) offsets(%dma_start3A_64 : memref<128xi32, #tpu.memory_space<vmem>>) semaphore(%run_scoped3A : memref<!tpu.dma_semaphore, #tpu.memory_space<semaphore_mem>>) {add = true}
        %dma_wait3A_68 = arith.constant 0 : i32
        %dma_wait3A_69 = tpu.memref_slice %arg8[%mul3A_34, %dma_wait3A_68] : memref<40x128xi32, #tpu.memory_space<vmem>> -> memref<1x128xi32, #tpu.memory_space<vmem>>
        %dma_wait3A_70 = tpu.memref_squeeze %dma_wait3A_69 : memref<1x128xi32, #tpu.memory_space<vmem>> -> memref<128xi32, #tpu.memory_space<vmem>>
        %dma_wait3A_71 = arith.constant 0 : i32
        %dma_wait3A_72 = arith.constant 0 : i32
        %dma_wait3A_73 = tpu.memref_slice %arg11[%dma_wait3A_71, %dma_wait3A_72] : memref<10112x128xf32, #tpu.memory_space<vmem_shared>> -> memref<10112x128xf32, #tpu.memory_space<vmem_shared>>
        tpu.wait_indirect_dma semaphore(%run_scoped3A : memref<!tpu.dma_semaphore, #tpu.memory_space<semaphore_mem>>) src(%arg9 : memref<128x128xf32, #tpu.memory_space<vmem>>) dst(%dma_wait3A_73 : memref<10112x128xf32, #tpu.memory_space<vmem_shared>>)
        tpu.yield
      }) : () -> ()
      %add3A_48 = arith.constant 2 : i32
      %add3A_49 = arith.addi %mul3A_34, %add3A_48 : i32
      %lt3A = arith.constant 40 : i32
      %lt3A_50 = arith.cmpi slt, %add3A_49, %lt3A : i32
      %convert_element_type3A = arith.extui %lt3A_50 : i1 to i32
      %cond3A = arith.constant 0 : i32
      %cond3A_51 = arith.cmpi ne, %convert_element_type3A, %cond3A : i32
      scf.if %cond3A_51 {
        %add3A_62 = arith.constant 2 : i32
        %add3A_63 = arith.addi %mul3A_34, %add3A_62 : i32
        %dma_start3A_64 = arith.constant 0 : i32
        %dma_start3A_65 = tpu.memref_slice %arg7[%add3A_63, %dma_start3A_64] : memref<40x128xi32, #tpu.memory_space<vmem>> -> memref<1x128xi32, #tpu.memory_space<vmem>>
        %dma_start3A_66 = tpu.memref_squeeze %dma_start3A_65 : memref<1x128xi32, #tpu.memory_space<vmem>> -> memref<128xi32, #tpu.memory_space<vmem>>
        %dma_start3A_67 = arith.constant 0 : i32
        %dma_start3A_68 = arith.constant 0 : i32
        %dma_start3A_69 = tpu.memref_slice %arg2[%dma_start3A_67, %dma_start3A_68] : memref<10000x128xf32, #tpu.memory_space<hbm>> -> memref<10000x128xf32, #tpu.memory_space<hbm>>
        tpu.enqueue_indirect_dma source(%dma_start3A_69 : memref<10000x128xf32, #tpu.memory_space<hbm>>) target(%arg9 : memref<128x128xf32, #tpu.memory_space<vmem>>) offsets(%dma_start3A_66 : memref<128xi32, #tpu.memory_space<vmem>>) semaphore(%arg12 : memref<!tpu.dma_semaphore, #tpu.memory_space<semaphore_mem>>)
      } else {
      }
      %add3A_52 = arith.constant 1 : i32
      %add3A_53 = arith.addi %mul3A_34, %add3A_52 : i32
      %dma_wait3A_54 = arith.constant 0 : i32
      %dma_wait3A_55 = tpu.memref_slice %arg7[%add3A_53, %dma_wait3A_54] : memref<40x128xi32, #tpu.memory_space<vmem>> -> memref<1x128xi32, #tpu.memory_space<vmem>>
      %dma_wait3A_56 = tpu.memref_squeeze %dma_wait3A_55 : memref<1x128xi32, #tpu.memory_space<vmem>> -> memref<128xi32, #tpu.memory_space<vmem>>
      %dma_wait3A_57 = arith.constant 0 : i32
      %dma_wait3A_58 = arith.constant 0 : i32
      %dma_wait3A_59 = tpu.memref_slice %arg2[%dma_wait3A_57, %dma_wait3A_58] : memref<10000x128xf32, #tpu.memory_space<hbm>> -> memref<10000x128xf32, #tpu.memory_space<hbm>>
      tpu.wait_indirect_dma semaphore(%arg13 : memref<!tpu.dma_semaphore, #tpu.memory_space<semaphore_mem>>) src(%dma_wait3A_59 : memref<10000x128xf32, #tpu.memory_space<hbm>>) dst(%arg10 : memref<128x128xf32, #tpu.memory_space<vmem>>)
      %add3A_60 = arith.constant 1 : i32
      %add3A_61 = arith.addi %mul3A_34, %add3A_60 : i32
      "tpu.region"() ({
        %run_scoped3A = tpu.sem_alloc : memref<!tpu.dma_semaphore, #tpu.memory_space<semaphore_mem>>
        %dma_start3A_62 = arith.constant 0 : i32
        %dma_start3A_63 = tpu.memref_slice %arg8[%add3A_61, %dma_start3A_62] : memref<40x128xi32, #tpu.memory_space<vmem>> -> memref<1x128xi32, #tpu.memory_space<vmem>>
        %dma_start3A_64 = tpu.memref_squeeze %dma_start3A_63 : memref<1x128xi32, #tpu.memory_space<vmem>> -> memref<128xi32, #tpu.memory_space<vmem>>
        %dma_start3A_65 = arith.constant 0 : i32
        %dma_start3A_66 = arith.constant 0 : i32
        %dma_start3A_67 = tpu.memref_slice %arg11[%dma_start3A_65, %dma_start3A_66] : memref<10112x128xf32, #tpu.memory_space<vmem_shared>> -> memref<10112x128xf32, #tpu.memory_space<vmem_shared>>
        tpu.enqueue_indirect_dma source(%arg10 : memref<128x128xf32, #tpu.memory_space<vmem>>) target(%dma_start3A_67 : memref<10112x128xf32, #tpu.memory_space<vmem_shared>>) offsets(%dma_start3A_64 : memref<128xi32, #tpu.memory_space<vmem>>) semaphore(%run_scoped3A : memref<!tpu.dma_semaphore, #tpu.memory_space<semaphore_mem>>) {add = true}
        %dma_wait3A_68 = arith.constant 0 : i32
        %dma_wait3A_69 = tpu.memref_slice %arg8[%add3A_61, %dma_wait3A_68] : memref<40x128xi32, #tpu.memory_space<vmem>> -> memref<1x128xi32, #tpu.memory_space<vmem>>
        %dma_wait3A_70 = tpu.memref_squeeze %dma_wait3A_69 : memref<1x128xi32, #tpu.memory_space<vmem>> -> memref<128xi32, #tpu.memory_space<vmem>>
        %dma_wait3A_71 = arith.constant 0 : i32
        %dma_wait3A_72 = arith.constant 0 : i32
        %dma_wait3A_73 = tpu.memref_slice %arg11[%dma_wait3A_71, %dma_wait3A_72] : memref<10112x128xf32, #tpu.memory_space<vmem_shared>> -> memref<10112x128xf32, #tpu.memory_space<vmem_shared>>
        tpu.wait_indirect_dma semaphore(%run_scoped3A : memref<!tpu.dma_semaphore, #tpu.memory_space<semaphore_mem>>) src(%arg10 : memref<128x128xf32, #tpu.memory_space<vmem>>) dst(%dma_wait3A_73 : memref<10112x128xf32, #tpu.memory_space<vmem_shared>>)
        tpu.yield
      }) : () -> ()
    }
    %scan3A_13 = arith.constant 20 : i32
    "tpu.region"() ({
      %run_scoped3A = tpu.sem_alloc : memref<!tpu.dma_semaphore, #tpu.memory_space<semaphore_mem>>
      %dma_start3A_32 = arith.constant 40 : i32
      %dma_start3A_33 = arith.constant 0 : i32
      %dma_start3A_34 = tpu.memref_slice %arg3[%add3A, %dma_start3A_32, %dma_start3A_33] : memref<32x80x128xi32, #tpu.memory_space<hbm>> -> memref<1x40x128xi32, #tpu.memory_space<hbm>>
      %dma_start3A_35 = tpu.memref_squeeze %dma_start3A_34 : memref<1x40x128xi32, #tpu.memory_space<hbm>> -> memref<40x128xi32, #tpu.memory_space<hbm>>
      %dma_start3A_36 = arith.constant 40 : i32
      %dma_start3A_37 = arith.constant 0 : i32
      %dma_start3A_38 = tpu.memref_slice %arg3[%add3A, %dma_start3A_36, %dma_start3A_37] : memref<32x80x128xi32, #tpu.memory_space<hbm>> -> memref<1x40x128xi32, #tpu.memory_space<hbm>>
      %dma_start3A_39 = tpu.memref_squeeze %dma_start3A_38 : memref<1x40x128xi32, #tpu.memory_space<hbm>> -> memref<40x128xi32, #tpu.memory_space<hbm>>
      tpu.enqueue_dma source(%dma_start3A_39 : memref<40x128xi32, #tpu.memory_space<hbm>>) target(%arg7 : memref<40x128xi32, #tpu.memory_space<vmem>>) target_semaphore(%run_scoped3A : memref<!tpu.dma_semaphore, #tpu.memory_space<semaphore_mem>>)
      %dma_wait3A = arith.constant 40 : i32
      %dma_wait3A_40 = arith.constant 0 : i32
      %dma_wait3A_41 = tpu.memref_slice %arg3[%add3A, %dma_wait3A, %dma_wait3A_40] : memref<32x80x128xi32, #tpu.memory_space<hbm>> -> memref<1x40x128xi32, #tpu.memory_space<hbm>>
      %dma_wait3A_42 = tpu.memref_squeeze %dma_wait3A_41 : memref<1x40x128xi32, #tpu.memory_space<hbm>> -> memref<40x128xi32, #tpu.memory_space<hbm>>
      %dma_wait3A_43 = arith.constant 40 : i32
      %dma_wait3A_44 = arith.constant 0 : i32
      %dma_wait3A_45 = tpu.memref_slice %arg3[%add3A, %dma_wait3A_43, %dma_wait3A_44] : memref<32x80x128xi32, #tpu.memory_space<hbm>> -> memref<1x40x128xi32, #tpu.memory_space<hbm>>
      %dma_wait3A_46 = tpu.memref_squeeze %dma_wait3A_45 : memref<1x40x128xi32, #tpu.memory_space<hbm>> -> memref<40x128xi32, #tpu.memory_space<hbm>>
      tpu.wait_dma2 semaphore(%run_scoped3A : memref<!tpu.dma_semaphore, #tpu.memory_space<semaphore_mem>>) src(%dma_wait3A_46 : memref<40x128xi32, #tpu.memory_space<hbm>>) dst(%arg7 : memref<40x128xi32, #tpu.memory_space<vmem>>)
      tpu.yield
    }) : () -> ()
    "tpu.region"() ({
      %run_scoped3A = tpu.sem_alloc : memref<!tpu.dma_semaphore, #tpu.memory_space<semaphore_mem>>
      %dma_start3A_32 = arith.constant 40 : i32
      %dma_start3A_33 = arith.constant 0 : i32
      %dma_start3A_34 = tpu.memref_slice %arg4[%add3A, %dma_start3A_32, %dma_start3A_33] : memref<32x80x128xi32, #tpu.memory_space<hbm>> -> memref<1x40x128xi32, #tpu.memory_space<hbm>>
      %dma_start3A_35 = tpu.memref_squeeze %dma_start3A_34 : memref<1x40x128xi32, #tpu.memory_space<hbm>> -> memref<40x128xi32, #tpu.memory_space<hbm>>
      %dma_start3A_36 = arith.constant 40 : i32
      %dma_start3A_37 = arith.constant 0 : i32
      %dma_start3A_38 = tpu.memref_slice %arg4[%add3A, %dma_start3A_36, %dma_start3A_37] : memref<32x80x128xi32, #tpu.memory_space<hbm>> -> memref<1x40x128xi32, #tpu.memory_space<hbm>>
      %dma_start3A_39 = tpu.memref_squeeze %dma_start3A_38 : memref<1x40x128xi32, #tpu.memory_space<hbm>> -> memref<40x128xi32, #tpu.memory_space<hbm>>
      tpu.enqueue_dma source(%dma_start3A_39 : memref<40x128xi32, #tpu.memory_space<hbm>>) target(%arg8 : memref<40x128xi32, #tpu.memory_space<vmem>>) target_semaphore(%run_scoped3A : memref<!tpu.dma_semaphore, #tpu.memory_space<semaphore_mem>>)
      %dma_wait3A = arith.constant 40 : i32
      %dma_wait3A_40 = arith.constant 0 : i32
      %dma_wait3A_41 = tpu.memref_slice %arg4[%add3A, %dma_wait3A, %dma_wait3A_40] : memref<32x80x128xi32, #tpu.memory_space<hbm>> -> memref<1x40x128xi32, #tpu.memory_space<hbm>>
      %dma_wait3A_42 = tpu.memref_squeeze %dma_wait3A_41 : memref<1x40x128xi32, #tpu.memory_space<hbm>> -> memref<40x128xi32, #tpu.memory_space<hbm>>
      %dma_wait3A_43 = arith.constant 40 : i32
      %dma_wait3A_44 = arith.constant 0 : i32
      %dma_wait3A_45 = tpu.memref_slice %arg4[%add3A, %dma_wait3A_43, %dma_wait3A_44] : memref<32x80x128xi32, #tpu.memory_space<hbm>> -> memref<1x40x128xi32, #tpu.memory_space<hbm>>
      %dma_wait3A_46 = tpu.memref_squeeze %dma_wait3A_45 : memref<1x40x128xi32, #tpu.memory_space<hbm>> -> memref<40x128xi32, #tpu.memory_space<hbm>>
      tpu.wait_dma2 semaphore(%run_scoped3A : memref<!tpu.dma_semaphore, #tpu.memory_space<semaphore_mem>>) src(%dma_wait3A_46 : memref<40x128xi32, #tpu.memory_space<hbm>>) dst(%arg8 : memref<40x128xi32, #tpu.memory_space<vmem>>)
      tpu.yield
    }) : () -> ()
    %dma_start3A_14 = arith.constant 0 : i32
    %dma_start3A_15 = arith.constant 0 : i32
    %dma_start3A_16 = tpu.memref_slice %arg7[%dma_start3A_14, %dma_start3A_15] : memref<40x128xi32, #tpu.memory_space<vmem>> -> memref<1x128xi32, #tpu.memory_space<vmem>>
    %dma_start3A_17 = tpu.memref_squeeze %dma_start3A_16 : memref<1x128xi32, #tpu.memory_space<vmem>> -> memref<128xi32, #tpu.memory_space<vmem>>
    %dma_start3A_18 = arith.constant 0 : i32
    %dma_start3A_19 = arith.constant 0 : i32
    %dma_start3A_20 = tpu.memref_slice %arg2[%dma_start3A_18, %dma_start3A_19] : memref<10000x128xf32, #tpu.memory_space<hbm>> -> memref<10000x128xf32, #tpu.memory_space<hbm>>
    tpu.enqueue_indirect_dma source(%dma_start3A_20 : memref<10000x128xf32, #tpu.memory_space<hbm>>) target(%arg9 : memref<128x128xf32, #tpu.memory_space<vmem>>) offsets(%dma_start3A_17 : memref<128xi32, #tpu.memory_space<vmem>>) semaphore(%arg12 : memref<!tpu.dma_semaphore, #tpu.memory_space<semaphore_mem>>)
    %scan3A_21 = arith.constant 0 : i32
    %scan3A_22 = arith.constant 0 : i32
    %scan3A_23 = arith.constant 20 : i32
    %scan3A_24 = arith.addi %scan3A_22, %scan3A_23 : i32
    %scan3A_25 = arith.constant 1 : i32
    scf.for %scan3A_32 = %scan3A_22 to %scan3A_24 step %scan3A_25  : i32 {
      %mul3A_33 = arith.constant 2 : i32
      %mul3A_34 = arith.muli %mul3A_33, %scan3A_32 : i32
      %add3A_35 = arith.constant 1 : i32
      %add3A_36 = arith.addi %mul3A_34, %add3A_35 : i32
      %dma_start3A_37 = arith.constant 0 : i32
      %dma_start3A_38 = tpu.memref_slice %arg7[%add3A_36, %dma_start3A_37] : memref<40x128xi32, #tpu.memory_space<vmem>> -> memref<1x128xi32, #tpu.memory_space<vmem>>
      %dma_start3A_39 = tpu.memref_squeeze %dma_start3A_38 : memref<1x128xi32, #tpu.memory_space<vmem>> -> memref<128xi32, #tpu.memory_space<vmem>>
      %dma_start3A_40 = arith.constant 0 : i32
      %dma_start3A_41 = arith.constant 0 : i32
      %dma_start3A_42 = tpu.memref_slice %arg2[%dma_start3A_40, %dma_start3A_41] : memref<10000x128xf32, #tpu.memory_space<hbm>> -> memref<10000x128xf32, #tpu.memory_space<hbm>>
      tpu.enqueue_indirect_dma source(%dma_start3A_42 : memref<10000x128xf32, #tpu.memory_space<hbm>>) target(%arg10 : memref<128x128xf32, #tpu.memory_space<vmem>>) offsets(%dma_start3A_39 : memref<128xi32, #tpu.memory_space<vmem>>) semaphore(%arg13 : memref<!tpu.dma_semaphore, #tpu.memory_space<semaphore_mem>>)
      %dma_wait3A = arith.constant 0 : i32
      %dma_wait3A_43 = tpu.memref_slice %arg7[%mul3A_34, %dma_wait3A] : memref<40x128xi32, #tpu.memory_space<vmem>> -> memref<1x128xi32, #tpu.memory_space<vmem>>
      %dma_wait3A_44 = tpu.memref_squeeze %dma_wait3A_43 : memref<1x128xi32, #tpu.memory_space<vmem>> -> memref<128xi32, #tpu.memory_space<vmem>>
      %dma_wait3A_45 = arith.constant 0 : i32
      %dma_wait3A_46 = arith.constant 0 : i32
      %dma_wait3A_47 = tpu.memref_slice %arg2[%dma_wait3A_45, %dma_wait3A_46] : memref<10000x128xf32, #tpu.memory_space<hbm>> -> memref<10000x128xf32, #tpu.memory_space<hbm>>
      tpu.wait_indirect_dma semaphore(%arg12 : memref<!tpu.dma_semaphore, #tpu.memory_space<semaphore_mem>>) src(%dma_wait3A_47 : memref<10000x128xf32, #tpu.memory_space<hbm>>) dst(%arg9 : memref<128x128xf32, #tpu.memory_space<vmem>>)
      "tpu.region"() ({
        %run_scoped3A = tpu.sem_alloc : memref<!tpu.dma_semaphore, #tpu.memory_space<semaphore_mem>>
        %dma_start3A_62 = arith.constant 0 : i32
        %dma_start3A_63 = tpu.memref_slice %arg8[%mul3A_34, %dma_start3A_62] : memref<40x128xi32, #tpu.memory_space<vmem>> -> memref<1x128xi32, #tpu.memory_space<vmem>>
        %dma_start3A_64 = tpu.memref_squeeze %dma_start3A_63 : memref<1x128xi32, #tpu.memory_space<vmem>> -> memref<128xi32, #tpu.memory_space<vmem>>
        %dma_start3A_65 = arith.constant 0 : i32
        %dma_start3A_66 = arith.constant 0 : i32
        %dma_start3A_67 = tpu.memref_slice %arg11[%dma_start3A_65, %dma_start3A_66] : memref<10112x128xf32, #tpu.memory_space<vmem_shared>> -> memref<10112x128xf32, #tpu.memory_space<vmem_shared>>
        tpu.enqueue_indirect_dma source(%arg9 : memref<128x128xf32, #tpu.memory_space<vmem>>) target(%dma_start3A_67 : memref<10112x128xf32, #tpu.memory_space<vmem_shared>>) offsets(%dma_start3A_64 : memref<128xi32, #tpu.memory_space<vmem>>) semaphore(%run_scoped3A : memref<!tpu.dma_semaphore, #tpu.memory_space<semaphore_mem>>) {add = true}
        %dma_wait3A_68 = arith.constant 0 : i32
        %dma_wait3A_69 = tpu.memref_slice %arg8[%mul3A_34, %dma_wait3A_68] : memref<40x128xi32, #tpu.memory_space<vmem>> -> memref<1x128xi32, #tpu.memory_space<vmem>>
        %dma_wait3A_70 = tpu.memref_squeeze %dma_wait3A_69 : memref<1x128xi32, #tpu.memory_space<vmem>> -> memref<128xi32, #tpu.memory_space<vmem>>
        %dma_wait3A_71 = arith.constant 0 : i32
        %dma_wait3A_72 = arith.constant 0 : i32
        %dma_wait3A_73 = tpu.memref_slice %arg11[%dma_wait3A_71, %dma_wait3A_72] : memref<10112x128xf32, #tpu.memory_space<vmem_shared>> -> memref<10112x128xf32, #tpu.memory_space<vmem_shared>>
        tpu.wait_indirect_dma semaphore(%run_scoped3A : memref<!tpu.dma_semaphore, #tpu.memory_space<semaphore_mem>>) src(%arg9 : memref<128x128xf32, #tpu.memory_space<vmem>>) dst(%dma_wait3A_73 : memref<10112x128xf32, #tpu.memory_space<vmem_shared>>)
        tpu.yield
      }) : () -> ()
      %add3A_48 = arith.constant 2 : i32
      %add3A_49 = arith.addi %mul3A_34, %add3A_48 : i32
      %lt3A = arith.constant 40 : i32
      %lt3A_50 = arith.cmpi slt, %add3A_49, %lt3A : i32
      %convert_element_type3A = arith.extui %lt3A_50 : i1 to i32
      %cond3A = arith.constant 0 : i32
      %cond3A_51 = arith.cmpi ne, %convert_element_type3A, %cond3A : i32
      scf.if %cond3A_51 {
        %add3A_62 = arith.constant 2 : i32
        %add3A_63 = arith.addi %mul3A_34, %add3A_62 : i32
        %dma_start3A_64 = arith.constant 0 : i32
        %dma_start3A_65 = tpu.memref_slice %arg7[%add3A_63, %dma_start3A_64] : memref<40x128xi32, #tpu.memory_space<vmem>> -> memref<1x128xi32, #tpu.memory_space<vmem>>
        %dma_start3A_66 = tpu.memref_squeeze %dma_start3A_65 : memref<1x128xi32, #tpu.memory_space<vmem>> -> memref<128xi32, #tpu.memory_space<vmem>>
        %dma_start3A_67 = arith.constant 0 : i32
        %dma_start3A_68 = arith.constant 0 : i32
        %dma_start3A_69 = tpu.memref_slice %arg2[%dma_start3A_67, %dma_start3A_68] : memref<10000x128xf32, #tpu.memory_space<hbm>> -> memref<10000x128xf32, #tpu.memory_space<hbm>>
        tpu.enqueue_indirect_dma source(%dma_start3A_69 : memref<10000x128xf32, #tpu.memory_space<hbm>>) target(%arg9 : memref<128x128xf32, #tpu.memory_space<vmem>>) offsets(%dma_start3A_66 : memref<128xi32, #tpu.memory_space<vmem>>) semaphore(%arg12 : memref<!tpu.dma_semaphore, #tpu.memory_space<semaphore_mem>>)
      } else {
      }
      %add3A_52 = arith.constant 1 : i32
      %add3A_53 = arith.addi %mul3A_34, %add3A_52 : i32
      %dma_wait3A_54 = arith.constant 0 : i32
      %dma_wait3A_55 = tpu.memref_slice %arg7[%add3A_53, %dma_wait3A_54] : memref<40x128xi32, #tpu.memory_space<vmem>> -> memref<1x128xi32, #tpu.memory_space<vmem>>
      %dma_wait3A_56 = tpu.memref_squeeze %dma_wait3A_55 : memref<1x128xi32, #tpu.memory_space<vmem>> -> memref<128xi32, #tpu.memory_space<vmem>>
      %dma_wait3A_57 = arith.constant 0 : i32
      %dma_wait3A_58 = arith.constant 0 : i32
      %dma_wait3A_59 = tpu.memref_slice %arg2[%dma_wait3A_57, %dma_wait3A_58] : memref<10000x128xf32, #tpu.memory_space<hbm>> -> memref<10000x128xf32, #tpu.memory_space<hbm>>
      tpu.wait_indirect_dma semaphore(%arg13 : memref<!tpu.dma_semaphore, #tpu.memory_space<semaphore_mem>>) src(%dma_wait3A_59 : memref<10000x128xf32, #tpu.memory_space<hbm>>) dst(%arg10 : memref<128x128xf32, #tpu.memory_space<vmem>>)
      %add3A_60 = arith.constant 1 : i32
      %add3A_61 = arith.addi %mul3A_34, %add3A_60 : i32
      "tpu.region"() ({
        %run_scoped3A = tpu.sem_alloc : memref<!tpu.dma_semaphore, #tpu.memory_space<semaphore_mem>>
        %dma_start3A_62 = arith.constant 0 : i32
        %dma_start3A_63 = tpu.memref_slice %arg8[%add3A_61, %dma_start3A_62] : memref<40x128xi32, #tpu.memory_space<vmem>> -> memref<1x128xi32, #tpu.memory_space<vmem>>
        %dma_start3A_64 = tpu.memref_squeeze %dma_start3A_63 : memref<1x128xi32, #tpu.memory_space<vmem>> -> memref<128xi32, #tpu.memory_space<vmem>>
        %dma_start3A_65 = arith.constant 0 : i32
        %dma_start3A_66 = arith.constant 0 : i32
        %dma_start3A_67 = tpu.memref_slice %arg11[%dma_start3A_65, %dma_start3A_66] : memref<10112x128xf32, #tpu.memory_space<vmem_shared>> -> memref<10112x128xf32, #tpu.memory_space<vmem_shared>>
        tpu.enqueue_indirect_dma source(%arg10 : memref<128x128xf32, #tpu.memory_space<vmem>>) target(%dma_start3A_67 : memref<10112x128xf32, #tpu.memory_space<vmem_shared>>) offsets(%dma_start3A_64 : memref<128xi32, #tpu.memory_space<vmem>>) semaphore(%run_scoped3A : memref<!tpu.dma_semaphore, #tpu.memory_space<semaphore_mem>>) {add = true}
        %dma_wait3A_68 = arith.constant 0 : i32
        %dma_wait3A_69 = tpu.memref_slice %arg8[%add3A_61, %dma_wait3A_68] : memref<40x128xi32, #tpu.memory_space<vmem>> -> memref<1x128xi32, #tpu.memory_space<vmem>>
        %dma_wait3A_70 = tpu.memref_squeeze %dma_wait3A_69 : memref<1x128xi32, #tpu.memory_space<vmem>> -> memref<128xi32, #tpu.memory_space<vmem>>
        %dma_wait3A_71 = arith.constant 0 : i32
        %dma_wait3A_72 = arith.constant 0 : i32
        %dma_wait3A_73 = tpu.memref_slice %arg11[%dma_wait3A_71, %dma_wait3A_72] : memref<10112x128xf32, #tpu.memory_space<vmem_shared>> -> memref<10112x128xf32, #tpu.memory_space<vmem_shared>>
        tpu.wait_indirect_dma semaphore(%run_scoped3A : memref<!tpu.dma_semaphore, #tpu.memory_space<semaphore_mem>>) src(%arg10 : memref<128x128xf32, #tpu.memory_space<vmem>>) dst(%dma_wait3A_73 : memref<10112x128xf32, #tpu.memory_space<vmem_shared>>)
        tpu.yield
      }) : () -> ()
    }
    %scan3A_26 = arith.constant 20 : i32
    %barrier3A_27 = arith.constant 0 : index
    tpu.barrier barrier_id(%barrier3A_27)
    %mul3A_28 = arith.constant 632 : i32
    %mul3A_29 = arith.muli %arg1, %mul3A_28 : i32
    %mul3A_30 = arith.constant 632 : i32
    %mul3A_31 = arith.muli %arg1, %mul3A_30 : i32
    "tpu.region"() ({
      %run_scoped3A = tpu.sem_alloc : memref<!tpu.dma_semaphore, #tpu.memory_space<semaphore_mem>>
      %dma_start3A_32 = arith.constant 0 : i32
      %dma_start3A_33 = tpu.memref_slice %arg6[%arg0, %mul3A_31, %dma_start3A_32] : memref<2x10112x128xf32, #tpu.memory_space<hbm>> -> memref<1x632x128xf32, #tpu.memory_space<hbm>>
      %dma_start3A_34 = tpu.memref_squeeze %dma_start3A_33 : memref<1x632x128xf32, #tpu.memory_space<hbm>> -> memref<632x128xf32, #tpu.memory_space<hbm>>
      %dma_start3A_35 = arith.constant 0 : i32
      %dma_start3A_36 = tpu.memref_slice %arg11[%mul3A_29, %dma_start3A_35] : memref<10112x128xf32, #tpu.memory_space<vmem_shared>> -> memref<632x128xf32, #tpu.memory_space<vmem_shared>>
      tpu.enqueue_dma source(%dma_start3A_36 : memref<632x128xf32, #tpu.memory_space<vmem_shared>>) target(%dma_start3A_34 : memref<632x128xf32, #tpu.memory_space<hbm>>) target_semaphore(%run_scoped3A : memref<!tpu.dma_semaphore, #tpu.memory_space<semaphore_mem>>)
      %dma_wait3A = arith.constant 0 : i32
      %dma_wait3A_37 = tpu.memref_slice %arg6[%arg0, %mul3A_31, %dma_wait3A] : memref<2x10112x128xf32, #tpu.memory_space<hbm>> -> memref<1x632x128xf32, #tpu.memory_space<hbm>>
      %dma_wait3A_38 = tpu.memref_squeeze %dma_wait3A_37 : memref<1x632x128xf32, #tpu.memory_space<hbm>> -> memref<632x128xf32, #tpu.memory_space<hbm>>
      %dma_wait3A_39 = arith.constant 0 : i32
      %dma_wait3A_40 = tpu.memref_slice %arg11[%mul3A_29, %dma_wait3A_39] : memref<10112x128xf32, #tpu.memory_space<vmem_shared>> -> memref<632x128xf32, #tpu.memory_space<vmem_shared>>
      tpu.wait_dma2 semaphore(%run_scoped3A : memref<!tpu.dma_semaphore, #tpu.memory_space<semaphore_mem>>) src(%dma_wait3A_40 : memref<632x128xf32, #tpu.memory_space<vmem_shared>>) dst(%dma_wait3A_38 : memref<632x128xf32, #tpu.memory_space<hbm>>)
      tpu.yield
    }) : () -> ()
    return
  }
}

#map = affine_map<(d0, d1) -> (0, 0)>
#map1 = affine_map<(d0, d1) -> (0, 0, 0)>
module attributes {stable_mosaic.version = 14 : i64} {
  func.func @_sc_scatter_body(%arg0: i32, %arg1: i32, %arg2: memref<10000x128xf32, #tpu.memory_space<hbm>>, %arg3: memref<32x80x128xi32, #tpu.memory_space<hbm>>, %arg4: memref<32x80x128xi32, #tpu.memory_space<hbm>>, %arg5: memref<632x128xf32, #tpu.memory_space<hbm>>, %arg6: memref<2x10112x128xf32, #tpu.memory_space<hbm>>, %arg7: memref<40x128xi32, #tpu.memory_space<vmem>>, %arg8: memref<40x128xi32, #tpu.memory_space<vmem>>, %arg9: memref<128x128xf32, #tpu.memory_space<vmem>>, %arg10: memref<128x128xf32, #tpu.memory_space<vmem>>, %arg11: memref<10112x128xf32, #tpu.memory_space<vmem_shared>>, %arg12: memref<!tpu.dma_semaphore, #tpu.memory_space<semaphore_mem>>, %arg13: memref<!tpu.dma_semaphore, #tpu.memory_space<semaphore_mem>>) attributes {dimension_semantics = [#tpu.dimension_semantics<core_parallel>, #tpu.dimension_semantics<subcore_parallel>], iteration_bounds = array<i64: 2, 16>, scalar_prefetch = 0 : i64, scratch_operands = 7 : i64, tpu.core_type = #tpu.core_type<sc_vector_subcore>, window_params = [{transform_indices = #map}, {transform_indices = #map1}, {transform_indices = #map1}, {transform_indices = #map}, {transform_indices = #map1}]} {
    %mul3A = arith.constant 2 : i32
    %mul3A_0 = arith.muli %arg1, %mul3A : i32
    %add3A = arith.addi %mul3A_0, %arg0 : i32
    %mul3A_1 = arith.constant 632 : i32
    %mul3A_2 = arith.muli %arg1, %mul3A_1 : i32
    "tpu.region"() ({
      %run_scoped3A = tpu.sem_alloc : memref<!tpu.dma_semaphore, #tpu.memory_space<semaphore_mem>>
      %dma_start3A_32 = arith.constant 0 : i32
      %dma_start3A_33 = tpu.memref_slice %arg11[%mul3A_2, %dma_start3A_32] : memref<10112x128xf32, #tpu.memory_space<vmem_shared>> -> memref<632x128xf32, #tpu.memory_space<vmem_shared>>
      tpu.enqueue_dma source(%arg5 : memref<632x128xf32, #tpu.memory_space<hbm>>) target(%dma_start3A_33 : memref<632x128xf32, #tpu.memory_space<vmem_shared>>) target_semaphore(%run_scoped3A : memref<!tpu.dma_semaphore, #tpu.memory_space<semaphore_mem>>)
      %dma_wait3A = arith.constant 0 : i32
      %dma_wait3A_34 = tpu.memref_slice %arg11[%mul3A_2, %dma_wait3A] : memref<10112x128xf32, #tpu.memory_space<vmem_shared>> -> memref<632x128xf32, #tpu.memory_space<vmem_shared>>
      tpu.wait_dma2 semaphore(%run_scoped3A : memref<!tpu.dma_semaphore, #tpu.memory_space<semaphore_mem>>) src(%arg5 : memref<632x128xf32, #tpu.memory_space<hbm>>) dst(%dma_wait3A_34 : memref<632x128xf32, #tpu.memory_space<vmem_shared>>)
      tpu.yield
    }) : () -> ()
    %barrier3A = arith.constant 0 : index
    tpu.barrier barrier_id(%barrier3A)
    "tpu.region"() ({
      %run_scoped3A = tpu.sem_alloc : memref<!tpu.dma_semaphore, #tpu.memory_space<semaphore_mem>>
      %dma_start3A_32 = arith.constant 0 : i32
      %dma_start3A_33 = arith.constant 0 : i32
      %dma_start3A_34 = tpu.memref_slice %arg3[%add3A, %dma_start3A_32, %dma_start3A_33] : memref<32x80x128xi32, #tpu.memory_space<hbm>> -> memref<1x40x128xi32, #tpu.memory_space<hbm>>
      %dma_start3A_35 = tpu.memref_squeeze %dma_start3A_34 : memref<1x40x128xi32, #tpu.memory_space<hbm>> -> memref<40x128xi32, #tpu.memory_space<hbm>>
      %dma_start3A_36 = arith.constant 0 : i32
      %dma_start3A_37 = arith.constant 0 : i32
      %dma_start3A_38 = tpu.memref_slice %arg3[%add3A, %dma_start3A_36, %dma_start3A_37] : memref<32x80x128xi32, #tpu.memory_space<hbm>> -> memref<1x40x128xi32, #tpu.memory_space<hbm>>
      %dma_start3A_39 = tpu.memref_squeeze %dma_start3A_38 : memref<1x40x128xi32, #tpu.memory_space<hbm>> -> memref<40x128xi32, #tpu.memory_space<hbm>>
      tpu.enqueue_dma source(%dma_start3A_39 : memref<40x128xi32, #tpu.memory_space<hbm>>) target(%arg7 : memref<40x128xi32, #tpu.memory_space<vmem>>) target_semaphore(%run_scoped3A : memref<!tpu.dma_semaphore, #tpu.memory_space<semaphore_mem>>)
      %dma_wait3A = arith.constant 0 : i32
      %dma_wait3A_40 = arith.constant 0 : i32
      %dma_wait3A_41 = tpu.memref_slice %arg3[%add3A, %dma_wait3A, %dma_wait3A_40] : memref<32x80x128xi32, #tpu.memory_space<hbm>> -> memref<1x40x128xi32, #tpu.memory_space<hbm>>
      %dma_wait3A_42 = tpu.memref_squeeze %dma_wait3A_41 : memref<1x40x128xi32, #tpu.memory_space<hbm>> -> memref<40x128xi32, #tpu.memory_space<hbm>>
      %dma_wait3A_43 = arith.constant 0 : i32
      %dma_wait3A_44 = arith.constant 0 : i32
      %dma_wait3A_45 = tpu.memref_slice %arg3[%add3A, %dma_wait3A_43, %dma_wait3A_44] : memref<32x80x128xi32, #tpu.memory_space<hbm>> -> memref<1x40x128xi32, #tpu.memory_space<hbm>>
      %dma_wait3A_46 = tpu.memref_squeeze %dma_wait3A_45 : memref<1x40x128xi32, #tpu.memory_space<hbm>> -> memref<40x128xi32, #tpu.memory_space<hbm>>
      tpu.wait_dma2 semaphore(%run_scoped3A : memref<!tpu.dma_semaphore, #tpu.memory_space<semaphore_mem>>) src(%dma_wait3A_46 : memref<40x128xi32, #tpu.memory_space<hbm>>) dst(%arg7 : memref<40x128xi32, #tpu.memory_space<vmem>>)
      tpu.yield
    }) : () -> ()
    "tpu.region"() ({
      %run_scoped3A = tpu.sem_alloc : memref<!tpu.dma_semaphore, #tpu.memory_space<semaphore_mem>>
      %dma_start3A_32 = arith.constant 0 : i32
      %dma_start3A_33 = arith.constant 0 : i32
      %dma_start3A_34 = tpu.memref_slice %arg4[%add3A, %dma_start3A_32, %dma_start3A_33] : memref<32x80x128xi32, #tpu.memory_space<hbm>> -> memref<1x40x128xi32, #tpu.memory_space<hbm>>
      %dma_start3A_35 = tpu.memref_squeeze %dma_start3A_34 : memref<1x40x128xi32, #tpu.memory_space<hbm>> -> memref<40x128xi32, #tpu.memory_space<hbm>>
      %dma_start3A_36 = arith.constant 0 : i32
      %dma_start3A_37 = arith.constant 0 : i32
      %dma_start3A_38 = tpu.memref_slice %arg4[%add3A, %dma_start3A_36, %dma_start3A_37] : memref<32x80x128xi32, #tpu.memory_space<hbm>> -> memref<1x40x128xi32, #tpu.memory_space<hbm>>
      %dma_start3A_39 = tpu.memref_squeeze %dma_start3A_38 : memref<1x40x128xi32, #tpu.memory_space<hbm>> -> memref<40x128xi32, #tpu.memory_space<hbm>>
      tpu.enqueue_dma source(%dma_start3A_39 : memref<40x128xi32, #tpu.memory_space<hbm>>) target(%arg8 : memref<40x128xi32, #tpu.memory_space<vmem>>) target_semaphore(%run_scoped3A : memref<!tpu.dma_semaphore, #tpu.memory_space<semaphore_mem>>)
      %dma_wait3A = arith.constant 0 : i32
      %dma_wait3A_40 = arith.constant 0 : i32
      %dma_wait3A_41 = tpu.memref_slice %arg4[%add3A, %dma_wait3A, %dma_wait3A_40] : memref<32x80x128xi32, #tpu.memory_space<hbm>> -> memref<1x40x128xi32, #tpu.memory_space<hbm>>
      %dma_wait3A_42 = tpu.memref_squeeze %dma_wait3A_41 : memref<1x40x128xi32, #tpu.memory_space<hbm>> -> memref<40x128xi32, #tpu.memory_space<hbm>>
      %dma_wait3A_43 = arith.constant 0 : i32
      %dma_wait3A_44 = arith.constant 0 : i32
      %dma_wait3A_45 = tpu.memref_slice %arg4[%add3A, %dma_wait3A_43, %dma_wait3A_44] : memref<32x80x128xi32, #tpu.memory_space<hbm>> -> memref<1x40x128xi32, #tpu.memory_space<hbm>>
      %dma_wait3A_46 = tpu.memref_squeeze %dma_wait3A_45 : memref<1x40x128xi32, #tpu.memory_space<hbm>> -> memref<40x128xi32, #tpu.memory_space<hbm>>
      tpu.wait_dma2 semaphore(%run_scoped3A : memref<!tpu.dma_semaphore, #tpu.memory_space<semaphore_mem>>) src(%dma_wait3A_46 : memref<40x128xi32, #tpu.memory_space<hbm>>) dst(%arg8 : memref<40x128xi32, #tpu.memory_space<vmem>>)
      tpu.yield
    }) : () -> ()
    %dma_start3A = arith.constant 0 : i32
    %dma_start3A_3 = arith.constant 0 : i32
    %dma_start3A_4 = tpu.memref_slice %arg7[%dma_start3A, %dma_start3A_3] : memref<40x128xi32, #tpu.memory_space<vmem>> -> memref<1x128xi32, #tpu.memory_space<vmem>>
    %dma_start3A_5 = tpu.memref_squeeze %dma_start3A_4 : memref<1x128xi32, #tpu.memory_space<vmem>> -> memref<128xi32, #tpu.memory_space<vmem>>
    %dma_start3A_6 = arith.constant 0 : i32
    %dma_start3A_7 = arith.constant 0 : i32
    %dma_start3A_8 = tpu.memref_slice %arg2[%dma_start3A_6, %dma_start3A_7] : memref<10000x128xf32, #tpu.memory_space<hbm>> -> memref<10000x128xf32, #tpu.memory_space<hbm>>
    tpu.enqueue_indirect_dma source(%dma_start3A_8 : memref<10000x128xf32, #tpu.memory_space<hbm>>) target(%arg9 : memref<128x128xf32, #tpu.memory_space<vmem>>) offsets(%dma_start3A_5 : memref<128xi32, #tpu.memory_space<vmem>>) semaphore(%arg12 : memref<!tpu.dma_semaphore, #tpu.memory_space<semaphore_mem>>)
    %scan3A = arith.constant 0 : i32
    %scan3A_9 = arith.constant 0 : i32
    %scan3A_10 = arith.constant 20 : i32
    %scan3A_11 = arith.addi %scan3A_9, %scan3A_10 : i32
    %scan3A_12 = arith.constant 1 : i32
    scf.for %scan3A_32 = %scan3A_9 to %scan3A_11 step %scan3A_12  : i32 {
      %mul3A_33 = arith.constant 2 : i32
      %mul3A_34 = arith.muli %mul3A_33, %scan3A_32 : i32
      %add3A_35 = arith.constant 1 : i32
      %add3A_36 = arith.addi %mul3A_34, %add3A_35 : i32
      %dma_start3A_37 = arith.constant 0 : i32
      %dma_start3A_38 = tpu.memref_slice %arg7[%add3A_36, %dma_start3A_37] : memref<40x128xi32, #tpu.memory_space<vmem>> -> memref<1x128xi32, #tpu.memory_space<vmem>>
      %dma_start3A_39 = tpu.memref_squeeze %dma_start3A_38 : memref<1x128xi32, #tpu.memory_space<vmem>> -> memref<128xi32, #tpu.memory_space<vmem>>
      %dma_start3A_40 = arith.constant 0 : i32
      %dma_start3A_41 = arith.constant 0 : i32
      %dma_start3A_42 = tpu.memref_slice %arg2[%dma_start3A_40, %dma_start3A_41] : memref<10000x128xf32, #tpu.memory_space<hbm>> -> memref<10000x128xf32, #tpu.memory_space<hbm>>
      tpu.enqueue_indirect_dma source(%dma_start3A_42 : memref<10000x128xf32, #tpu.memory_space<hbm>>) target(%arg10 : memref<128x128xf32, #tpu.memory_space<vmem>>) offsets(%dma_start3A_39 : memref<128xi32, #tpu.memory_space<vmem>>) semaphore(%arg13 : memref<!tpu.dma_semaphore, #tpu.memory_space<semaphore_mem>>)
      %dma_wait3A = arith.constant 0 : i32
      %dma_wait3A_43 = tpu.memref_slice %arg7[%mul3A_34, %dma_wait3A] : memref<40x128xi32, #tpu.memory_space<vmem>> -> memref<1x128xi32, #tpu.memory_space<vmem>>
      %dma_wait3A_44 = tpu.memref_squeeze %dma_wait3A_43 : memref<1x128xi32, #tpu.memory_space<vmem>> -> memref<128xi32, #tpu.memory_space<vmem>>
      %dma_wait3A_45 = arith.constant 0 : i32
      %dma_wait3A_46 = arith.constant 0 : i32
      %dma_wait3A_47 = tpu.memref_slice %arg2[%dma_wait3A_45, %dma_wait3A_46] : memref<10000x128xf32, #tpu.memory_space<hbm>> -> memref<10000x128xf32, #tpu.memory_space<hbm>>
      tpu.wait_indirect_dma semaphore(%arg12 : memref<!tpu.dma_semaphore, #tpu.memory_space<semaphore_mem>>) src(%dma_wait3A_47 : memref<10000x128xf32, #tpu.memory_space<hbm>>) dst(%arg9 : memref<128x128xf32, #tpu.memory_space<vmem>>)
      "tpu.region"() ({
        %run_scoped3A = tpu.sem_alloc : memref<!tpu.dma_semaphore, #tpu.memory_space<semaphore_mem>>
        %dma_start3A_62 = arith.constant 0 : i32
        %dma_start3A_63 = tpu.memref_slice %arg8[%mul3A_34, %dma_start3A_62] : memref<40x128xi32, #tpu.memory_space<vmem>> -> memref<1x128xi32, #tpu.memory_space<vmem>>
        %dma_start3A_64 = tpu.memref_squeeze %dma_start3A_63 : memref<1x128xi32, #tpu.memory_space<vmem>> -> memref<128xi32, #tpu.memory_space<vmem>>
        %dma_start3A_65 = arith.constant 0 : i32
        %dma_start3A_66 = arith.constant 0 : i32
        %dma_start3A_67 = tpu.memref_slice %arg11[%dma_start3A_65, %dma_start3A_66] : memref<10112x128xf32, #tpu.memory_space<vmem_shared>> -> memref<10112x128xf32, #tpu.memory_space<vmem_shared>>
        tpu.enqueue_indirect_dma source(%arg9 : memref<128x128xf32, #tpu.memory_space<vmem>>) target(%dma_start3A_67 : memref<10112x128xf32, #tpu.memory_space<vmem_shared>>) offsets(%dma_start3A_64 : memref<128xi32, #tpu.memory_space<vmem>>) semaphore(%run_scoped3A : memref<!tpu.dma_semaphore, #tpu.memory_space<semaphore_mem>>) {add = true}
        %dma_wait3A_68 = arith.constant 0 : i32
        %dma_wait3A_69 = tpu.memref_slice %arg8[%mul3A_34, %dma_wait3A_68] : memref<40x128xi32, #tpu.memory_space<vmem>> -> memref<1x128xi32, #tpu.memory_space<vmem>>
        %dma_wait3A_70 = tpu.memref_squeeze %dma_wait3A_69 : memref<1x128xi32, #tpu.memory_space<vmem>> -> memref<128xi32, #tpu.memory_space<vmem>>
        %dma_wait3A_71 = arith.constant 0 : i32
        %dma_wait3A_72 = arith.constant 0 : i32
        %dma_wait3A_73 = tpu.memref_slice %arg11[%dma_wait3A_71, %dma_wait3A_72] : memref<10112x128xf32, #tpu.memory_space<vmem_shared>> -> memref<10112x128xf32, #tpu.memory_space<vmem_shared>>
        tpu.wait_indirect_dma semaphore(%run_scoped3A : memref<!tpu.dma_semaphore, #tpu.memory_space<semaphore_mem>>) src(%arg9 : memref<128x128xf32, #tpu.memory_space<vmem>>) dst(%dma_wait3A_73 : memref<10112x128xf32, #tpu.memory_space<vmem_shared>>)
        tpu.yield
      }) : () -> ()
      %add3A_48 = arith.constant 2 : i32
      %add3A_49 = arith.addi %mul3A_34, %add3A_48 : i32
      %lt3A = arith.constant 40 : i32
      %lt3A_50 = arith.cmpi slt, %add3A_49, %lt3A : i32
      %convert_element_type3A = arith.extui %lt3A_50 : i1 to i32
      %cond3A = arith.constant 0 : i32
      %cond3A_51 = arith.cmpi ne, %convert_element_type3A, %cond3A : i32
      scf.if %cond3A_51 {
        %add3A_62 = arith.constant 2 : i32
        %add3A_63 = arith.addi %mul3A_34, %add3A_62 : i32
        %dma_start3A_64 = arith.constant 0 : i32
        %dma_start3A_65 = tpu.memref_slice %arg7[%add3A_63, %dma_start3A_64] : memref<40x128xi32, #tpu.memory_space<vmem>> -> memref<1x128xi32, #tpu.memory_space<vmem>>
        %dma_start3A_66 = tpu.memref_squeeze %dma_start3A_65 : memref<1x128xi32, #tpu.memory_space<vmem>> -> memref<128xi32, #tpu.memory_space<vmem>>
        %dma_start3A_67 = arith.constant 0 : i32
        %dma_start3A_68 = arith.constant 0 : i32
        %dma_start3A_69 = tpu.memref_slice %arg2[%dma_start3A_67, %dma_start3A_68] : memref<10000x128xf32, #tpu.memory_space<hbm>> -> memref<10000x128xf32, #tpu.memory_space<hbm>>
        tpu.enqueue_indirect_dma source(%dma_start3A_69 : memref<10000x128xf32, #tpu.memory_space<hbm>>) target(%arg9 : memref<128x128xf32, #tpu.memory_space<vmem>>) offsets(%dma_start3A_66 : memref<128xi32, #tpu.memory_space<vmem>>) semaphore(%arg12 : memref<!tpu.dma_semaphore, #tpu.memory_space<semaphore_mem>>)
      } else {
      }
      %add3A_52 = arith.constant 1 : i32
      %add3A_53 = arith.addi %mul3A_34, %add3A_52 : i32
      %dma_wait3A_54 = arith.constant 0 : i32
      %dma_wait3A_55 = tpu.memref_slice %arg7[%add3A_53, %dma_wait3A_54] : memref<40x128xi32, #tpu.memory_space<vmem>> -> memref<1x128xi32, #tpu.memory_space<vmem>>
      %dma_wait3A_56 = tpu.memref_squeeze %dma_wait3A_55 : memref<1x128xi32, #tpu.memory_space<vmem>> -> memref<128xi32, #tpu.memory_space<vmem>>
      %dma_wait3A_57 = arith.constant 0 : i32
      %dma_wait3A_58 = arith.constant 0 : i32
      %dma_wait3A_59 = tpu.memref_slice %arg2[%dma_wait3A_57, %dma_wait3A_58] : memref<10000x128xf32, #tpu.memory_space<hbm>> -> memref<10000x128xf32, #tpu.memory_space<hbm>>
      tpu.wait_indirect_dma semaphore(%arg13 : memref<!tpu.dma_semaphore, #tpu.memory_space<semaphore_mem>>) src(%dma_wait3A_59 : memref<10000x128xf32, #tpu.memory_space<hbm>>) dst(%arg10 : memref<128x128xf32, #tpu.memory_space<vmem>>)
      %add3A_60 = arith.constant 1 : i32
      %add3A_61 = arith.addi %mul3A_34, %add3A_60 : i32
      "tpu.region"() ({
        %run_scoped3A = tpu.sem_alloc : memref<!tpu.dma_semaphore, #tpu.memory_space<semaphore_mem>>
        %dma_start3A_62 = arith.constant 0 : i32
        %dma_start3A_63 = tpu.memref_slice %arg8[%add3A_61, %dma_start3A_62] : memref<40x128xi32, #tpu.memory_space<vmem>> -> memref<1x128xi32, #tpu.memory_space<vmem>>
        %dma_start3A_64 = tpu.memref_squeeze %dma_start3A_63 : memref<1x128xi32, #tpu.memory_space<vmem>> -> memref<128xi32, #tpu.memory_space<vmem>>
        %dma_start3A_65 = arith.constant 0 : i32
        %dma_start3A_66 = arith.constant 0 : i32
        %dma_start3A_67 = tpu.memref_slice %arg11[%dma_start3A_65, %dma_start3A_66] : memref<10112x128xf32, #tpu.memory_space<vmem_shared>> -> memref<10112x128xf32, #tpu.memory_space<vmem_shared>>
        tpu.enqueue_indirect_dma source(%arg10 : memref<128x128xf32, #tpu.memory_space<vmem>>) target(%dma_start3A_67 : memref<10112x128xf32, #tpu.memory_space<vmem_shared>>) offsets(%dma_start3A_64 : memref<128xi32, #tpu.memory_space<vmem>>) semaphore(%run_scoped3A : memref<!tpu.dma_semaphore, #tpu.memory_space<semaphore_mem>>) {add = true}
        %dma_wait3A_68 = arith.constant 0 : i32
        %dma_wait3A_69 = tpu.memref_slice %arg8[%add3A_61, %dma_wait3A_68] : memref<40x128xi32, #tpu.memory_space<vmem>> -> memref<1x128xi32, #tpu.memory_space<vmem>>
        %dma_wait3A_70 = tpu.memref_squeeze %dma_wait3A_69 : memref<1x128xi32, #tpu.memory_space<vmem>> -> memref<128xi32, #tpu.memory_space<vmem>>
        %dma_wait3A_71 = arith.constant 0 : i32
        %dma_wait3A_72 = arith.constant 0 : i32
        %dma_wait3A_73 = tpu.memref_slice %arg11[%dma_wait3A_71, %dma_wait3A_72] : memref<10112x128xf32, #tpu.memory_space<vmem_shared>> -> memref<10112x128xf32, #tpu.memory_space<vmem_shared>>
        tpu.wait_indirect_dma semaphore(%run_scoped3A : memref<!tpu.dma_semaphore, #tpu.memory_space<semaphore_mem>>) src(%arg10 : memref<128x128xf32, #tpu.memory_space<vmem>>) dst(%dma_wait3A_73 : memref<10112x128xf32, #tpu.memory_space<vmem_shared>>)
        tpu.yield
      }) : () -> ()
    }
    %scan3A_13 = arith.constant 20 : i32
    "tpu.region"() ({
      %run_scoped3A = tpu.sem_alloc : memref<!tpu.dma_semaphore, #tpu.memory_space<semaphore_mem>>
      %dma_start3A_32 = arith.constant 40 : i32
      %dma_start3A_33 = arith.constant 0 : i32
      %dma_start3A_34 = tpu.memref_slice %arg3[%add3A, %dma_start3A_32, %dma_start3A_33] : memref<32x80x128xi32, #tpu.memory_space<hbm>> -> memref<1x40x128xi32, #tpu.memory_space<hbm>>
      %dma_start3A_35 = tpu.memref_squeeze %dma_start3A_34 : memref<1x40x128xi32, #tpu.memory_space<hbm>> -> memref<40x128xi32, #tpu.memory_space<hbm>>
      %dma_start3A_36 = arith.constant 40 : i32
      %dma_start3A_37 = arith.constant 0 : i32
      %dma_start3A_38 = tpu.memref_slice %arg3[%add3A, %dma_start3A_36, %dma_start3A_37] : memref<32x80x128xi32, #tpu.memory_space<hbm>> -> memref<1x40x128xi32, #tpu.memory_space<hbm>>
      %dma_start3A_39 = tpu.memref_squeeze %dma_start3A_38 : memref<1x40x128xi32, #tpu.memory_space<hbm>> -> memref<40x128xi32, #tpu.memory_space<hbm>>
      tpu.enqueue_dma source(%dma_start3A_39 : memref<40x128xi32, #tpu.memory_space<hbm>>) target(%arg7 : memref<40x128xi32, #tpu.memory_space<vmem>>) target_semaphore(%run_scoped3A : memref<!tpu.dma_semaphore, #tpu.memory_space<semaphore_mem>>)
      %dma_wait3A = arith.constant 40 : i32
      %dma_wait3A_40 = arith.constant 0 : i32
      %dma_wait3A_41 = tpu.memref_slice %arg3[%add3A, %dma_wait3A, %dma_wait3A_40] : memref<32x80x128xi32, #tpu.memory_space<hbm>> -> memref<1x40x128xi32, #tpu.memory_space<hbm>>
      %dma_wait3A_42 = tpu.memref_squeeze %dma_wait3A_41 : memref<1x40x128xi32, #tpu.memory_space<hbm>> -> memref<40x128xi32, #tpu.memory_space<hbm>>
      %dma_wait3A_43 = arith.constant 40 : i32
      %dma_wait3A_44 = arith.constant 0 : i32
      %dma_wait3A_45 = tpu.memref_slice %arg3[%add3A, %dma_wait3A_43, %dma_wait3A_44] : memref<32x80x128xi32, #tpu.memory_space<hbm>> -> memref<1x40x128xi32, #tpu.memory_space<hbm>>
      %dma_wait3A_46 = tpu.memref_squeeze %dma_wait3A_45 : memref<1x40x128xi32, #tpu.memory_space<hbm>> -> memref<40x128xi32, #tpu.memory_space<hbm>>
      tpu.wait_dma2 semaphore(%run_scoped3A : memref<!tpu.dma_semaphore, #tpu.memory_space<semaphore_mem>>) src(%dma_wait3A_46 : memref<40x128xi32, #tpu.memory_space<hbm>>) dst(%arg7 : memref<40x128xi32, #tpu.memory_space<vmem>>)
      tpu.yield
    }) : () -> ()
    "tpu.region"() ({
      %run_scoped3A = tpu.sem_alloc : memref<!tpu.dma_semaphore, #tpu.memory_space<semaphore_mem>>
      %dma_start3A_32 = arith.constant 40 : i32
      %dma_start3A_33 = arith.constant 0 : i32
      %dma_start3A_34 = tpu.memref_slice %arg4[%add3A, %dma_start3A_32, %dma_start3A_33] : memref<32x80x128xi32, #tpu.memory_space<hbm>> -> memref<1x40x128xi32, #tpu.memory_space<hbm>>
      %dma_start3A_35 = tpu.memref_squeeze %dma_start3A_34 : memref<1x40x128xi32, #tpu.memory_space<hbm>> -> memref<40x128xi32, #tpu.memory_space<hbm>>
      %dma_start3A_36 = arith.constant 40 : i32
      %dma_start3A_37 = arith.constant 0 : i32
      %dma_start3A_38 = tpu.memref_slice %arg4[%add3A, %dma_start3A_36, %dma_start3A_37] : memref<32x80x128xi32, #tpu.memory_space<hbm>> -> memref<1x40x128xi32, #tpu.memory_space<hbm>>
      %dma_start3A_39 = tpu.memref_squeeze %dma_start3A_38 : memref<1x40x128xi32, #tpu.memory_space<hbm>> -> memref<40x128xi32, #tpu.memory_space<hbm>>
      tpu.enqueue_dma source(%dma_start3A_39 : memref<40x128xi32, #tpu.memory_space<hbm>>) target(%arg8 : memref<40x128xi32, #tpu.memory_space<vmem>>) target_semaphore(%run_scoped3A : memref<!tpu.dma_semaphore, #tpu.memory_space<semaphore_mem>>)
      %dma_wait3A = arith.constant 40 : i32
      %dma_wait3A_40 = arith.constant 0 : i32
      %dma_wait3A_41 = tpu.memref_slice %arg4[%add3A, %dma_wait3A, %dma_wait3A_40] : memref<32x80x128xi32, #tpu.memory_space<hbm>> -> memref<1x40x128xi32, #tpu.memory_space<hbm>>
      %dma_wait3A_42 = tpu.memref_squeeze %dma_wait3A_41 : memref<1x40x128xi32, #tpu.memory_space<hbm>> -> memref<40x128xi32, #tpu.memory_space<hbm>>
      %dma_wait3A_43 = arith.constant 40 : i32
      %dma_wait3A_44 = arith.constant 0 : i32
      %dma_wait3A_45 = tpu.memref_slice %arg4[%add3A, %dma_wait3A_43, %dma_wait3A_44] : memref<32x80x128xi32, #tpu.memory_space<hbm>> -> memref<1x40x128xi32, #tpu.memory_space<hbm>>
      %dma_wait3A_46 = tpu.memref_squeeze %dma_wait3A_45 : memref<1x40x128xi32, #tpu.memory_space<hbm>> -> memref<40x128xi32, #tpu.memory_space<hbm>>
      tpu.wait_dma2 semaphore(%run_scoped3A : memref<!tpu.dma_semaphore, #tpu.memory_space<semaphore_mem>>) src(%dma_wait3A_46 : memref<40x128xi32, #tpu.memory_space<hbm>>) dst(%arg8 : memref<40x128xi32, #tpu.memory_space<vmem>>)
      tpu.yield
    }) : () -> ()
    %dma_start3A_14 = arith.constant 0 : i32
    %dma_start3A_15 = arith.constant 0 : i32
    %dma_start3A_16 = tpu.memref_slice %arg7[%dma_start3A_14, %dma_start3A_15] : memref<40x128xi32, #tpu.memory_space<vmem>> -> memref<1x128xi32, #tpu.memory_space<vmem>>
    %dma_start3A_17 = tpu.memref_squeeze %dma_start3A_16 : memref<1x128xi32, #tpu.memory_space<vmem>> -> memref<128xi32, #tpu.memory_space<vmem>>
    %dma_start3A_18 = arith.constant 0 : i32
    %dma_start3A_19 = arith.constant 0 : i32
    %dma_start3A_20 = tpu.memref_slice %arg2[%dma_start3A_18, %dma_start3A_19] : memref<10000x128xf32, #tpu.memory_space<hbm>> -> memref<10000x128xf32, #tpu.memory_space<hbm>>
    tpu.enqueue_indirect_dma source(%dma_start3A_20 : memref<10000x128xf32, #tpu.memory_space<hbm>>) target(%arg9 : memref<128x128xf32, #tpu.memory_space<vmem>>) offsets(%dma_start3A_17 : memref<128xi32, #tpu.memory_space<vmem>>) semaphore(%arg12 : memref<!tpu.dma_semaphore, #tpu.memory_space<semaphore_mem>>)
    %scan3A_21 = arith.constant 0 : i32
    %scan3A_22 = arith.constant 0 : i32
    %scan3A_23 = arith.constant 20 : i32
    %scan3A_24 = arith.addi %scan3A_22, %scan3A_23 : i32
    %scan3A_25 = arith.constant 1 : i32
    scf.for %scan3A_32 = %scan3A_22 to %scan3A_24 step %scan3A_25  : i32 {
      %mul3A_33 = arith.constant 2 : i32
      %mul3A_34 = arith.muli %mul3A_33, %scan3A_32 : i32
      %add3A_35 = arith.constant 1 : i32
      %add3A_36 = arith.addi %mul3A_34, %add3A_35 : i32
      %dma_start3A_37 = arith.constant 0 : i32
      %dma_start3A_38 = tpu.memref_slice %arg7[%add3A_36, %dma_start3A_37] : memref<40x128xi32, #tpu.memory_space<vmem>> -> memref<1x128xi32, #tpu.memory_space<vmem>>
      %dma_start3A_39 = tpu.memref_squeeze %dma_start3A_38 : memref<1x128xi32, #tpu.memory_space<vmem>> -> memref<128xi32, #tpu.memory_space<vmem>>
      %dma_start3A_40 = arith.constant 0 : i32
      %dma_start3A_41 = arith.constant 0 : i32
      %dma_start3A_42 = tpu.memref_slice %arg2[%dma_start3A_40, %dma_start3A_41] : memref<10000x128xf32, #tpu.memory_space<hbm>> -> memref<10000x128xf32, #tpu.memory_space<hbm>>
      tpu.enqueue_indirect_dma source(%dma_start3A_42 : memref<10000x128xf32, #tpu.memory_space<hbm>>) target(%arg10 : memref<128x128xf32, #tpu.memory_space<vmem>>) offsets(%dma_start3A_39 : memref<128xi32, #tpu.memory_space<vmem>>) semaphore(%arg13 : memref<!tpu.dma_semaphore, #tpu.memory_space<semaphore_mem>>)
      %dma_wait3A = arith.constant 0 : i32
      %dma_wait3A_43 = tpu.memref_slice %arg7[%mul3A_34, %dma_wait3A] : memref<40x128xi32, #tpu.memory_space<vmem>> -> memref<1x128xi32, #tpu.memory_space<vmem>>
      %dma_wait3A_44 = tpu.memref_squeeze %dma_wait3A_43 : memref<1x128xi32, #tpu.memory_space<vmem>> -> memref<128xi32, #tpu.memory_space<vmem>>
      %dma_wait3A_45 = arith.constant 0 : i32
      %dma_wait3A_46 = arith.constant 0 : i32
      %dma_wait3A_47 = tpu.memref_slice %arg2[%dma_wait3A_45, %dma_wait3A_46] : memref<10000x128xf32, #tpu.memory_space<hbm>> -> memref<10000x128xf32, #tpu.memory_space<hbm>>
      tpu.wait_indirect_dma semaphore(%arg12 : memref<!tpu.dma_semaphore, #tpu.memory_space<semaphore_mem>>) src(%dma_wait3A_47 : memref<10000x128xf32, #tpu.memory_space<hbm>>) dst(%arg9 : memref<128x128xf32, #tpu.memory_space<vmem>>)
      "tpu.region"() ({
        %run_scoped3A = tpu.sem_alloc : memref<!tpu.dma_semaphore, #tpu.memory_space<semaphore_mem>>
        %dma_start3A_62 = arith.constant 0 : i32
        %dma_start3A_63 = tpu.memref_slice %arg8[%mul3A_34, %dma_start3A_62] : memref<40x128xi32, #tpu.memory_space<vmem>> -> memref<1x128xi32, #tpu.memory_space<vmem>>
        %dma_start3A_64 = tpu.memref_squeeze %dma_start3A_63 : memref<1x128xi32, #tpu.memory_space<vmem>> -> memref<128xi32, #tpu.memory_space<vmem>>
        %dma_start3A_65 = arith.constant 0 : i32
        %dma_start3A_66 = arith.constant 0 : i32
        %dma_start3A_67 = tpu.memref_slice %arg11[%dma_start3A_65, %dma_start3A_66] : memref<10112x128xf32, #tpu.memory_space<vmem_shared>> -> memref<10112x128xf32, #tpu.memory_space<vmem_shared>>
        tpu.enqueue_indirect_dma source(%arg9 : memref<128x128xf32, #tpu.memory_space<vmem>>) target(%dma_start3A_67 : memref<10112x128xf32, #tpu.memory_space<vmem_shared>>) offsets(%dma_start3A_64 : memref<128xi32, #tpu.memory_space<vmem>>) semaphore(%run_scoped3A : memref<!tpu.dma_semaphore, #tpu.memory_space<semaphore_mem>>) {add = true}
        %dma_wait3A_68 = arith.constant 0 : i32
        %dma_wait3A_69 = tpu.memref_slice %arg8[%mul3A_34, %dma_wait3A_68] : memref<40x128xi32, #tpu.memory_space<vmem>> -> memref<1x128xi32, #tpu.memory_space<vmem>>
        %dma_wait3A_70 = tpu.memref_squeeze %dma_wait3A_69 : memref<1x128xi32, #tpu.memory_space<vmem>> -> memref<128xi32, #tpu.memory_space<vmem>>
        %dma_wait3A_71 = arith.constant 0 : i32
        %dma_wait3A_72 = arith.constant 0 : i32
        %dma_wait3A_73 = tpu.memref_slice %arg11[%dma_wait3A_71, %dma_wait3A_72] : memref<10112x128xf32, #tpu.memory_space<vmem_shared>> -> memref<10112x128xf32, #tpu.memory_space<vmem_shared>>
        tpu.wait_indirect_dma semaphore(%run_scoped3A : memref<!tpu.dma_semaphore, #tpu.memory_space<semaphore_mem>>) src(%arg9 : memref<128x128xf32, #tpu.memory_space<vmem>>) dst(%dma_wait3A_73 : memref<10112x128xf32, #tpu.memory_space<vmem_shared>>)
        tpu.yield
      }) : () -> ()
      %add3A_48 = arith.constant 2 : i32
      %add3A_49 = arith.addi %mul3A_34, %add3A_48 : i32
      %lt3A = arith.constant 40 : i32
      %lt3A_50 = arith.cmpi slt, %add3A_49, %lt3A : i32
      %convert_element_type3A = arith.extui %lt3A_50 : i1 to i32
      %cond3A = arith.constant 0 : i32
      %cond3A_51 = arith.cmpi ne, %convert_element_type3A, %cond3A : i32
      scf.if %cond3A_51 {
        %add3A_62 = arith.constant 2 : i32
        %add3A_63 = arith.addi %mul3A_34, %add3A_62 : i32
        %dma_start3A_64 = arith.constant 0 : i32
        %dma_start3A_65 = tpu.memref_slice %arg7[%add3A_63, %dma_start3A_64] : memref<40x128xi32, #tpu.memory_space<vmem>> -> memref<1x128xi32, #tpu.memory_space<vmem>>
        %dma_start3A_66 = tpu.memref_squeeze %dma_start3A_65 : memref<1x128xi32, #tpu.memory_space<vmem>> -> memref<128xi32, #tpu.memory_space<vmem>>
        %dma_start3A_67 = arith.constant 0 : i32
        %dma_start3A_68 = arith.constant 0 : i32
        %dma_start3A_69 = tpu.memref_slice %arg2[%dma_start3A_67, %dma_start3A_68] : memref<10000x128xf32, #tpu.memory_space<hbm>> -> memref<10000x128xf32, #tpu.memory_space<hbm>>
        tpu.enqueue_indirect_dma source(%dma_start3A_69 : memref<10000x128xf32, #tpu.memory_space<hbm>>) target(%arg9 : memref<128x128xf32, #tpu.memory_space<vmem>>) offsets(%dma_start3A_66 : memref<128xi32, #tpu.memory_space<vmem>>) semaphore(%arg12 : memref<!tpu.dma_semaphore, #tpu.memory_space<semaphore_mem>>)
      } else {
      }
      %add3A_52 = arith.constant 1 : i32
      %add3A_53 = arith.addi %mul3A_34, %add3A_52 : i32
      %dma_wait3A_54 = arith.constant 0 : i32
      %dma_wait3A_55 = tpu.memref_slice %arg7[%add3A_53, %dma_wait3A_54] : memref<40x128xi32, #tpu.memory_space<vmem>> -> memref<1x128xi32, #tpu.memory_space<vmem>>
      %dma_wait3A_56 = tpu.memref_squeeze %dma_wait3A_55 : memref<1x128xi32, #tpu.memory_space<vmem>> -> memref<128xi32, #tpu.memory_space<vmem>>
      %dma_wait3A_57 = arith.constant 0 : i32
      %dma_wait3A_58 = arith.constant 0 : i32
      %dma_wait3A_59 = tpu.memref_slice %arg2[%dma_wait3A_57, %dma_wait3A_58] : memref<10000x128xf32, #tpu.memory_space<hbm>> -> memref<10000x128xf32, #tpu.memory_space<hbm>>
      tpu.wait_indirect_dma semaphore(%arg13 : memref<!tpu.dma_semaphore, #tpu.memory_space<semaphore_mem>>) src(%dma_wait3A_59 : memref<10000x128xf32, #tpu.memory_space<hbm>>) dst(%arg10 : memref<128x128xf32, #tpu.memory_space<vmem>>)
      %add3A_60 = arith.constant 1 : i32
      %add3A_61 = arith.addi %mul3A_34, %add3A_60 : i32
      "tpu.region"() ({
        %run_scoped3A = tpu.sem_alloc : memref<!tpu.dma_semaphore, #tpu.memory_space<semaphore_mem>>
        %dma_start3A_62 = arith.constant 0 : i32
        %dma_start3A_63 = tpu.memref_slice %arg8[%add3A_61, %dma_start3A_62] : memref<40x128xi32, #tpu.memory_space<vmem>> -> memref<1x128xi32, #tpu.memory_space<vmem>>
        %dma_start3A_64 = tpu.memref_squeeze %dma_start3A_63 : memref<1x128xi32, #tpu.memory_space<vmem>> -> memref<128xi32, #tpu.memory_space<vmem>>
        %dma_start3A_65 = arith.constant 0 : i32
        %dma_start3A_66 = arith.constant 0 : i32
        %dma_start3A_67 = tpu.memref_slice %arg11[%dma_start3A_65, %dma_start3A_66] : memref<10112x128xf32, #tpu.memory_space<vmem_shared>> -> memref<10112x128xf32, #tpu.memory_space<vmem_shared>>
        tpu.enqueue_indirect_dma source(%arg10 : memref<128x128xf32, #tpu.memory_space<vmem>>) target(%dma_start3A_67 : memref<10112x128xf32, #tpu.memory_space<vmem_shared>>) offsets(%dma_start3A_64 : memref<128xi32, #tpu.memory_space<vmem>>) semaphore(%run_scoped3A : memref<!tpu.dma_semaphore, #tpu.memory_space<semaphore_mem>>) {add = true}
        %dma_wait3A_68 = arith.constant 0 : i32
        %dma_wait3A_69 = tpu.memref_slice %arg8[%add3A_61, %dma_wait3A_68] : memref<40x128xi32, #tpu.memory_space<vmem>> -> memref<1x128xi32, #tpu.memory_space<vmem>>
        %dma_wait3A_70 = tpu.memref_squeeze %dma_wait3A_69 : memref<1x128xi32, #tpu.memory_space<vmem>> -> memref<128xi32, #tpu.memory_space<vmem>>
        %dma_wait3A_71 = arith.constant 0 : i32
        %dma_wait3A_72 = arith.constant 0 : i32
        %dma_wait3A_73 = tpu.memref_slice %arg11[%dma_wait3A_71, %dma_wait3A_72] : memref<10112x128xf32, #tpu.memory_space<vmem_shared>> -> memref<10112x128xf32, #tpu.memory_space<vmem_shared>>
        tpu.wait_indirect_dma semaphore(%run_scoped3A : memref<!tpu.dma_semaphore, #tpu.memory_space<semaphore_mem>>) src(%arg10 : memref<128x128xf32, #tpu.memory_space<vmem>>) dst(%dma_wait3A_73 : memref<10112x128xf32, #tpu.memory_space<vmem_shared>>)
        tpu.yield
      }) : () -> ()
    }
    %scan3A_26 = arith.constant 20 : i32
    %barrier3A_27 = arith.constant 0 : index
    tpu.barrier barrier_id(%barrier3A_27)
    %mul3A_28 = arith.constant 632 : i32
    %mul3A_29 = arith.muli %arg1, %mul3A_28 : i32
    %mul3A_30 = arith.constant 632 : i32
    %mul3A_31 = arith.muli %arg1, %mul3A_30 : i32
    "tpu.region"() ({
      %run_scoped3A = tpu.sem_alloc : memref<!tpu.dma_semaphore, #tpu.memory_space<semaphore_mem>>
      %dma_start3A_32 = arith.constant 0 : i32
      %dma_start3A_33 = tpu.memref_slice %arg6[%arg0, %mul3A_31, %dma_start3A_32] : memref<2x10112x128xf32, #tpu.memory_space<hbm>> -> memref<1x632x128xf32, #tpu.memory_space<hbm>>
      %dma_start3A_34 = tpu.memref_squeeze %dma_start3A_33 : memref<1x632x128xf32, #tpu.memory_space<hbm>> -> memref<632x128xf32, #tpu.memory_space<hbm>>
      %dma_start3A_35 = arith.constant 0 : i32
      %dma_start3A_36 = tpu.memref_slice %arg11[%mul3A_29, %dma_start3A_35] : memref<10112x128xf32, #tpu.memory_space<vmem_shared>> -> memref<632x128xf32, #tpu.memory_space<vmem_shared>>
      tpu.enqueue_dma source(%dma_start3A_36 : memref<632x128xf32, #tpu.memory_space<vmem_shared>>) target(%dma_start3A_34 : memref<632x128xf32, #tpu.memory_space<hbm>>) target_semaphore(%run_scoped3A : memref<!tpu.dma_semaphore, #tpu.memory_space<semaphore_mem>>)
      %dma_wait3A = arith.constant 0 : i32
      %dma_wait3A_37 = tpu.memref_slice %arg6[%arg0, %mul3A_31, %dma_wait3A] : memref<2x10112x128xf32, #tpu.memory_space<hbm>> -> memref<1x632x128xf32, #tpu.memory_space<hbm>>
      %dma_wait3A_38 = tpu.memref_squeeze %dma_wait3A_37 : memref<1x632x128xf32, #tpu.memory_space<hbm>> -> memref<632x128xf32, #tpu.memory_space<hbm>>
      %dma_wait3A_39 = arith.constant 0 : i32
      %dma_wait3A_40 = tpu.memref_slice %arg11[%mul3A_29, %dma_wait3A_39] : memref<10112x128xf32, #tpu.memory_space<vmem_shared>> -> memref<632x128xf32, #tpu.memory_space<vmem_shared>>
      tpu.wait_dma2 semaphore(%run_scoped3A : memref<!tpu.dma_semaphore, #tpu.memory_space<semaphore_mem>>) src(%dma_wait3A_40 : memref<632x128xf32, #tpu.memory_space<vmem_shared>>) dst(%dma_wait3A_38 : memref<632x128xf32, #tpu.memory_space<hbm>>)
      tpu.yield
    }) : () -> ()
    return
  }
}

#map = affine_map<(d0, d1) -> (0, 0)>
#map1 = affine_map<(d0, d1) -> (0, 0, 0)>
module attributes {stable_mosaic.version = 14 : i64} {
  func.func @_sc_scatter_body(%arg0: i32, %arg1: i32, %arg2: memref<10000x128xf32, #tpu.memory_space<hbm>>, %arg3: memref<32x80x128xi32, #tpu.memory_space<hbm>>, %arg4: memref<32x80x128xi32, #tpu.memory_space<hbm>>, %arg5: memref<632x128xf32, #tpu.memory_space<hbm>>, %arg6: memref<2x10112x128xf32, #tpu.memory_space<hbm>>, %arg7: memref<40x128xi32, #tpu.memory_space<vmem>>, %arg8: memref<40x128xi32, #tpu.memory_space<vmem>>, %arg9: memref<128x128xf32, #tpu.memory_space<vmem>>, %arg10: memref<128x128xf32, #tpu.memory_space<vmem>>, %arg11: memref<10112x128xf32, #tpu.memory_space<vmem_shared>>, %arg12: memref<!tpu.dma_semaphore, #tpu.memory_space<semaphore_mem>>, %arg13: memref<!tpu.dma_semaphore, #tpu.memory_space<semaphore_mem>>) attributes {dimension_semantics = [#tpu.dimension_semantics<core_parallel>, #tpu.dimension_semantics<subcore_parallel>], iteration_bounds = array<i64: 2, 16>, scalar_prefetch = 0 : i64, scratch_operands = 7 : i64, tpu.core_type = #tpu.core_type<sc_vector_subcore>, window_params = [{transform_indices = #map}, {transform_indices = #map1}, {transform_indices = #map1}, {transform_indices = #map}, {transform_indices = #map1}]} {
    %mul3A = arith.constant 2 : i32
    %mul3A_0 = arith.muli %arg1, %mul3A : i32
    %add3A = arith.addi %mul3A_0, %arg0 : i32
    %mul3A_1 = arith.constant 632 : i32
    %mul3A_2 = arith.muli %arg1, %mul3A_1 : i32
    "tpu.region"() ({
      %run_scoped3A = tpu.sem_alloc : memref<!tpu.dma_semaphore, #tpu.memory_space<semaphore_mem>>
      %dma_start3A_32 = arith.constant 0 : i32
      %dma_start3A_33 = tpu.memref_slice %arg11[%mul3A_2, %dma_start3A_32] : memref<10112x128xf32, #tpu.memory_space<vmem_shared>> -> memref<632x128xf32, #tpu.memory_space<vmem_shared>>
      tpu.enqueue_dma source(%arg5 : memref<632x128xf32, #tpu.memory_space<hbm>>) target(%dma_start3A_33 : memref<632x128xf32, #tpu.memory_space<vmem_shared>>) target_semaphore(%run_scoped3A : memref<!tpu.dma_semaphore, #tpu.memory_space<semaphore_mem>>)
      %dma_wait3A = arith.constant 0 : i32
      %dma_wait3A_34 = tpu.memref_slice %arg11[%mul3A_2, %dma_wait3A] : memref<10112x128xf32, #tpu.memory_space<vmem_shared>> -> memref<632x128xf32, #tpu.memory_space<vmem_shared>>
      tpu.wait_dma2 semaphore(%run_scoped3A : memref<!tpu.dma_semaphore, #tpu.memory_space<semaphore_mem>>) src(%arg5 : memref<632x128xf32, #tpu.memory_space<hbm>>) dst(%dma_wait3A_34 : memref<632x128xf32, #tpu.memory_space<vmem_shared>>)
      tpu.yield
    }) : () -> ()
    %barrier3A = arith.constant 0 : index
    tpu.barrier barrier_id(%barrier3A)
    "tpu.region"() ({
      %run_scoped3A = tpu.sem_alloc : memref<!tpu.dma_semaphore, #tpu.memory_space<semaphore_mem>>
      %dma_start3A_32 = arith.constant 0 : i32
      %dma_start3A_33 = arith.constant 0 : i32
      %dma_start3A_34 = tpu.memref_slice %arg3[%add3A, %dma_start3A_32, %dma_start3A_33] : memref<32x80x128xi32, #tpu.memory_space<hbm>> -> memref<1x40x128xi32, #tpu.memory_space<hbm>>
      %dma_start3A_35 = tpu.memref_squeeze %dma_start3A_34 : memref<1x40x128xi32, #tpu.memory_space<hbm>> -> memref<40x128xi32, #tpu.memory_space<hbm>>
      %dma_start3A_36 = arith.constant 0 : i32
      %dma_start3A_37 = arith.constant 0 : i32
      %dma_start3A_38 = tpu.memref_slice %arg3[%add3A, %dma_start3A_36, %dma_start3A_37] : memref<32x80x128xi32, #tpu.memory_space<hbm>> -> memref<1x40x128xi32, #tpu.memory_space<hbm>>
      %dma_start3A_39 = tpu.memref_squeeze %dma_start3A_38 : memref<1x40x128xi32, #tpu.memory_space<hbm>> -> memref<40x128xi32, #tpu.memory_space<hbm>>
      tpu.enqueue_dma source(%dma_start3A_39 : memref<40x128xi32, #tpu.memory_space<hbm>>) target(%arg7 : memref<40x128xi32, #tpu.memory_space<vmem>>) target_semaphore(%run_scoped3A : memref<!tpu.dma_semaphore, #tpu.memory_space<semaphore_mem>>)
      %dma_wait3A = arith.constant 0 : i32
      %dma_wait3A_40 = arith.constant 0 : i32
      %dma_wait3A_41 = tpu.memref_slice %arg3[%add3A, %dma_wait3A, %dma_wait3A_40] : memref<32x80x128xi32, #tpu.memory_space<hbm>> -> memref<1x40x128xi32, #tpu.memory_space<hbm>>
      %dma_wait3A_42 = tpu.memref_squeeze %dma_wait3A_41 : memref<1x40x128xi32, #tpu.memory_space<hbm>> -> memref<40x128xi32, #tpu.memory_space<hbm>>
      %dma_wait3A_43 = arith.constant 0 : i32
      %dma_wait3A_44 = arith.constant 0 : i32
      %dma_wait3A_45 = tpu.memref_slice %arg3[%add3A, %dma_wait3A_43, %dma_wait3A_44] : memref<32x80x128xi32, #tpu.memory_space<hbm>> -> memref<1x40x128xi32, #tpu.memory_space<hbm>>
      %dma_wait3A_46 = tpu.memref_squeeze %dma_wait3A_45 : memref<1x40x128xi32, #tpu.memory_space<hbm>> -> memref<40x128xi32, #tpu.memory_space<hbm>>
      tpu.wait_dma2 semaphore(%run_scoped3A : memref<!tpu.dma_semaphore, #tpu.memory_space<semaphore_mem>>) src(%dma_wait3A_46 : memref<40x128xi32, #tpu.memory_space<hbm>>) dst(%arg7 : memref<40x128xi32, #tpu.memory_space<vmem>>)
      tpu.yield
    }) : () -> ()
    "tpu.region"() ({
      %run_scoped3A = tpu.sem_alloc : memref<!tpu.dma_semaphore, #tpu.memory_space<semaphore_mem>>
      %dma_start3A_32 = arith.constant 0 : i32
      %dma_start3A_33 = arith.constant 0 : i32
      %dma_start3A_34 = tpu.memref_slice %arg4[%add3A, %dma_start3A_32, %dma_start3A_33] : memref<32x80x128xi32, #tpu.memory_space<hbm>> -> memref<1x40x128xi32, #tpu.memory_space<hbm>>
      %dma_start3A_35 = tpu.memref_squeeze %dma_start3A_34 : memref<1x40x128xi32, #tpu.memory_space<hbm>> -> memref<40x128xi32, #tpu.memory_space<hbm>>
      %dma_start3A_36 = arith.constant 0 : i32
      %dma_start3A_37 = arith.constant 0 : i32
      %dma_start3A_38 = tpu.memref_slice %arg4[%add3A, %dma_start3A_36, %dma_start3A_37] : memref<32x80x128xi32, #tpu.memory_space<hbm>> -> memref<1x40x128xi32, #tpu.memory_space<hbm>>
      %dma_start3A_39 = tpu.memref_squeeze %dma_start3A_38 : memref<1x40x128xi32, #tpu.memory_space<hbm>> -> memref<40x128xi32, #tpu.memory_space<hbm>>
      tpu.enqueue_dma source(%dma_start3A_39 : memref<40x128xi32, #tpu.memory_space<hbm>>) target(%arg8 : memref<40x128xi32, #tpu.memory_space<vmem>>) target_semaphore(%run_scoped3A : memref<!tpu.dma_semaphore, #tpu.memory_space<semaphore_mem>>)
      %dma_wait3A = arith.constant 0 : i32
      %dma_wait3A_40 = arith.constant 0 : i32
      %dma_wait3A_41 = tpu.memref_slice %arg4[%add3A, %dma_wait3A, %dma_wait3A_40] : memref<32x80x128xi32, #tpu.memory_space<hbm>> -> memref<1x40x128xi32, #tpu.memory_space<hbm>>
      %dma_wait3A_42 = tpu.memref_squeeze %dma_wait3A_41 : memref<1x40x128xi32, #tpu.memory_space<hbm>> -> memref<40x128xi32, #tpu.memory_space<hbm>>
      %dma_wait3A_43 = arith.constant 0 : i32
      %dma_wait3A_44 = arith.constant 0 : i32
      %dma_wait3A_45 = tpu.memref_slice %arg4[%add3A, %dma_wait3A_43, %dma_wait3A_44] : memref<32x80x128xi32, #tpu.memory_space<hbm>> -> memref<1x40x128xi32, #tpu.memory_space<hbm>>
      %dma_wait3A_46 = tpu.memref_squeeze %dma_wait3A_45 : memref<1x40x128xi32, #tpu.memory_space<hbm>> -> memref<40x128xi32, #tpu.memory_space<hbm>>
      tpu.wait_dma2 semaphore(%run_scoped3A : memref<!tpu.dma_semaphore, #tpu.memory_space<semaphore_mem>>) src(%dma_wait3A_46 : memref<40x128xi32, #tpu.memory_space<hbm>>) dst(%arg8 : memref<40x128xi32, #tpu.memory_space<vmem>>)
      tpu.yield
    }) : () -> ()
    %dma_start3A = arith.constant 0 : i32
    %dma_start3A_3 = arith.constant 0 : i32
    %dma_start3A_4 = tpu.memref_slice %arg7[%dma_start3A, %dma_start3A_3] : memref<40x128xi32, #tpu.memory_space<vmem>> -> memref<1x128xi32, #tpu.memory_space<vmem>>
    %dma_start3A_5 = tpu.memref_squeeze %dma_start3A_4 : memref<1x128xi32, #tpu.memory_space<vmem>> -> memref<128xi32, #tpu.memory_space<vmem>>
    %dma_start3A_6 = arith.constant 0 : i32
    %dma_start3A_7 = arith.constant 0 : i32
    %dma_start3A_8 = tpu.memref_slice %arg2[%dma_start3A_6, %dma_start3A_7] : memref<10000x128xf32, #tpu.memory_space<hbm>> -> memref<10000x128xf32, #tpu.memory_space<hbm>>
    tpu.enqueue_indirect_dma source(%dma_start3A_8 : memref<10000x128xf32, #tpu.memory_space<hbm>>) target(%arg9 : memref<128x128xf32, #tpu.memory_space<vmem>>) offsets(%dma_start3A_5 : memref<128xi32, #tpu.memory_space<vmem>>) semaphore(%arg12 : memref<!tpu.dma_semaphore, #tpu.memory_space<semaphore_mem>>)
    %scan3A = arith.constant 0 : i32
    %scan3A_9 = arith.constant 0 : i32
    %scan3A_10 = arith.constant 20 : i32
    %scan3A_11 = arith.addi %scan3A_9, %scan3A_10 : i32
    %scan3A_12 = arith.constant 1 : i32
    scf.for %scan3A_32 = %scan3A_9 to %scan3A_11 step %scan3A_12  : i32 {
      %mul3A_33 = arith.constant 2 : i32
      %mul3A_34 = arith.muli %mul3A_33, %scan3A_32 : i32
      %add3A_35 = arith.constant 1 : i32
      %add3A_36 = arith.addi %mul3A_34, %add3A_35 : i32
      %dma_start3A_37 = arith.constant 0 : i32
      %dma_start3A_38 = tpu.memref_slice %arg7[%add3A_36, %dma_start3A_37] : memref<40x128xi32, #tpu.memory_space<vmem>> -> memref<1x128xi32, #tpu.memory_space<vmem>>
      %dma_start3A_39 = tpu.memref_squeeze %dma_start3A_38 : memref<1x128xi32, #tpu.memory_space<vmem>> -> memref<128xi32, #tpu.memory_space<vmem>>
      %dma_start3A_40 = arith.constant 0 : i32
      %dma_start3A_41 = arith.constant 0 : i32
      %dma_start3A_42 = tpu.memref_slice %arg2[%dma_start3A_40, %dma_start3A_41] : memref<10000x128xf32, #tpu.memory_space<hbm>> -> memref<10000x128xf32, #tpu.memory_space<hbm>>
      tpu.enqueue_indirect_dma source(%dma_start3A_42 : memref<10000x128xf32, #tpu.memory_space<hbm>>) target(%arg10 : memref<128x128xf32, #tpu.memory_space<vmem>>) offsets(%dma_start3A_39 : memref<128xi32, #tpu.memory_space<vmem>>) semaphore(%arg13 : memref<!tpu.dma_semaphore, #tpu.memory_space<semaphore_mem>>)
      %dma_wait3A = arith.constant 0 : i32
      %dma_wait3A_43 = tpu.memref_slice %arg7[%mul3A_34, %dma_wait3A] : memref<40x128xi32, #tpu.memory_space<vmem>> -> memref<1x128xi32, #tpu.memory_space<vmem>>
      %dma_wait3A_44 = tpu.memref_squeeze %dma_wait3A_43 : memref<1x128xi32, #tpu.memory_space<vmem>> -> memref<128xi32, #tpu.memory_space<vmem>>
      %dma_wait3A_45 = arith.constant 0 : i32
      %dma_wait3A_46 = arith.constant 0 : i32
      %dma_wait3A_47 = tpu.memref_slice %arg2[%dma_wait3A_45, %dma_wait3A_46] : memref<10000x128xf32, #tpu.memory_space<hbm>> -> memref<10000x128xf32, #tpu.memory_space<hbm>>
      tpu.wait_indirect_dma semaphore(%arg12 : memref<!tpu.dma_semaphore, #tpu.memory_space<semaphore_mem>>) src(%dma_wait3A_47 : memref<10000x128xf32, #tpu.memory_space<hbm>>) dst(%arg9 : memref<128x128xf32, #tpu.memory_space<vmem>>)
      "tpu.region"() ({
        %run_scoped3A = tpu.sem_alloc : memref<!tpu.dma_semaphore, #tpu.memory_space<semaphore_mem>>
        %dma_start3A_62 = arith.constant 0 : i32
        %dma_start3A_63 = tpu.memref_slice %arg8[%mul3A_34, %dma_start3A_62] : memref<40x128xi32, #tpu.memory_space<vmem>> -> memref<1x128xi32, #tpu.memory_space<vmem>>
        %dma_start3A_64 = tpu.memref_squeeze %dma_start3A_63 : memref<1x128xi32, #tpu.memory_space<vmem>> -> memref<128xi32, #tpu.memory_space<vmem>>
        %dma_start3A_65 = arith.constant 0 : i32
        %dma_start3A_66 = arith.constant 0 : i32
        %dma_start3A_67 = tpu.memref_slice %arg11[%dma_start3A_65, %dma_start3A_66] : memref<10112x128xf32, #tpu.memory_space<vmem_shared>> -> memref<10112x128xf32, #tpu.memory_space<vmem_shared>>
        tpu.enqueue_indirect_dma source(%arg9 : memref<128x128xf32, #tpu.memory_space<vmem>>) target(%dma_start3A_67 : memref<10112x128xf32, #tpu.memory_space<vmem_shared>>) offsets(%dma_start3A_64 : memref<128xi32, #tpu.memory_space<vmem>>) semaphore(%run_scoped3A : memref<!tpu.dma_semaphore, #tpu.memory_space<semaphore_mem>>) {add = true}
        %dma_wait3A_68 = arith.constant 0 : i32
        %dma_wait3A_69 = tpu.memref_slice %arg8[%mul3A_34, %dma_wait3A_68] : memref<40x128xi32, #tpu.memory_space<vmem>> -> memref<1x128xi32, #tpu.memory_space<vmem>>
        %dma_wait3A_70 = tpu.memref_squeeze %dma_wait3A_69 : memref<1x128xi32, #tpu.memory_space<vmem>> -> memref<128xi32, #tpu.memory_space<vmem>>
        %dma_wait3A_71 = arith.constant 0 : i32
        %dma_wait3A_72 = arith.constant 0 : i32
        %dma_wait3A_73 = tpu.memref_slice %arg11[%dma_wait3A_71, %dma_wait3A_72] : memref<10112x128xf32, #tpu.memory_space<vmem_shared>> -> memref<10112x128xf32, #tpu.memory_space<vmem_shared>>
        tpu.wait_indirect_dma semaphore(%run_scoped3A : memref<!tpu.dma_semaphore, #tpu.memory_space<semaphore_mem>>) src(%arg9 : memref<128x128xf32, #tpu.memory_space<vmem>>) dst(%dma_wait3A_73 : memref<10112x128xf32, #tpu.memory_space<vmem_shared>>)
        tpu.yield
      }) : () -> ()
      %add3A_48 = arith.constant 2 : i32
      %add3A_49 = arith.addi %mul3A_34, %add3A_48 : i32
      %lt3A = arith.constant 40 : i32
      %lt3A_50 = arith.cmpi slt, %add3A_49, %lt3A : i32
      %convert_element_type3A = arith.extui %lt3A_50 : i1 to i32
      %cond3A = arith.constant 0 : i32
      %cond3A_51 = arith.cmpi ne, %convert_element_type3A, %cond3A : i32
      scf.if %cond3A_51 {
        %add3A_62 = arith.constant 2 : i32
        %add3A_63 = arith.addi %mul3A_34, %add3A_62 : i32
        %dma_start3A_64 = arith.constant 0 : i32
        %dma_start3A_65 = tpu.memref_slice %arg7[%add3A_63, %dma_start3A_64] : memref<40x128xi32, #tpu.memory_space<vmem>> -> memref<1x128xi32, #tpu.memory_space<vmem>>
        %dma_start3A_66 = tpu.memref_squeeze %dma_start3A_65 : memref<1x128xi32, #tpu.memory_space<vmem>> -> memref<128xi32, #tpu.memory_space<vmem>>
        %dma_start3A_67 = arith.constant 0 : i32
        %dma_start3A_68 = arith.constant 0 : i32
        %dma_start3A_69 = tpu.memref_slice %arg2[%dma_start3A_67, %dma_start3A_68] : memref<10000x128xf32, #tpu.memory_space<hbm>> -> memref<10000x128xf32, #tpu.memory_space<hbm>>
        tpu.enqueue_indirect_dma source(%dma_start3A_69 : memref<10000x128xf32, #tpu.memory_space<hbm>>) target(%arg9 : memref<128x128xf32, #tpu.memory_space<vmem>>) offsets(%dma_start3A_66 : memref<128xi32, #tpu.memory_space<vmem>>) semaphore(%arg12 : memref<!tpu.dma_semaphore, #tpu.memory_space<semaphore_mem>>)
      } else {
      }
      %add3A_52 = arith.constant 1 : i32
      %add3A_53 = arith.addi %mul3A_34, %add3A_52 : i32
      %dma_wait3A_54 = arith.constant 0 : i32
      %dma_wait3A_55 = tpu.memref_slice %arg7[%add3A_53, %dma_wait3A_54] : memref<40x128xi32, #tpu.memory_space<vmem>> -> memref<1x128xi32, #tpu.memory_space<vmem>>
      %dma_wait3A_56 = tpu.memref_squeeze %dma_wait3A_55 : memref<1x128xi32, #tpu.memory_space<vmem>> -> memref<128xi32, #tpu.memory_space<vmem>>
      %dma_wait3A_57 = arith.constant 0 : i32
      %dma_wait3A_58 = arith.constant 0 : i32
      %dma_wait3A_59 = tpu.memref_slice %arg2[%dma_wait3A_57, %dma_wait3A_58] : memref<10000x128xf32, #tpu.memory_space<hbm>> -> memref<10000x128xf32, #tpu.memory_space<hbm>>
      tpu.wait_indirect_dma semaphore(%arg13 : memref<!tpu.dma_semaphore, #tpu.memory_space<semaphore_mem>>) src(%dma_wait3A_59 : memref<10000x128xf32, #tpu.memory_space<hbm>>) dst(%arg10 : memref<128x128xf32, #tpu.memory_space<vmem>>)
      %add3A_60 = arith.constant 1 : i32
      %add3A_61 = arith.addi %mul3A_34, %add3A_60 : i32
      "tpu.region"() ({
        %run_scoped3A = tpu.sem_alloc : memref<!tpu.dma_semaphore, #tpu.memory_space<semaphore_mem>>
        %dma_start3A_62 = arith.constant 0 : i32
        %dma_start3A_63 = tpu.memref_slice %arg8[%add3A_61, %dma_start3A_62] : memref<40x128xi32, #tpu.memory_space<vmem>> -> memref<1x128xi32, #tpu.memory_space<vmem>>
        %dma_start3A_64 = tpu.memref_squeeze %dma_start3A_63 : memref<1x128xi32, #tpu.memory_space<vmem>> -> memref<128xi32, #tpu.memory_space<vmem>>
        %dma_start3A_65 = arith.constant 0 : i32
        %dma_start3A_66 = arith.constant 0 : i32
        %dma_start3A_67 = tpu.memref_slice %arg11[%dma_start3A_65, %dma_start3A_66] : memref<10112x128xf32, #tpu.memory_space<vmem_shared>> -> memref<10112x128xf32, #tpu.memory_space<vmem_shared>>
        tpu.enqueue_indirect_dma source(%arg10 : memref<128x128xf32, #tpu.memory_space<vmem>>) target(%dma_start3A_67 : memref<10112x128xf32, #tpu.memory_space<vmem_shared>>) offsets(%dma_start3A_64 : memref<128xi32, #tpu.memory_space<vmem>>) semaphore(%run_scoped3A : memref<!tpu.dma_semaphore, #tpu.memory_space<semaphore_mem>>) {add = true}
        %dma_wait3A_68 = arith.constant 0 : i32
        %dma_wait3A_69 = tpu.memref_slice %arg8[%add3A_61, %dma_wait3A_68] : memref<40x128xi32, #tpu.memory_space<vmem>> -> memref<1x128xi32, #tpu.memory_space<vmem>>
        %dma_wait3A_70 = tpu.memref_squeeze %dma_wait3A_69 : memref<1x128xi32, #tpu.memory_space<vmem>> -> memref<128xi32, #tpu.memory_space<vmem>>
        %dma_wait3A_71 = arith.constant 0 : i32
        %dma_wait3A_72 = arith.constant 0 : i32
        %dma_wait3A_73 = tpu.memref_slice %arg11[%dma_wait3A_71, %dma_wait3A_72] : memref<10112x128xf32, #tpu.memory_space<vmem_shared>> -> memref<10112x128xf32, #tpu.memory_space<vmem_shared>>
        tpu.wait_indirect_dma semaphore(%run_scoped3A : memref<!tpu.dma_semaphore, #tpu.memory_space<semaphore_mem>>) src(%arg10 : memref<128x128xf32, #tpu.memory_space<vmem>>) dst(%dma_wait3A_73 : memref<10112x128xf32, #tpu.memory_space<vmem_shared>>)
        tpu.yield
      }) : () -> ()
    }
    %scan3A_13 = arith.constant 20 : i32
    "tpu.region"() ({
      %run_scoped3A = tpu.sem_alloc : memref<!tpu.dma_semaphore, #tpu.memory_space<semaphore_mem>>
      %dma_start3A_32 = arith.constant 40 : i32
      %dma_start3A_33 = arith.constant 0 : i32
      %dma_start3A_34 = tpu.memref_slice %arg3[%add3A, %dma_start3A_32, %dma_start3A_33] : memref<32x80x128xi32, #tpu.memory_space<hbm>> -> memref<1x40x128xi32, #tpu.memory_space<hbm>>
      %dma_start3A_35 = tpu.memref_squeeze %dma_start3A_34 : memref<1x40x128xi32, #tpu.memory_space<hbm>> -> memref<40x128xi32, #tpu.memory_space<hbm>>
      %dma_start3A_36 = arith.constant 40 : i32
      %dma_start3A_37 = arith.constant 0 : i32
      %dma_start3A_38 = tpu.memref_slice %arg3[%add3A, %dma_start3A_36, %dma_start3A_37] : memref<32x80x128xi32, #tpu.memory_space<hbm>> -> memref<1x40x128xi32, #tpu.memory_space<hbm>>
      %dma_start3A_39 = tpu.memref_squeeze %dma_start3A_38 : memref<1x40x128xi32, #tpu.memory_space<hbm>> -> memref<40x128xi32, #tpu.memory_space<hbm>>
      tpu.enqueue_dma source(%dma_start3A_39 : memref<40x128xi32, #tpu.memory_space<hbm>>) target(%arg7 : memref<40x128xi32, #tpu.memory_space<vmem>>) target_semaphore(%run_scoped3A : memref<!tpu.dma_semaphore, #tpu.memory_space<semaphore_mem>>)
      %dma_wait3A = arith.constant 40 : i32
      %dma_wait3A_40 = arith.constant 0 : i32
      %dma_wait3A_41 = tpu.memref_slice %arg3[%add3A, %dma_wait3A, %dma_wait3A_40] : memref<32x80x128xi32, #tpu.memory_space<hbm>> -> memref<1x40x128xi32, #tpu.memory_space<hbm>>
      %dma_wait3A_42 = tpu.memref_squeeze %dma_wait3A_41 : memref<1x40x128xi32, #tpu.memory_space<hbm>> -> memref<40x128xi32, #tpu.memory_space<hbm>>
      %dma_wait3A_43 = arith.constant 40 : i32
      %dma_wait3A_44 = arith.constant 0 : i32
      %dma_wait3A_45 = tpu.memref_slice %arg3[%add3A, %dma_wait3A_43, %dma_wait3A_44] : memref<32x80x128xi32, #tpu.memory_space<hbm>> -> memref<1x40x128xi32, #tpu.memory_space<hbm>>
      %dma_wait3A_46 = tpu.memref_squeeze %dma_wait3A_45 : memref<1x40x128xi32, #tpu.memory_space<hbm>> -> memref<40x128xi32, #tpu.memory_space<hbm>>
      tpu.wait_dma2 semaphore(%run_scoped3A : memref<!tpu.dma_semaphore, #tpu.memory_space<semaphore_mem>>) src(%dma_wait3A_46 : memref<40x128xi32, #tpu.memory_space<hbm>>) dst(%arg7 : memref<40x128xi32, #tpu.memory_space<vmem>>)
      tpu.yield
    }) : () -> ()
    "tpu.region"() ({
      %run_scoped3A = tpu.sem_alloc : memref<!tpu.dma_semaphore, #tpu.memory_space<semaphore_mem>>
      %dma_start3A_32 = arith.constant 40 : i32
      %dma_start3A_33 = arith.constant 0 : i32
      %dma_start3A_34 = tpu.memref_slice %arg4[%add3A, %dma_start3A_32, %dma_start3A_33] : memref<32x80x128xi32, #tpu.memory_space<hbm>> -> memref<1x40x128xi32, #tpu.memory_space<hbm>>
      %dma_start3A_35 = tpu.memref_squeeze %dma_start3A_34 : memref<1x40x128xi32, #tpu.memory_space<hbm>> -> memref<40x128xi32, #tpu.memory_space<hbm>>
      %dma_start3A_36 = arith.constant 40 : i32
      %dma_start3A_37 = arith.constant 0 : i32
      %dma_start3A_38 = tpu.memref_slice %arg4[%add3A, %dma_start3A_36, %dma_start3A_37] : memref<32x80x128xi32, #tpu.memory_space<hbm>> -> memref<1x40x128xi32, #tpu.memory_space<hbm>>
      %dma_start3A_39 = tpu.memref_squeeze %dma_start3A_38 : memref<1x40x128xi32, #tpu.memory_space<hbm>> -> memref<40x128xi32, #tpu.memory_space<hbm>>
      tpu.enqueue_dma source(%dma_start3A_39 : memref<40x128xi32, #tpu.memory_space<hbm>>) target(%arg8 : memref<40x128xi32, #tpu.memory_space<vmem>>) target_semaphore(%run_scoped3A : memref<!tpu.dma_semaphore, #tpu.memory_space<semaphore_mem>>)
      %dma_wait3A = arith.constant 40 : i32
      %dma_wait3A_40 = arith.constant 0 : i32
      %dma_wait3A_41 = tpu.memref_slice %arg4[%add3A, %dma_wait3A, %dma_wait3A_40] : memref<32x80x128xi32, #tpu.memory_space<hbm>> -> memref<1x40x128xi32, #tpu.memory_space<hbm>>
      %dma_wait3A_42 = tpu.memref_squeeze %dma_wait3A_41 : memref<1x40x128xi32, #tpu.memory_space<hbm>> -> memref<40x128xi32, #tpu.memory_space<hbm>>
      %dma_wait3A_43 = arith.constant 40 : i32
      %dma_wait3A_44 = arith.constant 0 : i32
      %dma_wait3A_45 = tpu.memref_slice %arg4[%add3A, %dma_wait3A_43, %dma_wait3A_44] : memref<32x80x128xi32, #tpu.memory_space<hbm>> -> memref<1x40x128xi32, #tpu.memory_space<hbm>>
      %dma_wait3A_46 = tpu.memref_squeeze %dma_wait3A_45 : memref<1x40x128xi32, #tpu.memory_space<hbm>> -> memref<40x128xi32, #tpu.memory_space<hbm>>
      tpu.wait_dma2 semaphore(%run_scoped3A : memref<!tpu.dma_semaphore, #tpu.memory_space<semaphore_mem>>) src(%dma_wait3A_46 : memref<40x128xi32, #tpu.memory_space<hbm>>) dst(%arg8 : memref<40x128xi32, #tpu.memory_space<vmem>>)
      tpu.yield
    }) : () -> ()
    %dma_start3A_14 = arith.constant 0 : i32
    %dma_start3A_15 = arith.constant 0 : i32
    %dma_start3A_16 = tpu.memref_slice %arg7[%dma_start3A_14, %dma_start3A_15] : memref<40x128xi32, #tpu.memory_space<vmem>> -> memref<1x128xi32, #tpu.memory_space<vmem>>
    %dma_start3A_17 = tpu.memref_squeeze %dma_start3A_16 : memref<1x128xi32, #tpu.memory_space<vmem>> -> memref<128xi32, #tpu.memory_space<vmem>>
    %dma_start3A_18 = arith.constant 0 : i32
    %dma_start3A_19 = arith.constant 0 : i32
    %dma_start3A_20 = tpu.memref_slice %arg2[%dma_start3A_18, %dma_start3A_19] : memref<10000x128xf32, #tpu.memory_space<hbm>> -> memref<10000x128xf32, #tpu.memory_space<hbm>>
    tpu.enqueue_indirect_dma source(%dma_start3A_20 : memref<10000x128xf32, #tpu.memory_space<hbm>>) target(%arg9 : memref<128x128xf32, #tpu.memory_space<vmem>>) offsets(%dma_start3A_17 : memref<128xi32, #tpu.memory_space<vmem>>) semaphore(%arg12 : memref<!tpu.dma_semaphore, #tpu.memory_space<semaphore_mem>>)
    %scan3A_21 = arith.constant 0 : i32
    %scan3A_22 = arith.constant 0 : i32
    %scan3A_23 = arith.constant 20 : i32
    %scan3A_24 = arith.addi %scan3A_22, %scan3A_23 : i32
    %scan3A_25 = arith.constant 1 : i32
    scf.for %scan3A_32 = %scan3A_22 to %scan3A_24 step %scan3A_25  : i32 {
      %mul3A_33 = arith.constant 2 : i32
      %mul3A_34 = arith.muli %mul3A_33, %scan3A_32 : i32
      %add3A_35 = arith.constant 1 : i32
      %add3A_36 = arith.addi %mul3A_34, %add3A_35 : i32
      %dma_start3A_37 = arith.constant 0 : i32
      %dma_start3A_38 = tpu.memref_slice %arg7[%add3A_36, %dma_start3A_37] : memref<40x128xi32, #tpu.memory_space<vmem>> -> memref<1x128xi32, #tpu.memory_space<vmem>>
      %dma_start3A_39 = tpu.memref_squeeze %dma_start3A_38 : memref<1x128xi32, #tpu.memory_space<vmem>> -> memref<128xi32, #tpu.memory_space<vmem>>
      %dma_start3A_40 = arith.constant 0 : i32
      %dma_start3A_41 = arith.constant 0 : i32
      %dma_start3A_42 = tpu.memref_slice %arg2[%dma_start3A_40, %dma_start3A_41] : memref<10000x128xf32, #tpu.memory_space<hbm>> -> memref<10000x128xf32, #tpu.memory_space<hbm>>
      tpu.enqueue_indirect_dma source(%dma_start3A_42 : memref<10000x128xf32, #tpu.memory_space<hbm>>) target(%arg10 : memref<128x128xf32, #tpu.memory_space<vmem>>) offsets(%dma_start3A_39 : memref<128xi32, #tpu.memory_space<vmem>>) semaphore(%arg13 : memref<!tpu.dma_semaphore, #tpu.memory_space<semaphore_mem>>)
      %dma_wait3A = arith.constant 0 : i32
      %dma_wait3A_43 = tpu.memref_slice %arg7[%mul3A_34, %dma_wait3A] : memref<40x128xi32, #tpu.memory_space<vmem>> -> memref<1x128xi32, #tpu.memory_space<vmem>>
      %dma_wait3A_44 = tpu.memref_squeeze %dma_wait3A_43 : memref<1x128xi32, #tpu.memory_space<vmem>> -> memref<128xi32, #tpu.memory_space<vmem>>
      %dma_wait3A_45 = arith.constant 0 : i32
      %dma_wait3A_46 = arith.constant 0 : i32
      %dma_wait3A_47 = tpu.memref_slice %arg2[%dma_wait3A_45, %dma_wait3A_46] : memref<10000x128xf32, #tpu.memory_space<hbm>> -> memref<10000x128xf32, #tpu.memory_space<hbm>>
      tpu.wait_indirect_dma semaphore(%arg12 : memref<!tpu.dma_semaphore, #tpu.memory_space<semaphore_mem>>) src(%dma_wait3A_47 : memref<10000x128xf32, #tpu.memory_space<hbm>>) dst(%arg9 : memref<128x128xf32, #tpu.memory_space<vmem>>)
      "tpu.region"() ({
        %run_scoped3A = tpu.sem_alloc : memref<!tpu.dma_semaphore, #tpu.memory_space<semaphore_mem>>
        %dma_start3A_62 = arith.constant 0 : i32
        %dma_start3A_63 = tpu.memref_slice %arg8[%mul3A_34, %dma_start3A_62] : memref<40x128xi32, #tpu.memory_space<vmem>> -> memref<1x128xi32, #tpu.memory_space<vmem>>
        %dma_start3A_64 = tpu.memref_squeeze %dma_start3A_63 : memref<1x128xi32, #tpu.memory_space<vmem>> -> memref<128xi32, #tpu.memory_space<vmem>>
        %dma_start3A_65 = arith.constant 0 : i32
        %dma_start3A_66 = arith.constant 0 : i32
        %dma_start3A_67 = tpu.memref_slice %arg11[%dma_start3A_65, %dma_start3A_66] : memref<10112x128xf32, #tpu.memory_space<vmem_shared>> -> memref<10112x128xf32, #tpu.memory_space<vmem_shared>>
        tpu.enqueue_indirect_dma source(%arg9 : memref<128x128xf32, #tpu.memory_space<vmem>>) target(%dma_start3A_67 : memref<10112x128xf32, #tpu.memory_space<vmem_shared>>) offsets(%dma_start3A_64 : memref<128xi32, #tpu.memory_space<vmem>>) semaphore(%run_scoped3A : memref<!tpu.dma_semaphore, #tpu.memory_space<semaphore_mem>>) {add = true}
        %dma_wait3A_68 = arith.constant 0 : i32
        %dma_wait3A_69 = tpu.memref_slice %arg8[%mul3A_34, %dma_wait3A_68] : memref<40x128xi32, #tpu.memory_space<vmem>> -> memref<1x128xi32, #tpu.memory_space<vmem>>
        %dma_wait3A_70 = tpu.memref_squeeze %dma_wait3A_69 : memref<1x128xi32, #tpu.memory_space<vmem>> -> memref<128xi32, #tpu.memory_space<vmem>>
        %dma_wait3A_71 = arith.constant 0 : i32
        %dma_wait3A_72 = arith.constant 0 : i32
        %dma_wait3A_73 = tpu.memref_slice %arg11[%dma_wait3A_71, %dma_wait3A_72] : memref<10112x128xf32, #tpu.memory_space<vmem_shared>> -> memref<10112x128xf32, #tpu.memory_space<vmem_shared>>
        tpu.wait_indirect_dma semaphore(%run_scoped3A : memref<!tpu.dma_semaphore, #tpu.memory_space<semaphore_mem>>) src(%arg9 : memref<128x128xf32, #tpu.memory_space<vmem>>) dst(%dma_wait3A_73 : memref<10112x128xf32, #tpu.memory_space<vmem_shared>>)
        tpu.yield
      }) : () -> ()
      %add3A_48 = arith.constant 2 : i32
      %add3A_49 = arith.addi %mul3A_34, %add3A_48 : i32
      %lt3A = arith.constant 40 : i32
      %lt3A_50 = arith.cmpi slt, %add3A_49, %lt3A : i32
      %convert_element_type3A = arith.extui %lt3A_50 : i1 to i32
      %cond3A = arith.constant 0 : i32
      %cond3A_51 = arith.cmpi ne, %convert_element_type3A, %cond3A : i32
      scf.if %cond3A_51 {
        %add3A_62 = arith.constant 2 : i32
        %add3A_63 = arith.addi %mul3A_34, %add3A_62 : i32
        %dma_start3A_64 = arith.constant 0 : i32
        %dma_start3A_65 = tpu.memref_slice %arg7[%add3A_63, %dma_start3A_64] : memref<40x128xi32, #tpu.memory_space<vmem>> -> memref<1x128xi32, #tpu.memory_space<vmem>>
        %dma_start3A_66 = tpu.memref_squeeze %dma_start3A_65 : memref<1x128xi32, #tpu.memory_space<vmem>> -> memref<128xi32, #tpu.memory_space<vmem>>
        %dma_start3A_67 = arith.constant 0 : i32
        %dma_start3A_68 = arith.constant 0 : i32
        %dma_start3A_69 = tpu.memref_slice %arg2[%dma_start3A_67, %dma_start3A_68] : memref<10000x128xf32, #tpu.memory_space<hbm>> -> memref<10000x128xf32, #tpu.memory_space<hbm>>
        tpu.enqueue_indirect_dma source(%dma_start3A_69 : memref<10000x128xf32, #tpu.memory_space<hbm>>) target(%arg9 : memref<128x128xf32, #tpu.memory_space<vmem>>) offsets(%dma_start3A_66 : memref<128xi32, #tpu.memory_space<vmem>>) semaphore(%arg12 : memref<!tpu.dma_semaphore, #tpu.memory_space<semaphore_mem>>)
      } else {
      }
      %add3A_52 = arith.constant 1 : i32
      %add3A_53 = arith.addi %mul3A_34, %add3A_52 : i32
      %dma_wait3A_54 = arith.constant 0 : i32
      %dma_wait3A_55 = tpu.memref_slice %arg7[%add3A_53, %dma_wait3A_54] : memref<40x128xi32, #tpu.memory_space<vmem>> -> memref<1x128xi32, #tpu.memory_space<vmem>>
      %dma_wait3A_56 = tpu.memref_squeeze %dma_wait3A_55 : memref<1x128xi32, #tpu.memory_space<vmem>> -> memref<128xi32, #tpu.memory_space<vmem>>
      %dma_wait3A_57 = arith.constant 0 : i32
      %dma_wait3A_58 = arith.constant 0 : i32
      %dma_wait3A_59 = tpu.memref_slice %arg2[%dma_wait3A_57, %dma_wait3A_58] : memref<10000x128xf32, #tpu.memory_space<hbm>> -> memref<10000x128xf32, #tpu.memory_space<hbm>>
      tpu.wait_indirect_dma semaphore(%arg13 : memref<!tpu.dma_semaphore, #tpu.memory_space<semaphore_mem>>) src(%dma_wait3A_59 : memref<10000x128xf32, #tpu.memory_space<hbm>>) dst(%arg10 : memref<128x128xf32, #tpu.memory_space<vmem>>)
      %add3A_60 = arith.constant 1 : i32
      %add3A_61 = arith.addi %mul3A_34, %add3A_60 : i32
      "tpu.region"() ({
        %run_scoped3A = tpu.sem_alloc : memref<!tpu.dma_semaphore, #tpu.memory_space<semaphore_mem>>
        %dma_start3A_62 = arith.constant 0 : i32
        %dma_start3A_63 = tpu.memref_slice %arg8[%add3A_61, %dma_start3A_62] : memref<40x128xi32, #tpu.memory_space<vmem>> -> memref<1x128xi32, #tpu.memory_space<vmem>>
        %dma_start3A_64 = tpu.memref_squeeze %dma_start3A_63 : memref<1x128xi32, #tpu.memory_space<vmem>> -> memref<128xi32, #tpu.memory_space<vmem>>
        %dma_start3A_65 = arith.constant 0 : i32
        %dma_start3A_66 = arith.constant 0 : i32
        %dma_start3A_67 = tpu.memref_slice %arg11[%dma_start3A_65, %dma_start3A_66] : memref<10112x128xf32, #tpu.memory_space<vmem_shared>> -> memref<10112x128xf32, #tpu.memory_space<vmem_shared>>
        tpu.enqueue_indirect_dma source(%arg10 : memref<128x128xf32, #tpu.memory_space<vmem>>) target(%dma_start3A_67 : memref<10112x128xf32, #tpu.memory_space<vmem_shared>>) offsets(%dma_start3A_64 : memref<128xi32, #tpu.memory_space<vmem>>) semaphore(%run_scoped3A : memref<!tpu.dma_semaphore, #tpu.memory_space<semaphore_mem>>) {add = true}
        %dma_wait3A_68 = arith.constant 0 : i32
        %dma_wait3A_69 = tpu.memref_slice %arg8[%add3A_61, %dma_wait3A_68] : memref<40x128xi32, #tpu.memory_space<vmem>> -> memref<1x128xi32, #tpu.memory_space<vmem>>
        %dma_wait3A_70 = tpu.memref_squeeze %dma_wait3A_69 : memref<1x128xi32, #tpu.memory_space<vmem>> -> memref<128xi32, #tpu.memory_space<vmem>>
        %dma_wait3A_71 = arith.constant 0 : i32
        %dma_wait3A_72 = arith.constant 0 : i32
        %dma_wait3A_73 = tpu.memref_slice %arg11[%dma_wait3A_71, %dma_wait3A_72] : memref<10112x128xf32, #tpu.memory_space<vmem_shared>> -> memref<10112x128xf32, #tpu.memory_space<vmem_shared>>
        tpu.wait_indirect_dma semaphore(%run_scoped3A : memref<!tpu.dma_semaphore, #tpu.memory_space<semaphore_mem>>) src(%arg10 : memref<128x128xf32, #tpu.memory_space<vmem>>) dst(%dma_wait3A_73 : memref<10112x128xf32, #tpu.memory_space<vmem_shared>>)
        tpu.yield
      }) : () -> ()
    }
    %scan3A_26 = arith.constant 20 : i32
    %barrier3A_27 = arith.constant 0 : index
    tpu.barrier barrier_id(%barrier3A_27)
    %mul3A_28 = arith.constant 632 : i32
    %mul3A_29 = arith.muli %arg1, %mul3A_28 : i32
    %mul3A_30 = arith.constant 632 : i32
    %mul3A_31 = arith.muli %arg1, %mul3A_30 : i32
    "tpu.region"() ({
      %run_scoped3A = tpu.sem_alloc : memref<!tpu.dma_semaphore, #tpu.memory_space<semaphore_mem>>
      %dma_start3A_32 = arith.constant 0 : i32
      %dma_start3A_33 = tpu.memref_slice %arg6[%arg0, %mul3A_31, %dma_start3A_32] : memref<2x10112x128xf32, #tpu.memory_space<hbm>> -> memref<1x632x128xf32, #tpu.memory_space<hbm>>
      %dma_start3A_34 = tpu.memref_squeeze %dma_start3A_33 : memref<1x632x128xf32, #tpu.memory_space<hbm>> -> memref<632x128xf32, #tpu.memory_space<hbm>>
      %dma_start3A_35 = arith.constant 0 : i32
      %dma_start3A_36 = tpu.memref_slice %arg11[%mul3A_29, %dma_start3A_35] : memref<10112x128xf32, #tpu.memory_space<vmem_shared>> -> memref<632x128xf32, #tpu.memory_space<vmem_shared>>
      tpu.enqueue_dma source(%dma_start3A_36 : memref<632x128xf32, #tpu.memory_space<vmem_shared>>) target(%dma_start3A_34 : memref<632x128xf32, #tpu.memory_space<hbm>>) target_semaphore(%run_scoped3A : memref<!tpu.dma_semaphore, #tpu.memory_space<semaphore_mem>>)
      %dma_wait3A = arith.constant 0 : i32
      %dma_wait3A_37 = tpu.memref_slice %arg6[%arg0, %mul3A_31, %dma_wait3A] : memref<2x10112x128xf32, #tpu.memory_space<hbm>> -> memref<1x632x128xf32, #tpu.memory_space<hbm>>
      %dma_wait3A_38 = tpu.memref_squeeze %dma_wait3A_37 : memref<1x632x128xf32, #tpu.memory_space<hbm>> -> memref<632x128xf32, #tpu.memory_space<hbm>>
      %dma_wait3A_39 = arith.constant 0 : i32
      %dma_wait3A_40 = tpu.memref_slice %arg11[%mul3A_29, %dma_wait3A_39] : memref<10112x128xf32, #tpu.memory_space<vmem_shared>> -> memref<632x128xf32, #tpu.memory_space<vmem_shared>>
      tpu.wait_dma2 semaphore(%run_scoped3A : memref<!tpu.dma_semaphore, #tpu.memory_space<semaphore_mem>>) src(%dma_wait3A_40 : memref<632x128xf32, #tpu.memory_space<vmem_shared>>) dst(%dma_wait3A_38 : memref<632x128xf32, #tpu.memory_space<hbm>>)
      tpu.yield
    }) : () -> ()
    return
  }
}

#map = affine_map<(d0, d1) -> (0, 0)>
#map1 = affine_map<(d0, d1) -> (0, 0, 0)>
module attributes {stable_mosaic.version = 14 : i64} {
  func.func @_sc_scatter_body(%arg0: i32, %arg1: i32, %arg2: memref<10000x128xf32, #tpu.memory_space<hbm>>, %arg3: memref<32x80x128xi32, #tpu.memory_space<hbm>>, %arg4: memref<32x80x128xi32, #tpu.memory_space<hbm>>, %arg5: memref<632x128xf32, #tpu.memory_space<hbm>>, %arg6: memref<2x10112x128xf32, #tpu.memory_space<hbm>>, %arg7: memref<40x128xi32, #tpu.memory_space<vmem>>, %arg8: memref<40x128xi32, #tpu.memory_space<vmem>>, %arg9: memref<128x128xf32, #tpu.memory_space<vmem>>, %arg10: memref<128x128xf32, #tpu.memory_space<vmem>>, %arg11: memref<10112x128xf32, #tpu.memory_space<vmem_shared>>, %arg12: memref<!tpu.dma_semaphore, #tpu.memory_space<semaphore_mem>>, %arg13: memref<!tpu.dma_semaphore, #tpu.memory_space<semaphore_mem>>) attributes {dimension_semantics = [#tpu.dimension_semantics<core_parallel>, #tpu.dimension_semantics<subcore_parallel>], iteration_bounds = array<i64: 2, 16>, scalar_prefetch = 0 : i64, scratch_operands = 7 : i64, tpu.core_type = #tpu.core_type<sc_vector_subcore>, window_params = [{transform_indices = #map}, {transform_indices = #map1}, {transform_indices = #map1}, {transform_indices = #map}, {transform_indices = #map1}]} {
    %mul3A = arith.constant 2 : i32
    %mul3A_0 = arith.muli %arg1, %mul3A : i32
    %add3A = arith.addi %mul3A_0, %arg0 : i32
    %mul3A_1 = arith.constant 632 : i32
    %mul3A_2 = arith.muli %arg1, %mul3A_1 : i32
    "tpu.region"() ({
      %run_scoped3A = tpu.sem_alloc : memref<!tpu.dma_semaphore, #tpu.memory_space<semaphore_mem>>
      %dma_start3A_32 = arith.constant 0 : i32
      %dma_start3A_33 = tpu.memref_slice %arg11[%mul3A_2, %dma_start3A_32] : memref<10112x128xf32, #tpu.memory_space<vmem_shared>> -> memref<632x128xf32, #tpu.memory_space<vmem_shared>>
      tpu.enqueue_dma source(%arg5 : memref<632x128xf32, #tpu.memory_space<hbm>>) target(%dma_start3A_33 : memref<632x128xf32, #tpu.memory_space<vmem_shared>>) target_semaphore(%run_scoped3A : memref<!tpu.dma_semaphore, #tpu.memory_space<semaphore_mem>>)
      %dma_wait3A = arith.constant 0 : i32
      %dma_wait3A_34 = tpu.memref_slice %arg11[%mul3A_2, %dma_wait3A] : memref<10112x128xf32, #tpu.memory_space<vmem_shared>> -> memref<632x128xf32, #tpu.memory_space<vmem_shared>>
      tpu.wait_dma2 semaphore(%run_scoped3A : memref<!tpu.dma_semaphore, #tpu.memory_space<semaphore_mem>>) src(%arg5 : memref<632x128xf32, #tpu.memory_space<hbm>>) dst(%dma_wait3A_34 : memref<632x128xf32, #tpu.memory_space<vmem_shared>>)
      tpu.yield
    }) : () -> ()
    %barrier3A = arith.constant 0 : index
    tpu.barrier barrier_id(%barrier3A)
    "tpu.region"() ({
      %run_scoped3A = tpu.sem_alloc : memref<!tpu.dma_semaphore, #tpu.memory_space<semaphore_mem>>
      %dma_start3A_32 = arith.constant 0 : i32
      %dma_start3A_33 = arith.constant 0 : i32
      %dma_start3A_34 = tpu.memref_slice %arg3[%add3A, %dma_start3A_32, %dma_start3A_33] : memref<32x80x128xi32, #tpu.memory_space<hbm>> -> memref<1x40x128xi32, #tpu.memory_space<hbm>>
      %dma_start3A_35 = tpu.memref_squeeze %dma_start3A_34 : memref<1x40x128xi32, #tpu.memory_space<hbm>> -> memref<40x128xi32, #tpu.memory_space<hbm>>
      %dma_start3A_36 = arith.constant 0 : i32
      %dma_start3A_37 = arith.constant 0 : i32
      %dma_start3A_38 = tpu.memref_slice %arg3[%add3A, %dma_start3A_36, %dma_start3A_37] : memref<32x80x128xi32, #tpu.memory_space<hbm>> -> memref<1x40x128xi32, #tpu.memory_space<hbm>>
      %dma_start3A_39 = tpu.memref_squeeze %dma_start3A_38 : memref<1x40x128xi32, #tpu.memory_space<hbm>> -> memref<40x128xi32, #tpu.memory_space<hbm>>
      tpu.enqueue_dma source(%dma_start3A_39 : memref<40x128xi32, #tpu.memory_space<hbm>>) target(%arg7 : memref<40x128xi32, #tpu.memory_space<vmem>>) target_semaphore(%run_scoped3A : memref<!tpu.dma_semaphore, #tpu.memory_space<semaphore_mem>>)
      %dma_wait3A = arith.constant 0 : i32
      %dma_wait3A_40 = arith.constant 0 : i32
      %dma_wait3A_41 = tpu.memref_slice %arg3[%add3A, %dma_wait3A, %dma_wait3A_40] : memref<32x80x128xi32, #tpu.memory_space<hbm>> -> memref<1x40x128xi32, #tpu.memory_space<hbm>>
      %dma_wait3A_42 = tpu.memref_squeeze %dma_wait3A_41 : memref<1x40x128xi32, #tpu.memory_space<hbm>> -> memref<40x128xi32, #tpu.memory_space<hbm>>
      %dma_wait3A_43 = arith.constant 0 : i32
      %dma_wait3A_44 = arith.constant 0 : i32
      %dma_wait3A_45 = tpu.memref_slice %arg3[%add3A, %dma_wait3A_43, %dma_wait3A_44] : memref<32x80x128xi32, #tpu.memory_space<hbm>> -> memref<1x40x128xi32, #tpu.memory_space<hbm>>
      %dma_wait3A_46 = tpu.memref_squeeze %dma_wait3A_45 : memref<1x40x128xi32, #tpu.memory_space<hbm>> -> memref<40x128xi32, #tpu.memory_space<hbm>>
      tpu.wait_dma2 semaphore(%run_scoped3A : memref<!tpu.dma_semaphore, #tpu.memory_space<semaphore_mem>>) src(%dma_wait3A_46 : memref<40x128xi32, #tpu.memory_space<hbm>>) dst(%arg7 : memref<40x128xi32, #tpu.memory_space<vmem>>)
      tpu.yield
    }) : () -> ()
    "tpu.region"() ({
      %run_scoped3A = tpu.sem_alloc : memref<!tpu.dma_semaphore, #tpu.memory_space<semaphore_mem>>
      %dma_start3A_32 = arith.constant 0 : i32
      %dma_start3A_33 = arith.constant 0 : i32
      %dma_start3A_34 = tpu.memref_slice %arg4[%add3A, %dma_start3A_32, %dma_start3A_33] : memref<32x80x128xi32, #tpu.memory_space<hbm>> -> memref<1x40x128xi32, #tpu.memory_space<hbm>>
      %dma_start3A_35 = tpu.memref_squeeze %dma_start3A_34 : memref<1x40x128xi32, #tpu.memory_space<hbm>> -> memref<40x128xi32, #tpu.memory_space<hbm>>
      %dma_start3A_36 = arith.constant 0 : i32
      %dma_start3A_37 = arith.constant 0 : i32
      %dma_start3A_38 = tpu.memref_slice %arg4[%add3A, %dma_start3A_36, %dma_start3A_37] : memref<32x80x128xi32, #tpu.memory_space<hbm>> -> memref<1x40x128xi32, #tpu.memory_space<hbm>>
      %dma_start3A_39 = tpu.memref_squeeze %dma_start3A_38 : memref<1x40x128xi32, #tpu.memory_space<hbm>> -> memref<40x128xi32, #tpu.memory_space<hbm>>
      tpu.enqueue_dma source(%dma_start3A_39 : memref<40x128xi32, #tpu.memory_space<hbm>>) target(%arg8 : memref<40x128xi32, #tpu.memory_space<vmem>>) target_semaphore(%run_scoped3A : memref<!tpu.dma_semaphore, #tpu.memory_space<semaphore_mem>>)
      %dma_wait3A = arith.constant 0 : i32
      %dma_wait3A_40 = arith.constant 0 : i32
      %dma_wait3A_41 = tpu.memref_slice %arg4[%add3A, %dma_wait3A, %dma_wait3A_40] : memref<32x80x128xi32, #tpu.memory_space<hbm>> -> memref<1x40x128xi32, #tpu.memory_space<hbm>>
      %dma_wait3A_42 = tpu.memref_squeeze %dma_wait3A_41 : memref<1x40x128xi32, #tpu.memory_space<hbm>> -> memref<40x128xi32, #tpu.memory_space<hbm>>
      %dma_wait3A_43 = arith.constant 0 : i32
      %dma_wait3A_44 = arith.constant 0 : i32
      %dma_wait3A_45 = tpu.memref_slice %arg4[%add3A, %dma_wait3A_43, %dma_wait3A_44] : memref<32x80x128xi32, #tpu.memory_space<hbm>> -> memref<1x40x128xi32, #tpu.memory_space<hbm>>
      %dma_wait3A_46 = tpu.memref_squeeze %dma_wait3A_45 : memref<1x40x128xi32, #tpu.memory_space<hbm>> -> memref<40x128xi32, #tpu.memory_space<hbm>>
      tpu.wait_dma2 semaphore(%run_scoped3A : memref<!tpu.dma_semaphore, #tpu.memory_space<semaphore_mem>>) src(%dma_wait3A_46 : memref<40x128xi32, #tpu.memory_space<hbm>>) dst(%arg8 : memref<40x128xi32, #tpu.memory_space<vmem>>)
      tpu.yield
    }) : () -> ()
    %dma_start3A = arith.constant 0 : i32
    %dma_start3A_3 = arith.constant 0 : i32
    %dma_start3A_4 = tpu.memref_slice %arg7[%dma_start3A, %dma_start3A_3] : memref<40x128xi32, #tpu.memory_space<vmem>> -> memref<1x128xi32, #tpu.memory_space<vmem>>
    %dma_start3A_5 = tpu.memref_squeeze %dma_start3A_4 : memref<1x128xi32, #tpu.memory_space<vmem>> -> memref<128xi32, #tpu.memory_space<vmem>>
    %dma_start3A_6 = arith.constant 0 : i32
    %dma_start3A_7 = arith.constant 0 : i32
    %dma_start3A_8 = tpu.memref_slice %arg2[%dma_start3A_6, %dma_start3A_7] : memref<10000x128xf32, #tpu.memory_space<hbm>> -> memref<10000x128xf32, #tpu.memory_space<hbm>>
    tpu.enqueue_indirect_dma source(%dma_start3A_8 : memref<10000x128xf32, #tpu.memory_space<hbm>>) target(%arg9 : memref<128x128xf32, #tpu.memory_space<vmem>>) offsets(%dma_start3A_5 : memref<128xi32, #tpu.memory_space<vmem>>) semaphore(%arg12 : memref<!tpu.dma_semaphore, #tpu.memory_space<semaphore_mem>>)
    %scan3A = arith.constant 0 : i32
    %scan3A_9 = arith.constant 0 : i32
    %scan3A_10 = arith.constant 20 : i32
    %scan3A_11 = arith.addi %scan3A_9, %scan3A_10 : i32
    %scan3A_12 = arith.constant 1 : i32
    scf.for %scan3A_32 = %scan3A_9 to %scan3A_11 step %scan3A_12  : i32 {
      %mul3A_33 = arith.constant 2 : i32
      %mul3A_34 = arith.muli %mul3A_33, %scan3A_32 : i32
      %add3A_35 = arith.constant 1 : i32
      %add3A_36 = arith.addi %mul3A_34, %add3A_35 : i32
      %dma_start3A_37 = arith.constant 0 : i32
      %dma_start3A_38 = tpu.memref_slice %arg7[%add3A_36, %dma_start3A_37] : memref<40x128xi32, #tpu.memory_space<vmem>> -> memref<1x128xi32, #tpu.memory_space<vmem>>
      %dma_start3A_39 = tpu.memref_squeeze %dma_start3A_38 : memref<1x128xi32, #tpu.memory_space<vmem>> -> memref<128xi32, #tpu.memory_space<vmem>>
      %dma_start3A_40 = arith.constant 0 : i32
      %dma_start3A_41 = arith.constant 0 : i32
      %dma_start3A_42 = tpu.memref_slice %arg2[%dma_start3A_40, %dma_start3A_41] : memref<10000x128xf32, #tpu.memory_space<hbm>> -> memref<10000x128xf32, #tpu.memory_space<hbm>>
      tpu.enqueue_indirect_dma source(%dma_start3A_42 : memref<10000x128xf32, #tpu.memory_space<hbm>>) target(%arg10 : memref<128x128xf32, #tpu.memory_space<vmem>>) offsets(%dma_start3A_39 : memref<128xi32, #tpu.memory_space<vmem>>) semaphore(%arg13 : memref<!tpu.dma_semaphore, #tpu.memory_space<semaphore_mem>>)
      %dma_wait3A = arith.constant 0 : i32
      %dma_wait3A_43 = tpu.memref_slice %arg7[%mul3A_34, %dma_wait3A] : memref<40x128xi32, #tpu.memory_space<vmem>> -> memref<1x128xi32, #tpu.memory_space<vmem>>
      %dma_wait3A_44 = tpu.memref_squeeze %dma_wait3A_43 : memref<1x128xi32, #tpu.memory_space<vmem>> -> memref<128xi32, #tpu.memory_space<vmem>>
      %dma_wait3A_45 = arith.constant 0 : i32
      %dma_wait3A_46 = arith.constant 0 : i32
      %dma_wait3A_47 = tpu.memref_slice %arg2[%dma_wait3A_45, %dma_wait3A_46] : memref<10000x128xf32, #tpu.memory_space<hbm>> -> memref<10000x128xf32, #tpu.memory_space<hbm>>
      tpu.wait_indirect_dma semaphore(%arg12 : memref<!tpu.dma_semaphore, #tpu.memory_space<semaphore_mem>>) src(%dma_wait3A_47 : memref<10000x128xf32, #tpu.memory_space<hbm>>) dst(%arg9 : memref<128x128xf32, #tpu.memory_space<vmem>>)
      "tpu.region"() ({
        %run_scoped3A = tpu.sem_alloc : memref<!tpu.dma_semaphore, #tpu.memory_space<semaphore_mem>>
        %dma_start3A_62 = arith.constant 0 : i32
        %dma_start3A_63 = tpu.memref_slice %arg8[%mul3A_34, %dma_start3A_62] : memref<40x128xi32, #tpu.memory_space<vmem>> -> memref<1x128xi32, #tpu.memory_space<vmem>>
        %dma_start3A_64 = tpu.memref_squeeze %dma_start3A_63 : memref<1x128xi32, #tpu.memory_space<vmem>> -> memref<128xi32, #tpu.memory_space<vmem>>
        %dma_start3A_65 = arith.constant 0 : i32
        %dma_start3A_66 = arith.constant 0 : i32
        %dma_start3A_67 = tpu.memref_slice %arg11[%dma_start3A_65, %dma_start3A_66] : memref<10112x128xf32, #tpu.memory_space<vmem_shared>> -> memref<10112x128xf32, #tpu.memory_space<vmem_shared>>
        tpu.enqueue_indirect_dma source(%arg9 : memref<128x128xf32, #tpu.memory_space<vmem>>) target(%dma_start3A_67 : memref<10112x128xf32, #tpu.memory_space<vmem_shared>>) offsets(%dma_start3A_64 : memref<128xi32, #tpu.memory_space<vmem>>) semaphore(%run_scoped3A : memref<!tpu.dma_semaphore, #tpu.memory_space<semaphore_mem>>) {add = true}
        %dma_wait3A_68 = arith.constant 0 : i32
        %dma_wait3A_69 = tpu.memref_slice %arg8[%mul3A_34, %dma_wait3A_68] : memref<40x128xi32, #tpu.memory_space<vmem>> -> memref<1x128xi32, #tpu.memory_space<vmem>>
        %dma_wait3A_70 = tpu.memref_squeeze %dma_wait3A_69 : memref<1x128xi32, #tpu.memory_space<vmem>> -> memref<128xi32, #tpu.memory_space<vmem>>
        %dma_wait3A_71 = arith.constant 0 : i32
        %dma_wait3A_72 = arith.constant 0 : i32
        %dma_wait3A_73 = tpu.memref_slice %arg11[%dma_wait3A_71, %dma_wait3A_72] : memref<10112x128xf32, #tpu.memory_space<vmem_shared>> -> memref<10112x128xf32, #tpu.memory_space<vmem_shared>>
        tpu.wait_indirect_dma semaphore(%run_scoped3A : memref<!tpu.dma_semaphore, #tpu.memory_space<semaphore_mem>>) src(%arg9 : memref<128x128xf32, #tpu.memory_space<vmem>>) dst(%dma_wait3A_73 : memref<10112x128xf32, #tpu.memory_space<vmem_shared>>)
        tpu.yield
      }) : () -> ()
      %add3A_48 = arith.constant 2 : i32
      %add3A_49 = arith.addi %mul3A_34, %add3A_48 : i32
      %lt3A = arith.constant 40 : i32
      %lt3A_50 = arith.cmpi slt, %add3A_49, %lt3A : i32
      %convert_element_type3A = arith.extui %lt3A_50 : i1 to i32
      %cond3A = arith.constant 0 : i32
      %cond3A_51 = arith.cmpi ne, %convert_element_type3A, %cond3A : i32
      scf.if %cond3A_51 {
        %add3A_62 = arith.constant 2 : i32
        %add3A_63 = arith.addi %mul3A_34, %add3A_62 : i32
        %dma_start3A_64 = arith.constant 0 : i32
        %dma_start3A_65 = tpu.memref_slice %arg7[%add3A_63, %dma_start3A_64] : memref<40x128xi32, #tpu.memory_space<vmem>> -> memref<1x128xi32, #tpu.memory_space<vmem>>
        %dma_start3A_66 = tpu.memref_squeeze %dma_start3A_65 : memref<1x128xi32, #tpu.memory_space<vmem>> -> memref<128xi32, #tpu.memory_space<vmem>>
        %dma_start3A_67 = arith.constant 0 : i32
        %dma_start3A_68 = arith.constant 0 : i32
        %dma_start3A_69 = tpu.memref_slice %arg2[%dma_start3A_67, %dma_start3A_68] : memref<10000x128xf32, #tpu.memory_space<hbm>> -> memref<10000x128xf32, #tpu.memory_space<hbm>>
        tpu.enqueue_indirect_dma source(%dma_start3A_69 : memref<10000x128xf32, #tpu.memory_space<hbm>>) target(%arg9 : memref<128x128xf32, #tpu.memory_space<vmem>>) offsets(%dma_start3A_66 : memref<128xi32, #tpu.memory_space<vmem>>) semaphore(%arg12 : memref<!tpu.dma_semaphore, #tpu.memory_space<semaphore_mem>>)
      } else {
      }
      %add3A_52 = arith.constant 1 : i32
      %add3A_53 = arith.addi %mul3A_34, %add3A_52 : i32
      %dma_wait3A_54 = arith.constant 0 : i32
      %dma_wait3A_55 = tpu.memref_slice %arg7[%add3A_53, %dma_wait3A_54] : memref<40x128xi32, #tpu.memory_space<vmem>> -> memref<1x128xi32, #tpu.memory_space<vmem>>
      %dma_wait3A_56 = tpu.memref_squeeze %dma_wait3A_55 : memref<1x128xi32, #tpu.memory_space<vmem>> -> memref<128xi32, #tpu.memory_space<vmem>>
      %dma_wait3A_57 = arith.constant 0 : i32
      %dma_wait3A_58 = arith.constant 0 : i32
      %dma_wait3A_59 = tpu.memref_slice %arg2[%dma_wait3A_57, %dma_wait3A_58] : memref<10000x128xf32, #tpu.memory_space<hbm>> -> memref<10000x128xf32, #tpu.memory_space<hbm>>
      tpu.wait_indirect_dma semaphore(%arg13 : memref<!tpu.dma_semaphore, #tpu.memory_space<semaphore_mem>>) src(%dma_wait3A_59 : memref<10000x128xf32, #tpu.memory_space<hbm>>) dst(%arg10 : memref<128x128xf32, #tpu.memory_space<vmem>>)
      %add3A_60 = arith.constant 1 : i32
      %add3A_61 = arith.addi %mul3A_34, %add3A_60 : i32
      "tpu.region"() ({
        %run_scoped3A = tpu.sem_alloc : memref<!tpu.dma_semaphore, #tpu.memory_space<semaphore_mem>>
        %dma_start3A_62 = arith.constant 0 : i32
        %dma_start3A_63 = tpu.memref_slice %arg8[%add3A_61, %dma_start3A_62] : memref<40x128xi32, #tpu.memory_space<vmem>> -> memref<1x128xi32, #tpu.memory_space<vmem>>
        %dma_start3A_64 = tpu.memref_squeeze %dma_start3A_63 : memref<1x128xi32, #tpu.memory_space<vmem>> -> memref<128xi32, #tpu.memory_space<vmem>>
        %dma_start3A_65 = arith.constant 0 : i32
        %dma_start3A_66 = arith.constant 0 : i32
        %dma_start3A_67 = tpu.memref_slice %arg11[%dma_start3A_65, %dma_start3A_66] : memref<10112x128xf32, #tpu.memory_space<vmem_shared>> -> memref<10112x128xf32, #tpu.memory_space<vmem_shared>>
        tpu.enqueue_indirect_dma source(%arg10 : memref<128x128xf32, #tpu.memory_space<vmem>>) target(%dma_start3A_67 : memref<10112x128xf32, #tpu.memory_space<vmem_shared>>) offsets(%dma_start3A_64 : memref<128xi32, #tpu.memory_space<vmem>>) semaphore(%run_scoped3A : memref<!tpu.dma_semaphore, #tpu.memory_space<semaphore_mem>>) {add = true}
        %dma_wait3A_68 = arith.constant 0 : i32
        %dma_wait3A_69 = tpu.memref_slice %arg8[%add3A_61, %dma_wait3A_68] : memref<40x128xi32, #tpu.memory_space<vmem>> -> memref<1x128xi32, #tpu.memory_space<vmem>>
        %dma_wait3A_70 = tpu.memref_squeeze %dma_wait3A_69 : memref<1x128xi32, #tpu.memory_space<vmem>> -> memref<128xi32, #tpu.memory_space<vmem>>
        %dma_wait3A_71 = arith.constant 0 : i32
        %dma_wait3A_72 = arith.constant 0 : i32
        %dma_wait3A_73 = tpu.memref_slice %arg11[%dma_wait3A_71, %dma_wait3A_72] : memref<10112x128xf32, #tpu.memory_space<vmem_shared>> -> memref<10112x128xf32, #tpu.memory_space<vmem_shared>>
        tpu.wait_indirect_dma semaphore(%run_scoped3A : memref<!tpu.dma_semaphore, #tpu.memory_space<semaphore_mem>>) src(%arg10 : memref<128x128xf32, #tpu.memory_space<vmem>>) dst(%dma_wait3A_73 : memref<10112x128xf32, #tpu.memory_space<vmem_shared>>)
        tpu.yield
      }) : () -> ()
    }
    %scan3A_13 = arith.constant 20 : i32
    "tpu.region"() ({
      %run_scoped3A = tpu.sem_alloc : memref<!tpu.dma_semaphore, #tpu.memory_space<semaphore_mem>>
      %dma_start3A_32 = arith.constant 40 : i32
      %dma_start3A_33 = arith.constant 0 : i32
      %dma_start3A_34 = tpu.memref_slice %arg3[%add3A, %dma_start3A_32, %dma_start3A_33] : memref<32x80x128xi32, #tpu.memory_space<hbm>> -> memref<1x40x128xi32, #tpu.memory_space<hbm>>
      %dma_start3A_35 = tpu.memref_squeeze %dma_start3A_34 : memref<1x40x128xi32, #tpu.memory_space<hbm>> -> memref<40x128xi32, #tpu.memory_space<hbm>>
      %dma_start3A_36 = arith.constant 40 : i32
      %dma_start3A_37 = arith.constant 0 : i32
      %dma_start3A_38 = tpu.memref_slice %arg3[%add3A, %dma_start3A_36, %dma_start3A_37] : memref<32x80x128xi32, #tpu.memory_space<hbm>> -> memref<1x40x128xi32, #tpu.memory_space<hbm>>
      %dma_start3A_39 = tpu.memref_squeeze %dma_start3A_38 : memref<1x40x128xi32, #tpu.memory_space<hbm>> -> memref<40x128xi32, #tpu.memory_space<hbm>>
      tpu.enqueue_dma source(%dma_start3A_39 : memref<40x128xi32, #tpu.memory_space<hbm>>) target(%arg7 : memref<40x128xi32, #tpu.memory_space<vmem>>) target_semaphore(%run_scoped3A : memref<!tpu.dma_semaphore, #tpu.memory_space<semaphore_mem>>)
      %dma_wait3A = arith.constant 40 : i32
      %dma_wait3A_40 = arith.constant 0 : i32
      %dma_wait3A_41 = tpu.memref_slice %arg3[%add3A, %dma_wait3A, %dma_wait3A_40] : memref<32x80x128xi32, #tpu.memory_space<hbm>> -> memref<1x40x128xi32, #tpu.memory_space<hbm>>
      %dma_wait3A_42 = tpu.memref_squeeze %dma_wait3A_41 : memref<1x40x128xi32, #tpu.memory_space<hbm>> -> memref<40x128xi32, #tpu.memory_space<hbm>>
      %dma_wait3A_43 = arith.constant 40 : i32
      %dma_wait3A_44 = arith.constant 0 : i32
      %dma_wait3A_45 = tpu.memref_slice %arg3[%add3A, %dma_wait3A_43, %dma_wait3A_44] : memref<32x80x128xi32, #tpu.memory_space<hbm>> -> memref<1x40x128xi32, #tpu.memory_space<hbm>>
      %dma_wait3A_46 = tpu.memref_squeeze %dma_wait3A_45 : memref<1x40x128xi32, #tpu.memory_space<hbm>> -> memref<40x128xi32, #tpu.memory_space<hbm>>
      tpu.wait_dma2 semaphore(%run_scoped3A : memref<!tpu.dma_semaphore, #tpu.memory_space<semaphore_mem>>) src(%dma_wait3A_46 : memref<40x128xi32, #tpu.memory_space<hbm>>) dst(%arg7 : memref<40x128xi32, #tpu.memory_space<vmem>>)
      tpu.yield
    }) : () -> ()
    "tpu.region"() ({
      %run_scoped3A = tpu.sem_alloc : memref<!tpu.dma_semaphore, #tpu.memory_space<semaphore_mem>>
      %dma_start3A_32 = arith.constant 40 : i32
      %dma_start3A_33 = arith.constant 0 : i32
      %dma_start3A_34 = tpu.memref_slice %arg4[%add3A, %dma_start3A_32, %dma_start3A_33] : memref<32x80x128xi32, #tpu.memory_space<hbm>> -> memref<1x40x128xi32, #tpu.memory_space<hbm>>
      %dma_start3A_35 = tpu.memref_squeeze %dma_start3A_34 : memref<1x40x128xi32, #tpu.memory_space<hbm>> -> memref<40x128xi32, #tpu.memory_space<hbm>>
      %dma_start3A_36 = arith.constant 40 : i32
      %dma_start3A_37 = arith.constant 0 : i32
      %dma_start3A_38 = tpu.memref_slice %arg4[%add3A, %dma_start3A_36, %dma_start3A_37] : memref<32x80x128xi32, #tpu.memory_space<hbm>> -> memref<1x40x128xi32, #tpu.memory_space<hbm>>
      %dma_start3A_39 = tpu.memref_squeeze %dma_start3A_38 : memref<1x40x128xi32, #tpu.memory_space<hbm>> -> memref<40x128xi32, #tpu.memory_space<hbm>>
      tpu.enqueue_dma source(%dma_start3A_39 : memref<40x128xi32, #tpu.memory_space<hbm>>) target(%arg8 : memref<40x128xi32, #tpu.memory_space<vmem>>) target_semaphore(%run_scoped3A : memref<!tpu.dma_semaphore, #tpu.memory_space<semaphore_mem>>)
      %dma_wait3A = arith.constant 40 : i32
      %dma_wait3A_40 = arith.constant 0 : i32
      %dma_wait3A_41 = tpu.memref_slice %arg4[%add3A, %dma_wait3A, %dma_wait3A_40] : memref<32x80x128xi32, #tpu.memory_space<hbm>> -> memref<1x40x128xi32, #tpu.memory_space<hbm>>
      %dma_wait3A_42 = tpu.memref_squeeze %dma_wait3A_41 : memref<1x40x128xi32, #tpu.memory_space<hbm>> -> memref<40x128xi32, #tpu.memory_space<hbm>>
      %dma_wait3A_43 = arith.constant 40 : i32
      %dma_wait3A_44 = arith.constant 0 : i32
      %dma_wait3A_45 = tpu.memref_slice %arg4[%add3A, %dma_wait3A_43, %dma_wait3A_44] : memref<32x80x128xi32, #tpu.memory_space<hbm>> -> memref<1x40x128xi32, #tpu.memory_space<hbm>>
      %dma_wait3A_46 = tpu.memref_squeeze %dma_wait3A_45 : memref<1x40x128xi32, #tpu.memory_space<hbm>> -> memref<40x128xi32, #tpu.memory_space<hbm>>
      tpu.wait_dma2 semaphore(%run_scoped3A : memref<!tpu.dma_semaphore, #tpu.memory_space<semaphore_mem>>) src(%dma_wait3A_46 : memref<40x128xi32, #tpu.memory_space<hbm>>) dst(%arg8 : memref<40x128xi32, #tpu.memory_space<vmem>>)
      tpu.yield
    }) : () -> ()
    %dma_start3A_14 = arith.constant 0 : i32
    %dma_start3A_15 = arith.constant 0 : i32
    %dma_start3A_16 = tpu.memref_slice %arg7[%dma_start3A_14, %dma_start3A_15] : memref<40x128xi32, #tpu.memory_space<vmem>> -> memref<1x128xi32, #tpu.memory_space<vmem>>
    %dma_start3A_17 = tpu.memref_squeeze %dma_start3A_16 : memref<1x128xi32, #tpu.memory_space<vmem>> -> memref<128xi32, #tpu.memory_space<vmem>>
    %dma_start3A_18 = arith.constant 0 : i32
    %dma_start3A_19 = arith.constant 0 : i32
    %dma_start3A_20 = tpu.memref_slice %arg2[%dma_start3A_18, %dma_start3A_19] : memref<10000x128xf32, #tpu.memory_space<hbm>> -> memref<10000x128xf32, #tpu.memory_space<hbm>>
    tpu.enqueue_indirect_dma source(%dma_start3A_20 : memref<10000x128xf32, #tpu.memory_space<hbm>>) target(%arg9 : memref<128x128xf32, #tpu.memory_space<vmem>>) offsets(%dma_start3A_17 : memref<128xi32, #tpu.memory_space<vmem>>) semaphore(%arg12 : memref<!tpu.dma_semaphore, #tpu.memory_space<semaphore_mem>>)
    %scan3A_21 = arith.constant 0 : i32
    %scan3A_22 = arith.constant 0 : i32
    %scan3A_23 = arith.constant 20 : i32
    %scan3A_24 = arith.addi %scan3A_22, %scan3A_23 : i32
    %scan3A_25 = arith.constant 1 : i32
    scf.for %scan3A_32 = %scan3A_22 to %scan3A_24 step %scan3A_25  : i32 {
      %mul3A_33 = arith.constant 2 : i32
      %mul3A_34 = arith.muli %mul3A_33, %scan3A_32 : i32
      %add3A_35 = arith.constant 1 : i32
      %add3A_36 = arith.addi %mul3A_34, %add3A_35 : i32
      %dma_start3A_37 = arith.constant 0 : i32
      %dma_start3A_38 = tpu.memref_slice %arg7[%add3A_36, %dma_start3A_37] : memref<40x128xi32, #tpu.memory_space<vmem>> -> memref<1x128xi32, #tpu.memory_space<vmem>>
      %dma_start3A_39 = tpu.memref_squeeze %dma_start3A_38 : memref<1x128xi32, #tpu.memory_space<vmem>> -> memref<128xi32, #tpu.memory_space<vmem>>
      %dma_start3A_40 = arith.constant 0 : i32
      %dma_start3A_41 = arith.constant 0 : i32
      %dma_start3A_42 = tpu.memref_slice %arg2[%dma_start3A_40, %dma_start3A_41] : memref<10000x128xf32, #tpu.memory_space<hbm>> -> memref<10000x128xf32, #tpu.memory_space<hbm>>
      tpu.enqueue_indirect_dma source(%dma_start3A_42 : memref<10000x128xf32, #tpu.memory_space<hbm>>) target(%arg10 : memref<128x128xf32, #tpu.memory_space<vmem>>) offsets(%dma_start3A_39 : memref<128xi32, #tpu.memory_space<vmem>>) semaphore(%arg13 : memref<!tpu.dma_semaphore, #tpu.memory_space<semaphore_mem>>)
      %dma_wait3A = arith.constant 0 : i32
      %dma_wait3A_43 = tpu.memref_slice %arg7[%mul3A_34, %dma_wait3A] : memref<40x128xi32, #tpu.memory_space<vmem>> -> memref<1x128xi32, #tpu.memory_space<vmem>>
      %dma_wait3A_44 = tpu.memref_squeeze %dma_wait3A_43 : memref<1x128xi32, #tpu.memory_space<vmem>> -> memref<128xi32, #tpu.memory_space<vmem>>
      %dma_wait3A_45 = arith.constant 0 : i32
      %dma_wait3A_46 = arith.constant 0 : i32
      %dma_wait3A_47 = tpu.memref_slice %arg2[%dma_wait3A_45, %dma_wait3A_46] : memref<10000x128xf32, #tpu.memory_space<hbm>> -> memref<10000x128xf32, #tpu.memory_space<hbm>>
      tpu.wait_indirect_dma semaphore(%arg12 : memref<!tpu.dma_semaphore, #tpu.memory_space<semaphore_mem>>) src(%dma_wait3A_47 : memref<10000x128xf32, #tpu.memory_space<hbm>>) dst(%arg9 : memref<128x128xf32, #tpu.memory_space<vmem>>)
      "tpu.region"() ({
        %run_scoped3A = tpu.sem_alloc : memref<!tpu.dma_semaphore, #tpu.memory_space<semaphore_mem>>
        %dma_start3A_62 = arith.constant 0 : i32
        %dma_start3A_63 = tpu.memref_slice %arg8[%mul3A_34, %dma_start3A_62] : memref<40x128xi32, #tpu.memory_space<vmem>> -> memref<1x128xi32, #tpu.memory_space<vmem>>
        %dma_start3A_64 = tpu.memref_squeeze %dma_start3A_63 : memref<1x128xi32, #tpu.memory_space<vmem>> -> memref<128xi32, #tpu.memory_space<vmem>>
        %dma_start3A_65 = arith.constant 0 : i32
        %dma_start3A_66 = arith.constant 0 : i32
        %dma_start3A_67 = tpu.memref_slice %arg11[%dma_start3A_65, %dma_start3A_66] : memref<10112x128xf32, #tpu.memory_space<vmem_shared>> -> memref<10112x128xf32, #tpu.memory_space<vmem_shared>>
        tpu.enqueue_indirect_dma source(%arg9 : memref<128x128xf32, #tpu.memory_space<vmem>>) target(%dma_start3A_67 : memref<10112x128xf32, #tpu.memory_space<vmem_shared>>) offsets(%dma_start3A_64 : memref<128xi32, #tpu.memory_space<vmem>>) semaphore(%run_scoped3A : memref<!tpu.dma_semaphore, #tpu.memory_space<semaphore_mem>>) {add = true}
        %dma_wait3A_68 = arith.constant 0 : i32
        %dma_wait3A_69 = tpu.memref_slice %arg8[%mul3A_34, %dma_wait3A_68] : memref<40x128xi32, #tpu.memory_space<vmem>> -> memref<1x128xi32, #tpu.memory_space<vmem>>
        %dma_wait3A_70 = tpu.memref_squeeze %dma_wait3A_69 : memref<1x128xi32, #tpu.memory_space<vmem>> -> memref<128xi32, #tpu.memory_space<vmem>>
        %dma_wait3A_71 = arith.constant 0 : i32
        %dma_wait3A_72 = arith.constant 0 : i32
        %dma_wait3A_73 = tpu.memref_slice %arg11[%dma_wait3A_71, %dma_wait3A_72] : memref<10112x128xf32, #tpu.memory_space<vmem_shared>> -> memref<10112x128xf32, #tpu.memory_space<vmem_shared>>
        tpu.wait_indirect_dma semaphore(%run_scoped3A : memref<!tpu.dma_semaphore, #tpu.memory_space<semaphore_mem>>) src(%arg9 : memref<128x128xf32, #tpu.memory_space<vmem>>) dst(%dma_wait3A_73 : memref<10112x128xf32, #tpu.memory_space<vmem_shared>>)
        tpu.yield
      }) : () -> ()
      %add3A_48 = arith.constant 2 : i32
      %add3A_49 = arith.addi %mul3A_34, %add3A_48 : i32
      %lt3A = arith.constant 40 : i32
      %lt3A_50 = arith.cmpi slt, %add3A_49, %lt3A : i32
      %convert_element_type3A = arith.extui %lt3A_50 : i1 to i32
      %cond3A = arith.constant 0 : i32
      %cond3A_51 = arith.cmpi ne, %convert_element_type3A, %cond3A : i32
      scf.if %cond3A_51 {
        %add3A_62 = arith.constant 2 : i32
        %add3A_63 = arith.addi %mul3A_34, %add3A_62 : i32
        %dma_start3A_64 = arith.constant 0 : i32
        %dma_start3A_65 = tpu.memref_slice %arg7[%add3A_63, %dma_start3A_64] : memref<40x128xi32, #tpu.memory_space<vmem>> -> memref<1x128xi32, #tpu.memory_space<vmem>>
        %dma_start3A_66 = tpu.memref_squeeze %dma_start3A_65 : memref<1x128xi32, #tpu.memory_space<vmem>> -> memref<128xi32, #tpu.memory_space<vmem>>
        %dma_start3A_67 = arith.constant 0 : i32
        %dma_start3A_68 = arith.constant 0 : i32
        %dma_start3A_69 = tpu.memref_slice %arg2[%dma_start3A_67, %dma_start3A_68] : memref<10000x128xf32, #tpu.memory_space<hbm>> -> memref<10000x128xf32, #tpu.memory_space<hbm>>
        tpu.enqueue_indirect_dma source(%dma_start3A_69 : memref<10000x128xf32, #tpu.memory_space<hbm>>) target(%arg9 : memref<128x128xf32, #tpu.memory_space<vmem>>) offsets(%dma_start3A_66 : memref<128xi32, #tpu.memory_space<vmem>>) semaphore(%arg12 : memref<!tpu.dma_semaphore, #tpu.memory_space<semaphore_mem>>)
      } else {
      }
      %add3A_52 = arith.constant 1 : i32
      %add3A_53 = arith.addi %mul3A_34, %add3A_52 : i32
      %dma_wait3A_54 = arith.constant 0 : i32
      %dma_wait3A_55 = tpu.memref_slice %arg7[%add3A_53, %dma_wait3A_54] : memref<40x128xi32, #tpu.memory_space<vmem>> -> memref<1x128xi32, #tpu.memory_space<vmem>>
      %dma_wait3A_56 = tpu.memref_squeeze %dma_wait3A_55 : memref<1x128xi32, #tpu.memory_space<vmem>> -> memref<128xi32, #tpu.memory_space<vmem>>
      %dma_wait3A_57 = arith.constant 0 : i32
      %dma_wait3A_58 = arith.constant 0 : i32
      %dma_wait3A_59 = tpu.memref_slice %arg2[%dma_wait3A_57, %dma_wait3A_58] : memref<10000x128xf32, #tpu.memory_space<hbm>> -> memref<10000x128xf32, #tpu.memory_space<hbm>>
      tpu.wait_indirect_dma semaphore(%arg13 : memref<!tpu.dma_semaphore, #tpu.memory_space<semaphore_mem>>) src(%dma_wait3A_59 : memref<10000x128xf32, #tpu.memory_space<hbm>>) dst(%arg10 : memref<128x128xf32, #tpu.memory_space<vmem>>)
      %add3A_60 = arith.constant 1 : i32
      %add3A_61 = arith.addi %mul3A_34, %add3A_60 : i32
      "tpu.region"() ({
        %run_scoped3A = tpu.sem_alloc : memref<!tpu.dma_semaphore, #tpu.memory_space<semaphore_mem>>
        %dma_start3A_62 = arith.constant 0 : i32
        %dma_start3A_63 = tpu.memref_slice %arg8[%add3A_61, %dma_start3A_62] : memref<40x128xi32, #tpu.memory_space<vmem>> -> memref<1x128xi32, #tpu.memory_space<vmem>>
        %dma_start3A_64 = tpu.memref_squeeze %dma_start3A_63 : memref<1x128xi32, #tpu.memory_space<vmem>> -> memref<128xi32, #tpu.memory_space<vmem>>
        %dma_start3A_65 = arith.constant 0 : i32
        %dma_start3A_66 = arith.constant 0 : i32
        %dma_start3A_67 = tpu.memref_slice %arg11[%dma_start3A_65, %dma_start3A_66] : memref<10112x128xf32, #tpu.memory_space<vmem_shared>> -> memref<10112x128xf32, #tpu.memory_space<vmem_shared>>
        tpu.enqueue_indirect_dma source(%arg10 : memref<128x128xf32, #tpu.memory_space<vmem>>) target(%dma_start3A_67 : memref<10112x128xf32, #tpu.memory_space<vmem_shared>>) offsets(%dma_start3A_64 : memref<128xi32, #tpu.memory_space<vmem>>) semaphore(%run_scoped3A : memref<!tpu.dma_semaphore, #tpu.memory_space<semaphore_mem>>) {add = true}
        %dma_wait3A_68 = arith.constant 0 : i32
        %dma_wait3A_69 = tpu.memref_slice %arg8[%add3A_61, %dma_wait3A_68] : memref<40x128xi32, #tpu.memory_space<vmem>> -> memref<1x128xi32, #tpu.memory_space<vmem>>
        %dma_wait3A_70 = tpu.memref_squeeze %dma_wait3A_69 : memref<1x128xi32, #tpu.memory_space<vmem>> -> memref<128xi32, #tpu.memory_space<vmem>>
        %dma_wait3A_71 = arith.constant 0 : i32
        %dma_wait3A_72 = arith.constant 0 : i32
        %dma_wait3A_73 = tpu.memref_slice %arg11[%dma_wait3A_71, %dma_wait3A_72] : memref<10112x128xf32, #tpu.memory_space<vmem_shared>> -> memref<10112x128xf32, #tpu.memory_space<vmem_shared>>
        tpu.wait_indirect_dma semaphore(%run_scoped3A : memref<!tpu.dma_semaphore, #tpu.memory_space<semaphore_mem>>) src(%arg10 : memref<128x128xf32, #tpu.memory_space<vmem>>) dst(%dma_wait3A_73 : memref<10112x128xf32, #tpu.memory_space<vmem_shared>>)
        tpu.yield
      }) : () -> ()
    }
    %scan3A_26 = arith.constant 20 : i32
    %barrier3A_27 = arith.constant 0 : index
    tpu.barrier barrier_id(%barrier3A_27)
    %mul3A_28 = arith.constant 632 : i32
    %mul3A_29 = arith.muli %arg1, %mul3A_28 : i32
    %mul3A_30 = arith.constant 632 : i32
    %mul3A_31 = arith.muli %arg1, %mul3A_30 : i32
    "tpu.region"() ({
      %run_scoped3A = tpu.sem_alloc : memref<!tpu.dma_semaphore, #tpu.memory_space<semaphore_mem>>
      %dma_start3A_32 = arith.constant 0 : i32
      %dma_start3A_33 = tpu.memref_slice %arg6[%arg0, %mul3A_31, %dma_start3A_32] : memref<2x10112x128xf32, #tpu.memory_space<hbm>> -> memref<1x632x128xf32, #tpu.memory_space<hbm>>
      %dma_start3A_34 = tpu.memref_squeeze %dma_start3A_33 : memref<1x632x128xf32, #tpu.memory_space<hbm>> -> memref<632x128xf32, #tpu.memory_space<hbm>>
      %dma_start3A_35 = arith.constant 0 : i32
      %dma_start3A_36 = tpu.memref_slice %arg11[%mul3A_29, %dma_start3A_35] : memref<10112x128xf32, #tpu.memory_space<vmem_shared>> -> memref<632x128xf32, #tpu.memory_space<vmem_shared>>
      tpu.enqueue_dma source(%dma_start3A_36 : memref<632x128xf32, #tpu.memory_space<vmem_shared>>) target(%dma_start3A_34 : memref<632x128xf32, #tpu.memory_space<hbm>>) target_semaphore(%run_scoped3A : memref<!tpu.dma_semaphore, #tpu.memory_space<semaphore_mem>>)
      %dma_wait3A = arith.constant 0 : i32
      %dma_wait3A_37 = tpu.memref_slice %arg6[%arg0, %mul3A_31, %dma_wait3A] : memref<2x10112x128xf32, #tpu.memory_space<hbm>> -> memref<1x632x128xf32, #tpu.memory_space<hbm>>
      %dma_wait3A_38 = tpu.memref_squeeze %dma_wait3A_37 : memref<1x632x128xf32, #tpu.memory_space<hbm>> -> memref<632x128xf32, #tpu.memory_space<hbm>>
      %dma_wait3A_39 = arith.constant 0 : i32
      %dma_wait3A_40 = tpu.memref_slice %arg11[%mul3A_29, %dma_wait3A_39] : memref<10112x128xf32, #tpu.memory_space<vmem_shared>> -> memref<632x128xf32, #tpu.memory_space<vmem_shared>>
      tpu.wait_dma2 semaphore(%run_scoped3A : memref<!tpu.dma_semaphore, #tpu.memory_space<semaphore_mem>>) src(%dma_wait3A_40 : memref<632x128xf32, #tpu.memory_space<vmem_shared>>) dst(%dma_wait3A_38 : memref<632x128xf32, #tpu.memory_space<hbm>>)
      tpu.yield
    }) : () -> ()
    return
  }
}

module attributes {stable_mosaic.version = 14 : i64} {
  func.func @_prep_body(%arg0: i32, %arg1: memref<1x1000x128xf32, #tpu.memory_space<vmem>>, %arg2: memref<1x1000x128xf32, #tpu.memory_space<vmem>>, %arg3: memref<1000x128xf32, #tpu.memory_space<vmem>>, %arg4: memref<128x128xf32, #tpu.memory_space<vmem>>, %arg5: memref<1000x128xf32, #tpu.memory_space<vmem>>, %arg6: memref<1000x128xf32, #tpu.memory_space<vmem>>, %arg7: memref<1000x128xf32, #tpu.memory_space<vmem>>) attributes {dimension_semantics = [#tpu.dimension_semantics<arbitrary>], iteration_bounds = array<i64: 10>, scalar_prefetch = 0 : i64, scratch_operands = 0 : i64, tpu.core_type = #tpu.core_type<tc>, window_params = [{transform_indices = @transform_0, window_bounds = array<i64: 1, 1000, 128>}, {transform_indices = @transform_1, window_bounds = array<i64: 1, 1000, 128>}, {transform_indices = @transform_2, window_bounds = array<i64: 1000, 128>}, {pipeline_mode = #tpu.pipeline_mode<synchronous>, transform_indices = @transform_3, window_bounds = array<i64: 128, 128>}, {transform_indices = @transform_4, window_bounds = array<i64: 1000, 128>}, {transform_indices = @transform_5, window_bounds = array<i64: 1000, 128>}, {transform_indices = @transform_6, window_bounds = array<i64: 1000, 128>}]} {
    %get3A = arith.constant 0 : index
    %get3A_0 = arith.constant 0 : index
    %get3A_1 = arith.constant 0 : index
    %get3A_2 = vector.load %arg1[%get3A, %get3A_0, %get3A_1] : memref<1x1000x128xf32, #tpu.memory_space<vmem>>, vector<1x1000x128xf32>
    %get3A_3 = vector.shape_cast %get3A_2 : vector<1x1000x128xf32> to vector<1000x128xf32>
    %get3A_4 = arith.constant 0 : index
    %get3A_5 = arith.constant 0 : index
    %get3A_6 = arith.constant 0 : index
    %get3A_7 = vector.load %arg2[%get3A_4, %get3A_5, %get3A_6] : memref<1x1000x128xf32, #tpu.memory_space<vmem>>, vector<1x1000x128xf32>
    %get3A_8 = vector.shape_cast %get3A_7 : vector<1x1000x128xf32> to vector<1000x128xf32>
    %add3A = arith.addf %get3A_3, %get3A_8 : vector<1000x128xf32>
    %slice3A = vector.extract_strided_slice %add3A {offsets = [0, 0], sizes = [1000, 1], strides = [1, 1]} : vector<1000x128xf32> to vector<1000x1xf32>
    %gt3A = arith.constant 0.000000e+00 : f32
    %gt3A_9 = vector.broadcast %gt3A : f32 to vector<1000x1xf32>
    %gt3A_10 = arith.cmpf ogt, %slice3A, %gt3A_9 : vector<1000x1xf32>
    %sqrt3A = math.sqrt %slice3A : vector<1000x1xf32>
    %div3A = arith.constant 1.000000e+00 : f32
    %div3A_11 = vector.broadcast %div3A : f32 to vector<1000x1xf32>
    %div3A_12 = arith.divf %div3A_11, %sqrt3A : vector<1000x1xf32>
    %jit3A = arith.constant 0.000000e+00 : f32
    %broadcast_in_dim3A = vector.broadcast %jit3A : f32 to vector<1000x1xf32>
    %select_n3A = arith.select %gt3A_10, %div3A_12, %broadcast_in_dim3A : vector<1000x1xi1>, vector<1000x1xf32>
    %broadcast_in_dim3A_13 = vector.shape_cast %select_n3A : vector<1000x1xf32> to vector<1000x1xf32>
    %broadcast_in_dim3A_14 = vector.broadcast %broadcast_in_dim3A_13 : vector<1000x1xf32> to vector<1000x128xf32>
    %get3A_15 = arith.constant 0 : index
    %get3A_16 = arith.constant 0 : index
    %get3A_17 = vector.load %arg3[%get3A_15, %get3A_16] : memref<1000x128xf32, #tpu.memory_space<vmem>>, vector<1000x128xf32>
    %swap3A = arith.constant 0 : index
    %swap3A_18 = arith.constant 0 : index
    %swap3A_19 = vector.load %arg5[%swap3A, %swap3A_18] : memref<1000x128xf32, #tpu.memory_space<vmem>>, vector<1000x128xf32>
    tpu.vector_store %arg5[%swap3A, %swap3A_18], %broadcast_in_dim3A_14 {strides = array<i32>} : memref<1000x128xf32, #tpu.memory_space<vmem>>, vector<1000x128xf32>,
    %mul3A = arith.mulf %broadcast_in_dim3A_14, %get3A_17 : vector<1000x128xf32>
    %swap3A_20 = arith.constant 0 : index
    %swap3A_21 = arith.constant 0 : index
    %swap3A_22 = vector.load %arg6[%swap3A_20, %swap3A_21] : memref<1000x128xf32, #tpu.memory_space<vmem>>, vector<1000x128xf32>
    tpu.vector_store %arg6[%swap3A_20, %swap3A_21], %mul3A {strides = array<i32>} : memref<1000x128xf32, #tpu.memory_space<vmem>>, vector<1000x128xf32>,
    %get3A_23 = arith.constant 0 : index
    %get3A_24 = arith.constant 0 : index
    %get3A_25 = vector.load %arg4[%get3A_23, %get3A_24] : memref<128x128xf32, #tpu.memory_space<vmem>>, vector<128x128xf32>
    %dot_general3A = arith.constant dense<0.000000e+00> : vector<1000x128xf32>
    %dot_general3A_26 = tpu.matmul %get3A_17, %get3A_25, %dot_general3A {dimension_numbers = #tpu.dot_dimension_numbers<[1], [0], [0], [1], [0, 0, 1, 1], [], []>, transpose_lhs_hint = false} : vector<1000x128xf32>, vector<128x128xf32>, vector<1000x128xf32> -> vector<1000x128xf32>
    %swap3A_27 = arith.constant 0 : index
    %swap3A_28 = arith.constant 0 : index
    %swap3A_29 = vector.load %arg7[%swap3A_27, %swap3A_28] : memref<1000x128xf32, #tpu.memory_space<vmem>>, vector<1000x128xf32>
    tpu.vector_store %arg7[%swap3A_27, %swap3A_28], %dot_general3A_26 {strides = array<i32>} : memref<1000x128xf32, #tpu.memory_space<vmem>>, vector<1000x128xf32>,
    return
  }
  func.func @transform_0(%arg0: i32) -> (i32, i32, i32) {
    %c0_i32 = arith.constant 0 : i32
    %c0_i32_0 = arith.constant 0 : i32
    %c0_i32_1 = arith.constant 0 : i32
    return %c0_i32, %arg0, %c0_i32_0 : i32, i32, i32
  }
  func.func @transform_1(%arg0: i32) -> (i32, i32, i32) {
    %c1_i32 = arith.constant 1 : i32
    %c0_i32 = arith.constant 0 : i32
    %c0_i32_0 = arith.constant 0 : i32
    return %c1_i32, %arg0, %c0_i32 : i32, i32, i32
  }
  func.func @transform_2(%arg0: i32) -> (i32, i32) {
    %c0_i32 = arith.constant 0 : i32
    %c0_i32_0 = arith.constant 0 : i32
    return %arg0, %c0_i32 : i32, i32
  }
  func.func @transform_3(%arg0: i32) -> (i32, i32) {
    %c0_i32 = arith.constant 0 : i32
    %c0_i32_0 = arith.constant 0 : i32
    %c0_i32_1 = arith.constant 0 : i32
    return %c0_i32, %c0_i32_0 : i32, i32
  }
  func.func @transform_4(%arg0: i32) -> (i32, i32) {
    %c0_i32 = arith.constant 0 : i32
    %c0_i32_0 = arith.constant 0 : i32
    return %arg0, %c0_i32 : i32, i32
  }
  func.func @transform_5(%arg0: i32) -> (i32, i32) {
    %c0_i32 = arith.constant 0 : i32
    %c0_i32_0 = arith.constant 0 : i32
    return %arg0, %c0_i32 : i32, i32
  }
  func.func @transform_6(%arg0: i32) -> (i32, i32) {
    %c0_i32 = arith.constant 0 : i32
    %c0_i32_0 = arith.constant 0 : i32
    return %arg0, %c0_i32 : i32, i32
  }
}

module attributes {stable_mosaic.version = 14 : i64} {
  func.func @_mid_body(%arg0: i32, %arg1: memref<1x1000x128xf32, #tpu.memory_space<vmem>>, %arg2: memref<1x1000x128xf32, #tpu.memory_space<vmem>>, %arg3: memref<1000x128xf32, #tpu.memory_space<vmem>>, %arg4: memref<128x128xf32, #tpu.memory_space<vmem>>, %arg5: memref<1000x128xf32, #tpu.memory_space<vmem>>, %arg6: memref<1000x128xf32, #tpu.memory_space<vmem>>, %arg7: memref<1000x128xf32, #tpu.memory_space<vmem>>) attributes {dimension_semantics = [#tpu.dimension_semantics<arbitrary>], iteration_bounds = array<i64: 10>, scalar_prefetch = 0 : i64, scratch_operands = 0 : i64, tpu.core_type = #tpu.core_type<tc>, window_params = [{transform_indices = @transform_0, window_bounds = array<i64: 1, 1000, 128>}, {transform_indices = @transform_1, window_bounds = array<i64: 1, 1000, 128>}, {transform_indices = @transform_2, window_bounds = array<i64: 1000, 128>}, {pipeline_mode = #tpu.pipeline_mode<synchronous>, transform_indices = @transform_3, window_bounds = array<i64: 128, 128>}, {transform_indices = @transform_4, window_bounds = array<i64: 1000, 128>}, {transform_indices = @transform_5, window_bounds = array<i64: 1000, 128>}, {transform_indices = @transform_6, window_bounds = array<i64: 1000, 128>}]} {
    %get3A = arith.constant 0 : index
    %get3A_0 = arith.constant 0 : index
    %get3A_1 = vector.load %arg3[%get3A, %get3A_0] : memref<1000x128xf32, #tpu.memory_space<vmem>>, vector<1000x128xf32>
    %get3A_2 = arith.constant 0 : index
    %get3A_3 = arith.constant 0 : index
    %get3A_4 = arith.constant 0 : index
    %get3A_5 = vector.load %arg1[%get3A_2, %get3A_3, %get3A_4] : memref<1x1000x128xf32, #tpu.memory_space<vmem>>, vector<1x1000x128xf32>
    %get3A_6 = vector.shape_cast %get3A_5 : vector<1x1000x128xf32> to vector<1000x128xf32>
    %get3A_7 = arith.constant 0 : index
    %get3A_8 = arith.constant 0 : index
    %get3A_9 = arith.constant 0 : index
    %get3A_10 = vector.load %arg2[%get3A_7, %get3A_8, %get3A_9] : memref<1x1000x128xf32, #tpu.memory_space<vmem>>, vector<1x1000x128xf32>
    %get3A_11 = vector.shape_cast %get3A_10 : vector<1x1000x128xf32> to vector<1000x128xf32>
    %add3A = arith.addf %get3A_6, %get3A_11 : vector<1000x128xf32>
    %mul3A = arith.mulf %get3A_1, %add3A : vector<1000x128xf32>
    %get3A_12 = arith.constant 0 : index
    %get3A_13 = arith.constant 0 : index
    %get3A_14 = vector.load %arg5[%get3A_12, %get3A_13] : memref<1000x128xf32, #tpu.memory_space<vmem>>, vector<1000x128xf32>
    %get3A_15 = arith.constant 0 : index
    %get3A_16 = arith.constant 0 : index
    %get3A_17 = vector.load %arg4[%get3A_15, %get3A_16] : memref<128x128xf32, #tpu.memory_space<vmem>>, vector<128x128xf32>
    %dot_general3A = arith.constant dense<0.000000e+00> : vector<1000x128xf32>
    %dot_general3A_18 = tpu.matmul %mul3A, %get3A_17, %dot_general3A {dimension_numbers = #tpu.dot_dimension_numbers<[1], [0], [0], [1], [0, 0, 1, 1], [], []>, transpose_lhs_hint = false} : vector<1000x128xf32>, vector<128x128xf32>, vector<1000x128xf32> -> vector<1000x128xf32>
    %add3A_19 = arith.addf %get3A_14, %dot_general3A_18 : vector<1000x128xf32>
    %swap3A = arith.constant 0 : index
    %swap3A_20 = arith.constant 0 : index
    %swap3A_21 = vector.load %arg6[%swap3A, %swap3A_20] : memref<1000x128xf32, #tpu.memory_space<vmem>>, vector<1000x128xf32>
    tpu.vector_store %arg6[%swap3A, %swap3A_20], %add3A_19 {strides = array<i32>} : memref<1000x128xf32, #tpu.memory_space<vmem>>, vector<1000x128xf32>,
    %mul3A_22 = arith.mulf %get3A_1, %mul3A : vector<1000x128xf32>
    %swap3A_23 = arith.constant 0 : index
    %swap3A_24 = arith.constant 0 : index
    %swap3A_25 = vector.load %arg7[%swap3A_23, %swap3A_24] : memref<1000x128xf32, #tpu.memory_space<vmem>>, vector<1000x128xf32>
    tpu.vector_store %arg7[%swap3A_23, %swap3A_24], %mul3A_22 {strides = array<i32>} : memref<1000x128xf32, #tpu.memory_space<vmem>>, vector<1000x128xf32>,
    return
  }
  func.func @transform_0(%arg0: i32) -> (i32, i32, i32) {
    %c0_i32 = arith.constant 0 : i32
    %c0_i32_0 = arith.constant 0 : i32
    %c0_i32_1 = arith.constant 0 : i32
    return %c0_i32, %arg0, %c0_i32_0 : i32, i32, i32
  }
  func.func @transform_1(%arg0: i32) -> (i32, i32, i32) {
    %c1_i32 = arith.constant 1 : i32
    %c0_i32 = arith.constant 0 : i32
    %c0_i32_0 = arith.constant 0 : i32
    return %c1_i32, %arg0, %c0_i32 : i32, i32, i32
  }
  func.func @transform_2(%arg0: i32) -> (i32, i32) {
    %c0_i32 = arith.constant 0 : i32
    %c0_i32_0 = arith.constant 0 : i32
    return %arg0, %c0_i32 : i32, i32
  }
  func.func @transform_3(%arg0: i32) -> (i32, i32) {
    %c0_i32 = arith.constant 0 : i32
    %c0_i32_0 = arith.constant 0 : i32
    %c0_i32_1 = arith.constant 0 : i32
    return %c0_i32, %c0_i32_0 : i32, i32
  }
  func.func @transform_4(%arg0: i32) -> (i32, i32) {
    %c0_i32 = arith.constant 0 : i32
    %c0_i32_0 = arith.constant 0 : i32
    return %arg0, %c0_i32 : i32, i32
  }
  func.func @transform_5(%arg0: i32) -> (i32, i32) {
    %c0_i32 = arith.constant 0 : i32
    %c0_i32_0 = arith.constant 0 : i32
    return %arg0, %c0_i32 : i32, i32
  }
  func.func @transform_6(%arg0: i32) -> (i32, i32) {
    %c0_i32 = arith.constant 0 : i32
    %c0_i32_0 = arith.constant 0 : i32
    return %arg0, %c0_i32 : i32, i32
  }
}

module attributes {stable_mosaic.version = 14 : i64} {
  func.func @_end1_body(%arg0: i32, %arg1: memref<1x1000x128xf32, #tpu.memory_space<vmem>>, %arg2: memref<1x1000x128xf32, #tpu.memory_space<vmem>>, %arg3: memref<1000x128xf32, #tpu.memory_space<vmem>>, %arg4: memref<128x128xf32, #tpu.memory_space<vmem>>, %arg5: memref<1x128xf32, #tpu.memory_space<vmem>>, %arg6: memref<128x128xf32, #tpu.memory_space<vmem>>, %arg7: memref<1000x128xf32, #tpu.memory_space<vmem>>, %arg8: memref<1000x128xf32, #tpu.memory_space<vmem>>, %arg9: memref<1000x128xf32, #tpu.memory_space<vmem>>) attributes {dimension_semantics = [#tpu.dimension_semantics<arbitrary>], iteration_bounds = array<i64: 10>, scalar_prefetch = 0 : i64, scratch_operands = 0 : i64, tpu.core_type = #tpu.core_type<tc>, window_params = [{transform_indices = @transform_0, window_bounds = array<i64: 1, 1000, 128>}, {transform_indices = @transform_1, window_bounds = array<i64: 1, 1000, 128>}, {transform_indices = @transform_2, window_bounds = array<i64: 1000, 128>}, {pipeline_mode = #tpu.pipeline_mode<synchronous>, transform_indices = @transform_3, window_bounds = array<i64: 128, 128>}, {pipeline_mode = #tpu.pipeline_mode<synchronous>, transform_indices = @transform_4, window_bounds = array<i64: 1, 128>}, {pipeline_mode = #tpu.pipeline_mode<synchronous>, transform_indices = @transform_5, window_bounds = array<i64: 128, 128>}, {transform_indices = @transform_6, window_bounds = array<i64: 1000, 128>}, {transform_indices = @transform_7, window_bounds = array<i64: 1000, 128>}, {transform_indices = @transform_8, window_bounds = array<i64: 1000, 128>}]} {
    %get3A = arith.constant 0 : index
    %get3A_0 = arith.constant 0 : index
    %get3A_1 = vector.load %arg3[%get3A, %get3A_0] : memref<1000x128xf32, #tpu.memory_space<vmem>>, vector<1000x128xf32>
    %get3A_2 = arith.constant 0 : index
    %get3A_3 = arith.constant 0 : index
    %get3A_4 = arith.constant 0 : index
    %get3A_5 = vector.load %arg1[%get3A_2, %get3A_3, %get3A_4] : memref<1x1000x128xf32, #tpu.memory_space<vmem>>, vector<1x1000x128xf32>
    %get3A_6 = vector.shape_cast %get3A_5 : vector<1x1000x128xf32> to vector<1000x128xf32>
    %get3A_7 = arith.constant 0 : index
    %get3A_8 = arith.constant 0 : index
    %get3A_9 = arith.constant 0 : index
    %get3A_10 = vector.load %arg2[%get3A_7, %get3A_8, %get3A_9] : memref<1x1000x128xf32, #tpu.memory_space<vmem>>, vector<1x1000x128xf32>
    %get3A_11 = vector.shape_cast %get3A_10 : vector<1x1000x128xf32> to vector<1000x128xf32>
    %add3A = arith.addf %get3A_6, %get3A_11 : vector<1000x128xf32>
    %mul3A = arith.mulf %get3A_1, %add3A : vector<1000x128xf32>
    %get3A_12 = arith.constant 0 : index
    %get3A_13 = arith.constant 0 : index
    %get3A_14 = vector.load %arg7[%get3A_12, %get3A_13] : memref<1000x128xf32, #tpu.memory_space<vmem>>, vector<1000x128xf32>
    %get3A_15 = arith.constant 0 : index
    %get3A_16 = arith.constant 0 : index
    %get3A_17 = vector.load %arg4[%get3A_15, %get3A_16] : memref<128x128xf32, #tpu.memory_space<vmem>>, vector<128x128xf32>
    %dot_general3A = arith.constant dense<0.000000e+00> : vector<1000x128xf32>
    %dot_general3A_18 = tpu.matmul %mul3A, %get3A_17, %dot_general3A {dimension_numbers = #tpu.dot_dimension_numbers<[1], [0], [0], [1], [0, 0, 1, 1], [], []>, transpose_lhs_hint = false} : vector<1000x128xf32>, vector<128x128xf32>, vector<1000x128xf32> -> vector<1000x128xf32>
    %add3A_19 = arith.addf %get3A_14, %dot_general3A_18 : vector<1000x128xf32>
    %get3A_20 = arith.constant 0 : index
    %get3A_21 = arith.constant 0 : index
    %get3A_22 = vector.load %arg5[%get3A_20, %get3A_21] : memref<1x128xf32, #tpu.memory_space<vmem>>, vector<1x128xf32>
    %add3A_23 = vector.broadcast %get3A_22 : vector<1x128xf32> to vector<1000x128xf32>
    %add3A_24 = arith.addf %add3A_19, %add3A_23 : vector<1000x128xf32>
    %max3A = arith.constant 0.000000e+00 : f32
    %max3A_25 = vector.broadcast %max3A : f32 to vector<1000x128xf32>
    %max3A_26 = arith.maximumf %add3A_24, %max3A_25 : vector<1000x128xf32>
    %mul3A_27 = arith.mulf %get3A_1, %max3A_26 : vector<1000x128xf32>
    %swap3A = arith.constant 0 : index
    %swap3A_28 = arith.constant 0 : index
    %swap3A_29 = vector.load %arg9[%swap3A, %swap3A_28] : memref<1000x128xf32, #tpu.memory_space<vmem>>, vector<1000x128xf32>
    tpu.vector_store %arg9[%swap3A, %swap3A_28], %mul3A_27 {strides = array<i32>} : memref<1000x128xf32, #tpu.memory_space<vmem>>, vector<1000x128xf32>,
    %get3A_30 = arith.constant 0 : index
    %get3A_31 = arith.constant 0 : index
    %get3A_32 = vector.load %arg6[%get3A_30, %get3A_31] : memref<128x128xf32, #tpu.memory_space<vmem>>, vector<128x128xf32>
    %dot_general3A_33 = arith.constant dense<0.000000e+00> : vector<1000x128xf32>
    %dot_general3A_34 = tpu.matmul %max3A_26, %get3A_32, %dot_general3A_33 {dimension_numbers = #tpu.dot_dimension_numbers<[1], [0], [0], [1], [0, 0, 1, 1], [], []>, transpose_lhs_hint = false} : vector<1000x128xf32>, vector<128x128xf32>, vector<1000x128xf32> -> vector<1000x128xf32>
    %swap3A_35 = arith.constant 0 : index
    %swap3A_36 = arith.constant 0 : index
    %swap3A_37 = vector.load %arg8[%swap3A_35, %swap3A_36] : memref<1000x128xf32, #tpu.memory_space<vmem>>, vector<1000x128xf32>
    tpu.vector_store %arg8[%swap3A_35, %swap3A_36], %dot_general3A_34 {strides = array<i32>} : memref<1000x128xf32, #tpu.memory_space<vmem>>, vector<1000x128xf32>,
    return
  }
  func.func @transform_0(%arg0: i32) -> (i32, i32, i32) {
    %c0_i32 = arith.constant 0 : i32
    %c0_i32_0 = arith.constant 0 : i32
    %c0_i32_1 = arith.constant 0 : i32
    return %c0_i32, %arg0, %c0_i32_0 : i32, i32, i32
  }
  func.func @transform_1(%arg0: i32) -> (i32, i32, i32) {
    %c1_i32 = arith.constant 1 : i32
    %c0_i32 = arith.constant 0 : i32
    %c0_i32_0 = arith.constant 0 : i32
    return %c1_i32, %arg0, %c0_i32 : i32, i32, i32
  }
  func.func @transform_2(%arg0: i32) -> (i32, i32) {
    %c0_i32 = arith.constant 0 : i32
    %c0_i32_0 = arith.constant 0 : i32
    return %arg0, %c0_i32 : i32, i32
  }
  func.func @transform_3(%arg0: i32) -> (i32, i32) {
    %c0_i32 = arith.constant 0 : i32
    %c0_i32_0 = arith.constant 0 : i32
    %c0_i32_1 = arith.constant 0 : i32
    return %c0_i32, %c0_i32_0 : i32, i32
  }
  func.func @transform_4(%arg0: i32) -> (i32, i32) {
    %c0_i32 = arith.constant 0 : i32
    %c0_i32_0 = arith.constant 0 : i32
    %c0_i32_1 = arith.constant 0 : i32
    return %c0_i32, %c0_i32_0 : i32, i32
  }
  func.func @transform_5(%arg0: i32) -> (i32, i32) {
    %c0_i32 = arith.constant 0 : i32
    %c0_i32_0 = arith.constant 0 : i32
    %c0_i32_1 = arith.constant 0 : i32
    return %c0_i32, %c0_i32_0 : i32, i32
  }
  func.func @transform_6(%arg0: i32) -> (i32, i32) {
    %c0_i32 = arith.constant 0 : i32
    %c0_i32_0 = arith.constant 0 : i32
    return %arg0, %c0_i32 : i32, i32
  }
  func.func @transform_7(%arg0: i32) -> (i32, i32) {
    %c0_i32 = arith.constant 0 : i32
    %c0_i32_0 = arith.constant 0 : i32
    return %arg0, %c0_i32 : i32, i32
  }
  func.func @transform_8(%arg0: i32) -> (i32, i32) {
    %c0_i32 = arith.constant 0 : i32
    %c0_i32_0 = arith.constant 0 : i32
    return %arg0, %c0_i32 : i32, i32
  }
}

module attributes {stable_mosaic.version = 14 : i64} {
  func.func @_end2_body(%arg0: i32, %arg1: memref<1x1000x128xf32, #tpu.memory_space<vmem>>, %arg2: memref<1x1000x128xf32, #tpu.memory_space<vmem>>, %arg3: memref<1000x128xf32, #tpu.memory_space<vmem>>, %arg4: memref<128x128xf32, #tpu.memory_space<vmem>>, %arg5: memref<1x128xf32, #tpu.memory_space<vmem>>, %arg6: memref<1000x128xf32, #tpu.memory_space<vmem>>, %arg7: memref<1000x128xf32, #tpu.memory_space<vmem>>) attributes {dimension_semantics = [#tpu.dimension_semantics<arbitrary>], iteration_bounds = array<i64: 10>, scalar_prefetch = 0 : i64, scratch_operands = 0 : i64, tpu.core_type = #tpu.core_type<tc>, window_params = [{transform_indices = @transform_0, window_bounds = array<i64: 1, 1000, 128>}, {transform_indices = @transform_1, window_bounds = array<i64: 1, 1000, 128>}, {transform_indices = @transform_2, window_bounds = array<i64: 1000, 128>}, {pipeline_mode = #tpu.pipeline_mode<synchronous>, transform_indices = @transform_3, window_bounds = array<i64: 128, 128>}, {pipeline_mode = #tpu.pipeline_mode<synchronous>, transform_indices = @transform_4, window_bounds = array<i64: 1, 128>}, {transform_indices = @transform_5, window_bounds = array<i64: 1000, 128>}, {transform_indices = @transform_6, window_bounds = array<i64: 1000, 128>}]} {
    %get3A = arith.constant 0 : index
    %get3A_0 = arith.constant 0 : index
    %get3A_1 = vector.load %arg3[%get3A, %get3A_0] : memref<1000x128xf32, #tpu.memory_space<vmem>>, vector<1000x128xf32>
    %get3A_2 = arith.constant 0 : index
    %get3A_3 = arith.constant 0 : index
    %get3A_4 = arith.constant 0 : index
    %get3A_5 = vector.load %arg1[%get3A_2, %get3A_3, %get3A_4] : memref<1x1000x128xf32, #tpu.memory_space<vmem>>, vector<1x1000x128xf32>
    %get3A_6 = vector.shape_cast %get3A_5 : vector<1x1000x128xf32> to vector<1000x128xf32>
    %get3A_7 = arith.constant 0 : index
    %get3A_8 = arith.constant 0 : index
    %get3A_9 = arith.constant 0 : index
    %get3A_10 = vector.load %arg2[%get3A_7, %get3A_8, %get3A_9] : memref<1x1000x128xf32, #tpu.memory_space<vmem>>, vector<1x1000x128xf32>
    %get3A_11 = vector.shape_cast %get3A_10 : vector<1x1000x128xf32> to vector<1000x128xf32>
    %add3A = arith.addf %get3A_6, %get3A_11 : vector<1000x128xf32>
    %mul3A = arith.mulf %get3A_1, %add3A : vector<1000x128xf32>
    %get3A_12 = arith.constant 0 : index
    %get3A_13 = arith.constant 0 : index
    %get3A_14 = vector.load %arg6[%get3A_12, %get3A_13] : memref<1000x128xf32, #tpu.memory_space<vmem>>, vector<1000x128xf32>
    %get3A_15 = arith.constant 0 : index
    %get3A_16 = arith.constant 0 : index
    %get3A_17 = vector.load %arg4[%get3A_15, %get3A_16] : memref<128x128xf32, #tpu.memory_space<vmem>>, vector<128x128xf32>
    %dot_general3A = arith.constant dense<0.000000e+00> : vector<1000x128xf32>
    %dot_general3A_18 = tpu.matmul %mul3A, %get3A_17, %dot_general3A {dimension_numbers = #tpu.dot_dimension_numbers<[1], [0], [0], [1], [0, 0, 1, 1], [], []>, transpose_lhs_hint = false} : vector<1000x128xf32>, vector<128x128xf32>, vector<1000x128xf32> -> vector<1000x128xf32>
    %add3A_19 = arith.addf %get3A_14, %dot_general3A_18 : vector<1000x128xf32>
    %get3A_20 = arith.constant 0 : index
    %get3A_21 = arith.constant 0 : index
    %get3A_22 = vector.load %arg5[%get3A_20, %get3A_21] : memref<1x128xf32, #tpu.memory_space<vmem>>, vector<1x128xf32>
    %add3A_23 = vector.broadcast %get3A_22 : vector<1x128xf32> to vector<1000x128xf32>
    %add3A_24 = arith.addf %add3A_19, %add3A_23 : vector<1000x128xf32>
    %reduce_max3A = arith.constant dense<0xFF800000> : vector<1000xf32>
    %reduce_max3A_25 = vector.multi_reduction <maximumf>, %add3A_24, %reduce_max3A [1] : vector<1000x128xf32> to vector<1000xf32>
    %broadcast_in_dim3A = vector.shape_cast %reduce_max3A_25 : vector<1000xf32> to vector<1000x1xf32>
    %sub3A = vector.broadcast %broadcast_in_dim3A : vector<1000x1xf32> to vector<1000x128xf32>
    %sub3A_26 = arith.subf %add3A_24, %sub3A : vector<1000x128xf32>
    %exp3A = math.exp %sub3A_26 : vector<1000x128xf32>
    %reduce_sum3A = arith.constant dense<0.000000e+00> : vector<1000xf32>
    %reduce_sum3A_27 = vector.multi_reduction <add>, %exp3A, %reduce_sum3A [1] : vector<1000x128xf32> to vector<1000xf32>
    %broadcast_in_dim3A_28 = vector.shape_cast %reduce_sum3A_27 : vector<1000xf32> to vector<1000x1xf32>
    %log3A = math.log %broadcast_in_dim3A_28 : vector<1000x1xf32>
    %sub3A_29 = vector.broadcast %log3A : vector<1000x1xf32> to vector<1000x128xf32>
    %sub3A_30 = arith.subf %sub3A_26, %sub3A_29 : vector<1000x128xf32>
    %swap3A = arith.constant 0 : index
    %swap3A_31 = arith.constant 0 : index
    %swap3A_32 = vector.load %arg7[%swap3A, %swap3A_31] : memref<1000x128xf32, #tpu.memory_space<vmem>>, vector<1000x128xf32>
    tpu.vector_store %arg7[%swap3A, %swap3A_31], %sub3A_30 {strides = array<i32>} : memref<1000x128xf32, #tpu.memory_space<vmem>>, vector<1000x128xf32>,
    return
  }
  func.func @transform_0(%arg0: i32) -> (i32, i32, i32) {
    %c0_i32 = arith.constant 0 : i32
    %c0_i32_0 = arith.constant 0 : i32
    %c0_i32_1 = arith.constant 0 : i32
    return %c0_i32, %arg0, %c0_i32_0 : i32, i32, i32
  }
  func.func @transform_1(%arg0: i32) -> (i32, i32, i32) {
    %c1_i32 = arith.constant 1 : i32
    %c0_i32 = arith.constant 0 : i32
    %c0_i32_0 = arith.constant 0 : i32
    return %c1_i32, %arg0, %c0_i32 : i32, i32, i32
  }
  func.func @transform_2(%arg0: i32) -> (i32, i32) {
    %c0_i32 = arith.constant 0 : i32
    %c0_i32_0 = arith.constant 0 : i32
    return %arg0, %c0_i32 : i32, i32
  }
  func.func @transform_3(%arg0: i32) -> (i32, i32) {
    %c0_i32 = arith.constant 0 : i32
    %c0_i32_0 = arith.constant 0 : i32
    %c0_i32_1 = arith.constant 0 : i32
    return %c0_i32, %c0_i32_0 : i32, i32
  }
  func.func @transform_4(%arg0: i32) -> (i32, i32) {
    %c0_i32 = arith.constant 0 : i32
    %c0_i32_0 = arith.constant 0 : i32
    %c0_i32_1 = arith.constant 0 : i32
    return %c0_i32, %c0_i32_0 : i32, i32
  }
  func.func @transform_5(%arg0: i32) -> (i32, i32) {
    %c0_i32 = arith.constant 0 : i32
    %c0_i32_0 = arith.constant 0 : i32
    return %arg0, %c0_i32 : i32, i32
  }
  func.func @transform_6(%arg0: i32) -> (i32, i32) {
    %c0_i32 = arith.constant 0 : i32
    %c0_i32_0 = arith.constant 0 : i32
    return %arg0, %c0_i32 : i32, i32
  }
}

</mosaic_0001>

<sc_bundles>
// kernel: kernel.16.cloned.1.call-start
scs
__scs_entry_jumppad:
0x0: {  	(pc) =	sbr.rel $0x88, $3  }
0x1: {  	(tag) =	ssettag $0x0;
	lr =	simm.s32 $0x1  }
0x2: {  	[smem:$0x3F9B] =	sst lr;
	_ =	strace $0xD0000000  }
0x3: {  	_ = 	snop  }
0x4: {  	_ = 	snop  }
0x5: {  	_ = 	snop  }
0x6: {  	_ = 	snop  }
0x7: {  	_ = 	snop  }
__scs_overlays_trampoline_lowered:
0x8: {  	[smem:$0x3FAA] =	sst s0  }
0x9: {  	[smem:$0x3FAB] =	sst s1  }
0xa: {  	[smem:$0x3FAC] =	sst s2  }
0xb: {  	[smem:$0x3FAD] =	sst s3  }
0xc: {  	[smem:$0x3FAE] =	sst s4  }
0xd: {  	[smem:$0x3FAF] =	sst s5  }
0xe: {  	[smem:$0x3FB0] =	sst s6  }
0xf: {  	[smem:$0x3FB1] =	sst s7  }
0x10: {  	[smem:$0x3FB2] =	sst s8  }
0x11: {  	[smem:$0x3FB3] =	sst s9;
	s0 =	simm.s32 @!p0 $0x0  }
0x12: {  	s1 =	sld [smem:$0x3F99];
	s0 =	simm.s32 @p0 $0x1  }
0x13: {  	[smem:$0x3FB4] =	sst s0;
	s0 =	simm.s32 @!p1 $0x0  }
0x14: {  	s2 =	sld [smem:$0x3F98];
	s0 =	simm.s32 @p1 $0x1  }
0x15: {  	[smem:$0x3FB5] =	sst s0;
	s0 =	simm.s32 @!p2 $0x0  }
0x16: {  	s3 =	sld [smem:$0x3FDB];
	s0 =	simm.s32 @p2 $0x1  }
0x17: {  	s4 =	simm.s32 $0x1BF5;
	[smem:$0x3FB7] =	sst s0  }
0x18: {  	s0 =	sld [smem:$0x3F9A];
	_ =	swait.ge [sflag:s4], $0x0  }
0x19: {  	s7 =	sld [smem:$0x3F9B]  }
0x1a: {  	s8 =	sadd.s32 $0xFFFFE003, lr  }
0x1b: {  	s9 =	sadd.s32 $0xFFFFFEF7, lr;
	s5 =	simm.s32 $0xFFFFFFFF;
	p2 =	slt.u32 s8, $0xFFFFF086  }
0x1c: {  	p1 =	slt.u32 s9, $0xF7A;
	s5 =	simm.s32 @!p2 $0x0  }
0x1d: {  	s5 =	simm.s32 @p1 $0x1;
	p0 =	seq.s32 s7, s2  }
0x1e: {  	s7 =	smul.u32 @!p0 $0xF7A, s2;
	p2 =	seq.s32 @!p0 s5, $0x0  }
0x1f: {  	s9 =	smul.u32 $0xF7A, s1;
	s8 =	simm.s32 @!p0 $0x1BF5;
	p2 =	por !p2, p0  }
0x20: {  	[sflag:s8] =	ssyncset.s32 @!p0 $0xFFFFF086;
	s6 =	sadd.s32 @!p0 s3, s7;
	s7 =	simm.s32 @!p0 $0x108  }
0x21: {  	s3 =	sadd.s32 s3, s9;
	s6 =	sadd.s32 @!p0 $0x88, s6;
	s7 =	simm.s32 @p2 $0x1082  }
0x22: {  	[simem:s7], [sflag:s8] =	dma.local @!p0 [hbm:s6], $0xF7A  }
0x23: {  	s9 =	sor.u32 $0xD0000000, s2;
	s6 =	simm.s32 $0x108;
	_ =	swait.ge @!p0 [sflag:s8], $0x0  }
0x24: {  	s3 =	sadd.s32 $0x88, s3;
	s6 =	simm.s32 @!p1 $0x1082;
	[sflag:s4] =	ssyncset.s32 $0xFFFFF086  }
0x25: {  	[simem:s6], [sflag:s4] =	dma.local [hbm:s3], $0xF7A  }
0x26: {  	[smem:$0x3F9B] =	sst s1;
	(tag) =	ssettag s2;
	_ =	strace s9  }
0x27: {  	s1 =	sld [smem:$0x3FAB]  }
0x28: {  	s2 =	sld [smem:$0x3FAC]  }
0x29: {  	s4 =	sld [smem:$0x3FAE]  }
0x2a: {  	p0 =	seq.s32 s5, $0x0;
	s5 =	sld [smem:$0x3FAF]  }
0x2b: {  	s6 =	sld [smem:$0x3FB0]  }
0x2c: {  	s7 =	sld [smem:$0x3FB1]  }
0x2d: {  	s3 =	simm.s32 $0x108;
	s8 =	sld [smem:$0x3FB2]  }
0x2e: {  	s3 =	simm.s32 @!p0 $0x1082;
	s9 =	sld [smem:$0x3FB3]  }
0x2f: {  	lr =	sadd.s32 s0, s3;
	s0 =	sld [smem:$0x3FAA]  }
0x30: {  	s3 =	sld [smem:$0x3FAD]  }
0x31: {  	[smem:$0x3FB6] =	sst s10  }
0x32: {  	s10 =	sld [smem:$0x3FB4];
	_ =	sdelay $0x3  }
0x33: {  	p0 =	seq.s32 s10, $0x1;
	s10 =	sld [smem:$0x3FB6];
	_ =	sdelay $0x3  }
0x34: {  	[smem:$0x3FB6] =	sst s10  }
0x35: {  	s10 =	sld [smem:$0x3FB5];
	_ =	sdelay $0x3  }
0x36: {  	p1 =	seq.s32 s10, $0x1;
	s10 =	sld [smem:$0x3FB6];
	_ =	sdelay $0x3  }
0x37: {  	[smem:$0x3FB6] =	sst s10  }
0x38: {  	s10 =	sld [smem:$0x3FB7]  }
0x39: {  	_ = 	snop;
	(pc) =	sbr.ind lr, $3  }
0x3a: {  	_ = 	snop  }
0x3b: {  	_ = 	snop  }
0x3c: {  	p2 =	seq.s32 s10, $0x1;
	s10 =	sld [smem:$0x3FB6]  }
0x3d: {  	_ =	shalt  }
0x3e: {  	_ =	shalt  }
0x3f: {  	_ =	shalt  }
0x40: {  	_ =	shalt  }
0x41: {  	_ =	shalt  }
0x42: {  	_ =	shalt  }
0x43: {  	_ =	shalt  }
0x44: {  	_ =	shalt  }
0x45: {  	_ =	shalt  }
0x46: {  	_ =	shalt  }
0x47: {  	_ =	shalt  }
0x48: {  	_ =	shalt  }
0x49: {  	_ =	shalt  }
0x4a: {  	_ =	shalt  }
0x4b: {  	_ =	shalt  }
0x4c: {  	_ =	shalt  }
0x4d: {  	_ =	shalt  }
0x4e: {  	_ =	shalt  }
0x4f: {  	_ =	shalt  }
0x50: {  	_ =	shalt  }
0x51: {  	_ =	shalt  }
0x52: {  	_ =	shalt  }
0x53: {  	_ =	shalt  }
0x54: {  	_ =	shalt  }
0x55: {  	_ =	shalt  }
0x56: {  	_ =	shalt  }
0x57: {  	_ =	shalt  }
0x58: {  	_ =	shalt  }
0x59: {  	_ =	shalt  }
0x5a: {  	_ =	shalt  }
0x5b: {  	_ =	shalt  }
0x5c: {  	_ =	shalt  }
0x5d: {  	_ =	shalt  }
0x5e: {  	_ =	shalt  }
0x5f: {  	_ =	shalt  }
0x60: {  	_ =	shalt  }
0x61: {  	_ =	shalt  }
0x62: {  	_ =	shalt  }
0x63: {  	_ =	shalt  }
0x64: {  	_ =	shalt  }
0x65: {  	_ =	shalt  }
0x66: {  	_ =	shalt  }
0x67: {  	_ =	shalt  }
0x68: {  	_ =	shalt  }
0x69: {  	_ =	shalt  }
0x6a: {  	_ =	shalt  }
0x6b: {  	_ =	shalt  }
0x6c: {  	_ =	shalt  }
0x6d: {  	_ =	shalt  }
0x6e: {  	_ =	shalt  }
0x6f: {  	_ =	shalt  }
0x70: {  	_ =	shalt  }
0x71: {  	_ =	shalt  }
0x72: {  	_ =	shalt  }
0x73: {  	_ =	shalt  }
0x74: {  	_ =	shalt  }
0x75: {  	_ =	shalt  }
0x76: {  	_ =	shalt  }
0x77: {  	_ =	shalt  }
0x78: {  	_ =	shalt  }
0x79: {  	_ =	shalt  }
0x7a: {  	_ =	shalt  }
0x7b: {  	_ =	shalt  }
0x7c: {  	_ =	shalt  }
0x7d: {  	_ =	shalt  }
0x7e: {  	_ =	shalt  }
0x7f: {  	_ =	shalt  }
0x80: {  	_ =	shalt  }
0x81: {  	_ =	shalt  }
0x82: {  	_ =	shalt  }
0x83: {  	_ =	shalt  }
0x84: {  	_ =	shalt  }
0x85: {  	_ =	shalt  }
0x86: {  	_ =	shalt  }
0x87: {  	_ =	shalt  }
.Lfunc_end0:
.L_simem_size_0:
called_computation_lowered:
.L_overlay_start_0:
0x88: {  	s2 =	sld [smem:$0x3FD9]  }
0x89: {  	s3 =	sld [smem:$0x3FFE];
	_ =	sdelay $0x1  }
0x8a: {  	s1 =	srdreg.scid  }
0x8b: {  	s0 =	sand.u32 $0x1, s1  }
0x8c: {  	s17 =	sshll.u32 s0, $0xA;
	s2 =	sadd.s32 s3, s2  }
0x8d: {  	s2 =	sadd.s32 s2, s17  }
0x8e: {  	[smem:$0x3FC2] =	sst s2  }
0x8f: {  	_ = 	snop  }
0x90: {  	s2 =	sld [smem:$0x3FD0];
	(tm) =	ssettm $0x1  }
0x91: {  	s18 =	sld [smem:$0x3FFB];
	_ =	sdelay $0x3  }
0x92: {  	_ =	strace s18  }
0x93: {  	s3 =	sld [smem:$0x3FFC];
	_ =	sdelay $0x3  }
0x94: {  	_ =	strace s3  }
0x95: {  	s3 =	sld [smem:$0x3FFD];
	_ =	sdelay $0x3  }
0x96: {  	_ =	strace s3  }
0x97: {  	_ =	strace $0x8FFFFFFF  }
0x98: {  	s19 =	sld [smem:$0x3FDB];
	_ =	sdelay $0x1  }
0x99: {  	s4 =	simm.s32 $_scs_section_size  }
0x9a: {  	s5 =	simm.s32 $_size__tile_overlayer_lowered;
	s6 =	simm.s32 $_tile_overlayer_lowered  }
0x9b: {  	s22 =	simm.s32 $0x1BFF;
	s21 =	sshll.u32 s6, $0x1;
	s3 =	sadd.s32 s4, s19  }
0x9c: {  	s7 =	simm.s32 $0x0;
	s20 =	sshll.u32 s5, $0x1;
	s5 =	sadd.s32 s21, s3  }
0x9d: {  	[timem:s7], [sflag:s22] =	dma.local [hbm:s5], s20  }
0x9e: {  	_ =	swait.ge [sflag:s22], s20  }
0x9f: {  	s4 =	ssub.s32 $0x0, s20;
	[sflag:s22] =	ssyncset.done $0x0  }
0xa0: {  	[sflag:s22] =	ssyncadd.s32 s4;
	_ =	sdelay $0x1  }
0xa1: {  	s23 =	simm.s32 $0x1B8B  }
0xa2: {  	_ =	swait.ge [sflag:s23], $0x1  }
0xa3: {  	[sflag:s23] =	ssyncset.done $0x0  }
0xa4: {  	s25 =	simm.s32 $0x1B8E;
	s24 =	sld [smem:$0x3FFE];
	[sflag:s23] =	ssyncadd.s32 $0xFFFFFFFF  }
0xa5: {  	s26 =	simm.s32 $execute0_lowered;
	[smem:$0x3FD2] =	sst s25  }
0xa6: {  	s5 =	sshll.u32 s26, $0x1;
	_ =	strace $0x80000046;
	[dreg:$0x1] =	wrdreg $0xFFFFFFFF  }
0xa7: {  	s28 =	simm.s32 $_size_execute0_lowered;
	s3 =	sadd.s32 s3, s5;
	[dreg:$0x0] =	wrdreg $0x0  }
0xa8: {  	s5 =	sshll.u32 s28, $0x1;
	[dreg:$0x2] =	wrdreg s3  }
0xa9: {  	[dreg:$0x3] =	wrdreg s5  }
0xaa: {  	[dreg:$0x4] =	wrdreg $0xC0  }
0xab: {  	_ =	task [dreg:s7], $0x5FFFF  }
0xac: {  	[dreg:$0x1] =	wrdreg $0xFFFFFFFF  }
0xad: {  	[dreg:$0x0] =	wrdreg $0x60  }
0xae: {  	[dreg:$0x2] =	wrdreg s24  }
0xaf: {  	[dreg:$0x3] =	wrdreg s2  }
0xb0: {  	[dreg:$0x4] =	wrdreg $0x68000  }
0xb1: {  	[dreg:$0x5] =	wrdreg $0x9  }
0xb2: {  	_ =	task.clear_ibuf [dreg:s7], $0x6FFFF;
	_ =	strace $0x90000046  }
0xb3: {  	s29 =	simm.s32 $0x9;
	_ =	strace $0x80000048  }
0xb4: {  	_ =	swait.ge [sflag:s29], $0x1  }
0xb5: {  	[sflag:s29] =	ssyncadd.s32 $0xFFFFFFFF  }
0xb6: {  	_ =	strace $0x90000048  }
0xb7: {  	_ =	sfence  }
0xb8: {  	s30 =	sld [smem:$0x0];
	_ =	sdelay $0x2  }
0xb9: {  	s31 =	sshll.u32 s1, $0xD;
	s1 =	sshrl.u32 s1, $0x2  }
0xba: {  	s3 =	sand.u32 $0x4000, s31;
	s1 =	sadd.s32 s1, s30  }
0xbb: {  	s0 =	sor.u32 s3, s0;
	s1 =	sshll.u32 s1, $0x11  }
0xbc: {  	s0 =	sor.u32 s1, s0  }
0xbd: {  	s0 =	sadd.s32 $0x8F2B, s0  }
0xbe: {  	[sflag:s0] =	ssyncadd.remote.s32 $0x1  }
0xbf: {  	_ =	sfence.sel $0xFFFF  }
0xc0: {  	[dreg:$0x0] =	wrdreg $0xFFFFFFFF;
	(pc) =	sbr.abs _section_cstart, $3  }
0xc1: {  	[dreg:$0x1] =	wrdreg $0xFFFFFFFF  }
0xc2: {  	_ =	task.clear_ibuf [dreg:s7], $0x2FFFF;
	_ =	strace $0x9FFFFFFF  }
0xc3: {  	(tm) =	ssettm $0x7FFFFFFF  }
tec
execute0_lowered:
.L_overlay_start_1:
0x0: {  	(tag) =	ssettag $0x1  }
0x1: {  	s6 =	rddreg [dreg:$0x0]  }
0x2: {  	s1 =	srdreg.scid;
	s2 =	rddreg [dreg:$0x1]  }
0x3: {  	s0 =	stileid.u32;
	s3 =	rddreg [dreg:$0x2];
	s4 =	simm.s32 $0x0  }
0x4: {  	s13 =	simm.s32 $0x80;
	s14 =	simm.s32 $0x0;
	s9 =	smul.u32 $0x13C00, s0  }
0x5: {  	s7 =	sand.u32 $0x1, s1;
	s28 =	sshll.u32 s0, $0x1;
	s29 =	smul.u32 $0x4F000, s0  }
0x6: {  	[smem:$0x7FF] =	sst s4;
	s1 =	sor.u32 s7, s28;
	s8 =	smul.u32 $0x13C000, s7  }
0x7: {  	s31 =	sshll.u32 s0, $0x6;
	s7 =	ssub.s32 $0x2, s7;
	s5 =	smul.u32 $0x500, s1  }
0x8: {  	s1 =	rddreg [dreg:$0x3];
	_ =	strace $0x80000047;
	s30 =	sshrl.u32 s7, $0x1  }
0x9: {  	s8 =	sadd.s32 s9, s8;
	s9 =	sshrl.u32 s29, $0x2;
	s11 =	ssub.s32 s7, s30  }
0xa: {  	s10 =	sadd.s32 s5, s6;
	s5 =	sadd.s32 $0xE200, s6;
	s8 =	sshrl.u32 s8, $0x3  }
0xb: {  	s12 =	sadd.s32 s9, s3;
	s9 =	simm.s32 $0x1;
	s8 =	sadd.s32 s8, s6  }
0xc: {  	s6 =	sadd.s32 $0x4200, s10;
	s10 =	simm.s32 $0x2800;
	s12 =	sshrl.u32 s12, $0x3  }
0xd: {  	s7 =	sadd.s32 $0x10A00, s8;
	s8 =	smax.u32 s11, $0x1;
	s11 =	sor.u32 $0x1C01, s31  }
.LBB2_1:
0xe: {  	[tilespmem:s4], [sflag:$0x1] =	stream.linear.gather [hbm4b:s6+s4], $0x2800, $0x38;
	[tilespmem:$0x1A400] =	vst v63  }
0xf: {  	_ =	swait.ge [sflag:s9], $0x2800  }
0x10: {  	[sflag:s9] =	ssyncset.done $0x0  }
0x11: {  	[sflag:s9] =	ssyncadd.s32 $0xFFFFD800  }
0x12: {  	[tilespmem:s10], [sflag:$0x1] =	stream.linear.gather [hbm4b:s2+s4], $0x4000, $0x38;
	[tilespmem:$0x1A400] =	vst v63  }
0x13: {  	_ =	swait.ge [sflag:s9], $0x4000  }
0x14: {  	[sflag:s9] =	ssyncset.done $0x0  }
0x15: {  	[sflag:s9] =	ssyncadd.s32 $0xFFFFC000  }
0x16: {  	[spmem:s12], [sflag:s11] =	dma.local [hbm:s5], $0x2780  }
0x17: {  	_ =	swait.ge [sflag:s9], $0x2780  }
0x18: {  	[sflag:s9] =	ssyncset.done $0x0  }
0x19: {  	[sflag:s9] =	ssyncadd.s32 $0xFFFFD880  }
0x1a: {  	s15 =	simm.s32 $0x0;
	[bflag:$0x0] =	sbarrier.arrive $0xFFFF  }
0x1b: {  	[spmem:s3] =	stream.indirect.scatter.add.f32 [tilespmem:s10], [sflag:$0x1], $0x80, s15, s13, $0xb8;
	[tilespmem:$0x1A400] =	vst v63  }
0x1c: {  	_ =	swait.ge [sflag:s9], $0x4000  }
0x1d: {  	s15 =	simm.s32 $0x200;
	[sflag:s9] =	ssyncset.done $0x0  }
.LBB2_2:
0x1e: {  	s16 =	sshra.s32 s15, $0x2;
	[sflag:s9] =	ssyncadd.s32 $0xFFFFC000;
	p0 =	sne.s32 s15, $0x9E00  }
0x1f: {  	[spmem:s3] =	stream.indirect.scatter.add.f32 [tilespmem:s10], [sflag:$0x1], $0x80, s16, s13, $0xb8;
	[tilespmem:$0x1A400] =	vst v63  }
.Ltmp0:
0x20: {  	_ = 	snop;
	(pc) =	sbr.rel @p0 .LBB2_2-.Ltmp0, $4  }
0x21: {  	_ = 	snop  }
0x22: {  	s15 =	sadd.s32 $0x200, s15  }
0x23: {  	_ =	swait.ge [sflag:s9], $0x4000  }
0x24: {  	[sflag:s9] =	ssyncset.done $0x0  }
0x25: {  	s14 =	sadd.s32 $0x1, s14  }
0x26: {  	[sflag:s9] =	ssyncadd.s32 $0xFFFFC000;
	p0 =	sne.s32 s14, s8  }
.Ltmp1:
0x27: {  	[bflag:$0x0] =	sbarrier.arrive $0xFFFF;
	(pc) =	sbr.rel @p0 .LBB2_1-.Ltmp1, $4  }
0x28: {  	[hbm:s7], [sflag:s11] =	dma.local [spmem:s12], $0x2780  }
0x29: {  	_ =	swait.ge [sflag:s9], $0x2780  }
0x2a: {  	[sflag:s9] =	ssyncset.done $0x0  }
0x2b: {  	[sflag:s9] =	ssyncadd.s32 $0xFFFFD880  }
0x2c: {  	_ =	sfence.sel $0x180000  }
0x2d: {  	[bflag:$0x0] =	sbarrier.arrive $0xFFFF  }
0x2e: {  	p0 =	sne.s32 s0, $0x0;
	_ =	strace $0x90000047  }
0x2f: {  	s0 =	sadd.s32 @!p0 $0x100000, s1;
	[bflag:$0x2] =	sbarrier.arrive $0xFFFF  }
0x30: {  	[sflag:s0] =	ssyncadd.tile.s32 @!p0 $0x1;
	_ =	shalt  }
.Lfunc_end2:
_tile_overlayer_lowered:
.L_overlay_start_2:
0x31: {  	(tag) =	ssettag $0x2  }
0x32: {  	s0 =	rddreg [dreg:$0x0];
	s2 =	stileid.u32  }
0x33: {  	s1 =	rddreg [dreg:$0x1];
	p0 =	sne.s32 s2, $0x0  }
0x34: {  	s3 =	rddreg [dreg:$0x2];
	[bflag:$0x3] =	sbarrier.arrive $0xFFFF;
	s2 =	simm.s32 @!p0 $0x1C01  }
0x35: {  	[timem:s3], [sflag:s2] =	dma.local @!p0 [hbm:s0], s1  }
0x36: {  	s0 =	simm.s32 @!p0 $0x1  }
0x37: {  	_ =	swait.ge @!p0 [sflag:s0], s1  }
0x38: {  	s1 =	ssub.s32 @!p0 $0x0, s1;
	[sflag:s0] =	ssyncset.done @!p0 $0x0  }
0x39: {  	[sflag:s0] =	ssyncadd.s32 @!p0 s1  }
0x3a: {  	[bflag:$0x3] =	sbarrier.arrive $0xFFFF  }
0x3b: {  	_ =	shalt  }

// kernel: kernel.19.cloned.1.call-start
scs
__scs_entry_jumppad:
0x0: {  	(pc) =	sbr.rel $0x88, $3  }
0x1: {  	(tag) =	ssettag $0x0;
	lr =	simm.s32 $0x1  }
0x2: {  	[smem:$0x3F9B] =	sst lr;
	_ =	strace $0xD0000000  }
0x3: {  	_ = 	snop  }
0x4: {  	_ = 	snop  }
0x5: {  	_ = 	snop  }
0x6: {  	_ = 	snop  }
0x7: {  	_ = 	snop  }
__scs_overlays_trampoline_lowered:
0x8: {  	[smem:$0x3FAA] =	sst s0  }
0x9: {  	[smem:$0x3FAB] =	sst s1  }
0xa: {  	[smem:$0x3FAC] =	sst s2  }
0xb: {  	[smem:$0x3FAD] =	sst s3  }
0xc: {  	[smem:$0x3FAE] =	sst s4  }
0xd: {  	[smem:$0x3FAF] =	sst s5  }
0xe: {  	[smem:$0x3FB0] =	sst s6  }
0xf: {  	[smem:$0x3FB1] =	sst s7  }
0x10: {  	[smem:$0x3FB2] =	sst s8  }
0x11: {  	[smem:$0x3FB3] =	sst s9;
	s0 =	simm.s32 @!p0 $0x0  }
0x12: {  	s1 =	sld [smem:$0x3F99];
	s0 =	simm.s32 @p0 $0x1  }
0x13: {  	[smem:$0x3FB4] =	sst s0;
	s0 =	simm.s32 @!p1 $0x0  }
0x14: {  	s2 =	sld [smem:$0x3F98];
	s0 =	simm.s32 @p1 $0x1  }
0x15: {  	[smem:$0x3FB5] =	sst s0;
	s0 =	simm.s32 @!p2 $0x0  }
0x16: {  	s3 =	sld [smem:$0x3FDB];
	s0 =	simm.s32 @p2 $0x1  }
0x17: {  	s4 =	simm.s32 $0x1BF5;
	[smem:$0x3FB7] =	sst s0  }
0x18: {  	s0 =	sld [smem:$0x3F9A];
	_ =	swait.ge [sflag:s4], $0x0  }
0x19: {  	s7 =	sld [smem:$0x3F9B]  }
0x1a: {  	s8 =	sadd.s32 $0xFFFFE003, lr  }
0x1b: {  	s9 =	sadd.s32 $0xFFFFFEF7, lr;
	s5 =	simm.s32 $0xFFFFFFFF;
	p2 =	slt.u32 s8, $0xFFFFF086  }
0x1c: {  	p1 =	slt.u32 s9, $0xF7A;
	s5 =	simm.s32 @!p2 $0x0  }
0x1d: {  	s5 =	simm.s32 @p1 $0x1;
	p0 =	seq.s32 s7, s2  }
0x1e: {  	s7 =	smul.u32 @!p0 $0xF7A, s2;
	p2 =	seq.s32 @!p0 s5, $0x0  }
0x1f: {  	s9 =	smul.u32 $0xF7A, s1;
	s8 =	simm.s32 @!p0 $0x1BF5;
	p2 =	por !p2, p0  }
0x20: {  	[sflag:s8] =	ssyncset.s32 @!p0 $0xFFFFF086;
	s6 =	sadd.s32 @!p0 s3, s7;
	s7 =	simm.s32 @!p0 $0x108  }
0x21: {  	s3 =	sadd.s32 s3, s9;
	s6 =	sadd.s32 @!p0 $0x88, s6;
	s7 =	simm.s32 @p2 $0x1082  }
0x22: {  	[simem:s7], [sflag:s8] =	dma.local @!p0 [hbm:s6], $0xF7A  }
0x23: {  	s9 =	sor.u32 $0xD0000000, s2;
	s6 =	simm.s32 $0x108;
	_ =	swait.ge @!p0 [sflag:s8], $0x0  }
0x24: {  	s3 =	sadd.s32 $0x88, s3;
	s6 =	simm.s32 @!p1 $0x1082;
	[sflag:s4] =	ssyncset.s32 $0xFFFFF086  }
0x25: {  	[simem:s6], [sflag:s4] =	dma.local [hbm:s3], $0xF7A  }
0x26: {  	[smem:$0x3F9B] =	sst s1;
	(tag) =	ssettag s2;
	_ =	strace s9  }
0x27: {  	s1 =	sld [smem:$0x3FAB]  }
0x28: {  	s2 =	sld [smem:$0x3FAC]  }
0x29: {  	s4 =	sld [smem:$0x3FAE]  }
0x2a: {  	p0 =	seq.s32 s5, $0x0;
	s5 =	sld [smem:$0x3FAF]  }
0x2b: {  	s6 =	sld [smem:$0x3FB0]  }
0x2c: {  	s7 =	sld [smem:$0x3FB1]  }
0x2d: {  	s3 =	simm.s32 $0x108;
	s8 =	sld [smem:$0x3FB2]  }
0x2e: {  	s3 =	simm.s32 @!p0 $0x1082;
	s9 =	sld [smem:$0x3FB3]  }
0x2f: {  	lr =	sadd.s32 s0, s3;
	s0 =	sld [smem:$0x3FAA]  }
0x30: {  	s3 =	sld [smem:$0x3FAD]  }
0x31: {  	[smem:$0x3FB6] =	sst s10  }
0x32: {  	s10 =	sld [smem:$0x3FB4];
	_ =	sdelay $0x3  }
0x33: {  	p0 =	seq.s32 s10, $0x1;
	s10 =	sld [smem:$0x3FB6];
	_ =	sdelay $0x3  }
0x34: {  	[smem:$0x3FB6] =	sst s10  }
0x35: {  	s10 =	sld [smem:$0x3FB5];
	_ =	sdelay $0x3  }
0x36: {  	p1 =	seq.s32 s10, $0x1;
	s10 =	sld [smem:$0x3FB6];
	_ =	sdelay $0x3  }
0x37: {  	[smem:$0x3FB6] =	sst s10  }
0x38: {  	s10 =	sld [smem:$0x3FB7]  }
0x39: {  	_ = 	snop;
	(pc) =	sbr.ind lr, $3  }
0x3a: {  	_ = 	snop  }
0x3b: {  	_ = 	snop  }
0x3c: {  	p2 =	seq.s32 s10, $0x1;
	s10 =	sld [smem:$0x3FB6]  }
0x3d: {  	_ =	shalt  }
0x3e: {  	_ =	shalt  }
0x3f: {  	_ =	shalt  }
0x40: {  	_ =	shalt  }
0x41: {  	_ =	shalt  }
0x42: {  	_ =	shalt  }
0x43: {  	_ =	shalt  }
0x44: {  	_ =	shalt  }
0x45: {  	_ =	shalt  }
0x46: {  	_ =	shalt  }
0x47: {  	_ =	shalt  }
0x48: {  	_ =	shalt  }
0x49: {  	_ =	shalt  }
0x4a: {  	_ =	shalt  }
0x4b: {  	_ =	shalt  }
0x4c: {  	_ =	shalt  }
0x4d: {  	_ =	shalt  }
0x4e: {  	_ =	shalt  }
0x4f: {  	_ =	shalt  }
0x50: {  	_ =	shalt  }
0x51: {  	_ =	shalt  }
0x52: {  	_ =	shalt  }
0x53: {  	_ =	shalt  }
0x54: {  	_ =	shalt  }
0x55: {  	_ =	shalt  }
0x56: {  	_ =	shalt  }
0x57: {  	_ =	shalt  }
0x58: {  	_ =	shalt  }
0x59: {  	_ =	shalt  }
0x5a: {  	_ =	shalt  }
0x5b: {  	_ =	shalt  }
0x5c: {  	_ =	shalt  }
0x5d: {  	_ =	shalt  }
0x5e: {  	_ =	shalt  }
0x5f: {  	_ =	shalt  }
0x60: {  	_ =	shalt  }
0x61: {  	_ =	shalt  }
0x62: {  	_ =	shalt  }
0x63: {  	_ =	shalt  }
0x64: {  	_ =	shalt  }
0x65: {  	_ =	shalt  }
0x66: {  	_ =	shalt  }
0x67: {  	_ =	shalt  }
0x68: {  	_ =	shalt  }
0x69: {  	_ =	shalt  }
0x6a: {  	_ =	shalt  }
0x6b: {  	_ =	shalt  }
0x6c: {  	_ =	shalt  }
0x6d: {  	_ =	shalt  }
0x6e: {  	_ =	shalt  }
0x6f: {  	_ =	shalt  }
0x70: {  	_ =	shalt  }
0x71: {  	_ =	shalt  }
0x72: {  	_ =	shalt  }
0x73: {  	_ =	shalt  }
0x74: {  	_ =	shalt  }
0x75: {  	_ =	shalt  }
0x76: {  	_ =	shalt  }
0x77: {  	_ =	shalt  }
0x78: {  	_ =	shalt  }
0x79: {  	_ =	shalt  }
0x7a: {  	_ =	shalt  }
0x7b: {  	_ =	shalt  }
0x7c: {  	_ =	shalt  }
0x7d: {  	_ =	shalt  }
0x7e: {  	_ =	shalt  }
0x7f: {  	_ =	shalt  }
0x80: {  	_ =	shalt  }
0x81: {  	_ =	shalt  }
0x82: {  	_ =	shalt  }
0x83: {  	_ =	shalt  }
0x84: {  	_ =	shalt  }
0x85: {  	_ =	shalt  }
0x86: {  	_ =	shalt  }
0x87: {  	_ =	shalt  }
.Lfunc_end0:
.L_simem_size_0:
called_computation.1_lowered:
.L_overlay_start_0:
0x88: {  	s2 =	sld [smem:$0x3FD9]  }
0x89: {  	s3 =	sld [smem:$0x3FFE];
	_ =	sdelay $0x1  }
0x8a: {  	s1 =	srdreg.scid  }
0x8b: {  	s0 =	sand.u32 $0x1, s1  }
0x8c: {  	s17 =	sshll.u32 s0, $0xA;
	s2 =	sadd.s32 s3, s2  }
0x8d: {  	s2 =	sadd.s32 s2, s17  }
0x8e: {  	[smem:$0x3FC2] =	sst s2  }
0x8f: {  	_ = 	snop  }
0x90: {  	s2 =	sld [smem:$0x3FD0];
	(tm) =	ssettm $0x1  }
0x91: {  	s18 =	sld [smem:$0x3FFB];
	_ =	sdelay $0x3  }
0x92: {  	_ =	strace s18  }
0x93: {  	s3 =	sld [smem:$0x3FFC];
	_ =	sdelay $0x3  }
0x94: {  	_ =	strace s3  }
0x95: {  	s3 =	sld [smem:$0x3FFD];
	_ =	sdelay $0x3  }
0x96: {  	_ =	strace s3  }
0x97: {  	_ =	strace $0x8FFFFFFF  }
0x98: {  	s19 =	sld [smem:$0x3FDB];
	_ =	sdelay $0x1  }
0x99: {  	s4 =	simm.s32 $_scs_section_size  }
0x9a: {  	s5 =	simm.s32 $_size__tile_overlayer_lowered;
	s6 =	simm.s32 $_tile_overlayer_lowered  }
0x9b: {  	s22 =	simm.s32 $0x1BFF;
	s21 =	sshll.u32 s6, $0x1;
	s3 =	sadd.s32 s4, s19  }
0x9c: {  	s7 =	simm.s32 $0x0;
	s20 =	sshll.u32 s5, $0x1;
	s5 =	sadd.s32 s21, s3  }
0x9d: {  	[timem:s7], [sflag:s22] =	dma.local [hbm:s5], s20  }
0x9e: {  	_ =	swait.ge [sflag:s22], s20  }
0x9f: {  	s4 =	ssub.s32 $0x0, s20;
	[sflag:s22] =	ssyncset.done $0x0  }
0xa0: {  	[sflag:s22] =	ssyncadd.s32 s4;
	_ =	sdelay $0x1  }
0xa1: {  	s23 =	simm.s32 $0x1B8B  }
0xa2: {  	_ =	swait.ge [sflag:s23], $0x1  }
0xa3: {  	[sflag:s23] =	ssyncset.done $0x0  }
0xa4: {  	s25 =	simm.s32 $0x1B8E;
	s24 =	sld [smem:$0x3FFE];
	[sflag:s23] =	ssyncadd.s32 $0xFFFFFFFF  }
0xa5: {  	s26 =	simm.s32 $execute0_lowered;
	[smem:$0x3FD2] =	sst s25  }
0xa6: {  	s5 =	sshll.u32 s26, $0x1;
	_ =	strace $0x80000049;
	[dreg:$0x1] =	wrdreg $0xFFFFFFFF  }
0xa7: {  	s28 =	simm.s32 $_size_execute0_lowered;
	s3 =	sadd.s32 s3, s5;
	[dreg:$0x0] =	wrdreg $0x0  }
0xa8: {  	s5 =	sshll.u32 s28, $0x1;
	[dreg:$0x2] =	wrdreg s3  }
0xa9: {  	[dreg:$0x3] =	wrdreg s5  }
0xaa: {  	[dreg:$0x4] =	wrdreg $0xC0  }
0xab: {  	_ =	task [dreg:s7], $0x5FFFF  }
0xac: {  	[dreg:$0x1] =	wrdreg $0xFFFFFFFF  }
0xad: {  	[dreg:$0x0] =	wrdreg $0x60  }
0xae: {  	[dreg:$0x2] =	wrdreg s2  }
0xaf: {  	[dreg:$0x3] =	wrdreg s24  }
0xb0: {  	[dreg:$0x4] =	wrdreg $0xA8000  }
0xb1: {  	[dreg:$0x5] =	wrdreg $0x9  }
0xb2: {  	_ =	task.clear_ibuf [dreg:s7], $0x6FFFF;
	_ =	strace $0x90000049  }
0xb3: {  	s29 =	simm.s32 $0x9;
	_ =	strace $0x8000004B  }
0xb4: {  	_ =	swait.ge [sflag:s29], $0x1  }
0xb5: {  	[sflag:s29] =	ssyncadd.s32 $0xFFFFFFFF  }
0xb6: {  	_ =	strace $0x9000004B  }
0xb7: {  	_ =	sfence  }
0xb8: {  	s30 =	sld [smem:$0x0];
	_ =	sdelay $0x2  }
0xb9: {  	s31 =	sshll.u32 s1, $0xD;
	s1 =	sshrl.u32 s1, $0x2  }
0xba: {  	s3 =	sand.u32 $0x4000, s31;
	s1 =	sadd.s32 s1, s30  }
0xbb: {  	s0 =	sor.u32 s3, s0;
	s1 =	sshll.u32 s1, $0x11  }
0xbc: {  	s0 =	sor.u32 s1, s0  }
0xbd: {  	s0 =	sadd.s32 $0x8F2B, s0  }
0xbe: {  	[sflag:s0] =	ssyncadd.remote.s32 $0x1  }
0xbf: {  	_ =	sfence.sel $0xFFFF  }
0xc0: {  	[dreg:$0x0] =	wrdreg $0xFFFFFFFF;
	(pc) =	sbr.abs _section_cstart, $3  }
0xc1: {  	[dreg:$0x1] =	wrdreg $0xFFFFFFFF  }
0xc2: {  	_ =	task.clear_ibuf [dreg:s7], $0x2FFFF;
	_ =	strace $0x9FFFFFFF  }
0xc3: {  	(tm) =	ssettm $0x7FFFFFFF  }
tec
execute0_lowered:
.L_overlay_start_1:
0x0: {  	(tag) =	ssettag $0x1  }
0x1: {  	s1 =	rddreg [dreg:$0x0]  }
0x2: {  	s6 =	rddreg [dreg:$0x1]  }
0x3: {  	s2 =	rddreg [dreg:$0x2];
	s3 =	srdreg.scid  }
0x4: {  	s0 =	rddreg [dreg:$0x3];
	s4 =	simm.s32 $0x0;
	s15 =	simm.s32 $0x1400  }
0x5: {  	s16 =	simm.s32 $0x80;
	s17 =	simm.s32 $0x2800;
	s18 =	simm.s32 $0x6800  }
0x6: {  	s19 =	simm.s32 $0x1;
	s20 =	simm.s32 $0x2;
	s21 =	simm.s32 $0x1380  }
0x7: {  	s22 =	simm.s32 $0x2700;
	s5 =	sand.u32 $0x1, s3;
	s3 =	stileid.u32  }
0x8: {  	s23 =	simm.s32 $0x2780;
	[smem:$0x7FF] =	sst s4;
	s7 =	smul.u32 $0x13C000, s5  }
0x9: {  	s9 =	sadd.s32 $0x5FA00, s6;
	s10 =	sadd.s32 $0x4200, s6;
	s8 =	smul.u32 $0x13C00, s3  }
0xa: {  	_ =	strace $0x8000004A;
	s24 =	sshll.u32 s3, $0x1;
	s11 =	ssub.s32 $0x2, s5  }
0xb: {  	s25 =	smul.u32 $0x4F000, s3;
	s28 =	sshll.u32 s3, $0x6;
	s5 =	sor.u32 s5, s24  }
0xc: {  	s12 =	sshrl.u32 s11, $0x1;
	s24 =	simm.s32 $0x0;
	s7 =	sadd.s32 s8, s7  }
0xd: {  	s13 =	smul.u32 $0x2800, s5;
	s5 =	sadd.s32 $0xE200, s6;
	s26 =	sshrl.u32 s25, $0x2  }
0xe: {  	s12 =	ssub.s32 s11, s12;
	s7 =	sshrl.u32 s7, $0x3;
	s30 =	sadd.s32 s26, s2  }
0xf: {  	s12 =	smax.u32 s12, $0x1;
	s14 =	sadd.s32 s7, s6;
	s29 =	sshrl.u32 s13, $0x3  }
0x10: {  	s6 =	sor.u32 $0x1C03, s28;
	s13 =	sshrl.u32 s30, $0x3;
	s31 =	sadd.s32 $0x280, s29  }
0x11: {  	s7 =	sadd.s32 s9, s29;
	s8 =	sadd.s32 s10, s29;
	s11 =	sadd.s32 $0x10A00, s14  }
0x12: {  	s14 =	simm.s32 $0x3;
	s9 =	sadd.s32 s9, s31;
	s10 =	sadd.s32 s10, s31  }
.LBB2_1:
0x13: {  	[spmem:s13], [sflag:s6] =	dma.local [hbm:s5], $0x2780  }
0x14: {  	_ =	swait.ge [sflag:s14], $0x2780  }
0x15: {  	[sflag:s14] =	ssyncset.done $0x0  }
0x16: {  	[sflag:s14] =	ssyncadd.s32 $0xFFFFD880  }
0x17: {  	[bflag:$0x0] =	sbarrier.arrive $0xFFFF  }
0x18: {  	[tilespmem:s4], [sflag:$0x3] =	stream.linear.gather [hbm4b:s7+s4], $0x1400, $0x38;
	[tilespmem:$0x1E400] =	vst v63  }
0x19: {  	_ =	swait.ge [sflag:s14], $0x1400  }
0x1a: {  	[sflag:s14] =	ssyncset.done $0x0  }
0x1b: {  	[sflag:s14] =	ssyncadd.s32 $0xFFFFEC00  }
0x1c: {  	[tilespmem:s15], [sflag:$0x3] =	stream.linear.gather [hbm4b:s8+s4], $0x1400, $0x38;
	[tilespmem:$0x1E400] =	vst v63  }
0x1d: {  	_ =	swait.ge [sflag:s14], $0x1400  }
0x1e: {  	[sflag:s14] =	ssyncset.done $0x0  }
0x1f: {  	[sflag:s14] =	ssyncadd.s32 $0xFFFFEC00  }
0x20: {  	[tilespmem:s17], [sflag:$0x1] =	stream.indirect.gather [hbm4b:s1+s16], $0x80, s4, s16, $0xb8;
	[tilespmem:$0x1E400] =	vst v63  }
0x21: {  	s25 =	simm.s32 $0x80  }
0x22: {  	[tilespmem:s18], [sflag:$0x2] =	stream.indirect.gather [hbm4b:s1+s16], $0x80, s25, s16, $0xb8;
	[tilespmem:$0x1E400] =	vst v63  }
0x23: {  	_ =	swait.ge [sflag:s19], $0x4000  }
0x24: {  	[sflag:s19] =	ssyncset.done $0x0  }
0x25: {  	s29 =	simm.s32 $0x1400;
	[sflag:s19] =	ssyncadd.s32 $0xFFFFC000  }
0x26: {  	[spmem:s2] =	stream.indirect.scatter.add.f32 [tilespmem:s17], [sflag:$0x3], $0x80, s29, s16, $0xb8;
	[tilespmem:$0x1E400] =	vst v63  }
0x27: {  	_ =	swait.ge [sflag:s14], $0x4000  }
0x28: {  	[sflag:s14] =	ssyncset.done $0x0  }
0x29: {  	s30 =	simm.s32 $0x100;
	[sflag:s14] =	ssyncadd.s32 $0xFFFFC000  }
0x2a: {  	[tilespmem:s17], [sflag:$0x1] =	stream.indirect.gather [hbm4b:s1+s16], $0x80, s30, s16, $0xb8;
	[tilespmem:$0x1E400] =	vst v63  }
0x2b: {  	_ =	swait.ge [sflag:s20], $0x4000  }
0x2c: {  	[sflag:s20] =	ssyncset.done $0x0  }
0x2d: {  	s31 =	simm.s32 $0x1480;
	[sflag:s20] =	ssyncadd.s32 $0xFFFFC000  }
0x2e: {  	[spmem:s2] =	stream.indirect.scatter.add.f32 [tilespmem:s18], [sflag:$0x3], $0x80, s31, s16, $0xb8;
	[tilespmem:$0x1E400] =	vst v63  }
0x2f: {  	_ =	swait.ge [sflag:s14], $0x4000  }
0x30: {  	s26 =	simm.s32 $0x800;
	s25 =	simm.s32 $0x100;
	[sflag:s14] =	ssyncset.done $0x0  }
.LBB2_2:
0x31: {  	s28 =	sadd.s32 $0x80, s25  }
0x32: {  	[sflag:s14] =	ssyncadd.s32 $0xFFFFC000;
	s29 =	smov.u32 s26;
	s30 =	sadd.s32 $0x400, s26  }
0x33: {  	[tilespmem:s18], [sflag:$0x2] =	stream.indirect.gather [hbm4b:s1+s16], $0x80, s28, s16, $0xb8;
	[tilespmem:$0x1E400] =	vst v63  }
0x34: {  	p0 =	sne.s32 s26, $0x4800;
	_ =	swait.ge [sflag:s19], $0x4000  }
0x35: {  	[sflag:s19] =	ssyncset.done $0x0  }
0x36: {  	s26 =	sadd.s32 $0x1400, s25;
	[sflag:s19] =	ssyncadd.s32 $0xFFFFC000  }
0x37: {  	[spmem:s2] =	stream.indirect.scatter.add.f32 [tilespmem:s17], [sflag:$0x3], $0x80, s26, s16, $0xb8;
	[tilespmem:$0x1E400] =	vst v63  }
0x38: {  	_ =	swait.ge [sflag:s14], $0x4000  }
0x39: {  	[sflag:s14] =	ssyncset.done $0x0  }
0x3a: {  	s26 =	sadd.s32 $0x100, s25;
	[sflag:s14] =	ssyncadd.s32 $0xFFFFC000  }
0x3b: {  	[tilespmem:s17], [sflag:$0x1] =	stream.indirect.gather [hbm4b:s1+s16], $0x80, s26, s16, $0xb8;
	[tilespmem:$0x1E400] =	vst v63  }
0x3c: {  	_ =	swait.ge [sflag:s20], $0x4000  }
.Ltmp0:
0x3d: {  	[sflag:s20] =	ssyncset.done $0x0;
	(pc) =	sbr.rel @p0 .LBB2_2-.Ltmp0, $4  }
0x3e: {  	s25 =	sadd.s32 $0x1480, s25;
	[sflag:s20] =	ssyncadd.s32 $0xFFFFC000  }
0x3f: {  	[spmem:s2] =	stream.indirect.scatter.add.f32 [tilespmem:s18], [sflag:$0x3], $0x80, s25, s16, $0xb8;
	[tilespmem:$0x1E400] =	vst v63  }
0x40: {  	_ =	swait.ge [sflag:s14], $0x4000  }
0x41: {  	s26 =	smov.u32 s30;
	s25 =	sshra.s32 s29, $0x2;
	[sflag:s14] =	ssyncset.done $0x0  }
0x42: {  	s26 =	sadd.s32 $0x80, s25;
	[sflag:s14] =	ssyncadd.s32 $0xFFFFC000  }
0x43: {  	[tilespmem:s18], [sflag:$0x2] =	stream.indirect.gather [hbm4b:s1+s16], $0x80, s26, s16, $0xb8;
	[tilespmem:$0x1E400] =	vst v63  }
0x44: {  	_ =	swait.ge [sflag:s19], $0x4000  }
0x45: {  	[sflag:s19] =	ssyncset.done $0x0  }
0x46: {  	s29 =	sadd.s32 $0x1400, s25;
	[sflag:s19] =	ssyncadd.s32 $0xFFFFC000  }
0x47: {  	[spmem:s2] =	stream.indirect.scatter.add.f32 [tilespmem:s17], [sflag:$0x3], $0x80, s29, s16, $0xb8;
	[tilespmem:$0x1E400] =	vst v63  }
0x48: {  	_ =	swait.ge [sflag:s14], $0x4000  }
0x49: {  	[sflag:s14] =	ssyncset.done $0x0  }
0x4a: {  	s30 =	sadd.s32 $0x100, s25;
	[sflag:s14] =	ssyncadd.s32 $0xFFFFC000  }
0x4b: {  	[tilespmem:s17], [sflag:$0x1] =	stream.indirect.gather [hbm4b:s1+s16], $0x80, s30, s16, $0xb8;
	[tilespmem:$0x1E400] =	vst v63  }
0x4c: {  	_ =	swait.ge [sflag:s20], $0x4000  }
0x4d: {  	[sflag:s20] =	ssyncset.done $0x0  }
0x4e: {  	s31 =	sadd.s32 $0x1480, s25;
	[sflag:s20] =	ssyncadd.s32 $0xFFFFC000  }
0x4f: {  	[spmem:s2] =	stream.indirect.scatter.add.f32 [tilespmem:s18], [sflag:$0x3], $0x80, s31, s16, $0xb8;
	[tilespmem:$0x1E400] =	vst v63  }
0x50: {  	_ =	swait.ge [sflag:s14], $0x4000  }
0x51: {  	[sflag:s14] =	ssyncset.done $0x0  }
0x52: {  	[sflag:s14] =	ssyncadd.s32 $0xFFFFC000  }
0x53: {  	[tilespmem:s18], [sflag:$0x2] =	stream.indirect.gather [hbm4b:s1+s16], $0x80, s21, s16, $0xb8;
	[tilespmem:$0x1E400] =	vst v63  }
0x54: {  	_ =	swait.ge [sflag:s19], $0x4000  }
0x55: {  	[sflag:s19] =	ssyncset.done $0x0  }
0x56: {  	[sflag:s19] =	ssyncadd.s32 $0xFFFFC000  }
0x57: {  	[spmem:s2] =	stream.indirect.scatter.add.f32 [tilespmem:s17], [sflag:$0x3], $0x80, s22, s16, $0xb8;
	[tilespmem:$0x1E400] =	vst v63  }
0x58: {  	_ =	swait.ge [sflag:s14], $0x4000  }
0x59: {  	[sflag:s14] =	ssyncset.done $0x0  }
0x5a: {  	[sflag:s14] =	ssyncadd.s32 $0xFFFFC000  }
0x5b: {  	_ =	swait.ge [sflag:s20], $0x4000  }
0x5c: {  	[sflag:s20] =	ssyncset.done $0x0  }
0x5d: {  	[sflag:s20] =	ssyncadd.s32 $0xFFFFC000  }
0x5e: {  	[spmem:s2] =	stream.indirect.scatter.add.f32 [tilespmem:s18], [sflag:$0x3], $0x80, s23, s16, $0xb8;
	[tilespmem:$0x1E400] =	vst v63  }
0x5f: {  	_ =	swait.ge [sflag:s14], $0x4000  }
0x60: {  	[sflag:s14] =	ssyncset.done $0x0  }
0x61: {  	s26 =	simm.s32 $0x0;
	[sflag:s14] =	ssyncadd.s32 $0xFFFFC000  }
0x62: {  	[tilespmem:s26], [sflag:$0x3] =	stream.linear.gather [hbm4b:s9+s26], $0x1400, $0x38;
	[tilespmem:$0x1E400] =	vst v63  }
0x63: {  	_ =	swait.ge [sflag:s14], $0x1400  }
0x64: {  	[sflag:s14] =	ssyncset.done $0x0  }
0x65: {  	[sflag:s14] =	ssyncadd.s32 $0xFFFFEC00  }
0x66: {  	[tilespmem:s15], [sflag:$0x3] =	stream.linear.gather [hbm4b:s10+s26], $0x1400, $0x38;
	[tilespmem:$0x1E400] =	vst v63  }
0x67: {  	_ =	swait.ge [sflag:s14], $0x1400  }
0x68: {  	[sflag:s14] =	ssyncset.done $0x0  }
0x69: {  	[sflag:s14] =	ssyncadd.s32 $0xFFFFEC00  }
0x6a: {  	[tilespmem:s17], [sflag:$0x1] =	stream.indirect.gather [hbm4b:s1+s16], $0x80, s26, s16, $0xb8;
	[tilespmem:$0x1E400] =	vst v63  }
0x6b: {  	s28 =	simm.s32 $0x80  }
0x6c: {  	[tilespmem:s18], [sflag:$0x2] =	stream.indirect.gather [hbm4b:s1+s16], $0x80, s28, s16, $0xb8;
	[tilespmem:$0x1E400] =	vst v63  }
0x6d: {  	_ =	swait.ge [sflag:s19], $0x4000  }
0x6e: {  	[sflag:s19] =	ssyncset.done $0x0  }
0x6f: {  	s29 =	simm.s32 $0x1400;
	[sflag:s19] =	ssyncadd.s32 $0xFFFFC000  }
0x70: {  	[spmem:s2] =	stream.indirect.scatter.add.f32 [tilespmem:s17], [sflag:$0x3], $0x80, s29, s16, $0xb8;
	[tilespmem:$0x1E400] =	vst v63  }
0x71: {  	_ =	swait.ge [sflag:s14], $0x4000  }
0x72: {  	[sflag:s14] =	ssyncset.done $0x0  }
0x73: {  	s30 =	simm.s32 $0x100;
	[sflag:s14] =	ssyncadd.s32 $0xFFFFC000  }
0x74: {  	[tilespmem:s17], [sflag:$0x1] =	stream.indirect.gather [hbm4b:s1+s16], $0x80, s30, s16, $0xb8;
	[tilespmem:$0x1E400] =	vst v63  }
0x75: {  	_ =	swait.ge [sflag:s20], $0x4000  }
0x76: {  	[sflag:s20] =	ssyncset.done $0x0  }
0x77: {  	s31 =	simm.s32 $0x1480;
	[sflag:s20] =	ssyncadd.s32 $0xFFFFC000  }
0x78: {  	[spmem:s2] =	stream.indirect.scatter.add.f32 [tilespmem:s18], [sflag:$0x3], $0x80, s31, s16, $0xb8;
	[tilespmem:$0x1E400] =	vst v63  }
0x79: {  	_ =	swait.ge [sflag:s14], $0x4000  }
0x7a: {  	s25 =	simm.s32 $0x100;
	s26 =	simm.s32 $0x800;
	[sflag:s14] =	ssyncset.done $0x0  }
.LBB2_4:
0x7b: {  	s28 =	sadd.s32 $0x80, s25  }
0x7c: {  	[sflag:s14] =	ssyncadd.s32 $0xFFFFC000;
	s29 =	smov.u32 s26;
	s30 =	sadd.s32 $0x400, s26  }
0x7d: {  	[tilespmem:s18], [sflag:$0x2] =	stream.indirect.gather [hbm4b:s1+s16], $0x80, s28, s16, $0xb8;
	[tilespmem:$0x1E400] =	vst v63  }
0x7e: {  	p0 =	sne.s32 s26, $0x4800;
	_ =	swait.ge [sflag:s19], $0x4000  }
0x7f: {  	[sflag:s19] =	ssyncset.done $0x0  }
0x80: {  	s26 =	sadd.s32 $0x1400, s25;
	[sflag:s19] =	ssyncadd.s32 $0xFFFFC000  }
0x81: {  	[spmem:s2] =	stream.indirect.scatter.add.f32 [tilespmem:s17], [sflag:$0x3], $0x80, s26, s16, $0xb8;
	[tilespmem:$0x1E400] =	vst v63  }
0x82: {  	_ =	swait.ge [sflag:s14], $0x4000  }
0x83: {  	[sflag:s14] =	ssyncset.done $0x0  }
0x84: {  	s26 =	sadd.s32 $0x100, s25;
	[sflag:s14] =	ssyncadd.s32 $0xFFFFC000  }
0x85: {  	[tilespmem:s17], [sflag:$0x1] =	stream.indirect.gather [hbm4b:s1+s16], $0x80, s26, s16, $0xb8;
	[tilespmem:$0x1E400] =	vst v63  }
0x86: {  	_ =	swait.ge [sflag:s20], $0x4000  }
.Ltmp1:
0x87: {  	[sflag:s20] =	ssyncset.done $0x0;
	(pc) =	sbr.rel @p0 .LBB2_4-.Ltmp1, $4  }
0x88: {  	s25 =	sadd.s32 $0x1480, s25;
	[sflag:s20] =	ssyncadd.s32 $0xFFFFC000  }
0x89: {  	[spmem:s2] =	stream.indirect.scatter.add.f32 [tilespmem:s18], [sflag:$0x3], $0x80, s25, s16, $0xb8;
	[tilespmem:$0x1E400] =	vst v63  }
0x8a: {  	_ =	swait.ge [sflag:s14], $0x4000  }
0x8b: {  	s26 =	smov.u32 s30;
	s25 =	sshra.s32 s29, $0x2;
	[sflag:s14] =	ssyncset.done $0x0  }
0x8c: {  	s26 =	sadd.s32 $0x80, s25;
	[sflag:s14] =	ssyncadd.s32 $0xFFFFC000  }
0x8d: {  	[tilespmem:s18], [sflag:$0x2] =	stream.indirect.gather [hbm4b:s1+s16], $0x80, s26, s16, $0xb8;
	[tilespmem:$0x1E400] =	vst v63  }
0x8e: {  	_ =	swait.ge [sflag:s19], $0x4000  }
0x8f: {  	[sflag:s19] =	ssyncset.done $0x0  }
0x90: {  	s29 =	sadd.s32 $0x1400, s25;
	[sflag:s19] =	ssyncadd.s32 $0xFFFFC000  }
0x91: {  	[spmem:s2] =	stream.indirect.scatter.add.f32 [tilespmem:s17], [sflag:$0x3], $0x80, s29, s16, $0xb8;
	[tilespmem:$0x1E400] =	vst v63  }
0x92: {  	_ =	swait.ge [sflag:s14], $0x4000  }
0x93: {  	[sflag:s14] =	ssyncset.done $0x0  }
0x94: {  	s30 =	sadd.s32 $0x100, s25;
	[sflag:s14] =	ssyncadd.s32 $0xFFFFC000  }
0x95: {  	[tilespmem:s17], [sflag:$0x1] =	stream.indirect.gather [hbm4b:s1+s16], $0x80, s30, s16, $0xb8;
	[tilespmem:$0x1E400] =	vst v63  }
0x96: {  	_ =	swait.ge [sflag:s20], $0x4000  }
0x97: {  	[sflag:s20] =	ssyncset.done $0x0  }
0x98: {  	s31 =	sadd.s32 $0x1480, s25;
	[sflag:s20] =	ssyncadd.s32 $0xFFFFC000  }
0x99: {  	[spmem:s2] =	stream.indirect.scatter.add.f32 [tilespmem:s18], [sflag:$0x3], $0x80, s31, s16, $0xb8;
	[tilespmem:$0x1E400] =	vst v63  }
0x9a: {  	_ =	swait.ge [sflag:s14], $0x4000  }
0x9b: {  	[sflag:s14] =	ssyncset.done $0x0  }
0x9c: {  	[sflag:s14] =	ssyncadd.s32 $0xFFFFC000  }
0x9d: {  	[tilespmem:s18], [sflag:$0x2] =	stream.indirect.gather [hbm4b:s1+s16], $0x80, s21, s16, $0xb8;
	[tilespmem:$0x1E400] =	vst v63  }
0x9e: {  	_ =	swait.ge [sflag:s19], $0x4000  }
0x9f: {  	[sflag:s19] =	ssyncset.done $0x0  }
0xa0: {  	[sflag:s19] =	ssyncadd.s32 $0xFFFFC000  }
0xa1: {  	[spmem:s2] =	stream.indirect.scatter.add.f32 [tilespmem:s17], [sflag:$0x3], $0x80, s22, s16, $0xb8;
	[tilespmem:$0x1E400] =	vst v63  }
0xa2: {  	_ =	swait.ge [sflag:s14], $0x4000  }
0xa3: {  	[sflag:s14] =	ssyncset.done $0x0  }
0xa4: {  	[sflag:s14] =	ssyncadd.s32 $0xFFFFC000  }
0xa5: {  	_ =	swait.ge [sflag:s20], $0x4000  }
0xa6: {  	[sflag:s20] =	ssyncset.done $0x0  }
0xa7: {  	[sflag:s20] =	ssyncadd.s32 $0xFFFFC000  }
0xa8: {  	[spmem:s2] =	stream.indirect.scatter.add.f32 [tilespmem:s18], [sflag:$0x3], $0x80, s23, s16, $0xb8;
	[tilespmem:$0x1E400] =	vst v63  }
0xa9: {  	_ =	swait.ge [sflag:s14], $0x4000  }
0xaa: {  	s24 =	sadd.s32 $0x1, s24;
	[sflag:s14] =	ssyncset.done $0x0  }
0xab: {  	p0 =	sne.s32 s24, s12;
	[sflag:s14] =	ssyncadd.s32 $0xFFFFC000  }
.Ltmp2:
0xac: {  	[bflag:$0x0] =	sbarrier.arrive $0xFFFF;
	(pc) =	sbr.rel @p0 .LBB2_1-.Ltmp2, $4  }
0xad: {  	[hbm:s11], [sflag:s6] =	dma.local [spmem:s13], $0x2780  }
0xae: {  	_ =	swait.ge [sflag:s14], $0x2780  }
0xaf: {  	[sflag:s14] =	ssyncset.done $0x0  }
0xb0: {  	[sflag:s14] =	ssyncadd.s32 $0xFFFFD880  }
0xb1: {  	_ =	sfence.sel $0x180000  }
0xb2: {  	[bflag:$0x0] =	sbarrier.arrive $0xFFFF  }
0xb3: {  	p0 =	sne.s32 s3, $0x0;
	_ =	strace $0x9000004A  }
0xb4: {  	s0 =	sadd.s32 @!p0 $0x100000, s0;
	[bflag:$0x2] =	sbarrier.arrive $0xFFFF  }
0xb5: {  	[sflag:s0] =	ssyncadd.tile.s32 @!p0 $0x1;
	_ =	shalt  }
.Lfunc_end2:
_tile_overlayer_lowered:
.L_overlay_start_2:
0xb6: {  	(tag) =	ssettag $0x2  }
0xb7: {  	s0 =	rddreg [dreg:$0x0];
	s2 =	stileid.u32  }
0xb8: {  	s1 =	rddreg [dreg:$0x1];
	p0 =	sne.s32 s2, $0x0  }
0xb9: {  	s3 =	rddreg [dreg:$0x2];
	[bflag:$0x3] =	sbarrier.arrive $0xFFFF;
	s2 =	simm.s32 @!p0 $0x1C03  }
0xba: {  	[timem:s3], [sflag:s2] =	dma.local @!p0 [hbm:s0], s1  }
0xbb: {  	s0 =	simm.s32 @!p0 $0x3  }
0xbc: {  	_ =	swait.ge @!p0 [sflag:s0], s1  }
0xbd: {  	s1 =	ssub.s32 @!p0 $0x0, s1;
	[sflag:s0] =	ssyncset.done @!p0 $0x0  }
0xbe: {  	[sflag:s0] =	ssyncadd.s32 @!p0 s1  }
0xbf: {  	[bflag:$0x3] =	sbarrier.arrive $0xFFFF  }
0xc0: {  	_ =	shalt  }

// kernel: kernel.22.cloned.1.call-start
scs
__scs_entry_jumppad:
0x0: {  	(pc) =	sbr.rel $0x88, $3  }
0x1: {  	(tag) =	ssettag $0x0;
	lr =	simm.s32 $0x1  }
0x2: {  	[smem:$0x3F9B] =	sst lr;
	_ =	strace $0xD0000000  }
0x3: {  	_ = 	snop  }
0x4: {  	_ = 	snop  }
0x5: {  	_ = 	snop  }
0x6: {  	_ = 	snop  }
0x7: {  	_ = 	snop  }
__scs_overlays_trampoline_lowered:
0x8: {  	[smem:$0x3FAA] =	sst s0  }
0x9: {  	[smem:$0x3FAB] =	sst s1  }
0xa: {  	[smem:$0x3FAC] =	sst s2  }
0xb: {  	[smem:$0x3FAD] =	sst s3  }
0xc: {  	[smem:$0x3FAE] =	sst s4  }
0xd: {  	[smem:$0x3FAF] =	sst s5  }
0xe: {  	[smem:$0x3FB0] =	sst s6  }
0xf: {  	[smem:$0x3FB1] =	sst s7  }
0x10: {  	[smem:$0x3FB2] =	sst s8  }
0x11: {  	[smem:$0x3FB3] =	sst s9;
	s0 =	simm.s32 @!p0 $0x0  }
0x12: {  	s1 =	sld [smem:$0x3F99];
	s0 =	simm.s32 @p0 $0x1  }
0x13: {  	[smem:$0x3FB4] =	sst s0;
	s0 =	simm.s32 @!p1 $0x0  }
0x14: {  	s2 =	sld [smem:$0x3F98];
	s0 =	simm.s32 @p1 $0x1  }
0x15: {  	[smem:$0x3FB5] =	sst s0;
	s0 =	simm.s32 @!p2 $0x0  }
0x16: {  	s3 =	sld [smem:$0x3FDB];
	s0 =	simm.s32 @p2 $0x1  }
0x17: {  	s4 =	simm.s32 $0x1BF5;
	[smem:$0x3FB7] =	sst s0  }
0x18: {  	s0 =	sld [smem:$0x3F9A];
	_ =	swait.ge [sflag:s4], $0x0  }
0x19: {  	s7 =	sld [smem:$0x3F9B]  }
0x1a: {  	s8 =	sadd.s32 $0xFFFFE003, lr  }
0x1b: {  	s9 =	sadd.s32 $0xFFFFFEF7, lr;
	s5 =	simm.s32 $0xFFFFFFFF;
	p2 =	slt.u32 s8, $0xFFFFF086  }
0x1c: {  	p1 =	slt.u32 s9, $0xF7A;
	s5 =	simm.s32 @!p2 $0x0  }
0x1d: {  	s5 =	simm.s32 @p1 $0x1;
	p0 =	seq.s32 s7, s2  }
0x1e: {  	s7 =	smul.u32 @!p0 $0xF7A, s2;
	p2 =	seq.s32 @!p0 s5, $0x0  }
0x1f: {  	s9 =	smul.u32 $0xF7A, s1;
	s8 =	simm.s32 @!p0 $0x1BF5;
	p2 =	por !p2, p0  }
0x20: {  	[sflag:s8] =	ssyncset.s32 @!p0 $0xFFFFF086;
	s6 =	sadd.s32 @!p0 s3, s7;
	s7 =	simm.s32 @!p0 $0x108  }
0x21: {  	s3 =	sadd.s32 s3, s9;
	s6 =	sadd.s32 @!p0 $0x88, s6;
	s7 =	simm.s32 @p2 $0x1082  }
0x22: {  	[simem:s7], [sflag:s8] =	dma.local @!p0 [hbm:s6], $0xF7A  }
0x23: {  	s9 =	sor.u32 $0xD0000000, s2;
	s6 =	simm.s32 $0x108;
	_ =	swait.ge @!p0 [sflag:s8], $0x0  }
0x24: {  	s3 =	sadd.s32 $0x88, s3;
	s6 =	simm.s32 @!p1 $0x1082;
	[sflag:s4] =	ssyncset.s32 $0xFFFFF086  }
0x25: {  	[simem:s6], [sflag:s4] =	dma.local [hbm:s3], $0xF7A  }
0x26: {  	[smem:$0x3F9B] =	sst s1;
	(tag) =	ssettag s2;
	_ =	strace s9  }
0x27: {  	s1 =	sld [smem:$0x3FAB]  }
0x28: {  	s2 =	sld [smem:$0x3FAC]  }
0x29: {  	s4 =	sld [smem:$0x3FAE]  }
0x2a: {  	p0 =	seq.s32 s5, $0x0;
	s5 =	sld [smem:$0x3FAF]  }
0x2b: {  	s6 =	sld [smem:$0x3FB0]  }
0x2c: {  	s7 =	sld [smem:$0x3FB1]  }
0x2d: {  	s3 =	simm.s32 $0x108;
	s8 =	sld [smem:$0x3FB2]  }
0x2e: {  	s3 =	simm.s32 @!p0 $0x1082;
	s9 =	sld [smem:$0x3FB3]  }
0x2f: {  	lr =	sadd.s32 s0, s3;
	s0 =	sld [smem:$0x3FAA]  }
0x30: {  	s3 =	sld [smem:$0x3FAD]  }
0x31: {  	[smem:$0x3FB6] =	sst s10  }
0x32: {  	s10 =	sld [smem:$0x3FB4];
	_ =	sdelay $0x3  }
0x33: {  	p0 =	seq.s32 s10, $0x1;
	s10 =	sld [smem:$0x3FB6];
	_ =	sdelay $0x3  }
0x34: {  	[smem:$0x3FB6] =	sst s10  }
0x35: {  	s10 =	sld [smem:$0x3FB5];
	_ =	sdelay $0x3  }
0x36: {  	p1 =	seq.s32 s10, $0x1;
	s10 =	sld [smem:$0x3FB6];
	_ =	sdelay $0x3  }
0x37: {  	[smem:$0x3FB6] =	sst s10  }
0x38: {  	s10 =	sld [smem:$0x3FB7]  }
0x39: {  	_ = 	snop;
	(pc) =	sbr.ind lr, $3  }
0x3a: {  	_ = 	snop  }
0x3b: {  	_ = 	snop  }
0x3c: {  	p2 =	seq.s32 s10, $0x1;
	s10 =	sld [smem:$0x3FB6]  }
0x3d: {  	_ =	shalt  }
0x3e: {  	_ =	shalt  }
0x3f: {  	_ =	shalt  }
0x40: {  	_ =	shalt  }
0x41: {  	_ =	shalt  }
0x42: {  	_ =	shalt  }
0x43: {  	_ =	shalt  }
0x44: {  	_ =	shalt  }
0x45: {  	_ =	shalt  }
0x46: {  	_ =	shalt  }
0x47: {  	_ =	shalt  }
0x48: {  	_ =	shalt  }
0x49: {  	_ =	shalt  }
0x4a: {  	_ =	shalt  }
0x4b: {  	_ =	shalt  }
0x4c: {  	_ =	shalt  }
0x4d: {  	_ =	shalt  }
0x4e: {  	_ =	shalt  }
0x4f: {  	_ =	shalt  }
0x50: {  	_ =	shalt  }
0x51: {  	_ =	shalt  }
0x52: {  	_ =	shalt  }
0x53: {  	_ =	shalt  }
0x54: {  	_ =	shalt  }
0x55: {  	_ =	shalt  }
0x56: {  	_ =	shalt  }
0x57: {  	_ =	shalt  }
0x58: {  	_ =	shalt  }
0x59: {  	_ =	shalt  }
0x5a: {  	_ =	shalt  }
0x5b: {  	_ =	shalt  }
0x5c: {  	_ =	shalt  }
0x5d: {  	_ =	shalt  }
0x5e: {  	_ =	shalt  }
0x5f: {  	_ =	shalt  }
0x60: {  	_ =	shalt  }
0x61: {  	_ =	shalt  }
0x62: {  	_ =	shalt  }
0x63: {  	_ =	shalt  }
0x64: {  	_ =	shalt  }
0x65: {  	_ =	shalt  }
0x66: {  	_ =	shalt  }
0x67: {  	_ =	shalt  }
0x68: {  	_ =	shalt  }
0x69: {  	_ =	shalt  }
0x6a: {  	_ =	shalt  }
0x6b: {  	_ =	shalt  }
0x6c: {  	_ =	shalt  }
0x6d: {  	_ =	shalt  }
0x6e: {  	_ =	shalt  }
0x6f: {  	_ =	shalt  }
0x70: {  	_ =	shalt  }
0x71: {  	_ =	shalt  }
0x72: {  	_ =	shalt  }
0x73: {  	_ =	shalt  }
0x74: {  	_ =	shalt  }
0x75: {  	_ =	shalt  }
0x76: {  	_ =	shalt  }
0x77: {  	_ =	shalt  }
0x78: {  	_ =	shalt  }
0x79: {  	_ =	shalt  }
0x7a: {  	_ =	shalt  }
0x7b: {  	_ =	shalt  }
0x7c: {  	_ =	shalt  }
0x7d: {  	_ =	shalt  }
0x7e: {  	_ =	shalt  }
0x7f: {  	_ =	shalt  }
0x80: {  	_ =	shalt  }
0x81: {  	_ =	shalt  }
0x82: {  	_ =	shalt  }
0x83: {  	_ =	shalt  }
0x84: {  	_ =	shalt  }
0x85: {  	_ =	shalt  }
0x86: {  	_ =	shalt  }
0x87: {  	_ =	shalt  }
.Lfunc_end0:
.L_simem_size_0:
called_computation.2_lowered:
.L_overlay_start_0:
0x88: {  	s2 =	sld [smem:$0x3FD9]  }
0x89: {  	s3 =	sld [smem:$0x3FFE];
	_ =	sdelay $0x1  }
0x8a: {  	s1 =	srdreg.scid  }
0x8b: {  	s0 =	sand.u32 $0x1, s1  }
0x8c: {  	s17 =	sshll.u32 s0, $0xA;
	s2 =	sadd.s32 s3, s2  }
0x8d: {  	s2 =	sadd.s32 s2, s17  }
0x8e: {  	[smem:$0x3FC2] =	sst s2  }
0x8f: {  	_ = 	snop  }
0x90: {  	s2 =	sld [smem:$0x3FD0];
	(tm) =	ssettm $0x1  }
0x91: {  	s18 =	sld [smem:$0x3FFB];
	_ =	sdelay $0x3  }
0x92: {  	_ =	strace s18  }
0x93: {  	s3 =	sld [smem:$0x3FFC];
	_ =	sdelay $0x3  }
0x94: {  	_ =	strace s3  }
0x95: {  	s3 =	sld [smem:$0x3FFD];
	_ =	sdelay $0x3  }
0x96: {  	_ =	strace s3  }
0x97: {  	_ =	strace $0x8FFFFFFF  }
0x98: {  	s19 =	sld [smem:$0x3FDB];
	_ =	sdelay $0x1  }
0x99: {  	s4 =	simm.s32 $_scs_section_size  }
0x9a: {  	s5 =	simm.s32 $_size__tile_overlayer_lowered;
	s6 =	simm.s32 $_tile_overlayer_lowered  }
0x9b: {  	s22 =	simm.s32 $0x1BFF;
	s21 =	sshll.u32 s6, $0x1;
	s3 =	sadd.s32 s4, s19  }
0x9c: {  	s7 =	simm.s32 $0x0;
	s20 =	sshll.u32 s5, $0x1;
	s5 =	sadd.s32 s21, s3  }
0x9d: {  	[timem:s7], [sflag:s22] =	dma.local [hbm:s5], s20  }
0x9e: {  	_ =	swait.ge [sflag:s22], s20  }
0x9f: {  	s4 =	ssub.s32 $0x0, s20;
	[sflag:s22] =	ssyncset.done $0x0  }
0xa0: {  	[sflag:s22] =	ssyncadd.s32 s4;
	_ =	sdelay $0x1  }
0xa1: {  	s23 =	simm.s32 $0x1B8B  }
0xa2: {  	_ =	swait.ge [sflag:s23], $0x1  }
0xa3: {  	[sflag:s23] =	ssyncset.done $0x0  }
0xa4: {  	s25 =	simm.s32 $0x1B8E;
	s24 =	sld [smem:$0x3FFE];
	[sflag:s23] =	ssyncadd.s32 $0xFFFFFFFF  }
0xa5: {  	s26 =	simm.s32 $execute0_lowered;
	[smem:$0x3FD2] =	sst s25  }
0xa6: {  	s5 =	sshll.u32 s26, $0x1;
	_ =	strace $0x8000004C;
	[dreg:$0x1] =	wrdreg $0xFFFFFFFF  }
0xa7: {  	s28 =	simm.s32 $_size_execute0_lowered;
	s3 =	sadd.s32 s3, s5;
	[dreg:$0x0] =	wrdreg $0x0  }
0xa8: {  	s5 =	sshll.u32 s28, $0x1;
	[dreg:$0x2] =	wrdreg s3  }
0xa9: {  	[dreg:$0x3] =	wrdreg s5  }
0xaa: {  	[dreg:$0x4] =	wrdreg $0xC0  }
0xab: {  	_ =	task [dreg:s7], $0x5FFFF  }
0xac: {  	[dreg:$0x1] =	wrdreg $0xFFFFFFFF  }
0xad: {  	[dreg:$0x0] =	wrdreg $0x60  }
0xae: {  	[dreg:$0x2] =	wrdreg s2  }
0xaf: {  	[dreg:$0x3] =	wrdreg s24  }
0xb0: {  	[dreg:$0x4] =	wrdreg $0xA8000  }
0xb1: {  	[dreg:$0x5] =	wrdreg $0x9  }
0xb2: {  	_ =	task.clear_ibuf [dreg:s7], $0x6FFFF;
	_ =	strace $0x9000004C  }
0xb3: {  	s29 =	simm.s32 $0x9;
	_ =	strace $0x8000004E  }
0xb4: {  	_ =	swait.ge [sflag:s29], $0x1  }
0xb5: {  	[sflag:s29] =	ssyncadd.s32 $0xFFFFFFFF  }
0xb6: {  	_ =	strace $0x9000004E  }
0xb7: {  	_ =	sfence  }
0xb8: {  	s30 =	sld [smem:$0x0];
	_ =	sdelay $0x2  }
0xb9: {  	s31 =	sshll.u32 s1, $0xD;
	s1 =	sshrl.u32 s1, $0x2  }
0xba: {  	s3 =	sand.u32 $0x4000, s31;
	s1 =	sadd.s32 s1, s30  }
0xbb: {  	s0 =	sor.u32 s3, s0;
	s1 =	sshll.u32 s1, $0x11  }
0xbc: {  	s0 =	sor.u32 s1, s0  }
0xbd: {  	s0 =	sadd.s32 $0x8F2B, s0  }
0xbe: {  	[sflag:s0] =	ssyncadd.remote.s32 $0x1  }
0xbf: {  	_ =	sfence.sel $0xFFFF  }
0xc0: {  	[dreg:$0x0] =	wrdreg $0xFFFFFFFF;
	(pc) =	sbr.abs _section_cstart, $3  }
0xc1: {  	[dreg:$0x1] =	wrdreg $0xFFFFFFFF  }
0xc2: {  	_ =	task.clear_ibuf [dreg:s7], $0x2FFFF;
	_ =	strace $0x9FFFFFFF  }
0xc3: {  	(tm) =	ssettm $0x7FFFFFFF  }
tec
execute0_lowered:
.L_overlay_start_1:
0x0: {  	(tag) =	ssettag $0x1  }
0x1: {  	s1 =	rddreg [dreg:$0x0]  }
0x2: {  	s6 =	rddreg [dreg:$0x1]  }
0x3: {  	s2 =	rddreg [dreg:$0x2];
	s3 =	srdreg.scid  }
0x4: {  	s0 =	rddreg [dreg:$0x3];
	s4 =	simm.s32 $0x0;
	s15 =	simm.s32 $0x1400  }
0x5: {  	s16 =	simm.s32 $0x80;
	s17 =	simm.s32 $0x2800;
	s18 =	simm.s32 $0x6800  }
0x6: {  	s19 =	simm.s32 $0x1;
	s20 =	simm.s32 $0x2;
	s21 =	simm.s32 $0x1380  }
0x7: {  	s22 =	simm.s32 $0x2700;
	s5 =	sand.u32 $0x1, s3;
	s3 =	stileid.u32  }
0x8: {  	s23 =	simm.s32 $0x2780;
	[smem:$0x7FF] =	sst s4;
	s7 =	smul.u32 $0x13C000, s5  }
0x9: {  	s9 =	sadd.s32 $0x5FA00, s6;
	s10 =	sadd.s32 $0x4200, s6;
	s8 =	smul.u32 $0x13C00, s3  }
0xa: {  	_ =	strace $0x8000004D;
	s24 =	sshll.u32 s3, $0x1;
	s11 =	ssub.s32 $0x2, s5  }
0xb: {  	s25 =	smul.u32 $0x4F000, s3;
	s28 =	sshll.u32 s3, $0x6;
	s5 =	sor.u32 s5, s24  }
0xc: {  	s12 =	sshrl.u32 s11, $0x1;
	s24 =	simm.s32 $0x0;
	s7 =	sadd.s32 s8, s7  }
0xd: {  	s13 =	smul.u32 $0x2800, s5;
	s5 =	sadd.s32 $0xE200, s6;
	s26 =	sshrl.u32 s25, $0x2  }
0xe: {  	s12 =	ssub.s32 s11, s12;
	s7 =	sshrl.u32 s7, $0x3;
	s30 =	sadd.s32 s26, s2  }
0xf: {  	s12 =	smax.u32 s12, $0x1;
	s14 =	sadd.s32 s7, s6;
	s29 =	sshrl.u32 s13, $0x3  }
0x10: {  	s6 =	sor.u32 $0x1C03, s28;
	s13 =	sshrl.u32 s30, $0x3;
	s31 =	sadd.s32 $0x280, s29  }
0x11: {  	s7 =	sadd.s32 s9, s29;
	s8 =	sadd.s32 s10, s29;
	s11 =	sadd.s32 $0x10A00, s14  }
0x12: {  	s14 =	simm.s32 $0x3;
	s9 =	sadd.s32 s9, s31;
	s10 =	sadd.s32 s10, s31  }
.LBB2_1:
0x13: {  	[spmem:s13], [sflag:s6] =	dma.local [hbm:s5], $0x2780  }
0x14: {  	_ =	swait.ge [sflag:s14], $0x2780  }
0x15: {  	[sflag:s14] =	ssyncset.done $0x0  }
0x16: {  	[sflag:s14] =	ssyncadd.s32 $0xFFFFD880  }
0x17: {  	[bflag:$0x0] =	sbarrier.arrive $0xFFFF  }
0x18: {  	[tilespmem:s4], [sflag:$0x3] =	stream.linear.gather [hbm4b:s7+s4], $0x1400, $0x38;
	[tilespmem:$0x1E400] =	vst v63  }
0x19: {  	_ =	swait.ge [sflag:s14], $0x1400  }
0x1a: {  	[sflag:s14] =	ssyncset.done $0x0  }
0x1b: {  	[sflag:s14] =	ssyncadd.s32 $0xFFFFEC00  }
0x1c: {  	[tilespmem:s15], [sflag:$0x3] =	stream.linear.gather [hbm4b:s8+s4], $0x1400, $0x38;
	[tilespmem:$0x1E400] =	vst v63  }
0x1d: {  	_ =	swait.ge [sflag:s14], $0x1400  }
0x1e: {  	[sflag:s14] =	ssyncset.done $0x0  }
0x1f: {  	[sflag:s14] =	ssyncadd.s32 $0xFFFFEC00  }
0x20: {  	[tilespmem:s17], [sflag:$0x1] =	stream.indirect.gather [hbm4b:s1+s16], $0x80, s4, s16, $0xb8;
	[tilespmem:$0x1E400] =	vst v63  }
0x21: {  	s25 =	simm.s32 $0x80  }
0x22: {  	[tilespmem:s18], [sflag:$0x2] =	stream.indirect.gather [hbm4b:s1+s16], $0x80, s25, s16, $0xb8;
	[tilespmem:$0x1E400] =	vst v63  }
0x23: {  	_ =	swait.ge [sflag:s19], $0x4000  }
0x24: {  	[sflag:s19] =	ssyncset.done $0x0  }
0x25: {  	s29 =	simm.s32 $0x1400;
	[sflag:s19] =	ssyncadd.s32 $0xFFFFC000  }
0x26: {  	[spmem:s2] =	stream.indirect.scatter.add.f32 [tilespmem:s17], [sflag:$0x3], $0x80, s29, s16, $0xb8;
	[tilespmem:$0x1E400] =	vst v63  }
0x27: {  	_ =	swait.ge [sflag:s14], $0x4000  }
0x28: {  	[sflag:s14] =	ssyncset.done $0x0  }
0x29: {  	s30 =	simm.s32 $0x100;
	[sflag:s14] =	ssyncadd.s32 $0xFFFFC000  }
0x2a: {  	[tilespmem:s17], [sflag:$0x1] =	stream.indirect.gather [hbm4b:s1+s16], $0x80, s30, s16, $0xb8;
	[tilespmem:$0x1E400] =	vst v63  }
0x2b: {  	_ =	swait.ge [sflag:s20], $0x4000  }
0x2c: {  	[sflag:s20] =	ssyncset.done $0x0  }
0x2d: {  	s31 =	simm.s32 $0x1480;
	[sflag:s20] =	ssyncadd.s32 $0xFFFFC000  }
0x2e: {  	[spmem:s2] =	stream.indirect.scatter.add.f32 [tilespmem:s18], [sflag:$0x3], $0x80, s31, s16, $0xb8;
	[tilespmem:$0x1E400] =	vst v63  }
0x2f: {  	_ =	swait.ge [sflag:s14], $0x4000  }
0x30: {  	s26 =	simm.s32 $0x800;
	s25 =	simm.s32 $0x100;
	[sflag:s14] =	ssyncset.done $0x0  }
.LBB2_2:
0x31: {  	s28 =	sadd.s32 $0x80, s25  }
0x32: {  	[sflag:s14] =	ssyncadd.s32 $0xFFFFC000;
	s29 =	smov.u32 s26;
	s30 =	sadd.s32 $0x400, s26  }
0x33: {  	[tilespmem:s18], [sflag:$0x2] =	stream.indirect.gather [hbm4b:s1+s16], $0x80, s28, s16, $0xb8;
	[tilespmem:$0x1E400] =	vst v63  }
0x34: {  	p0 =	sne.s32 s26, $0x4800;
	_ =	swait.ge [sflag:s19], $0x4000  }
0x35: {  	[sflag:s19] =	ssyncset.done $0x0  }
0x36: {  	s26 =	sadd.s32 $0x1400, s25;
	[sflag:s19] =	ssyncadd.s32 $0xFFFFC000  }
0x37: {  	[spmem:s2] =	stream.indirect.scatter.add.f32 [tilespmem:s17], [sflag:$0x3], $0x80, s26, s16, $0xb8;
	[tilespmem:$0x1E400] =	vst v63  }
0x38: {  	_ =	swait.ge [sflag:s14], $0x4000  }
0x39: {  	[sflag:s14] =	ssyncset.done $0x0  }
0x3a: {  	s26 =	sadd.s32 $0x100, s25;
	[sflag:s14] =	ssyncadd.s32 $0xFFFFC000  }
0x3b: {  	[tilespmem:s17], [sflag:$0x1] =	stream.indirect.gather [hbm4b:s1+s16], $0x80, s26, s16, $0xb8;
	[tilespmem:$0x1E400] =	vst v63  }
0x3c: {  	_ =	swait.ge [sflag:s20], $0x4000  }
.Ltmp0:
0x3d: {  	[sflag:s20] =	ssyncset.done $0x0;
	(pc) =	sbr.rel @p0 .LBB2_2-.Ltmp0, $4  }
0x3e: {  	s25 =	sadd.s32 $0x1480, s25;
	[sflag:s20] =	ssyncadd.s32 $0xFFFFC000  }
0x3f: {  	[spmem:s2] =	stream.indirect.scatter.add.f32 [tilespmem:s18], [sflag:$0x3], $0x80, s25, s16, $0xb8;
	[tilespmem:$0x1E400] =	vst v63  }
0x40: {  	_ =	swait.ge [sflag:s14], $0x4000  }
0x41: {  	s26 =	smov.u32 s30;
	s25 =	sshra.s32 s29, $0x2;
	[sflag:s14] =	ssyncset.done $0x0  }
0x42: {  	s26 =	sadd.s32 $0x80, s25;
	[sflag:s14] =	ssyncadd.s32 $0xFFFFC000  }
0x43: {  	[tilespmem:s18], [sflag:$0x2] =	stream.indirect.gather [hbm4b:s1+s16], $0x80, s26, s16, $0xb8;
	[tilespmem:$0x1E400] =	vst v63  }
0x44: {  	_ =	swait.ge [sflag:s19], $0x4000  }
0x45: {  	[sflag:s19] =	ssyncset.done $0x0  }
0x46: {  	s29 =	sadd.s32 $0x1400, s25;
	[sflag:s19] =	ssyncadd.s32 $0xFFFFC000  }
0x47: {  	[spmem:s2] =	stream.indirect.scatter.add.f32 [tilespmem:s17], [sflag:$0x3], $0x80, s29, s16, $0xb8;
	[tilespmem:$0x1E400] =	vst v63  }
0x48: {  	_ =	swait.ge [sflag:s14], $0x4000  }
0x49: {  	[sflag:s14] =	ssyncset.done $0x0  }
0x4a: {  	s30 =	sadd.s32 $0x100, s25;
	[sflag:s14] =	ssyncadd.s32 $0xFFFFC000  }
0x4b: {  	[tilespmem:s17], [sflag:$0x1] =	stream.indirect.gather [hbm4b:s1+s16], $0x80, s30, s16, $0xb8;
	[tilespmem:$0x1E400] =	vst v63  }
0x4c: {  	_ =	swait.ge [sflag:s20], $0x4000  }
0x4d: {  	[sflag:s20] =	ssyncset.done $0x0  }
0x4e: {  	s31 =	sadd.s32 $0x1480, s25;
	[sflag:s20] =	ssyncadd.s32 $0xFFFFC000  }
0x4f: {  	[spmem:s2] =	stream.indirect.scatter.add.f32 [tilespmem:s18], [sflag:$0x3], $0x80, s31, s16, $0xb8;
	[tilespmem:$0x1E400] =	vst v63  }
0x50: {  	_ =	swait.ge [sflag:s14], $0x4000  }
0x51: {  	[sflag:s14] =	ssyncset.done $0x0  }
0x52: {  	[sflag:s14] =	ssyncadd.s32 $0xFFFFC000  }
0x53: {  	[tilespmem:s18], [sflag:$0x2] =	stream.indirect.gather [hbm4b:s1+s16], $0x80, s21, s16, $0xb8;
	[tilespmem:$0x1E400] =	vst v63  }
0x54: {  	_ =	swait.ge [sflag:s19], $0x4000  }
0x55: {  	[sflag:s19] =	ssyncset.done $0x0  }
0x56: {  	[sflag:s19] =	ssyncadd.s32 $0xFFFFC000  }
0x57: {  	[spmem:s2] =	stream.indirect.scatter.add.f32 [tilespmem:s17], [sflag:$0x3], $0x80, s22, s16, $0xb8;
	[tilespmem:$0x1E400] =	vst v63  }
0x58: {  	_ =	swait.ge [sflag:s14], $0x4000  }
0x59: {  	[sflag:s14] =	ssyncset.done $0x0  }
0x5a: {  	[sflag:s14] =	ssyncadd.s32 $0xFFFFC000  }
0x5b: {  	_ =	swait.ge [sflag:s20], $0x4000  }
0x5c: {  	[sflag:s20] =	ssyncset.done $0x0  }
0x5d: {  	[sflag:s20] =	ssyncadd.s32 $0xFFFFC000  }
0x5e: {  	[spmem:s2] =	stream.indirect.scatter.add.f32 [tilespmem:s18], [sflag:$0x3], $0x80, s23, s16, $0xb8;
	[tilespmem:$0x1E400] =	vst v63  }
0x5f: {  	_ =	swait.ge [sflag:s14], $0x4000  }
0x60: {  	[sflag:s14] =	ssyncset.done $0x0  }
0x61: {  	s26 =	simm.s32 $0x0;
	[sflag:s14] =	ssyncadd.s32 $0xFFFFC000  }
0x62: {  	[tilespmem:s26], [sflag:$0x3] =	stream.linear.gather [hbm4b:s9+s26], $0x1400, $0x38;
	[tilespmem:$0x1E400] =	vst v63  }
0x63: {  	_ =	swait.ge [sflag:s14], $0x1400  }
0x64: {  	[sflag:s14] =	ssyncset.done $0x0  }
0x65: {  	[sflag:s14] =	ssyncadd.s32 $0xFFFFEC00  }
0x66: {  	[tilespmem:s15], [sflag:$0x3] =	stream.linear.gather [hbm4b:s10+s26], $0x1400, $0x38;
	[tilespmem:$0x1E400] =	vst v63  }
0x67: {  	_ =	swait.ge [sflag:s14], $0x1400  }
0x68: {  	[sflag:s14] =	ssyncset.done $0x0  }
0x69: {  	[sflag:s14] =	ssyncadd.s32 $0xFFFFEC00  }
0x6a: {  	[tilespmem:s17], [sflag:$0x1] =	stream.indirect.gather [hbm4b:s1+s16], $0x80, s26, s16, $0xb8;
	[tilespmem:$0x1E400] =	vst v63  }
0x6b: {  	s28 =	simm.s32 $0x80  }
0x6c: {  	[tilespmem:s18], [sflag:$0x2] =	stream.indirect.gather [hbm4b:s1+s16], $0x80, s28, s16, $0xb8;
	[tilespmem:$0x1E400] =	vst v63  }
0x6d: {  	_ =	swait.ge [sflag:s19], $0x4000  }
0x6e: {  	[sflag:s19] =	ssyncset.done $0x0  }
0x6f: {  	s29 =	simm.s32 $0x1400;
	[sflag:s19] =	ssyncadd.s32 $0xFFFFC000  }
0x70: {  	[spmem:s2] =	stream.indirect.scatter.add.f32 [tilespmem:s17], [sflag:$0x3], $0x80, s29, s16, $0xb8;
	[tilespmem:$0x1E400] =	vst v63  }
0x71: {  	_ =	swait.ge [sflag:s14], $0x4000  }
0x72: {  	[sflag:s14] =	ssyncset.done $0x0  }
0x73: {  	s30 =	simm.s32 $0x100;
	[sflag:s14] =	ssyncadd.s32 $0xFFFFC000  }
0x74: {  	[tilespmem:s17], [sflag:$0x1] =	stream.indirect.gather [hbm4b:s1+s16], $0x80, s30, s16, $0xb8;
	[tilespmem:$0x1E400] =	vst v63  }
0x75: {  	_ =	swait.ge [sflag:s20], $0x4000  }
0x76: {  	[sflag:s20] =	ssyncset.done $0x0  }
0x77: {  	s31 =	simm.s32 $0x1480;
	[sflag:s20] =	ssyncadd.s32 $0xFFFFC000  }
0x78: {  	[spmem:s2] =	stream.indirect.scatter.add.f32 [tilespmem:s18], [sflag:$0x3], $0x80, s31, s16, $0xb8;
	[tilespmem:$0x1E400] =	vst v63  }
0x79: {  	_ =	swait.ge [sflag:s14], $0x4000  }
0x7a: {  	s25 =	simm.s32 $0x100;
	s26 =	simm.s32 $0x800;
	[sflag:s14] =	ssyncset.done $0x0  }
.LBB2_4:
0x7b: {  	s28 =	sadd.s32 $0x80, s25  }
0x7c: {  	[sflag:s14] =	ssyncadd.s32 $0xFFFFC000;
	s29 =	smov.u32 s26;
	s30 =	sadd.s32 $0x400, s26  }
0x7d: {  	[tilespmem:s18], [sflag:$0x2] =	stream.indirect.gather [hbm4b:s1+s16], $0x80, s28, s16, $0xb8;
	[tilespmem:$0x1E400] =	vst v63  }
0x7e: {  	p0 =	sne.s32 s26, $0x4800;
	_ =	swait.ge [sflag:s19], $0x4000  }
0x7f: {  	[sflag:s19] =	ssyncset.done $0x0  }
0x80: {  	s26 =	sadd.s32 $0x1400, s25;
	[sflag:s19] =	ssyncadd.s32 $0xFFFFC000  }
0x81: {  	[spmem:s2] =	stream.indirect.scatter.add.f32 [tilespmem:s17], [sflag:$0x3], $0x80, s26, s16, $0xb8;
	[tilespmem:$0x1E400] =	vst v63  }
0x82: {  	_ =	swait.ge [sflag:s14], $0x4000  }
0x83: {  	[sflag:s14] =	ssyncset.done $0x0  }
0x84: {  	s26 =	sadd.s32 $0x100, s25;
	[sflag:s14] =	ssyncadd.s32 $0xFFFFC000  }
0x85: {  	[tilespmem:s17], [sflag:$0x1] =	stream.indirect.gather [hbm4b:s1+s16], $0x80, s26, s16, $0xb8;
	[tilespmem:$0x1E400] =	vst v63  }
0x86: {  	_ =	swait.ge [sflag:s20], $0x4000  }
.Ltmp1:
0x87: {  	[sflag:s20] =	ssyncset.done $0x0;
	(pc) =	sbr.rel @p0 .LBB2_4-.Ltmp1, $4  }
0x88: {  	s25 =	sadd.s32 $0x1480, s25;
	[sflag:s20] =	ssyncadd.s32 $0xFFFFC000  }
0x89: {  	[spmem:s2] =	stream.indirect.scatter.add.f32 [tilespmem:s18], [sflag:$0x3], $0x80, s25, s16, $0xb8;
	[tilespmem:$0x1E400] =	vst v63  }
0x8a: {  	_ =	swait.ge [sflag:s14], $0x4000  }
0x8b: {  	s26 =	smov.u32 s30;
	s25 =	sshra.s32 s29, $0x2;
	[sflag:s14] =	ssyncset.done $0x0  }
0x8c: {  	s26 =	sadd.s32 $0x80, s25;
	[sflag:s14] =	ssyncadd.s32 $0xFFFFC000  }
0x8d: {  	[tilespmem:s18], [sflag:$0x2] =	stream.indirect.gather [hbm4b:s1+s16], $0x80, s26, s16, $0xb8;
	[tilespmem:$0x1E400] =	vst v63  }
0x8e: {  	_ =	swait.ge [sflag:s19], $0x4000  }
0x8f: {  	[sflag:s19] =	ssyncset.done $0x0  }
0x90: {  	s29 =	sadd.s32 $0x1400, s25;
	[sflag:s19] =	ssyncadd.s32 $0xFFFFC000  }
0x91: {  	[spmem:s2] =	stream.indirect.scatter.add.f32 [tilespmem:s17], [sflag:$0x3], $0x80, s29, s16, $0xb8;
	[tilespmem:$0x1E400] =	vst v63  }
0x92: {  	_ =	swait.ge [sflag:s14], $0x4000  }
0x93: {  	[sflag:s14] =	ssyncset.done $0x0  }
0x94: {  	s30 =	sadd.s32 $0x100, s25;
	[sflag:s14] =	ssyncadd.s32 $0xFFFFC000  }
0x95: {  	[tilespmem:s17], [sflag:$0x1] =	stream.indirect.gather [hbm4b:s1+s16], $0x80, s30, s16, $0xb8;
	[tilespmem:$0x1E400] =	vst v63  }
0x96: {  	_ =	swait.ge [sflag:s20], $0x4000  }
0x97: {  	[sflag:s20] =	ssyncset.done $0x0  }
0x98: {  	s31 =	sadd.s32 $0x1480, s25;
	[sflag:s20] =	ssyncadd.s32 $0xFFFFC000  }
0x99: {  	[spmem:s2] =	stream.indirect.scatter.add.f32 [tilespmem:s18], [sflag:$0x3], $0x80, s31, s16, $0xb8;
	[tilespmem:$0x1E400] =	vst v63  }
0x9a: {  	_ =	swait.ge [sflag:s14], $0x4000  }
0x9b: {  	[sflag:s14] =	ssyncset.done $0x0  }
0x9c: {  	[sflag:s14] =	ssyncadd.s32 $0xFFFFC000  }
0x9d: {  	[tilespmem:s18], [sflag:$0x2] =	stream.indirect.gather [hbm4b:s1+s16], $0x80, s21, s16, $0xb8;
	[tilespmem:$0x1E400] =	vst v63  }
0x9e: {  	_ =	swait.ge [sflag:s19], $0x4000  }
0x9f: {  	[sflag:s19] =	ssyncset.done $0x0  }
0xa0: {  	[sflag:s19] =	ssyncadd.s32 $0xFFFFC000  }
0xa1: {  	[spmem:s2] =	stream.indirect.scatter.add.f32 [tilespmem:s17], [sflag:$0x3], $0x80, s22, s16, $0xb8;
	[tilespmem:$0x1E400] =	vst v63  }
0xa2: {  	_ =	swait.ge [sflag:s14], $0x4000  }
0xa3: {  	[sflag:s14] =	ssyncset.done $0x0  }
0xa4: {  	[sflag:s14] =	ssyncadd.s32 $0xFFFFC000  }
0xa5: {  	_ =	swait.ge [sflag:s20], $0x4000  }
0xa6: {  	[sflag:s20] =	ssyncset.done $0x0  }
0xa7: {  	[sflag:s20] =	ssyncadd.s32 $0xFFFFC000  }
0xa8: {  	[spmem:s2] =	stream.indirect.scatter.add.f32 [tilespmem:s18], [sflag:$0x3], $0x80, s23, s16, $0xb8;
	[tilespmem:$0x1E400] =	vst v63  }
0xa9: {  	_ =	swait.ge [sflag:s14], $0x4000  }
0xaa: {  	s24 =	sadd.s32 $0x1, s24;
	[sflag:s14] =	ssyncset.done $0x0  }
0xab: {  	p0 =	sne.s32 s24, s12;
	[sflag:s14] =	ssyncadd.s32 $0xFFFFC000  }
.Ltmp2:
0xac: {  	[bflag:$0x0] =	sbarrier.arrive $0xFFFF;
	(pc) =	sbr.rel @p0 .LBB2_1-.Ltmp2, $4  }
0xad: {  	[hbm:s11], [sflag:s6] =	dma.local [spmem:s13], $0x2780  }
0xae: {  	_ =	swait.ge [sflag:s14], $0x2780  }
0xaf: {  	[sflag:s14] =	ssyncset.done $0x0  }
0xb0: {  	[sflag:s14] =	ssyncadd.s32 $0xFFFFD880  }
0xb1: {  	_ =	sfence.sel $0x180000  }
0xb2: {  	[bflag:$0x0] =	sbarrier.arrive $0xFFFF  }
0xb3: {  	p0 =	sne.s32 s3, $0x0;
	_ =	strace $0x9000004D  }
0xb4: {  	s0 =	sadd.s32 @!p0 $0x100000, s0;
	[bflag:$0x2] =	sbarrier.arrive $0xFFFF  }
0xb5: {  	[sflag:s0] =	ssyncadd.tile.s32 @!p0 $0x1;
	_ =	shalt  }
.Lfunc_end2:
_tile_overlayer_lowered:
.L_overlay_start_2:
0xb6: {  	(tag) =	ssettag $0x2  }
0xb7: {  	s0 =	rddreg [dreg:$0x0];
	s2 =	stileid.u32  }
0xb8: {  	s1 =	rddreg [dreg:$0x1];
	p0 =	sne.s32 s2, $0x0  }
0xb9: {  	s3 =	rddreg [dreg:$0x2];
	[bflag:$0x3] =	sbarrier.arrive $0xFFFF;
	s2 =	simm.s32 @!p0 $0x1C03  }
0xba: {  	[timem:s3], [sflag:s2] =	dma.local @!p0 [hbm:s0], s1  }
0xbb: {  	s0 =	simm.s32 @!p0 $0x3  }
0xbc: {  	_ =	swait.ge @!p0 [sflag:s0], s1  }
0xbd: {  	s1 =	ssub.s32 @!p0 $0x0, s1;
	[sflag:s0] =	ssyncset.done @!p0 $0x0  }
0xbe: {  	[sflag:s0] =	ssyncadd.s32 @!p0 s1  }
0xbf: {  	[bflag:$0x3] =	sbarrier.arrive $0xFFFF  }
0xc0: {  	_ =	shalt  }

// kernel: kernel.25.cloned.1.call-start
scs
__scs_entry_jumppad:
0x0: {  	(pc) =	sbr.rel $0x88, $3  }
0x1: {  	(tag) =	ssettag $0x0;
	lr =	simm.s32 $0x1  }
0x2: {  	[smem:$0x3F9B] =	sst lr;
	_ =	strace $0xD0000000  }
0x3: {  	_ = 	snop  }
0x4: {  	_ = 	snop  }
0x5: {  	_ = 	snop  }
0x6: {  	_ = 	snop  }
0x7: {  	_ = 	snop  }
__scs_overlays_trampoline_lowered:
0x8: {  	[smem:$0x3FAA] =	sst s0  }
0x9: {  	[smem:$0x3FAB] =	sst s1  }
0xa: {  	[smem:$0x3FAC] =	sst s2  }
0xb: {  	[smem:$0x3FAD] =	sst s3  }
0xc: {  	[smem:$0x3FAE] =	sst s4  }
0xd: {  	[smem:$0x3FAF] =	sst s5  }
0xe: {  	[smem:$0x3FB0] =	sst s6  }
0xf: {  	[smem:$0x3FB1] =	sst s7  }
0x10: {  	[smem:$0x3FB2] =	sst s8  }
0x11: {  	[smem:$0x3FB3] =	sst s9;
	s0 =	simm.s32 @!p0 $0x0  }
0x12: {  	s1 =	sld [smem:$0x3F99];
	s0 =	simm.s32 @p0 $0x1  }
0x13: {  	[smem:$0x3FB4] =	sst s0;
	s0 =	simm.s32 @!p1 $0x0  }
0x14: {  	s2 =	sld [smem:$0x3F98];
	s0 =	simm.s32 @p1 $0x1  }
0x15: {  	[smem:$0x3FB5] =	sst s0;
	s0 =	simm.s32 @!p2 $0x0  }
0x16: {  	s3 =	sld [smem:$0x3FDB];
	s0 =	simm.s32 @p2 $0x1  }
0x17: {  	s4 =	simm.s32 $0x1BF5;
	[smem:$0x3FB7] =	sst s0  }
0x18: {  	s0 =	sld [smem:$0x3F9A];
	_ =	swait.ge [sflag:s4], $0x0  }
0x19: {  	s7 =	sld [smem:$0x3F9B]  }
0x1a: {  	s8 =	sadd.s32 $0xFFFFE003, lr  }
0x1b: {  	s9 =	sadd.s32 $0xFFFFFEF7, lr;
	s5 =	simm.s32 $0xFFFFFFFF;
	p2 =	slt.u32 s8, $0xFFFFF086  }
0x1c: {  	p1 =	slt.u32 s9, $0xF7A;
	s5 =	simm.s32 @!p2 $0x0  }
0x1d: {  	s5 =	simm.s32 @p1 $0x1;
	p0 =	seq.s32 s7, s2  }
0x1e: {  	s7 =	smul.u32 @!p0 $0xF7A, s2;
	p2 =	seq.s32 @!p0 s5, $0x0  }
0x1f: {  	s9 =	smul.u32 $0xF7A, s1;
	s8 =	simm.s32 @!p0 $0x1BF5;
	p2 =	por !p2, p0  }
0x20: {  	[sflag:s8] =	ssyncset.s32 @!p0 $0xFFFFF086;
	s6 =	sadd.s32 @!p0 s3, s7;
	s7 =	simm.s32 @!p0 $0x108  }
0x21: {  	s3 =	sadd.s32 s3, s9;
	s6 =	sadd.s32 @!p0 $0x88, s6;
	s7 =	simm.s32 @p2 $0x1082  }
0x22: {  	[simem:s7], [sflag:s8] =	dma.local @!p0 [hbm:s6], $0xF7A  }
0x23: {  	s9 =	sor.u32 $0xD0000000, s2;
	s6 =	simm.s32 $0x108;
	_ =	swait.ge @!p0 [sflag:s8], $0x0  }
0x24: {  	s3 =	sadd.s32 $0x88, s3;
	s6 =	simm.s32 @!p1 $0x1082;
	[sflag:s4] =	ssyncset.s32 $0xFFFFF086  }
0x25: {  	[simem:s6], [sflag:s4] =	dma.local [hbm:s3], $0xF7A  }
0x26: {  	[smem:$0x3F9B] =	sst s1;
	(tag) =	ssettag s2;
	_ =	strace s9  }
0x27: {  	s1 =	sld [smem:$0x3FAB]  }
0x28: {  	s2 =	sld [smem:$0x3FAC]  }
0x29: {  	s4 =	sld [smem:$0x3FAE]  }
0x2a: {  	p0 =	seq.s32 s5, $0x0;
	s5 =	sld [smem:$0x3FAF]  }
0x2b: {  	s6 =	sld [smem:$0x3FB0]  }
0x2c: {  	s7 =	sld [smem:$0x3FB1]  }
0x2d: {  	s3 =	simm.s32 $0x108;
	s8 =	sld [smem:$0x3FB2]  }
0x2e: {  	s3 =	simm.s32 @!p0 $0x1082;
	s9 =	sld [smem:$0x3FB3]  }
0x2f: {  	lr =	sadd.s32 s0, s3;
	s0 =	sld [smem:$0x3FAA]  }
0x30: {  	s3 =	sld [smem:$0x3FAD]  }
0x31: {  	[smem:$0x3FB6] =	sst s10  }
0x32: {  	s10 =	sld [smem:$0x3FB4];
	_ =	sdelay $0x3  }
0x33: {  	p0 =	seq.s32 s10, $0x1;
	s10 =	sld [smem:$0x3FB6];
	_ =	sdelay $0x3  }
0x34: {  	[smem:$0x3FB6] =	sst s10  }
0x35: {  	s10 =	sld [smem:$0x3FB5];
	_ =	sdelay $0x3  }
0x36: {  	p1 =	seq.s32 s10, $0x1;
	s10 =	sld [smem:$0x3FB6];
	_ =	sdelay $0x3  }
0x37: {  	[smem:$0x3FB6] =	sst s10  }
0x38: {  	s10 =	sld [smem:$0x3FB7]  }
0x39: {  	_ = 	snop;
	(pc) =	sbr.ind lr, $3  }
0x3a: {  	_ = 	snop  }
0x3b: {  	_ = 	snop  }
0x3c: {  	p2 =	seq.s32 s10, $0x1;
	s10 =	sld [smem:$0x3FB6]  }
0x3d: {  	_ =	shalt  }
0x3e: {  	_ =	shalt  }
0x3f: {  	_ =	shalt  }
0x40: {  	_ =	shalt  }
0x41: {  	_ =	shalt  }
0x42: {  	_ =	shalt  }
0x43: {  	_ =	shalt  }
0x44: {  	_ =	shalt  }
0x45: {  	_ =	shalt  }
0x46: {  	_ =	shalt  }
0x47: {  	_ =	shalt  }
0x48: {  	_ =	shalt  }
0x49: {  	_ =	shalt  }
0x4a: {  	_ =	shalt  }
0x4b: {  	_ =	shalt  }
0x4c: {  	_ =	shalt  }
0x4d: {  	_ =	shalt  }
0x4e: {  	_ =	shalt  }
0x4f: {  	_ =	shalt  }
0x50: {  	_ =	shalt  }
0x51: {  	_ =	shalt  }
0x52: {  	_ =	shalt  }
0x53: {  	_ =	shalt  }
0x54: {  	_ =	shalt  }
0x55: {  	_ =	shalt  }
0x56: {  	_ =	shalt  }
0x57: {  	_ =	shalt  }
0x58: {  	_ =	shalt  }
0x59: {  	_ =	shalt  }
0x5a: {  	_ =	shalt  }
0x5b: {  	_ =	shalt  }
0x5c: {  	_ =	shalt  }
0x5d: {  	_ =	shalt  }
0x5e: {  	_ =	shalt  }
0x5f: {  	_ =	shalt  }
0x60: {  	_ =	shalt  }
0x61: {  	_ =	shalt  }
0x62: {  	_ =	shalt  }
0x63: {  	_ =	shalt  }
0x64: {  	_ =	shalt  }
0x65: {  	_ =	shalt  }
0x66: {  	_ =	shalt  }
0x67: {  	_ =	shalt  }
0x68: {  	_ =	shalt  }
0x69: {  	_ =	shalt  }
0x6a: {  	_ =	shalt  }
0x6b: {  	_ =	shalt  }
0x6c: {  	_ =	shalt  }
0x6d: {  	_ =	shalt  }
0x6e: {  	_ =	shalt  }
0x6f: {  	_ =	shalt  }
0x70: {  	_ =	shalt  }
0x71: {  	_ =	shalt  }
0x72: {  	_ =	shalt  }
0x73: {  	_ =	shalt  }
0x74: {  	_ =	shalt  }
0x75: {  	_ =	shalt  }
0x76: {  	_ =	shalt  }
0x77: {  	_ =	shalt  }
0x78: {  	_ =	shalt  }
0x79: {  	_ =	shalt  }
0x7a: {  	_ =	shalt  }
0x7b: {  	_ =	shalt  }
0x7c: {  	_ =	shalt  }
0x7d: {  	_ =	shalt  }
0x7e: {  	_ =	shalt  }
0x7f: {  	_ =	shalt  }
0x80: {  	_ =	shalt  }
0x81: {  	_ =	shalt  }
0x82: {  	_ =	shalt  }
0x83: {  	_ =	shalt  }
0x84: {  	_ =	shalt  }
0x85: {  	_ =	shalt  }
0x86: {  	_ =	shalt  }
0x87: {  	_ =	shalt  }
.Lfunc_end0:
.L_simem_size_0:
called_computation.3_lowered:
.L_overlay_start_0:
0x88: {  	s2 =	sld [smem:$0x3FD9]  }
0x89: {  	s3 =	sld [smem:$0x3FFE];
	_ =	sdelay $0x1  }
0x8a: {  	s1 =	srdreg.scid  }
0x8b: {  	s0 =	sand.u32 $0x1, s1  }
0x8c: {  	s17 =	sshll.u32 s0, $0xA;
	s2 =	sadd.s32 s3, s2  }
0x8d: {  	s2 =	sadd.s32 s2, s17  }
0x8e: {  	[smem:$0x3FC2] =	sst s2  }
0x8f: {  	_ = 	snop  }
0x90: {  	s2 =	sld [smem:$0x3FD0];
	(tm) =	ssettm $0x1  }
0x91: {  	s18 =	sld [smem:$0x3FFB];
	_ =	sdelay $0x3  }
0x92: {  	_ =	strace s18  }
0x93: {  	s3 =	sld [smem:$0x3FFC];
	_ =	sdelay $0x3  }
0x94: {  	_ =	strace s3  }
0x95: {  	s3 =	sld [smem:$0x3FFD];
	_ =	sdelay $0x3  }
0x96: {  	_ =	strace s3  }
0x97: {  	_ =	strace $0x8FFFFFFF  }
0x98: {  	s19 =	sld [smem:$0x3FDB];
	_ =	sdelay $0x1  }
0x99: {  	s4 =	simm.s32 $_scs_section_size  }
0x9a: {  	s5 =	simm.s32 $_size__tile_overlayer_lowered;
	s6 =	simm.s32 $_tile_overlayer_lowered  }
0x9b: {  	s22 =	simm.s32 $0x1BFF;
	s21 =	sshll.u32 s6, $0x1;
	s3 =	sadd.s32 s4, s19  }
0x9c: {  	s7 =	simm.s32 $0x0;
	s20 =	sshll.u32 s5, $0x1;
	s5 =	sadd.s32 s21, s3  }
0x9d: {  	[timem:s7], [sflag:s22] =	dma.local [hbm:s5], s20  }
0x9e: {  	_ =	swait.ge [sflag:s22], s20  }
0x9f: {  	s4 =	ssub.s32 $0x0, s20;
	[sflag:s22] =	ssyncset.done $0x0  }
0xa0: {  	[sflag:s22] =	ssyncadd.s32 s4;
	_ =	sdelay $0x1  }
0xa1: {  	s23 =	simm.s32 $0x1B8B  }
0xa2: {  	_ =	swait.ge [sflag:s23], $0x1  }
0xa3: {  	[sflag:s23] =	ssyncset.done $0x0  }
0xa4: {  	s25 =	simm.s32 $0x1B8E;
	s24 =	sld [smem:$0x3FFE];
	[sflag:s23] =	ssyncadd.s32 $0xFFFFFFFF  }
0xa5: {  	s26 =	simm.s32 $execute0_lowered;
	[smem:$0x3FD2] =	sst s25  }
0xa6: {  	s5 =	sshll.u32 s26, $0x1;
	_ =	strace $0x8000004F;
	[dreg:$0x1] =	wrdreg $0xFFFFFFFF  }
0xa7: {  	s28 =	simm.s32 $_size_execute0_lowered;
	s3 =	sadd.s32 s3, s5;
	[dreg:$0x0] =	wrdreg $0x0  }
0xa8: {  	s5 =	sshll.u32 s28, $0x1;
	[dreg:$0x2] =	wrdreg s3  }
0xa9: {  	[dreg:$0x3] =	wrdreg s5  }
0xaa: {  	[dreg:$0x4] =	wrdreg $0xC0  }
0xab: {  	_ =	task [dreg:s7], $0x5FFFF  }
0xac: {  	[dreg:$0x1] =	wrdreg $0xFFFFFFFF  }
0xad: {  	[dreg:$0x0] =	wrdreg $0x60  }
0xae: {  	[dreg:$0x2] =	wrdreg s2  }
0xaf: {  	[dreg:$0x3] =	wrdreg s24  }
0xb0: {  	[dreg:$0x4] =	wrdreg $0xA8000  }
0xb1: {  	[dreg:$0x5] =	wrdreg $0x9  }
0xb2: {  	_ =	task.clear_ibuf [dreg:s7], $0x6FFFF;
	_ =	strace $0x9000004F  }
0xb3: {  	s29 =	simm.s32 $0x9;
	_ =	strace $0x80000051  }
0xb4: {  	_ =	swait.ge [sflag:s29], $0x1  }
0xb5: {  	[sflag:s29] =	ssyncadd.s32 $0xFFFFFFFF  }
0xb6: {  	_ =	strace $0x90000051  }
0xb7: {  	_ =	sfence  }
0xb8: {  	s30 =	sld [smem:$0x0];
	_ =	sdelay $0x2  }
0xb9: {  	s31 =	sshll.u32 s1, $0xD;
	s1 =	sshrl.u32 s1, $0x2  }
0xba: {  	s3 =	sand.u32 $0x4000, s31;
	s1 =	sadd.s32 s1, s30  }
0xbb: {  	s0 =	sor.u32 s3, s0;
	s1 =	sshll.u32 s1, $0x11  }
0xbc: {  	s0 =	sor.u32 s1, s0  }
0xbd: {  	s0 =	sadd.s32 $0x8F2B, s0  }
0xbe: {  	[sflag:s0] =	ssyncadd.remote.s32 $0x1  }
0xbf: {  	_ =	sfence.sel $0xFFFF  }
0xc0: {  	[dreg:$0x0] =	wrdreg $0xFFFFFFFF;
	(pc) =	sbr.abs _section_cstart, $3  }
0xc1: {  	[dreg:$0x1] =	wrdreg $0xFFFFFFFF  }
0xc2: {  	_ =	task.clear_ibuf [dreg:s7], $0x2FFFF;
	_ =	strace $0x9FFFFFFF  }
0xc3: {  	(tm) =	ssettm $0x7FFFFFFF  }
tec
execute0_lowered:
.L_overlay_start_1:
0x0: {  	(tag) =	ssettag $0x1  }
0x1: {  	s1 =	rddreg [dreg:$0x0]  }
0x2: {  	s6 =	rddreg [dreg:$0x1]  }
0x3: {  	s2 =	rddreg [dreg:$0x2];
	s3 =	srdreg.scid  }
0x4: {  	s0 =	rddreg [dreg:$0x3];
	s4 =	simm.s32 $0x0;
	s15 =	simm.s32 $0x1400  }
0x5: {  	s16 =	simm.s32 $0x80;
	s17 =	simm.s32 $0x2800;
	s18 =	simm.s32 $0x6800  }
0x6: {  	s19 =	simm.s32 $0x1;
	s20 =	simm.s32 $0x2;
	s21 =	simm.s32 $0x1380  }
0x7: {  	s22 =	simm.s32 $0x2700;
	s5 =	sand.u32 $0x1, s3;
	s3 =	stileid.u32  }
0x8: {  	s23 =	simm.s32 $0x2780;
	[smem:$0x7FF] =	sst s4;
	s7 =	smul.u32 $0x13C000, s5  }
0x9: {  	s9 =	sadd.s32 $0x5FA00, s6;
	s10 =	sadd.s32 $0x4200, s6;
	s8 =	smul.u32 $0x13C00, s3  }
0xa: {  	_ =	strace $0x80000050;
	s24 =	sshll.u32 s3, $0x1;
	s11 =	ssub.s32 $0x2, s5  }
0xb: {  	s25 =	smul.u32 $0x4F000, s3;
	s28 =	sshll.u32 s3, $0x6;
	s5 =	sor.u32 s5, s24  }
0xc: {  	s12 =	sshrl.u32 s11, $0x1;
	s24 =	simm.s32 $0x0;
	s7 =	sadd.s32 s8, s7  }
0xd: {  	s13 =	smul.u32 $0x2800, s5;
	s5 =	sadd.s32 $0xE200, s6;
	s26 =	sshrl.u32 s25, $0x2  }
0xe: {  	s12 =	ssub.s32 s11, s12;
	s7 =	sshrl.u32 s7, $0x3;
	s30 =	sadd.s32 s26, s2  }
0xf: {  	s12 =	smax.u32 s12, $0x1;
	s14 =	sadd.s32 s7, s6;
	s29 =	sshrl.u32 s13, $0x3  }
0x10: {  	s6 =	sor.u32 $0x1C03, s28;
	s13 =	sshrl.u32 s30, $0x3;
	s31 =	sadd.s32 $0x280, s29  }
0x11: {  	s7 =	sadd.s32 s9, s29;
	s8 =	sadd.s32 s10, s29;
	s11 =	sadd.s32 $0x10A00, s14  }
0x12: {  	s14 =	simm.s32 $0x3;
	s9 =	sadd.s32 s9, s31;
	s10 =	sadd.s32 s10, s31  }
.LBB2_1:
0x13: {  	[spmem:s13], [sflag:s6] =	dma.local [hbm:s5], $0x2780  }
0x14: {  	_ =	swait.ge [sflag:s14], $0x2780  }
0x15: {  	[sflag:s14] =	ssyncset.done $0x0  }
0x16: {  	[sflag:s14] =	ssyncadd.s32 $0xFFFFD880  }
0x17: {  	[bflag:$0x0] =	sbarrier.arrive $0xFFFF  }
0x18: {  	[tilespmem:s4], [sflag:$0x3] =	stream.linear.gather [hbm4b:s7+s4], $0x1400, $0x38;
	[tilespmem:$0x1E400] =	vst v63  }
0x19: {  	_ =	swait.ge [sflag:s14], $0x1400  }
0x1a: {  	[sflag:s14] =	ssyncset.done $0x0  }
0x1b: {  	[sflag:s14] =	ssyncadd.s32 $0xFFFFEC00  }
0x1c: {  	[tilespmem:s15], [sflag:$0x3] =	stream.linear.gather [hbm4b:s8+s4], $0x1400, $0x38;
	[tilespmem:$0x1E400] =	vst v63  }
0x1d: {  	_ =	swait.ge [sflag:s14], $0x1400  }
0x1e: {  	[sflag:s14] =	ssyncset.done $0x0  }
0x1f: {  	[sflag:s14] =	ssyncadd.s32 $0xFFFFEC00  }
0x20: {  	[tilespmem:s17], [sflag:$0x1] =	stream.indirect.gather [hbm4b:s1+s16], $0x80, s4, s16, $0xb8;
	[tilespmem:$0x1E400] =	vst v63  }
0x21: {  	s25 =	simm.s32 $0x80  }
0x22: {  	[tilespmem:s18], [sflag:$0x2] =	stream.indirect.gather [hbm4b:s1+s16], $0x80, s25, s16, $0xb8;
	[tilespmem:$0x1E400] =	vst v63  }
0x23: {  	_ =	swait.ge [sflag:s19], $0x4000  }
0x24: {  	[sflag:s19] =	ssyncset.done $0x0  }
0x25: {  	s29 =	simm.s32 $0x1400;
	[sflag:s19] =	ssyncadd.s32 $0xFFFFC000  }
0x26: {  	[spmem:s2] =	stream.indirect.scatter.add.f32 [tilespmem:s17], [sflag:$0x3], $0x80, s29, s16, $0xb8;
	[tilespmem:$0x1E400] =	vst v63  }
0x27: {  	_ =	swait.ge [sflag:s14], $0x4000  }
0x28: {  	[sflag:s14] =	ssyncset.done $0x0  }
0x29: {  	s30 =	simm.s32 $0x100;
	[sflag:s14] =	ssyncadd.s32 $0xFFFFC000  }
0x2a: {  	[tilespmem:s17], [sflag:$0x1] =	stream.indirect.gather [hbm4b:s1+s16], $0x80, s30, s16, $0xb8;
	[tilespmem:$0x1E400] =	vst v63  }
0x2b: {  	_ =	swait.ge [sflag:s20], $0x4000  }
0x2c: {  	[sflag:s20] =	ssyncset.done $0x0  }
0x2d: {  	s31 =	simm.s32 $0x1480;
	[sflag:s20] =	ssyncadd.s32 $0xFFFFC000  }
0x2e: {  	[spmem:s2] =	stream.indirect.scatter.add.f32 [tilespmem:s18], [sflag:$0x3], $0x80, s31, s16, $0xb8;
	[tilespmem:$0x1E400] =	vst v63  }
0x2f: {  	_ =	swait.ge [sflag:s14], $0x4000  }
0x30: {  	s26 =	simm.s32 $0x800;
	s25 =	simm.s32 $0x100;
	[sflag:s14] =	ssyncset.done $0x0  }
.LBB2_2:
0x31: {  	s28 =	sadd.s32 $0x80, s25  }
0x32: {  	[sflag:s14] =	ssyncadd.s32 $0xFFFFC000;
	s29 =	smov.u32 s26;
	s30 =	sadd.s32 $0x400, s26  }
0x33: {  	[tilespmem:s18], [sflag:$0x2] =	stream.indirect.gather [hbm4b:s1+s16], $0x80, s28, s16, $0xb8;
	[tilespmem:$0x1E400] =	vst v63  }
0x34: {  	p0 =	sne.s32 s26, $0x4800;
	_ =	swait.ge [sflag:s19], $0x4000  }
0x35: {  	[sflag:s19] =	ssyncset.done $0x0  }
0x36: {  	s26 =	sadd.s32 $0x1400, s25;
	[sflag:s19] =	ssyncadd.s32 $0xFFFFC000  }
0x37: {  	[spmem:s2] =	stream.indirect.scatter.add.f32 [tilespmem:s17], [sflag:$0x3], $0x80, s26, s16, $0xb8;
	[tilespmem:$0x1E400] =	vst v63  }
0x38: {  	_ =	swait.ge [sflag:s14], $0x4000  }
0x39: {  	[sflag:s14] =	ssyncset.done $0x0  }
0x3a: {  	s26 =	sadd.s32 $0x100, s25;
	[sflag:s14] =	ssyncadd.s32 $0xFFFFC000  }
0x3b: {  	[tilespmem:s17], [sflag:$0x1] =	stream.indirect.gather [hbm4b:s1+s16], $0x80, s26, s16, $0xb8;
	[tilespmem:$0x1E400] =	vst v63  }
0x3c: {  	_ =	swait.ge [sflag:s20], $0x4000  }
.Ltmp0:
0x3d: {  	[sflag:s20] =	ssyncset.done $0x0;
	(pc) =	sbr.rel @p0 .LBB2_2-.Ltmp0, $4  }
0x3e: {  	s25 =	sadd.s32 $0x1480, s25;
	[sflag:s20] =	ssyncadd.s32 $0xFFFFC000  }
0x3f: {  	[spmem:s2] =	stream.indirect.scatter.add.f32 [tilespmem:s18], [sflag:$0x3], $0x80, s25, s16, $0xb8;
	[tilespmem:$0x1E400] =	vst v63  }
0x40: {  	_ =	swait.ge [sflag:s14], $0x4000  }
0x41: {  	s26 =	smov.u32 s30;
	s25 =	sshra.s32 s29, $0x2;
	[sflag:s14] =	ssyncset.done $0x0  }
0x42: {  	s26 =	sadd.s32 $0x80, s25;
	[sflag:s14] =	ssyncadd.s32 $0xFFFFC000  }
0x43: {  	[tilespmem:s18], [sflag:$0x2] =	stream.indirect.gather [hbm4b:s1+s16], $0x80, s26, s16, $0xb8;
	[tilespmem:$0x1E400] =	vst v63  }
0x44: {  	_ =	swait.ge [sflag:s19], $0x4000  }
0x45: {  	[sflag:s19] =	ssyncset.done $0x0  }
0x46: {  	s29 =	sadd.s32 $0x1400, s25;
	[sflag:s19] =	ssyncadd.s32 $0xFFFFC000  }
0x47: {  	[spmem:s2] =	stream.indirect.scatter.add.f32 [tilespmem:s17], [sflag:$0x3], $0x80, s29, s16, $0xb8;
	[tilespmem:$0x1E400] =	vst v63  }
0x48: {  	_ =	swait.ge [sflag:s14], $0x4000  }
0x49: {  	[sflag:s14] =	ssyncset.done $0x0  }
0x4a: {  	s30 =	sadd.s32 $0x100, s25;
	[sflag:s14] =	ssyncadd.s32 $0xFFFFC000  }
0x4b: {  	[tilespmem:s17], [sflag:$0x1] =	stream.indirect.gather [hbm4b:s1+s16], $0x80, s30, s16, $0xb8;
	[tilespmem:$0x1E400] =	vst v63  }
0x4c: {  	_ =	swait.ge [sflag:s20], $0x4000  }
0x4d: {  	[sflag:s20] =	ssyncset.done $0x0  }
0x4e: {  	s31 =	sadd.s32 $0x1480, s25;
	[sflag:s20] =	ssyncadd.s32 $0xFFFFC000  }
0x4f: {  	[spmem:s2] =	stream.indirect.scatter.add.f32 [tilespmem:s18], [sflag:$0x3], $0x80, s31, s16, $0xb8;
	[tilespmem:$0x1E400] =	vst v63  }
0x50: {  	_ =	swait.ge [sflag:s14], $0x4000  }
0x51: {  	[sflag:s14] =	ssyncset.done $0x0  }
0x52: {  	[sflag:s14] =	ssyncadd.s32 $0xFFFFC000  }
0x53: {  	[tilespmem:s18], [sflag:$0x2] =	stream.indirect.gather [hbm4b:s1+s16], $0x80, s21, s16, $0xb8;
	[tilespmem:$0x1E400] =	vst v63  }
0x54: {  	_ =	swait.ge [sflag:s19], $0x4000  }
0x55: {  	[sflag:s19] =	ssyncset.done $0x0  }
0x56: {  	[sflag:s19] =	ssyncadd.s32 $0xFFFFC000  }
0x57: {  	[spmem:s2] =	stream.indirect.scatter.add.f32 [tilespmem:s17], [sflag:$0x3], $0x80, s22, s16, $0xb8;
	[tilespmem:$0x1E400] =	vst v63  }
0x58: {  	_ =	swait.ge [sflag:s14], $0x4000  }
0x59: {  	[sflag:s14] =	ssyncset.done $0x0  }
0x5a: {  	[sflag:s14] =	ssyncadd.s32 $0xFFFFC000  }
0x5b: {  	_ =	swait.ge [sflag:s20], $0x4000  }
0x5c: {  	[sflag:s20] =	ssyncset.done $0x0  }
0x5d: {  	[sflag:s20] =	ssyncadd.s32 $0xFFFFC000  }
0x5e: {  	[spmem:s2] =	stream.indirect.scatter.add.f32 [tilespmem:s18], [sflag:$0x3], $0x80, s23, s16, $0xb8;
	[tilespmem:$0x1E400] =	vst v63  }
0x5f: {  	_ =	swait.ge [sflag:s14], $0x4000  }
0x60: {  	[sflag:s14] =	ssyncset.done $0x0  }
0x61: {  	s26 =	simm.s32 $0x0;
	[sflag:s14] =	ssyncadd.s32 $0xFFFFC000  }
0x62: {  	[tilespmem:s26], [sflag:$0x3] =	stream.linear.gather [hbm4b:s9+s26], $0x1400, $0x38;
	[tilespmem:$0x1E400] =	vst v63  }
0x63: {  	_ =	swait.ge [sflag:s14], $0x1400  }
0x64: {  	[sflag:s14] =	ssyncset.done $0x0  }
0x65: {  	[sflag:s14] =	ssyncadd.s32 $0xFFFFEC00  }
0x66: {  	[tilespmem:s15], [sflag:$0x3] =	stream.linear.gather [hbm4b:s10+s26], $0x1400, $0x38;
	[tilespmem:$0x1E400] =	vst v63  }
0x67: {  	_ =	swait.ge [sflag:s14], $0x1400  }
0x68: {  	[sflag:s14] =	ssyncset.done $0x0  }
0x69: {  	[sflag:s14] =	ssyncadd.s32 $0xFFFFEC00  }
0x6a: {  	[tilespmem:s17], [sflag:$0x1] =	stream.indirect.gather [hbm4b:s1+s16], $0x80, s26, s16, $0xb8;
	[tilespmem:$0x1E400] =	vst v63  }
0x6b: {  	s28 =	simm.s32 $0x80  }
0x6c: {  	[tilespmem:s18], [sflag:$0x2] =	stream.indirect.gather [hbm4b:s1+s16], $0x80, s28, s16, $0xb8;
	[tilespmem:$0x1E400] =	vst v63  }
0x6d: {  	_ =	swait.ge [sflag:s19], $0x4000  }
0x6e: {  	[sflag:s19] =	ssyncset.done $0x0  }
0x6f: {  	s29 =	simm.s32 $0x1400;
	[sflag:s19] =	ssyncadd.s32 $0xFFFFC000  }
0x70: {  	[spmem:s2] =	stream.indirect.scatter.add.f32 [tilespmem:s17], [sflag:$0x3], $0x80, s29, s16, $0xb8;
	[tilespmem:$0x1E400] =	vst v63  }
0x71: {  	_ =	swait.ge [sflag:s14], $0x4000  }
0x72: {  	[sflag:s14] =	ssyncset.done $0x0  }
0x73: {  	s30 =	simm.s32 $0x100;
	[sflag:s14] =	ssyncadd.s32 $0xFFFFC000  }
0x74: {  	[tilespmem:s17], [sflag:$0x1] =	stream.indirect.gather [hbm4b:s1+s16], $0x80, s30, s16, $0xb8;
	[tilespmem:$0x1E400] =	vst v63  }
0x75: {  	_ =	swait.ge [sflag:s20], $0x4000  }
0x76: {  	[sflag:s20] =	ssyncset.done $0x0  }
0x77: {  	s31 =	simm.s32 $0x1480;
	[sflag:s20] =	ssyncadd.s32 $0xFFFFC000  }
0x78: {  	[spmem:s2] =	stream.indirect.scatter.add.f32 [tilespmem:s18], [sflag:$0x3], $0x80, s31, s16, $0xb8;
	[tilespmem:$0x1E400] =	vst v63  }
0x79: {  	_ =	swait.ge [sflag:s14], $0x4000  }
0x7a: {  	s25 =	simm.s32 $0x100;
	s26 =	simm.s32 $0x800;
	[sflag:s14] =	ssyncset.done $0x0  }
.LBB2_4:
0x7b: {  	s28 =	sadd.s32 $0x80, s25  }
0x7c: {  	[sflag:s14] =	ssyncadd.s32 $0xFFFFC000;
	s29 =	smov.u32 s26;
	s30 =	sadd.s32 $0x400, s26  }
0x7d: {  	[tilespmem:s18], [sflag:$0x2] =	stream.indirect.gather [hbm4b:s1+s16], $0x80, s28, s16, $0xb8;
	[tilespmem:$0x1E400] =	vst v63  }
0x7e: {  	p0 =	sne.s32 s26, $0x4800;
	_ =	swait.ge [sflag:s19], $0x4000  }
0x7f: {  	[sflag:s19] =	ssyncset.done $0x0  }
0x80: {  	s26 =	sadd.s32 $0x1400, s25;
	[sflag:s19] =	ssyncadd.s32 $0xFFFFC000  }
0x81: {  	[spmem:s2] =	stream.indirect.scatter.add.f32 [tilespmem:s17], [sflag:$0x3], $0x80, s26, s16, $0xb8;
	[tilespmem:$0x1E400] =	vst v63  }
0x82: {  	_ =	swait.ge [sflag:s14], $0x4000  }
0x83: {  	[sflag:s14] =	ssyncset.done $0x0  }
0x84: {  	s26 =	sadd.s32 $0x100, s25;
	[sflag:s14] =	ssyncadd.s32 $0xFFFFC000  }
0x85: {  	[tilespmem:s17], [sflag:$0x1] =	stream.indirect.gather [hbm4b:s1+s16], $0x80, s26, s16, $0xb8;
	[tilespmem:$0x1E400] =	vst v63  }
0x86: {  	_ =	swait.ge [sflag:s20], $0x4000  }
.Ltmp1:
0x87: {  	[sflag:s20] =	ssyncset.done $0x0;
	(pc) =	sbr.rel @p0 .LBB2_4-.Ltmp1, $4  }
0x88: {  	s25 =	sadd.s32 $0x1480, s25;
	[sflag:s20] =	ssyncadd.s32 $0xFFFFC000  }
0x89: {  	[spmem:s2] =	stream.indirect.scatter.add.f32 [tilespmem:s18], [sflag:$0x3], $0x80, s25, s16, $0xb8;
	[tilespmem:$0x1E400] =	vst v63  }
0x8a: {  	_ =	swait.ge [sflag:s14], $0x4000  }
0x8b: {  	s26 =	smov.u32 s30;
	s25 =	sshra.s32 s29, $0x2;
	[sflag:s14] =	ssyncset.done $0x0  }
0x8c: {  	s26 =	sadd.s32 $0x80, s25;
	[sflag:s14] =	ssyncadd.s32 $0xFFFFC000  }
0x8d: {  	[tilespmem:s18], [sflag:$0x2] =	stream.indirect.gather [hbm4b:s1+s16], $0x80, s26, s16, $0xb8;
	[tilespmem:$0x1E400] =	vst v63  }
0x8e: {  	_ =	swait.ge [sflag:s19], $0x4000  }
0x8f: {  	[sflag:s19] =	ssyncset.done $0x0  }
0x90: {  	s29 =	sadd.s32 $0x1400, s25;
	[sflag:s19] =	ssyncadd.s32 $0xFFFFC000  }
0x91: {  	[spmem:s2] =	stream.indirect.scatter.add.f32 [tilespmem:s17], [sflag:$0x3], $0x80, s29, s16, $0xb8;
	[tilespmem:$0x1E400] =	vst v63  }
0x92: {  	_ =	swait.ge [sflag:s14], $0x4000  }
0x93: {  	[sflag:s14] =	ssyncset.done $0x0  }
0x94: {  	s30 =	sadd.s32 $0x100, s25;
	[sflag:s14] =	ssyncadd.s32 $0xFFFFC000  }
0x95: {  	[tilespmem:s17], [sflag:$0x1] =	stream.indirect.gather [hbm4b:s1+s16], $0x80, s30, s16, $0xb8;
	[tilespmem:$0x1E400] =	vst v63  }
0x96: {  	_ =	swait.ge [sflag:s20], $0x4000  }
0x97: {  	[sflag:s20] =	ssyncset.done $0x0  }
0x98: {  	s31 =	sadd.s32 $0x1480, s25;
	[sflag:s20] =	ssyncadd.s32 $0xFFFFC000  }
0x99: {  	[spmem:s2] =	stream.indirect.scatter.add.f32 [tilespmem:s18], [sflag:$0x3], $0x80, s31, s16, $0xb8;
	[tilespmem:$0x1E400] =	vst v63  }
0x9a: {  	_ =	swait.ge [sflag:s14], $0x4000  }
0x9b: {  	[sflag:s14] =	ssyncset.done $0x0  }
0x9c: {  	[sflag:s14] =	ssyncadd.s32 $0xFFFFC000  }
0x9d: {  	[tilespmem:s18], [sflag:$0x2] =	stream.indirect.gather [hbm4b:s1+s16], $0x80, s21, s16, $0xb8;
	[tilespmem:$0x1E400] =	vst v63  }
0x9e: {  	_ =	swait.ge [sflag:s19], $0x4000  }
0x9f: {  	[sflag:s19] =	ssyncset.done $0x0  }
0xa0: {  	[sflag:s19] =	ssyncadd.s32 $0xFFFFC000  }
0xa1: {  	[spmem:s2] =	stream.indirect.scatter.add.f32 [tilespmem:s17], [sflag:$0x3], $0x80, s22, s16, $0xb8;
	[tilespmem:$0x1E400] =	vst v63  }
0xa2: {  	_ =	swait.ge [sflag:s14], $0x4000  }
0xa3: {  	[sflag:s14] =	ssyncset.done $0x0  }
0xa4: {  	[sflag:s14] =	ssyncadd.s32 $0xFFFFC000  }
0xa5: {  	_ =	swait.ge [sflag:s20], $0x4000  }
0xa6: {  	[sflag:s20] =	ssyncset.done $0x0  }
0xa7: {  	[sflag:s20] =	ssyncadd.s32 $0xFFFFC000  }
0xa8: {  	[spmem:s2] =	stream.indirect.scatter.add.f32 [tilespmem:s18], [sflag:$0x3], $0x80, s23, s16, $0xb8;
	[tilespmem:$0x1E400] =	vst v63  }
0xa9: {  	_ =	swait.ge [sflag:s14], $0x4000  }
0xaa: {  	s24 =	sadd.s32 $0x1, s24;
	[sflag:s14] =	ssyncset.done $0x0  }
0xab: {  	p0 =	sne.s32 s24, s12;
	[sflag:s14] =	ssyncadd.s32 $0xFFFFC000  }
.Ltmp2:
0xac: {  	[bflag:$0x0] =	sbarrier.arrive $0xFFFF;
	(pc) =	sbr.rel @p0 .LBB2_1-.Ltmp2, $4  }
0xad: {  	[hbm:s11], [sflag:s6] =	dma.local [spmem:s13], $0x2780  }
0xae: {  	_ =	swait.ge [sflag:s14], $0x2780  }
0xaf: {  	[sflag:s14] =	ssyncset.done $0x0  }
0xb0: {  	[sflag:s14] =	ssyncadd.s32 $0xFFFFD880  }
0xb1: {  	_ =	sfence.sel $0x180000  }
0xb2: {  	[bflag:$0x0] =	sbarrier.arrive $0xFFFF  }
0xb3: {  	p0 =	sne.s32 s3, $0x0;
	_ =	strace $0x90000050  }
0xb4: {  	s0 =	sadd.s32 @!p0 $0x100000, s0;
	[bflag:$0x2] =	sbarrier.arrive $0xFFFF  }
0xb5: {  	[sflag:s0] =	ssyncadd.tile.s32 @!p0 $0x1;
	_ =	shalt  }
.Lfunc_end2:
_tile_overlayer_lowered:
.L_overlay_start_2:
0xb6: {  	(tag) =	ssettag $0x2  }
0xb7: {  	s0 =	rddreg [dreg:$0x0];
	s2 =	stileid.u32  }
0xb8: {  	s1 =	rddreg [dreg:$0x1];
	p0 =	sne.s32 s2, $0x0  }
0xb9: {  	s3 =	rddreg [dreg:$0x2];
	[bflag:$0x3] =	sbarrier.arrive $0xFFFF;
	s2 =	simm.s32 @!p0 $0x1C03  }
0xba: {  	[timem:s3], [sflag:s2] =	dma.local @!p0 [hbm:s0], s1  }
0xbb: {  	s0 =	simm.s32 @!p0 $0x3  }
0xbc: {  	_ =	swait.ge @!p0 [sflag:s0], s1  }
0xbd: {  	s1 =	ssub.s32 @!p0 $0x0, s1;
	[sflag:s0] =	ssyncset.done @!p0 $0x0  }
0xbe: {  	[sflag:s0] =	ssyncadd.s32 @!p0 s1  }
0xbf: {  	[bflag:$0x3] =	sbarrier.arrive $0xFFFF  }
0xc0: {  	_ =	shalt  }

// kernel: kernel.28.cloned.1.call-start
scs
__scs_entry_jumppad:
0x0: {  	(pc) =	sbr.rel $0x88, $3  }
0x1: {  	(tag) =	ssettag $0x0;
	lr =	simm.s32 $0x1  }
0x2: {  	[smem:$0x3F9B] =	sst lr;
	_ =	strace $0xD0000000  }
0x3: {  	_ = 	snop  }
0x4: {  	_ = 	snop  }
0x5: {  	_ = 	snop  }
0x6: {  	_ = 	snop  }
0x7: {  	_ = 	snop  }
__scs_overlays_trampoline_lowered:
0x8: {  	[smem:$0x3FAA] =	sst s0  }
0x9: {  	[smem:$0x3FAB] =	sst s1  }
0xa: {  	[smem:$0x3FAC] =	sst s2  }
0xb: {  	[smem:$0x3FAD] =	sst s3  }
0xc: {  	[smem:$0x3FAE] =	sst s4  }
0xd: {  	[smem:$0x3FAF] =	sst s5  }
0xe: {  	[smem:$0x3FB0] =	sst s6  }
0xf: {  	[smem:$0x3FB1] =	sst s7  }
0x10: {  	[smem:$0x3FB2] =	sst s8  }
0x11: {  	[smem:$0x3FB3] =	sst s9;
	s0 =	simm.s32 @!p0 $0x0  }
0x12: {  	s1 =	sld [smem:$0x3F99];
	s0 =	simm.s32 @p0 $0x1  }
0x13: {  	[smem:$0x3FB4] =	sst s0;
	s0 =	simm.s32 @!p1 $0x0  }
0x14: {  	s2 =	sld [smem:$0x3F98];
	s0 =	simm.s32 @p1 $0x1  }
0x15: {  	[smem:$0x3FB5] =	sst s0;
	s0 =	simm.s32 @!p2 $0x0  }
0x16: {  	s3 =	sld [smem:$0x3FDB];
	s0 =	simm.s32 @p2 $0x1  }
0x17: {  	s4 =	simm.s32 $0x1BF5;
	[smem:$0x3FB7] =	sst s0  }
0x18: {  	s0 =	sld [smem:$0x3F9A];
	_ =	swait.ge [sflag:s4], $0x0  }
0x19: {  	s7 =	sld [smem:$0x3F9B]  }
0x1a: {  	s8 =	sadd.s32 $0xFFFFE003, lr  }
0x1b: {  	s9 =	sadd.s32 $0xFFFFFEF7, lr;
	s5 =	simm.s32 $0xFFFFFFFF;
	p2 =	slt.u32 s8, $0xFFFFF086  }
0x1c: {  	p1 =	slt.u32 s9, $0xF7A;
	s5 =	simm.s32 @!p2 $0x0  }
0x1d: {  	s5 =	simm.s32 @p1 $0x1;
	p0 =	seq.s32 s7, s2  }
0x1e: {  	s7 =	smul.u32 @!p0 $0xF7A, s2;
	p2 =	seq.s32 @!p0 s5, $0x0  }
0x1f: {  	s9 =	smul.u32 $0xF7A, s1;
	s8 =	simm.s32 @!p0 $0x1BF5;
	p2 =	por !p2, p0  }
0x20: {  	[sflag:s8] =	ssyncset.s32 @!p0 $0xFFFFF086;
	s6 =	sadd.s32 @!p0 s3, s7;
	s7 =	simm.s32 @!p0 $0x108  }
0x21: {  	s3 =	sadd.s32 s3, s9;
	s6 =	sadd.s32 @!p0 $0x88, s6;
	s7 =	simm.s32 @p2 $0x1082  }
0x22: {  	[simem:s7], [sflag:s8] =	dma.local @!p0 [hbm:s6], $0xF7A  }
0x23: {  	s9 =	sor.u32 $0xD0000000, s2;
	s6 =	simm.s32 $0x108;
	_ =	swait.ge @!p0 [sflag:s8], $0x0  }
0x24: {  	s3 =	sadd.s32 $0x88, s3;
	s6 =	simm.s32 @!p1 $0x1082;
	[sflag:s4] =	ssyncset.s32 $0xFFFFF086  }
0x25: {  	[simem:s6], [sflag:s4] =	dma.local [hbm:s3], $0xF7A  }
0x26: {  	[smem:$0x3F9B] =	sst s1;
	(tag) =	ssettag s2;
	_ =	strace s9  }
0x27: {  	s1 =	sld [smem:$0x3FAB]  }
0x28: {  	s2 =	sld [smem:$0x3FAC]  }
0x29: {  	s4 =	sld [smem:$0x3FAE]  }
0x2a: {  	p0 =	seq.s32 s5, $0x0;
	s5 =	sld [smem:$0x3FAF]  }
0x2b: {  	s6 =	sld [smem:$0x3FB0]  }
0x2c: {  	s7 =	sld [smem:$0x3FB1]  }
0x2d: {  	s3 =	simm.s32 $0x108;
	s8 =	sld [smem:$0x3FB2]  }
0x2e: {  	s3 =	simm.s32 @!p0 $0x1082;
	s9 =	sld [smem:$0x3FB3]  }
0x2f: {  	lr =	sadd.s32 s0, s3;
	s0 =	sld [smem:$0x3FAA]  }
0x30: {  	s3 =	sld [smem:$0x3FAD]  }
0x31: {  	[smem:$0x3FB6] =	sst s10  }
0x32: {  	s10 =	sld [smem:$0x3FB4];
	_ =	sdelay $0x3  }
0x33: {  	p0 =	seq.s32 s10, $0x1;
	s10 =	sld [smem:$0x3FB6];
	_ =	sdelay $0x3  }
0x34: {  	[smem:$0x3FB6] =	sst s10  }
0x35: {  	s10 =	sld [smem:$0x3FB5];
	_ =	sdelay $0x3  }
0x36: {  	p1 =	seq.s32 s10, $0x1;
	s10 =	sld [smem:$0x3FB6];
	_ =	sdelay $0x3  }
0x37: {  	[smem:$0x3FB6] =	sst s10  }
0x38: {  	s10 =	sld [smem:$0x3FB7]  }
0x39: {  	_ = 	snop;
	(pc) =	sbr.ind lr, $3  }
0x3a: {  	_ = 	snop  }
0x3b: {  	_ = 	snop  }
0x3c: {  	p2 =	seq.s32 s10, $0x1;
	s10 =	sld [smem:$0x3FB6]  }
0x3d: {  	_ =	shalt  }
0x3e: {  	_ =	shalt  }
0x3f: {  	_ =	shalt  }
0x40: {  	_ =	shalt  }
0x41: {  	_ =	shalt  }
0x42: {  	_ =	shalt  }
0x43: {  	_ =	shalt  }
0x44: {  	_ =	shalt  }
0x45: {  	_ =	shalt  }
0x46: {  	_ =	shalt  }
0x47: {  	_ =	shalt  }
0x48: {  	_ =	shalt  }
0x49: {  	_ =	shalt  }
0x4a: {  	_ =	shalt  }
0x4b: {  	_ =	shalt  }
0x4c: {  	_ =	shalt  }
0x4d: {  	_ =	shalt  }
0x4e: {  	_ =	shalt  }
0x4f: {  	_ =	shalt  }
0x50: {  	_ =	shalt  }
0x51: {  	_ =	shalt  }
0x52: {  	_ =	shalt  }
0x53: {  	_ =	shalt  }
0x54: {  	_ =	shalt  }
0x55: {  	_ =	shalt  }
0x56: {  	_ =	shalt  }
0x57: {  	_ =	shalt  }
0x58: {  	_ =	shalt  }
0x59: {  	_ =	shalt  }
0x5a: {  	_ =	shalt  }
0x5b: {  	_ =	shalt  }
0x5c: {  	_ =	shalt  }
0x5d: {  	_ =	shalt  }
0x5e: {  	_ =	shalt  }
0x5f: {  	_ =	shalt  }
0x60: {  	_ =	shalt  }
0x61: {  	_ =	shalt  }
0x62: {  	_ =	shalt  }
0x63: {  	_ =	shalt  }
0x64: {  	_ =	shalt  }
0x65: {  	_ =	shalt  }
0x66: {  	_ =	shalt  }
0x67: {  	_ =	shalt  }
0x68: {  	_ =	shalt  }
0x69: {  	_ =	shalt  }
0x6a: {  	_ =	shalt  }
0x6b: {  	_ =	shalt  }
0x6c: {  	_ =	shalt  }
0x6d: {  	_ =	shalt  }
0x6e: {  	_ =	shalt  }
0x6f: {  	_ =	shalt  }
0x70: {  	_ =	shalt  }
0x71: {  	_ =	shalt  }
0x72: {  	_ =	shalt  }
0x73: {  	_ =	shalt  }
0x74: {  	_ =	shalt  }
0x75: {  	_ =	shalt  }
0x76: {  	_ =	shalt  }
0x77: {  	_ =	shalt  }
0x78: {  	_ =	shalt  }
0x79: {  	_ =	shalt  }
0x7a: {  	_ =	shalt  }
0x7b: {  	_ =	shalt  }
0x7c: {  	_ =	shalt  }
0x7d: {  	_ =	shalt  }
0x7e: {  	_ =	shalt  }
0x7f: {  	_ =	shalt  }
0x80: {  	_ =	shalt  }
0x81: {  	_ =	shalt  }
0x82: {  	_ =	shalt  }
0x83: {  	_ =	shalt  }
0x84: {  	_ =	shalt  }
0x85: {  	_ =	shalt  }
0x86: {  	_ =	shalt  }
0x87: {  	_ =	shalt  }
.Lfunc_end0:
.L_simem_size_0:
called_computation.4_lowered:
.L_overlay_start_0:
0x88: {  	s2 =	sld [smem:$0x3FD9]  }
0x89: {  	s3 =	sld [smem:$0x3FFE];
	_ =	sdelay $0x1  }
0x8a: {  	s1 =	srdreg.scid  }
0x8b: {  	s0 =	sand.u32 $0x1, s1  }
0x8c: {  	s17 =	sshll.u32 s0, $0xA;
	s2 =	sadd.s32 s3, s2  }
0x8d: {  	s2 =	sadd.s32 s2, s17  }
0x8e: {  	[smem:$0x3FC2] =	sst s2  }
0x8f: {  	_ = 	snop  }
0x90: {  	s2 =	sld [smem:$0x3FD0];
	(tm) =	ssettm $0x1  }
0x91: {  	s18 =	sld [smem:$0x3FFB];
	_ =	sdelay $0x3  }
0x92: {  	_ =	strace s18  }
0x93: {  	s3 =	sld [smem:$0x3FFC];
	_ =	sdelay $0x3  }
0x94: {  	_ =	strace s3  }
0x95: {  	s3 =	sld [smem:$0x3FFD];
	_ =	sdelay $0x3  }
0x96: {  	_ =	strace s3  }
0x97: {  	_ =	strace $0x8FFFFFFF  }
0x98: {  	s19 =	sld [smem:$0x3FDB];
	_ =	sdelay $0x1  }
0x99: {  	s4 =	simm.s32 $_scs_section_size  }
0x9a: {  	s5 =	simm.s32 $_size__tile_overlayer_lowered;
	s6 =	simm.s32 $_tile_overlayer_lowered  }
0x9b: {  	s22 =	simm.s32 $0x1BFF;
	s21 =	sshll.u32 s6, $0x1;
	s3 =	sadd.s32 s4, s19  }
0x9c: {  	s7 =	simm.s32 $0x0;
	s20 =	sshll.u32 s5, $0x1;
	s5 =	sadd.s32 s21, s3  }
0x9d: {  	[timem:s7], [sflag:s22] =	dma.local [hbm:s5], s20  }
0x9e: {  	_ =	swait.ge [sflag:s22], s20  }
0x9f: {  	s4 =	ssub.s32 $0x0, s20;
	[sflag:s22] =	ssyncset.done $0x0  }
0xa0: {  	[sflag:s22] =	ssyncadd.s32 s4;
	_ =	sdelay $0x1  }
0xa1: {  	s23 =	simm.s32 $0x1B8B  }
0xa2: {  	_ =	swait.ge [sflag:s23], $0x1  }
0xa3: {  	[sflag:s23] =	ssyncset.done $0x0  }
0xa4: {  	s25 =	simm.s32 $0x1B8E;
	s24 =	sld [smem:$0x3FFE];
	[sflag:s23] =	ssyncadd.s32 $0xFFFFFFFF  }
0xa5: {  	s26 =	simm.s32 $execute0_lowered;
	[smem:$0x3FD2] =	sst s25  }
0xa6: {  	s5 =	sshll.u32 s26, $0x1;
	_ =	strace $0x80000052;
	[dreg:$0x1] =	wrdreg $0xFFFFFFFF  }
0xa7: {  	s28 =	simm.s32 $_size_execute0_lowered;
	s3 =	sadd.s32 s3, s5;
	[dreg:$0x0] =	wrdreg $0x0  }
0xa8: {  	s5 =	sshll.u32 s28, $0x1;
	[dreg:$0x2] =	wrdreg s3  }
0xa9: {  	[dreg:$0x3] =	wrdreg s5  }
0xaa: {  	[dreg:$0x4] =	wrdreg $0xC0  }
0xab: {  	_ =	task [dreg:s7], $0x5FFFF  }
0xac: {  	[dreg:$0x1] =	wrdreg $0xFFFFFFFF  }
0xad: {  	[dreg:$0x0] =	wrdreg $0x60  }
0xae: {  	[dreg:$0x2] =	wrdreg s2  }
0xaf: {  	[dreg:$0x3] =	wrdreg s24  }
0xb0: {  	[dreg:$0x4] =	wrdreg $0xA8000  }
0xb1: {  	[dreg:$0x5] =	wrdreg $0x9  }
0xb2: {  	_ =	task.clear_ibuf [dreg:s7], $0x6FFFF;
	_ =	strace $0x90000052  }
0xb3: {  	s29 =	simm.s32 $0x9;
	_ =	strace $0x80000054  }
0xb4: {  	_ =	swait.ge [sflag:s29], $0x1  }
0xb5: {  	[sflag:s29] =	ssyncadd.s32 $0xFFFFFFFF  }
0xb6: {  	_ =	strace $0x90000054  }
0xb7: {  	_ =	sfence  }
0xb8: {  	s30 =	sld [smem:$0x0];
	_ =	sdelay $0x2  }
0xb9: {  	s31 =	sshll.u32 s1, $0xD;
	s1 =	sshrl.u32 s1, $0x2  }
0xba: {  	s3 =	sand.u32 $0x4000, s31;
	s1 =	sadd.s32 s1, s30  }
0xbb: {  	s0 =	sor.u32 s3, s0;
	s1 =	sshll.u32 s1, $0x11  }
0xbc: {  	s0 =	sor.u32 s1, s0  }
0xbd: {  	s0 =	sadd.s32 $0x8F2B, s0  }
0xbe: {  	[sflag:s0] =	ssyncadd.remote.s32 $0x1  }
0xbf: {  	_ =	sfence.sel $0xFFFF  }
0xc0: {  	[dreg:$0x0] =	wrdreg $0xFFFFFFFF;
	(pc) =	sbr.abs _section_cstart, $3  }
0xc1: {  	[dreg:$0x1] =	wrdreg $0xFFFFFFFF  }
0xc2: {  	_ =	task.clear_ibuf [dreg:s7], $0x2FFFF;
	_ =	strace $0x9FFFFFFF  }
0xc3: {  	(tm) =	ssettm $0x7FFFFFFF  }
tec
execute0_lowered:
.L_overlay_start_1:
0x0: {  	(tag) =	ssettag $0x1  }
0x1: {  	s1 =	rddreg [dreg:$0x0]  }
0x2: {  	s6 =	rddreg [dreg:$0x1]  }
0x3: {  	s2 =	rddreg [dreg:$0x2];
	s3 =	srdreg.scid  }
0x4: {  	s0 =	rddreg [dreg:$0x3];
	s4 =	simm.s32 $0x0;
	s15 =	simm.s32 $0x1400  }
0x5: {  	s16 =	simm.s32 $0x80;
	s17 =	simm.s32 $0x2800;
	s18 =	simm.s32 $0x6800  }
0x6: {  	s19 =	simm.s32 $0x1;
	s20 =	simm.s32 $0x2;
	s21 =	simm.s32 $0x1380  }
0x7: {  	s22 =	simm.s32 $0x2700;
	s5 =	sand.u32 $0x1, s3;
	s3 =	stileid.u32  }
0x8: {  	s23 =	simm.s32 $0x2780;
	[smem:$0x7FF] =	sst s4;
	s7 =	smul.u32 $0x13C000, s5  }
0x9: {  	s9 =	sadd.s32 $0x5FA00, s6;
	s10 =	sadd.s32 $0x4200, s6;
	s8 =	smul.u32 $0x13C00, s3  }
0xa: {  	_ =	strace $0x80000053;
	s24 =	sshll.u32 s3, $0x1;
	s11 =	ssub.s32 $0x2, s5  }
0xb: {  	s25 =	smul.u32 $0x4F000, s3;
	s28 =	sshll.u32 s3, $0x6;
	s5 =	sor.u32 s5, s24  }
0xc: {  	s12 =	sshrl.u32 s11, $0x1;
	s24 =	simm.s32 $0x0;
	s7 =	sadd.s32 s8, s7  }
0xd: {  	s13 =	smul.u32 $0x2800, s5;
	s5 =	sadd.s32 $0xE200, s6;
	s26 =	sshrl.u32 s25, $0x2  }
0xe: {  	s12 =	ssub.s32 s11, s12;
	s7 =	sshrl.u32 s7, $0x3;
	s30 =	sadd.s32 s26, s2  }
0xf: {  	s12 =	smax.u32 s12, $0x1;
	s14 =	sadd.s32 s7, s6;
	s29 =	sshrl.u32 s13, $0x3  }
0x10: {  	s6 =	sor.u32 $0x1C03, s28;
	s13 =	sshrl.u32 s30, $0x3;
	s31 =	sadd.s32 $0x280, s29  }
0x11: {  	s7 =	sadd.s32 s9, s29;
	s8 =	sadd.s32 s10, s29;
	s11 =	sadd.s32 $0x10A00, s14  }
0x12: {  	s14 =	simm.s32 $0x3;
	s9 =	sadd.s32 s9, s31;
	s10 =	sadd.s32 s10, s31  }
.LBB2_1:
0x13: {  	[spmem:s13], [sflag:s6] =	dma.local [hbm:s5], $0x2780  }
0x14: {  	_ =	swait.ge [sflag:s14], $0x2780  }
0x15: {  	[sflag:s14] =	ssyncset.done $0x0  }
0x16: {  	[sflag:s14] =	ssyncadd.s32 $0xFFFFD880  }
0x17: {  	[bflag:$0x0] =	sbarrier.arrive $0xFFFF  }
0x18: {  	[tilespmem:s4], [sflag:$0x3] =	stream.linear.gather [hbm4b:s7+s4], $0x1400, $0x38;
	[tilespmem:$0x1E400] =	vst v63  }
0x19: {  	_ =	swait.ge [sflag:s14], $0x1400  }
0x1a: {  	[sflag:s14] =	ssyncset.done $0x0  }
0x1b: {  	[sflag:s14] =	ssyncadd.s32 $0xFFFFEC00  }
0x1c: {  	[tilespmem:s15], [sflag:$0x3] =	stream.linear.gather [hbm4b:s8+s4], $0x1400, $0x38;
	[tilespmem:$0x1E400] =	vst v63  }
0x1d: {  	_ =	swait.ge [sflag:s14], $0x1400  }
0x1e: {  	[sflag:s14] =	ssyncset.done $0x0  }
0x1f: {  	[sflag:s14] =	ssyncadd.s32 $0xFFFFEC00  }
0x20: {  	[tilespmem:s17], [sflag:$0x1] =	stream.indirect.gather [hbm4b:s1+s16], $0x80, s4, s16, $0xb8;
	[tilespmem:$0x1E400] =	vst v63  }
0x21: {  	s25 =	simm.s32 $0x80  }
0x22: {  	[tilespmem:s18], [sflag:$0x2] =	stream.indirect.gather [hbm4b:s1+s16], $0x80, s25, s16, $0xb8;
	[tilespmem:$0x1E400] =	vst v63  }
0x23: {  	_ =	swait.ge [sflag:s19], $0x4000  }
0x24: {  	[sflag:s19] =	ssyncset.done $0x0  }
0x25: {  	s29 =	simm.s32 $0x1400;
	[sflag:s19] =	ssyncadd.s32 $0xFFFFC000  }
0x26: {  	[spmem:s2] =	stream.indirect.scatter.add.f32 [tilespmem:s17], [sflag:$0x3], $0x80, s29, s16, $0xb8;
	[tilespmem:$0x1E400] =	vst v63  }
0x27: {  	_ =	swait.ge [sflag:s14], $0x4000  }
0x28: {  	[sflag:s14] =	ssyncset.done $0x0  }
0x29: {  	s30 =	simm.s32 $0x100;
	[sflag:s14] =	ssyncadd.s32 $0xFFFFC000  }
0x2a: {  	[tilespmem:s17], [sflag:$0x1] =	stream.indirect.gather [hbm4b:s1+s16], $0x80, s30, s16, $0xb8;
	[tilespmem:$0x1E400] =	vst v63  }
0x2b: {  	_ =	swait.ge [sflag:s20], $0x4000  }
0x2c: {  	[sflag:s20] =	ssyncset.done $0x0  }
0x2d: {  	s31 =	simm.s32 $0x1480;
	[sflag:s20] =	ssyncadd.s32 $0xFFFFC000  }
0x2e: {  	[spmem:s2] =	stream.indirect.scatter.add.f32 [tilespmem:s18], [sflag:$0x3], $0x80, s31, s16, $0xb8;
	[tilespmem:$0x1E400] =	vst v63  }
0x2f: {  	_ =	swait.ge [sflag:s14], $0x4000  }
0x30: {  	s26 =	simm.s32 $0x800;
	s25 =	simm.s32 $0x100;
	[sflag:s14] =	ssyncset.done $0x0  }
.LBB2_2:
0x31: {  	s28 =	sadd.s32 $0x80, s25  }
0x32: {  	[sflag:s14] =	ssyncadd.s32 $0xFFFFC000;
	s29 =	smov.u32 s26;
	s30 =	sadd.s32 $0x400, s26  }
0x33: {  	[tilespmem:s18], [sflag:$0x2] =	stream.indirect.gather [hbm4b:s1+s16], $0x80, s28, s16, $0xb8;
	[tilespmem:$0x1E400] =	vst v63  }
0x34: {  	p0 =	sne.s32 s26, $0x4800;
	_ =	swait.ge [sflag:s19], $0x4000  }
0x35: {  	[sflag:s19] =	ssyncset.done $0x0  }
0x36: {  	s26 =	sadd.s32 $0x1400, s25;
	[sflag:s19] =	ssyncadd.s32 $0xFFFFC000  }
0x37: {  	[spmem:s2] =	stream.indirect.scatter.add.f32 [tilespmem:s17], [sflag:$0x3], $0x80, s26, s16, $0xb8;
	[tilespmem:$0x1E400] =	vst v63  }
0x38: {  	_ =	swait.ge [sflag:s14], $0x4000  }
0x39: {  	[sflag:s14] =	ssyncset.done $0x0  }
0x3a: {  	s26 =	sadd.s32 $0x100, s25;
	[sflag:s14] =	ssyncadd.s32 $0xFFFFC000  }
0x3b: {  	[tilespmem:s17], [sflag:$0x1] =	stream.indirect.gather [hbm4b:s1+s16], $0x80, s26, s16, $0xb8;
	[tilespmem:$0x1E400] =	vst v63  }
0x3c: {  	_ =	swait.ge [sflag:s20], $0x4000  }
.Ltmp0:
0x3d: {  	[sflag:s20] =	ssyncset.done $0x0;
	(pc) =	sbr.rel @p0 .LBB2_2-.Ltmp0, $4  }
0x3e: {  	s25 =	sadd.s32 $0x1480, s25;
	[sflag:s20] =	ssyncadd.s32 $0xFFFFC000  }
0x3f: {  	[spmem:s2] =	stream.indirect.scatter.add.f32 [tilespmem:s18], [sflag:$0x3], $0x80, s25, s16, $0xb8;
	[tilespmem:$0x1E400] =	vst v63  }
0x40: {  	_ =	swait.ge [sflag:s14], $0x4000  }
0x41: {  	s26 =	smov.u32 s30;
	s25 =	sshra.s32 s29, $0x2;
	[sflag:s14] =	ssyncset.done $0x0  }
0x42: {  	s26 =	sadd.s32 $0x80, s25;
	[sflag:s14] =	ssyncadd.s32 $0xFFFFC000  }
0x43: {  	[tilespmem:s18], [sflag:$0x2] =	stream.indirect.gather [hbm4b:s1+s16], $0x80, s26, s16, $0xb8;
	[tilespmem:$0x1E400] =	vst v63  }
0x44: {  	_ =	swait.ge [sflag:s19], $0x4000  }
0x45: {  	[sflag:s19] =	ssyncset.done $0x0  }
0x46: {  	s29 =	sadd.s32 $0x1400, s25;
	[sflag:s19] =	ssyncadd.s32 $0xFFFFC000  }
0x47: {  	[spmem:s2] =	stream.indirect.scatter.add.f32 [tilespmem:s17], [sflag:$0x3], $0x80, s29, s16, $0xb8;
	[tilespmem:$0x1E400] =	vst v63  }
0x48: {  	_ =	swait.ge [sflag:s14], $0x4000  }
0x49: {  	[sflag:s14] =	ssyncset.done $0x0  }
0x4a: {  	s30 =	sadd.s32 $0x100, s25;
	[sflag:s14] =	ssyncadd.s32 $0xFFFFC000  }
0x4b: {  	[tilespmem:s17], [sflag:$0x1] =	stream.indirect.gather [hbm4b:s1+s16], $0x80, s30, s16, $0xb8;
	[tilespmem:$0x1E400] =	vst v63  }
0x4c: {  	_ =	swait.ge [sflag:s20], $0x4000  }
0x4d: {  	[sflag:s20] =	ssyncset.done $0x0  }
0x4e: {  	s31 =	sadd.s32 $0x1480, s25;
	[sflag:s20] =	ssyncadd.s32 $0xFFFFC000  }
0x4f: {  	[spmem:s2] =	stream.indirect.scatter.add.f32 [tilespmem:s18], [sflag:$0x3], $0x80, s31, s16, $0xb8;
	[tilespmem:$0x1E400] =	vst v63  }
0x50: {  	_ =	swait.ge [sflag:s14], $0x4000  }
0x51: {  	[sflag:s14] =	ssyncset.done $0x0  }
0x52: {  	[sflag:s14] =	ssyncadd.s32 $0xFFFFC000  }
0x53: {  	[tilespmem:s18], [sflag:$0x2] =	stream.indirect.gather [hbm4b:s1+s16], $0x80, s21, s16, $0xb8;
	[tilespmem:$0x1E400] =	vst v63  }
0x54: {  	_ =	swait.ge [sflag:s19], $0x4000  }
0x55: {  	[sflag:s19] =	ssyncset.done $0x0  }
0x56: {  	[sflag:s19] =	ssyncadd.s32 $0xFFFFC000  }
0x57: {  	[spmem:s2] =	stream.indirect.scatter.add.f32 [tilespmem:s17], [sflag:$0x3], $0x80, s22, s16, $0xb8;
	[tilespmem:$0x1E400] =	vst v63  }
0x58: {  	_ =	swait.ge [sflag:s14], $0x4000  }
0x59: {  	[sflag:s14] =	ssyncset.done $0x0  }
0x5a: {  	[sflag:s14] =	ssyncadd.s32 $0xFFFFC000  }
0x5b: {  	_ =	swait.ge [sflag:s20], $0x4000  }
0x5c: {  	[sflag:s20] =	ssyncset.done $0x0  }
0x5d: {  	[sflag:s20] =	ssyncadd.s32 $0xFFFFC000  }
0x5e: {  	[spmem:s2] =	stream.indirect.scatter.add.f32 [tilespmem:s18], [sflag:$0x3], $0x80, s23, s16, $0xb8;
	[tilespmem:$0x1E400] =	vst v63  }
0x5f: {  	_ =	swait.ge [sflag:s14], $0x4000  }
0x60: {  	[sflag:s14] =	ssyncset.done $0x0  }
0x61: {  	s26 =	simm.s32 $0x0;
	[sflag:s14] =	ssyncadd.s32 $0xFFFFC000  }
0x62: {  	[tilespmem:s26], [sflag:$0x3] =	stream.linear.gather [hbm4b:s9+s26], $0x1400, $0x38;
	[tilespmem:$0x1E400] =	vst v63  }
0x63: {  	_ =	swait.ge [sflag:s14], $0x1400  }
0x64: {  	[sflag:s14] =	ssyncset.done $0x0  }
0x65: {  	[sflag:s14] =	ssyncadd.s32 $0xFFFFEC00  }
0x66: {  	[tilespmem:s15], [sflag:$0x3] =	stream.linear.gather [hbm4b:s10+s26], $0x1400, $0x38;
	[tilespmem:$0x1E400] =	vst v63  }
0x67: {  	_ =	swait.ge [sflag:s14], $0x1400  }
0x68: {  	[sflag:s14] =	ssyncset.done $0x0  }
0x69: {  	[sflag:s14] =	ssyncadd.s32 $0xFFFFEC00  }
0x6a: {  	[tilespmem:s17], [sflag:$0x1] =	stream.indirect.gather [hbm4b:s1+s16], $0x80, s26, s16, $0xb8;
	[tilespmem:$0x1E400] =	vst v63  }
0x6b: {  	s28 =	simm.s32 $0x80  }
0x6c: {  	[tilespmem:s18], [sflag:$0x2] =	stream.indirect.gather [hbm4b:s1+s16], $0x80, s28, s16, $0xb8;
	[tilespmem:$0x1E400] =	vst v63  }
0x6d: {  	_ =	swait.ge [sflag:s19], $0x4000  }
0x6e: {  	[sflag:s19] =	ssyncset.done $0x0  }
0x6f: {  	s29 =	simm.s32 $0x1400;
	[sflag:s19] =	ssyncadd.s32 $0xFFFFC000  }
0x70: {  	[spmem:s2] =	stream.indirect.scatter.add.f32 [tilespmem:s17], [sflag:$0x3], $0x80, s29, s16, $0xb8;
	[tilespmem:$0x1E400] =	vst v63  }
0x71: {  	_ =	swait.ge [sflag:s14], $0x4000  }
0x72: {  	[sflag:s14] =	ssyncset.done $0x0  }
0x73: {  	s30 =	simm.s32 $0x100;
	[sflag:s14] =	ssyncadd.s32 $0xFFFFC000  }
0x74: {  	[tilespmem:s17], [sflag:$0x1] =	stream.indirect.gather [hbm4b:s1+s16], $0x80, s30, s16, $0xb8;
	[tilespmem:$0x1E400] =	vst v63  }
0x75: {  	_ =	swait.ge [sflag:s20], $0x4000  }
0x76: {  	[sflag:s20] =	ssyncset.done $0x0  }
0x77: {  	s31 =	simm.s32 $0x1480;
	[sflag:s20] =	ssyncadd.s32 $0xFFFFC000  }
0x78: {  	[spmem:s2] =	stream.indirect.scatter.add.f32 [tilespmem:s18], [sflag:$0x3], $0x80, s31, s16, $0xb8;
	[tilespmem:$0x1E400] =	vst v63  }
0x79: {  	_ =	swait.ge [sflag:s14], $0x4000  }
0x7a: {  	s25 =	simm.s32 $0x100;
	s26 =	simm.s32 $0x800;
	[sflag:s14] =	ssyncset.done $0x0  }
.LBB2_4:
0x7b: {  	s28 =	sadd.s32 $0x80, s25  }
0x7c: {  	[sflag:s14] =	ssyncadd.s32 $0xFFFFC000;
	s29 =	smov.u32 s26;
	s30 =	sadd.s32 $0x400, s26  }
0x7d: {  	[tilespmem:s18], [sflag:$0x2] =	stream.indirect.gather [hbm4b:s1+s16], $0x80, s28, s16, $0xb8;
	[tilespmem:$0x1E400] =	vst v63  }
0x7e: {  	p0 =	sne.s32 s26, $0x4800;
	_ =	swait.ge [sflag:s19], $0x4000  }
0x7f: {  	[sflag:s19] =	ssyncset.done $0x0  }
0x80: {  	s26 =	sadd.s32 $0x1400, s25;
	[sflag:s19] =	ssyncadd.s32 $0xFFFFC000  }
0x81: {  	[spmem:s2] =	stream.indirect.scatter.add.f32 [tilespmem:s17], [sflag:$0x3], $0x80, s26, s16, $0xb8;
	[tilespmem:$0x1E400] =	vst v63  }
0x82: {  	_ =	swait.ge [sflag:s14], $0x4000  }
0x83: {  	[sflag:s14] =	ssyncset.done $0x0  }
0x84: {  	s26 =	sadd.s32 $0x100, s25;
	[sflag:s14] =	ssyncadd.s32 $0xFFFFC000  }
0x85: {  	[tilespmem:s17], [sflag:$0x1] =	stream.indirect.gather [hbm4b:s1+s16], $0x80, s26, s16, $0xb8;
	[tilespmem:$0x1E400] =	vst v63  }
0x86: {  	_ =	swait.ge [sflag:s20], $0x4000  }
.Ltmp1:
0x87: {  	[sflag:s20] =	ssyncset.done $0x0;
	(pc) =	sbr.rel @p0 .LBB2_4-.Ltmp1, $4  }
0x88: {  	s25 =	sadd.s32 $0x1480, s25;
	[sflag:s20] =	ssyncadd.s32 $0xFFFFC000  }
0x89: {  	[spmem:s2] =	stream.indirect.scatter.add.f32 [tilespmem:s18], [sflag:$0x3], $0x80, s25, s16, $0xb8;
	[tilespmem:$0x1E400] =	vst v63  }
0x8a: {  	_ =	swait.ge [sflag:s14], $0x4000  }
0x8b: {  	s26 =	smov.u32 s30;
	s25 =	sshra.s32 s29, $0x2;
	[sflag:s14] =	ssyncset.done $0x0  }
0x8c: {  	s26 =	sadd.s32 $0x80, s25;
	[sflag:s14] =	ssyncadd.s32 $0xFFFFC000  }
0x8d: {  	[tilespmem:s18], [sflag:$0x2] =	stream.indirect.gather [hbm4b:s1+s16], $0x80, s26, s16, $0xb8;
	[tilespmem:$0x1E400] =	vst v63  }
0x8e: {  	_ =	swait.ge [sflag:s19], $0x4000  }
0x8f: {  	[sflag:s19] =	ssyncset.done $0x0  }
0x90: {  	s29 =	sadd.s32 $0x1400, s25;
	[sflag:s19] =	ssyncadd.s32 $0xFFFFC000  }
0x91: {  	[spmem:s2] =	stream.indirect.scatter.add.f32 [tilespmem:s17], [sflag:$0x3], $0x80, s29, s16, $0xb8;
	[tilespmem:$0x1E400] =	vst v63  }
0x92: {  	_ =	swait.ge [sflag:s14], $0x4000  }
0x93: {  	[sflag:s14] =	ssyncset.done $0x0  }
0x94: {  	s30 =	sadd.s32 $0x100, s25;
	[sflag:s14] =	ssyncadd.s32 $0xFFFFC000  }
0x95: {  	[tilespmem:s17], [sflag:$0x1] =	stream.indirect.gather [hbm4b:s1+s16], $0x80, s30, s16, $0xb8;
	[tilespmem:$0x1E400] =	vst v63  }
0x96: {  	_ =	swait.ge [sflag:s20], $0x4000  }
0x97: {  	[sflag:s20] =	ssyncset.done $0x0  }
0x98: {  	s31 =	sadd.s32 $0x1480, s25;
	[sflag:s20] =	ssyncadd.s32 $0xFFFFC000  }
0x99: {  	[spmem:s2] =	stream.indirect.scatter.add.f32 [tilespmem:s18], [sflag:$0x3], $0x80, s31, s16, $0xb8;
	[tilespmem:$0x1E400] =	vst v63  }
0x9a: {  	_ =	swait.ge [sflag:s14], $0x4000  }
0x9b: {  	[sflag:s14] =	ssyncset.done $0x0  }
0x9c: {  	[sflag:s14] =	ssyncadd.s32 $0xFFFFC000  }
0x9d: {  	[tilespmem:s18], [sflag:$0x2] =	stream.indirect.gather [hbm4b:s1+s16], $0x80, s21, s16, $0xb8;
	[tilespmem:$0x1E400] =	vst v63  }
0x9e: {  	_ =	swait.ge [sflag:s19], $0x4000  }
0x9f: {  	[sflag:s19] =	ssyncset.done $0x0  }
0xa0: {  	[sflag:s19] =	ssyncadd.s32 $0xFFFFC000  }
0xa1: {  	[spmem:s2] =	stream.indirect.scatter.add.f32 [tilespmem:s17], [sflag:$0x3], $0x80, s22, s16, $0xb8;
	[tilespmem:$0x1E400] =	vst v63  }
0xa2: {  	_ =	swait.ge [sflag:s14], $0x4000  }
0xa3: {  	[sflag:s14] =	ssyncset.done $0x0  }
0xa4: {  	[sflag:s14] =	ssyncadd.s32 $0xFFFFC000  }
0xa5: {  	_ =	swait.ge [sflag:s20], $0x4000  }
0xa6: {  	[sflag:s20] =	ssyncset.done $0x0  }
0xa7: {  	[sflag:s20] =	ssyncadd.s32 $0xFFFFC000  }
0xa8: {  	[spmem:s2] =	stream.indirect.scatter.add.f32 [tilespmem:s18], [sflag:$0x3], $0x80, s23, s16, $0xb8;
	[tilespmem:$0x1E400] =	vst v63  }
0xa9: {  	_ =	swait.ge [sflag:s14], $0x4000  }
0xaa: {  	s24 =	sadd.s32 $0x1, s24;
	[sflag:s14] =	ssyncset.done $0x0  }
0xab: {  	p0 =	sne.s32 s24, s12;
	[sflag:s14] =	ssyncadd.s32 $0xFFFFC000  }
.Ltmp2:
0xac: {  	[bflag:$0x0] =	sbarrier.arrive $0xFFFF;
	(pc) =	sbr.rel @p0 .LBB2_1-.Ltmp2, $4  }
0xad: {  	[hbm:s11], [sflag:s6] =	dma.local [spmem:s13], $0x2780  }
0xae: {  	_ =	swait.ge [sflag:s14], $0x2780  }
0xaf: {  	[sflag:s14] =	ssyncset.done $0x0  }
0xb0: {  	[sflag:s14] =	ssyncadd.s32 $0xFFFFD880  }
0xb1: {  	_ =	sfence.sel $0x180000  }
0xb2: {  	[bflag:$0x0] =	sbarrier.arrive $0xFFFF  }
0xb3: {  	p0 =	sne.s32 s3, $0x0;
	_ =	strace $0x90000053  }
0xb4: {  	s0 =	sadd.s32 @!p0 $0x100000, s0;
	[bflag:$0x2] =	sbarrier.arrive $0xFFFF  }
0xb5: {  	[sflag:s0] =	ssyncadd.tile.s32 @!p0 $0x1;
	_ =	shalt  }
.Lfunc_end2:
_tile_overlayer_lowered:
.L_overlay_start_2:
0xb6: {  	(tag) =	ssettag $0x2  }
0xb7: {  	s0 =	rddreg [dreg:$0x0];
	s2 =	stileid.u32  }
0xb8: {  	s1 =	rddreg [dreg:$0x1];
	p0 =	sne.s32 s2, $0x0  }
0xb9: {  	s3 =	rddreg [dreg:$0x2];
	[bflag:$0x3] =	sbarrier.arrive $0xFFFF;
	s2 =	simm.s32 @!p0 $0x1C03  }
0xba: {  	[timem:s3], [sflag:s2] =	dma.local @!p0 [hbm:s0], s1  }
0xbb: {  	s0 =	simm.s32 @!p0 $0x3  }
0xbc: {  	_ =	swait.ge @!p0 [sflag:s0], s1  }
0xbd: {  	s1 =	ssub.s32 @!p0 $0x0, s1;
	[sflag:s0] =	ssyncset.done @!p0 $0x0  }
0xbe: {  	[sflag:s0] =	ssyncadd.s32 @!p0 s1  }
0xbf: {  	[bflag:$0x3] =	sbarrier.arrive $0xFFFF  }
0xc0: {  	_ =	shalt  }

// kernel: kernel.31.cloned.1.call-start
scs
__scs_entry_jumppad:
0x0: {  	(pc) =	sbr.rel $0x88, $3  }
0x1: {  	(tag) =	ssettag $0x0;
	lr =	simm.s32 $0x1  }
0x2: {  	[smem:$0x3F9B] =	sst lr;
	_ =	strace $0xD0000000  }
0x3: {  	_ = 	snop  }
0x4: {  	_ = 	snop  }
0x5: {  	_ = 	snop  }
0x6: {  	_ = 	snop  }
0x7: {  	_ = 	snop  }
__scs_overlays_trampoline_lowered:
0x8: {  	[smem:$0x3FAA] =	sst s0  }
0x9: {  	[smem:$0x3FAB] =	sst s1  }
0xa: {  	[smem:$0x3FAC] =	sst s2  }
0xb: {  	[smem:$0x3FAD] =	sst s3  }
0xc: {  	[smem:$0x3FAE] =	sst s4  }
0xd: {  	[smem:$0x3FAF] =	sst s5  }
0xe: {  	[smem:$0x3FB0] =	sst s6  }
0xf: {  	[smem:$0x3FB1] =	sst s7  }
0x10: {  	[smem:$0x3FB2] =	sst s8  }
0x11: {  	[smem:$0x3FB3] =	sst s9;
	s0 =	simm.s32 @!p0 $0x0  }
0x12: {  	s1 =	sld [smem:$0x3F99];
	s0 =	simm.s32 @p0 $0x1  }
0x13: {  	[smem:$0x3FB4] =	sst s0;
	s0 =	simm.s32 @!p1 $0x0  }
0x14: {  	s2 =	sld [smem:$0x3F98];
	s0 =	simm.s32 @p1 $0x1  }
0x15: {  	[smem:$0x3FB5] =	sst s0;
	s0 =	simm.s32 @!p2 $0x0  }
0x16: {  	s3 =	sld [smem:$0x3FDB];
	s0 =	simm.s32 @p2 $0x1  }
0x17: {  	s4 =	simm.s32 $0x1BF5;
	[smem:$0x3FB7] =	sst s0  }
0x18: {  	s0 =	sld [smem:$0x3F9A];
	_ =	swait.ge [sflag:s4], $0x0  }
0x19: {  	s7 =	sld [smem:$0x3F9B]  }
0x1a: {  	s8 =	sadd.s32 $0xFFFFE003, lr  }
0x1b: {  	s9 =	sadd.s32 $0xFFFFFEF7, lr;
	s5 =	simm.s32 $0xFFFFFFFF;
	p2 =	slt.u32 s8, $0xFFFFF086  }
0x1c: {  	p1 =	slt.u32 s9, $0xF7A;
	s5 =	simm.s32 @!p2 $0x0  }
0x1d: {  	s5 =	simm.s32 @p1 $0x1;
	p0 =	seq.s32 s7, s2  }
0x1e: {  	s7 =	smul.u32 @!p0 $0xF7A, s2;
	p2 =	seq.s32 @!p0 s5, $0x0  }
0x1f: {  	s9 =	smul.u32 $0xF7A, s1;
	s8 =	simm.s32 @!p0 $0x1BF5;
	p2 =	por !p2, p0  }
0x20: {  	[sflag:s8] =	ssyncset.s32 @!p0 $0xFFFFF086;
	s6 =	sadd.s32 @!p0 s3, s7;
	s7 =	simm.s32 @!p0 $0x108  }
0x21: {  	s3 =	sadd.s32 s3, s9;
	s6 =	sadd.s32 @!p0 $0x88, s6;
	s7 =	simm.s32 @p2 $0x1082  }
0x22: {  	[simem:s7], [sflag:s8] =	dma.local @!p0 [hbm:s6], $0xF7A  }
0x23: {  	s9 =	sor.u32 $0xD0000000, s2;
	s6 =	simm.s32 $0x108;
	_ =	swait.ge @!p0 [sflag:s8], $0x0  }
0x24: {  	s3 =	sadd.s32 $0x88, s3;
	s6 =	simm.s32 @!p1 $0x1082;
	[sflag:s4] =	ssyncset.s32 $0xFFFFF086  }
0x25: {  	[simem:s6], [sflag:s4] =	dma.local [hbm:s3], $0xF7A  }
0x26: {  	[smem:$0x3F9B] =	sst s1;
	(tag) =	ssettag s2;
	_ =	strace s9  }
0x27: {  	s1 =	sld [smem:$0x3FAB]  }
0x28: {  	s2 =	sld [smem:$0x3FAC]  }
0x29: {  	s4 =	sld [smem:$0x3FAE]  }
0x2a: {  	p0 =	seq.s32 s5, $0x0;
	s5 =	sld [smem:$0x3FAF]  }
0x2b: {  	s6 =	sld [smem:$0x3FB0]  }
0x2c: {  	s7 =	sld [smem:$0x3FB1]  }
0x2d: {  	s3 =	simm.s32 $0x108;
	s8 =	sld [smem:$0x3FB2]  }
0x2e: {  	s3 =	simm.s32 @!p0 $0x1082;
	s9 =	sld [smem:$0x3FB3]  }
0x2f: {  	lr =	sadd.s32 s0, s3;
	s0 =	sld [smem:$0x3FAA]  }
0x30: {  	s3 =	sld [smem:$0x3FAD]  }
0x31: {  	[smem:$0x3FB6] =	sst s10  }
0x32: {  	s10 =	sld [smem:$0x3FB4];
	_ =	sdelay $0x3  }
0x33: {  	p0 =	seq.s32 s10, $0x1;
	s10 =	sld [smem:$0x3FB6];
	_ =	sdelay $0x3  }
0x34: {  	[smem:$0x3FB6] =	sst s10  }
0x35: {  	s10 =	sld [smem:$0x3FB5];
	_ =	sdelay $0x3  }
0x36: {  	p1 =	seq.s32 s10, $0x1;
	s10 =	sld [smem:$0x3FB6];
	_ =	sdelay $0x3  }
0x37: {  	[smem:$0x3FB6] =	sst s10  }
0x38: {  	s10 =	sld [smem:$0x3FB7]  }
0x39: {  	_ = 	snop;
	(pc) =	sbr.ind lr, $3  }
0x3a: {  	_ = 	snop  }
0x3b: {  	_ = 	snop  }
0x3c: {  	p2 =	seq.s32 s10, $0x1;
	s10 =	sld [smem:$0x3FB6]  }
0x3d: {  	_ =	shalt  }
0x3e: {  	_ =	shalt  }
0x3f: {  	_ =	shalt  }
0x40: {  	_ =	shalt  }
0x41: {  	_ =	shalt  }
0x42: {  	_ =	shalt  }
0x43: {  	_ =	shalt  }
0x44: {  	_ =	shalt  }
0x45: {  	_ =	shalt  }
0x46: {  	_ =	shalt  }
0x47: {  	_ =	shalt  }
0x48: {  	_ =	shalt  }
0x49: {  	_ =	shalt  }
0x4a: {  	_ =	shalt  }
0x4b: {  	_ =	shalt  }
0x4c: {  	_ =	shalt  }
0x4d: {  	_ =	shalt  }
0x4e: {  	_ =	shalt  }
0x4f: {  	_ =	shalt  }
0x50: {  	_ =	shalt  }
0x51: {  	_ =	shalt  }
0x52: {  	_ =	shalt  }
0x53: {  	_ =	shalt  }
0x54: {  	_ =	shalt  }
0x55: {  	_ =	shalt  }
0x56: {  	_ =	shalt  }
0x57: {  	_ =	shalt  }
0x58: {  	_ =	shalt  }
0x59: {  	_ =	shalt  }
0x5a: {  	_ =	shalt  }
0x5b: {  	_ =	shalt  }
0x5c: {  	_ =	shalt  }
0x5d: {  	_ =	shalt  }
0x5e: {  	_ =	shalt  }
0x5f: {  	_ =	shalt  }
0x60: {  	_ =	shalt  }
0x61: {  	_ =	shalt  }
0x62: {  	_ =	shalt  }
0x63: {  	_ =	shalt  }
0x64: {  	_ =	shalt  }
0x65: {  	_ =	shalt  }
0x66: {  	_ =	shalt  }
0x67: {  	_ =	shalt  }
0x68: {  	_ =	shalt  }
0x69: {  	_ =	shalt  }
0x6a: {  	_ =	shalt  }
0x6b: {  	_ =	shalt  }
0x6c: {  	_ =	shalt  }
0x6d: {  	_ =	shalt  }
0x6e: {  	_ =	shalt  }
0x6f: {  	_ =	shalt  }
0x70: {  	_ =	shalt  }
0x71: {  	_ =	shalt  }
0x72: {  	_ =	shalt  }
0x73: {  	_ =	shalt  }
0x74: {  	_ =	shalt  }
0x75: {  	_ =	shalt  }
0x76: {  	_ =	shalt  }
0x77: {  	_ =	shalt  }
0x78: {  	_ =	shalt  }
0x79: {  	_ =	shalt  }
0x7a: {  	_ =	shalt  }
0x7b: {  	_ =	shalt  }
0x7c: {  	_ =	shalt  }
0x7d: {  	_ =	shalt  }
0x7e: {  	_ =	shalt  }
0x7f: {  	_ =	shalt  }
0x80: {  	_ =	shalt  }
0x81: {  	_ =	shalt  }
0x82: {  	_ =	shalt  }
0x83: {  	_ =	shalt  }
0x84: {  	_ =	shalt  }
0x85: {  	_ =	shalt  }
0x86: {  	_ =	shalt  }
0x87: {  	_ =	shalt  }
.Lfunc_end0:
.L_simem_size_0:
called_computation.5_lowered:
.L_overlay_start_0:
0x88: {  	s2 =	sld [smem:$0x3FD9]  }
0x89: {  	s3 =	sld [smem:$0x3FFE];
	_ =	sdelay $0x1  }
0x8a: {  	s1 =	srdreg.scid  }
0x8b: {  	s0 =	sand.u32 $0x1, s1  }
0x8c: {  	s17 =	sshll.u32 s0, $0xA;
	s2 =	sadd.s32 s3, s2  }
0x8d: {  	s2 =	sadd.s32 s2, s17  }
0x8e: {  	[smem:$0x3FC2] =	sst s2  }
0x8f: {  	_ = 	snop  }
0x90: {  	s2 =	sld [smem:$0x3FD0];
	(tm) =	ssettm $0x1  }
0x91: {  	s18 =	sld [smem:$0x3FFB];
	_ =	sdelay $0x3  }
0x92: {  	_ =	strace s18  }
0x93: {  	s3 =	sld [smem:$0x3FFC];
	_ =	sdelay $0x3  }
0x94: {  	_ =	strace s3  }
0x95: {  	s3 =	sld [smem:$0x3FFD];
	_ =	sdelay $0x3  }
0x96: {  	_ =	strace s3  }
0x97: {  	_ =	strace $0x8FFFFFFF  }
0x98: {  	s19 =	sld [smem:$0x3FDB];
	_ =	sdelay $0x1  }
0x99: {  	s4 =	simm.s32 $_scs_section_size  }
0x9a: {  	s5 =	simm.s32 $_size__tile_overlayer_lowered;
	s6 =	simm.s32 $_tile_overlayer_lowered  }
0x9b: {  	s22 =	simm.s32 $0x1BFF;
	s21 =	sshll.u32 s6, $0x1;
	s3 =	sadd.s32 s4, s19  }
0x9c: {  	s7 =	simm.s32 $0x0;
	s20 =	sshll.u32 s5, $0x1;
	s5 =	sadd.s32 s21, s3  }
0x9d: {  	[timem:s7], [sflag:s22] =	dma.local [hbm:s5], s20  }
0x9e: {  	_ =	swait.ge [sflag:s22], s20  }
0x9f: {  	s4 =	ssub.s32 $0x0, s20;
	[sflag:s22] =	ssyncset.done $0x0  }
0xa0: {  	[sflag:s22] =	ssyncadd.s32 s4;
	_ =	sdelay $0x1  }
0xa1: {  	s23 =	simm.s32 $0x1B8B  }
0xa2: {  	_ =	swait.ge [sflag:s23], $0x1  }
0xa3: {  	[sflag:s23] =	ssyncset.done $0x0  }
0xa4: {  	s25 =	simm.s32 $0x1B8E;
	s24 =	sld [smem:$0x3FFE];
	[sflag:s23] =	ssyncadd.s32 $0xFFFFFFFF  }
0xa5: {  	s26 =	simm.s32 $execute0_lowered;
	[smem:$0x3FD2] =	sst s25  }
0xa6: {  	s5 =	sshll.u32 s26, $0x1;
	_ =	strace $0x80000055;
	[dreg:$0x1] =	wrdreg $0xFFFFFFFF  }
0xa7: {  	s28 =	simm.s32 $_size_execute0_lowered;
	s3 =	sadd.s32 s3, s5;
	[dreg:$0x0] =	wrdreg $0x0  }
0xa8: {  	s5 =	sshll.u32 s28, $0x1;
	[dreg:$0x2] =	wrdreg s3  }
0xa9: {  	[dreg:$0x3] =	wrdreg s5  }
0xaa: {  	[dreg:$0x4] =	wrdreg $0xC0  }
0xab: {  	_ =	task [dreg:s7], $0x5FFFF  }
0xac: {  	[dreg:$0x1] =	wrdreg $0xFFFFFFFF  }
0xad: {  	[dreg:$0x0] =	wrdreg $0x60  }
0xae: {  	[dreg:$0x2] =	wrdreg s2  }
0xaf: {  	[dreg:$0x3] =	wrdreg s24  }
0xb0: {  	[dreg:$0x4] =	wrdreg $0xA8000  }
0xb1: {  	[dreg:$0x5] =	wrdreg $0x9  }
0xb2: {  	_ =	task.clear_ibuf [dreg:s7], $0x6FFFF;
	_ =	strace $0x90000055  }
0xb3: {  	s29 =	simm.s32 $0x9;
	_ =	strace $0x80000057  }
0xb4: {  	_ =	swait.ge [sflag:s29], $0x1  }
0xb5: {  	[sflag:s29] =	ssyncadd.s32 $0xFFFFFFFF  }
0xb6: {  	_ =	strace $0x90000057  }
0xb7: {  	_ =	sfence  }
0xb8: {  	s30 =	sld [smem:$0x0];
	_ =	sdelay $0x2  }
0xb9: {  	s31 =	sshll.u32 s1, $0xD;
	s1 =	sshrl.u32 s1, $0x2  }
0xba: {  	s3 =	sand.u32 $0x4000, s31;
	s1 =	sadd.s32 s1, s30  }
0xbb: {  	s0 =	sor.u32 s3, s0;
	s1 =	sshll.u32 s1, $0x11  }
0xbc: {  	s0 =	sor.u32 s1, s0  }
0xbd: {  	s0 =	sadd.s32 $0x8F2B, s0  }
0xbe: {  	[sflag:s0] =	ssyncadd.remote.s32 $0x1  }
0xbf: {  	_ =	sfence.sel $0xFFFF  }
0xc0: {  	[dreg:$0x0] =	wrdreg $0xFFFFFFFF;
	(pc) =	sbr.abs _section_cstart, $3  }
0xc1: {  	[dreg:$0x1] =	wrdreg $0xFFFFFFFF  }
0xc2: {  	_ =	task.clear_ibuf [dreg:s7], $0x2FFFF;
	_ =	strace $0x9FFFFFFF  }
0xc3: {  	(tm) =	ssettm $0x7FFFFFFF  }
tec
execute0_lowered:
.L_overlay_start_1:
0x0: {  	(tag) =	ssettag $0x1  }
0x1: {  	s1 =	rddreg [dreg:$0x0]  }
0x2: {  	s6 =	rddreg [dreg:$0x1]  }
0x3: {  	s2 =	rddreg [dreg:$0x2];
	s3 =	srdreg.scid  }
0x4: {  	s0 =	rddreg [dreg:$0x3];
	s4 =	simm.s32 $0x0;
	s15 =	simm.s32 $0x1400  }
0x5: {  	s16 =	simm.s32 $0x80;
	s17 =	simm.s32 $0x2800;
	s18 =	simm.s32 $0x6800  }
0x6: {  	s19 =	simm.s32 $0x1;
	s20 =	simm.s32 $0x2;
	s21 =	simm.s32 $0x1380  }
0x7: {  	s22 =	simm.s32 $0x2700;
	s5 =	sand.u32 $0x1, s3;
	s3 =	stileid.u32  }
0x8: {  	s23 =	simm.s32 $0x2780;
	[smem:$0x7FF] =	sst s4;
	s7 =	smul.u32 $0x13C000, s5  }
0x9: {  	s9 =	sadd.s32 $0x5FA00, s6;
	s10 =	sadd.s32 $0x4200, s6;
	s8 =	smul.u32 $0x13C00, s3  }
0xa: {  	_ =	strace $0x80000056;
	s24 =	sshll.u32 s3, $0x1;
	s11 =	ssub.s32 $0x2, s5  }
0xb: {  	s25 =	smul.u32 $0x4F000, s3;
	s28 =	sshll.u32 s3, $0x6;
	s5 =	sor.u32 s5, s24  }
0xc: {  	s12 =	sshrl.u32 s11, $0x1;
	s24 =	simm.s32 $0x0;
	s7 =	sadd.s32 s8, s7  }
0xd: {  	s13 =	smul.u32 $0x2800, s5;
	s5 =	sadd.s32 $0xE200, s6;
	s26 =	sshrl.u32 s25, $0x2  }
0xe: {  	s12 =	ssub.s32 s11, s12;
	s7 =	sshrl.u32 s7, $0x3;
	s30 =	sadd.s32 s26, s2  }
0xf: {  	s12 =	smax.u32 s12, $0x1;
	s14 =	sadd.s32 s7, s6;
	s29 =	sshrl.u32 s13, $0x3  }
0x10: {  	s6 =	sor.u32 $0x1C03, s28;
	s13 =	sshrl.u32 s30, $0x3;
	s31 =	sadd.s32 $0x280, s29  }
0x11: {  	s7 =	sadd.s32 s9, s29;
	s8 =	sadd.s32 s10, s29;
	s11 =	sadd.s32 $0x10A00, s14  }
0x12: {  	s14 =	simm.s32 $0x3;
	s9 =	sadd.s32 s9, s31;
	s10 =	sadd.s32 s10, s31  }
.LBB2_1:
0x13: {  	[spmem:s13], [sflag:s6] =	dma.local [hbm:s5], $0x2780  }
0x14: {  	_ =	swait.ge [sflag:s14], $0x2780  }
0x15: {  	[sflag:s14] =	ssyncset.done $0x0  }
0x16: {  	[sflag:s14] =	ssyncadd.s32 $0xFFFFD880  }
0x17: {  	[bflag:$0x0] =	sbarrier.arrive $0xFFFF  }
0x18: {  	[tilespmem:s4], [sflag:$0x3] =	stream.linear.gather [hbm4b:s7+s4], $0x1400, $0x38;
	[tilespmem:$0x1E400] =	vst v63  }
0x19: {  	_ =	swait.ge [sflag:s14], $0x1400  }
0x1a: {  	[sflag:s14] =	ssyncset.done $0x0  }
0x1b: {  	[sflag:s14] =	ssyncadd.s32 $0xFFFFEC00  }
0x1c: {  	[tilespmem:s15], [sflag:$0x3] =	stream.linear.gather [hbm4b:s8+s4], $0x1400, $0x38;
	[tilespmem:$0x1E400] =	vst v63  }
0x1d: {  	_ =	swait.ge [sflag:s14], $0x1400  }
0x1e: {  	[sflag:s14] =	ssyncset.done $0x0  }
0x1f: {  	[sflag:s14] =	ssyncadd.s32 $0xFFFFEC00  }
0x20: {  	[tilespmem:s17], [sflag:$0x1] =	stream.indirect.gather [hbm4b:s1+s16], $0x80, s4, s16, $0xb8;
	[tilespmem:$0x1E400] =	vst v63  }
0x21: {  	s25 =	simm.s32 $0x80  }
0x22: {  	[tilespmem:s18], [sflag:$0x2] =	stream.indirect.gather [hbm4b:s1+s16], $0x80, s25, s16, $0xb8;
	[tilespmem:$0x1E400] =	vst v63  }
0x23: {  	_ =	swait.ge [sflag:s19], $0x4000  }
0x24: {  	[sflag:s19] =	ssyncset.done $0x0  }
0x25: {  	s29 =	simm.s32 $0x1400;
	[sflag:s19] =	ssyncadd.s32 $0xFFFFC000  }
0x26: {  	[spmem:s2] =	stream.indirect.scatter.add.f32 [tilespmem:s17], [sflag:$0x3], $0x80, s29, s16, $0xb8;
	[tilespmem:$0x1E400] =	vst v63  }
0x27: {  	_ =	swait.ge [sflag:s14], $0x4000  }
0x28: {  	[sflag:s14] =	ssyncset.done $0x0  }
0x29: {  	s30 =	simm.s32 $0x100;
	[sflag:s14] =	ssyncadd.s32 $0xFFFFC000  }
0x2a: {  	[tilespmem:s17], [sflag:$0x1] =	stream.indirect.gather [hbm4b:s1+s16], $0x80, s30, s16, $0xb8;
	[tilespmem:$0x1E400] =	vst v63  }
0x2b: {  	_ =	swait.ge [sflag:s20], $0x4000  }
0x2c: {  	[sflag:s20] =	ssyncset.done $0x0  }
0x2d: {  	s31 =	simm.s32 $0x1480;
	[sflag:s20] =	ssyncadd.s32 $0xFFFFC000  }
0x2e: {  	[spmem:s2] =	stream.indirect.scatter.add.f32 [tilespmem:s18], [sflag:$0x3], $0x80, s31, s16, $0xb8;
	[tilespmem:$0x1E400] =	vst v63  }
0x2f: {  	_ =	swait.ge [sflag:s14], $0x4000  }
0x30: {  	s26 =	simm.s32 $0x800;
	s25 =	simm.s32 $0x100;
	[sflag:s14] =	ssyncset.done $0x0  }
.LBB2_2:
0x31: {  	s28 =	sadd.s32 $0x80, s25  }
0x32: {  	[sflag:s14] =	ssyncadd.s32 $0xFFFFC000;
	s29 =	smov.u32 s26;
	s30 =	sadd.s32 $0x400, s26  }
0x33: {  	[tilespmem:s18], [sflag:$0x2] =	stream.indirect.gather [hbm4b:s1+s16], $0x80, s28, s16, $0xb8;
	[tilespmem:$0x1E400] =	vst v63  }
0x34: {  	p0 =	sne.s32 s26, $0x4800;
	_ =	swait.ge [sflag:s19], $0x4000  }
0x35: {  	[sflag:s19] =	ssyncset.done $0x0  }
0x36: {  	s26 =	sadd.s32 $0x1400, s25;
	[sflag:s19] =	ssyncadd.s32 $0xFFFFC000  }
0x37: {  	[spmem:s2] =	stream.indirect.scatter.add.f32 [tilespmem:s17], [sflag:$0x3], $0x80, s26, s16, $0xb8;
	[tilespmem:$0x1E400] =	vst v63  }
0x38: {  	_ =	swait.ge [sflag:s14], $0x4000  }
0x39: {  	[sflag:s14] =	ssyncset.done $0x0  }
0x3a: {  	s26 =	sadd.s32 $0x100, s25;
	[sflag:s14] =	ssyncadd.s32 $0xFFFFC000  }
0x3b: {  	[tilespmem:s17], [sflag:$0x1] =	stream.indirect.gather [hbm4b:s1+s16], $0x80, s26, s16, $0xb8;
	[tilespmem:$0x1E400] =	vst v63  }
0x3c: {  	_ =	swait.ge [sflag:s20], $0x4000  }
.Ltmp0:
0x3d: {  	[sflag:s20] =	ssyncset.done $0x0;
	(pc) =	sbr.rel @p0 .LBB2_2-.Ltmp0, $4  }
0x3e: {  	s25 =	sadd.s32 $0x1480, s25;
	[sflag:s20] =	ssyncadd.s32 $0xFFFFC000  }
0x3f: {  	[spmem:s2] =	stream.indirect.scatter.add.f32 [tilespmem:s18], [sflag:$0x3], $0x80, s25, s16, $0xb8;
	[tilespmem:$0x1E400] =	vst v63  }
0x40: {  	_ =	swait.ge [sflag:s14], $0x4000  }
0x41: {  	s26 =	smov.u32 s30;
	s25 =	sshra.s32 s29, $0x2;
	[sflag:s14] =	ssyncset.done $0x0  }
0x42: {  	s26 =	sadd.s32 $0x80, s25;
	[sflag:s14] =	ssyncadd.s32 $0xFFFFC000  }
0x43: {  	[tilespmem:s18], [sflag:$0x2] =	stream.indirect.gather [hbm4b:s1+s16], $0x80, s26, s16, $0xb8;
	[tilespmem:$0x1E400] =	vst v63  }
0x44: {  	_ =	swait.ge [sflag:s19], $0x4000  }
0x45: {  	[sflag:s19] =	ssyncset.done $0x0  }
0x46: {  	s29 =	sadd.s32 $0x1400, s25;
	[sflag:s19] =	ssyncadd.s32 $0xFFFFC000  }
0x47: {  	[spmem:s2] =	stream.indirect.scatter.add.f32 [tilespmem:s17], [sflag:$0x3], $0x80, s29, s16, $0xb8;
	[tilespmem:$0x1E400] =	vst v63  }
0x48: {  	_ =	swait.ge [sflag:s14], $0x4000  }
0x49: {  	[sflag:s14] =	ssyncset.done $0x0  }
0x4a: {  	s30 =	sadd.s32 $0x100, s25;
	[sflag:s14] =	ssyncadd.s32 $0xFFFFC000  }
0x4b: {  	[tilespmem:s17], [sflag:$0x1] =	stream.indirect.gather [hbm4b:s1+s16], $0x80, s30, s16, $0xb8;
	[tilespmem:$0x1E400] =	vst v63  }
0x4c: {  	_ =	swait.ge [sflag:s20], $0x4000  }
0x4d: {  	[sflag:s20] =	ssyncset.done $0x0  }
0x4e: {  	s31 =	sadd.s32 $0x1480, s25;
	[sflag:s20] =	ssyncadd.s32 $0xFFFFC000  }
0x4f: {  	[spmem:s2] =	stream.indirect.scatter.add.f32 [tilespmem:s18], [sflag:$0x3], $0x80, s31, s16, $0xb8;
	[tilespmem:$0x1E400] =	vst v63  }
0x50: {  	_ =	swait.ge [sflag:s14], $0x4000  }
0x51: {  	[sflag:s14] =	ssyncset.done $0x0  }
0x52: {  	[sflag:s14] =	ssyncadd.s32 $0xFFFFC000  }
0x53: {  	[tilespmem:s18], [sflag:$0x2] =	stream.indirect.gather [hbm4b:s1+s16], $0x80, s21, s16, $0xb8;
	[tilespmem:$0x1E400] =	vst v63  }
0x54: {  	_ =	swait.ge [sflag:s19], $0x4000  }
0x55: {  	[sflag:s19] =	ssyncset.done $0x0  }
0x56: {  	[sflag:s19] =	ssyncadd.s32 $0xFFFFC000  }
0x57: {  	[spmem:s2] =	stream.indirect.scatter.add.f32 [tilespmem:s17], [sflag:$0x3], $0x80, s22, s16, $0xb8;
	[tilespmem:$0x1E400] =	vst v63  }
0x58: {  	_ =	swait.ge [sflag:s14], $0x4000  }
0x59: {  	[sflag:s14] =	ssyncset.done $0x0  }
0x5a: {  	[sflag:s14] =	ssyncadd.s32 $0xFFFFC000  }
0x5b: {  	_ =	swait.ge [sflag:s20], $0x4000  }
0x5c: {  	[sflag:s20] =	ssyncset.done $0x0  }
0x5d: {  	[sflag:s20] =	ssyncadd.s32 $0xFFFFC000  }
0x5e: {  	[spmem:s2] =	stream.indirect.scatter.add.f32 [tilespmem:s18], [sflag:$0x3], $0x80, s23, s16, $0xb8;
	[tilespmem:$0x1E400] =	vst v63  }
0x5f: {  	_ =	swait.ge [sflag:s14], $0x4000  }
0x60: {  	[sflag:s14] =	ssyncset.done $0x0  }
0x61: {  	s26 =	simm.s32 $0x0;
	[sflag:s14] =	ssyncadd.s32 $0xFFFFC000  }
0x62: {  	[tilespmem:s26], [sflag:$0x3] =	stream.linear.gather [hbm4b:s9+s26], $0x1400, $0x38;
	[tilespmem:$0x1E400] =	vst v63  }
0x63: {  	_ =	swait.ge [sflag:s14], $0x1400  }
0x64: {  	[sflag:s14] =	ssyncset.done $0x0  }
0x65: {  	[sflag:s14] =	ssyncadd.s32 $0xFFFFEC00  }
0x66: {  	[tilespmem:s15], [sflag:$0x3] =	stream.linear.gather [hbm4b:s10+s26], $0x1400, $0x38;
	[tilespmem:$0x1E400] =	vst v63  }
0x67: {  	_ =	swait.ge [sflag:s14], $0x1400  }
0x68: {  	[sflag:s14] =	ssyncset.done $0x0  }
0x69: {  	[sflag:s14] =	ssyncadd.s32 $0xFFFFEC00  }
0x6a: {  	[tilespmem:s17], [sflag:$0x1] =	stream.indirect.gather [hbm4b:s1+s16], $0x80, s26, s16, $0xb8;
	[tilespmem:$0x1E400] =	vst v63  }
0x6b: {  	s28 =	simm.s32 $0x80  }
0x6c: {  	[tilespmem:s18], [sflag:$0x2] =	stream.indirect.gather [hbm4b:s1+s16], $0x80, s28, s16, $0xb8;
	[tilespmem:$0x1E400] =	vst v63  }
0x6d: {  	_ =	swait.ge [sflag:s19], $0x4000  }
0x6e: {  	[sflag:s19] =	ssyncset.done $0x0  }
0x6f: {  	s29 =	simm.s32 $0x1400;
	[sflag:s19] =	ssyncadd.s32 $0xFFFFC000  }
0x70: {  	[spmem:s2] =	stream.indirect.scatter.add.f32 [tilespmem:s17], [sflag:$0x3], $0x80, s29, s16, $0xb8;
	[tilespmem:$0x1E400] =	vst v63  }
0x71: {  	_ =	swait.ge [sflag:s14], $0x4000  }
0x72: {  	[sflag:s14] =	ssyncset.done $0x0  }
0x73: {  	s30 =	simm.s32 $0x100;
	[sflag:s14] =	ssyncadd.s32 $0xFFFFC000  }
0x74: {  	[tilespmem:s17], [sflag:$0x1] =	stream.indirect.gather [hbm4b:s1+s16], $0x80, s30, s16, $0xb8;
	[tilespmem:$0x1E400] =	vst v63  }
0x75: {  	_ =	swait.ge [sflag:s20], $0x4000  }
0x76: {  	[sflag:s20] =	ssyncset.done $0x0  }
0x77: {  	s31 =	simm.s32 $0x1480;
	[sflag:s20] =	ssyncadd.s32 $0xFFFFC000  }
0x78: {  	[spmem:s2] =	stream.indirect.scatter.add.f32 [tilespmem:s18], [sflag:$0x3], $0x80, s31, s16, $0xb8;
	[tilespmem:$0x1E400] =	vst v63  }
0x79: {  	_ =	swait.ge [sflag:s14], $0x4000  }
0x7a: {  	s25 =	simm.s32 $0x100;
	s26 =	simm.s32 $0x800;
	[sflag:s14] =	ssyncset.done $0x0  }
.LBB2_4:
0x7b: {  	s28 =	sadd.s32 $0x80, s25  }
0x7c: {  	[sflag:s14] =	ssyncadd.s32 $0xFFFFC000;
	s29 =	smov.u32 s26;
	s30 =	sadd.s32 $0x400, s26  }
0x7d: {  	[tilespmem:s18], [sflag:$0x2] =	stream.indirect.gather [hbm4b:s1+s16], $0x80, s28, s16, $0xb8;
	[tilespmem:$0x1E400] =	vst v63  }
0x7e: {  	p0 =	sne.s32 s26, $0x4800;
	_ =	swait.ge [sflag:s19], $0x4000  }
0x7f: {  	[sflag:s19] =	ssyncset.done $0x0  }
0x80: {  	s26 =	sadd.s32 $0x1400, s25;
	[sflag:s19] =	ssyncadd.s32 $0xFFFFC000  }
0x81: {  	[spmem:s2] =	stream.indirect.scatter.add.f32 [tilespmem:s17], [sflag:$0x3], $0x80, s26, s16, $0xb8;
	[tilespmem:$0x1E400] =	vst v63  }
0x82: {  	_ =	swait.ge [sflag:s14], $0x4000  }
0x83: {  	[sflag:s14] =	ssyncset.done $0x0  }
0x84: {  	s26 =	sadd.s32 $0x100, s25;
	[sflag:s14] =	ssyncadd.s32 $0xFFFFC000  }
0x85: {  	[tilespmem:s17], [sflag:$0x1] =	stream.indirect.gather [hbm4b:s1+s16], $0x80, s26, s16, $0xb8;
	[tilespmem:$0x1E400] =	vst v63  }
0x86: {  	_ =	swait.ge [sflag:s20], $0x4000  }
.Ltmp1:
0x87: {  	[sflag:s20] =	ssyncset.done $0x0;
	(pc) =	sbr.rel @p0 .LBB2_4-.Ltmp1, $4  }
0x88: {  	s25 =	sadd.s32 $0x1480, s25;
	[sflag:s20] =	ssyncadd.s32 $0xFFFFC000  }
0x89: {  	[spmem:s2] =	stream.indirect.scatter.add.f32 [tilespmem:s18], [sflag:$0x3], $0x80, s25, s16, $0xb8;
	[tilespmem:$0x1E400] =	vst v63  }
0x8a: {  	_ =	swait.ge [sflag:s14], $0x4000  }
0x8b: {  	s26 =	smov.u32 s30;
	s25 =	sshra.s32 s29, $0x2;
	[sflag:s14] =	ssyncset.done $0x0  }
0x8c: {  	s26 =	sadd.s32 $0x80, s25;
	[sflag:s14] =	ssyncadd.s32 $0xFFFFC000  }
0x8d: {  	[tilespmem:s18], [sflag:$0x2] =	stream.indirect.gather [hbm4b:s1+s16], $0x80, s26, s16, $0xb8;
	[tilespmem:$0x1E400] =	vst v63  }
0x8e: {  	_ =	swait.ge [sflag:s19], $0x4000  }
0x8f: {  	[sflag:s19] =	ssyncset.done $0x0  }
0x90: {  	s29 =	sadd.s32 $0x1400, s25;
	[sflag:s19] =	ssyncadd.s32 $0xFFFFC000  }
0x91: {  	[spmem:s2] =	stream.indirect.scatter.add.f32 [tilespmem:s17], [sflag:$0x3], $0x80, s29, s16, $0xb8;
	[tilespmem:$0x1E400] =	vst v63  }
0x92: {  	_ =	swait.ge [sflag:s14], $0x4000  }
0x93: {  	[sflag:s14] =	ssyncset.done $0x0  }
0x94: {  	s30 =	sadd.s32 $0x100, s25;
	[sflag:s14] =	ssyncadd.s32 $0xFFFFC000  }
0x95: {  	[tilespmem:s17], [sflag:$0x1] =	stream.indirect.gather [hbm4b:s1+s16], $0x80, s30, s16, $0xb8;
	[tilespmem:$0x1E400] =	vst v63  }
0x96: {  	_ =	swait.ge [sflag:s20], $0x4000  }
0x97: {  	[sflag:s20] =	ssyncset.done $0x0  }
0x98: {  	s31 =	sadd.s32 $0x1480, s25;
	[sflag:s20] =	ssyncadd.s32 $0xFFFFC000  }
0x99: {  	[spmem:s2] =	stream.indirect.scatter.add.f32 [tilespmem:s18], [sflag:$0x3], $0x80, s31, s16, $0xb8;
	[tilespmem:$0x1E400] =	vst v63  }
0x9a: {  	_ =	swait.ge [sflag:s14], $0x4000  }
0x9b: {  	[sflag:s14] =	ssyncset.done $0x0  }
0x9c: {  	[sflag:s14] =	ssyncadd.s32 $0xFFFFC000  }
0x9d: {  	[tilespmem:s18], [sflag:$0x2] =	stream.indirect.gather [hbm4b:s1+s16], $0x80, s21, s16, $0xb8;
	[tilespmem:$0x1E400] =	vst v63  }
0x9e: {  	_ =	swait.ge [sflag:s19], $0x4000  }
0x9f: {  	[sflag:s19] =	ssyncset.done $0x0  }
0xa0: {  	[sflag:s19] =	ssyncadd.s32 $0xFFFFC000  }
0xa1: {  	[spmem:s2] =	stream.indirect.scatter.add.f32 [tilespmem:s17], [sflag:$0x3], $0x80, s22, s16, $0xb8;
	[tilespmem:$0x1E400] =	vst v63  }
0xa2: {  	_ =	swait.ge [sflag:s14], $0x4000  }
0xa3: {  	[sflag:s14] =	ssyncset.done $0x0  }
0xa4: {  	[sflag:s14] =	ssyncadd.s32 $0xFFFFC000  }
0xa5: {  	_ =	swait.ge [sflag:s20], $0x4000  }
0xa6: {  	[sflag:s20] =	ssyncset.done $0x0  }
0xa7: {  	[sflag:s20] =	ssyncadd.s32 $0xFFFFC000  }
0xa8: {  	[spmem:s2] =	stream.indirect.scatter.add.f32 [tilespmem:s18], [sflag:$0x3], $0x80, s23, s16, $0xb8;
	[tilespmem:$0x1E400] =	vst v63  }
0xa9: {  	_ =	swait.ge [sflag:s14], $0x4000  }
0xaa: {  	s24 =	sadd.s32 $0x1, s24;
	[sflag:s14] =	ssyncset.done $0x0  }
0xab: {  	p0 =	sne.s32 s24, s12;
	[sflag:s14] =	ssyncadd.s32 $0xFFFFC000  }
.Ltmp2:
0xac: {  	[bflag:$0x0] =	sbarrier.arrive $0xFFFF;
	(pc) =	sbr.rel @p0 .LBB2_1-.Ltmp2, $4  }
0xad: {  	[hbm:s11], [sflag:s6] =	dma.local [spmem:s13], $0x2780  }
0xae: {  	_ =	swait.ge [sflag:s14], $0x2780  }
0xaf: {  	[sflag:s14] =	ssyncset.done $0x0  }
0xb0: {  	[sflag:s14] =	ssyncadd.s32 $0xFFFFD880  }
0xb1: {  	_ =	sfence.sel $0x180000  }
0xb2: {  	[bflag:$0x0] =	sbarrier.arrive $0xFFFF  }
0xb3: {  	p0 =	sne.s32 s3, $0x0;
	_ =	strace $0x90000056  }
0xb4: {  	s0 =	sadd.s32 @!p0 $0x100000, s0;
	[bflag:$0x2] =	sbarrier.arrive $0xFFFF  }
0xb5: {  	[sflag:s0] =	ssyncadd.tile.s32 @!p0 $0x1;
	_ =	shalt  }
.Lfunc_end2:
_tile_overlayer_lowered:
.L_overlay_start_2:
0xb6: {  	(tag) =	ssettag $0x2  }
0xb7: {  	s0 =	rddreg [dreg:$0x0];
	s2 =	stileid.u32  }
0xb8: {  	s1 =	rddreg [dreg:$0x1];
	p0 =	sne.s32 s2, $0x0  }
0xb9: {  	s3 =	rddreg [dreg:$0x2];
	[bflag:$0x3] =	sbarrier.arrive $0xFFFF;
	s2 =	simm.s32 @!p0 $0x1C03  }
0xba: {  	[timem:s3], [sflag:s2] =	dma.local @!p0 [hbm:s0], s1  }
0xbb: {  	s0 =	simm.s32 @!p0 $0x3  }
0xbc: {  	_ =	swait.ge @!p0 [sflag:s0], s1  }
0xbd: {  	s1 =	ssub.s32 @!p0 $0x0, s1;
	[sflag:s0] =	ssyncset.done @!p0 $0x0  }
0xbe: {  	[sflag:s0] =	ssyncadd.s32 @!p0 s1  }
0xbf: {  	[bflag:$0x3] =	sbarrier.arrive $0xFFFF  }
0xc0: {  	_ =	shalt  }

// kernel: kernel.34.cloned.1.call-start
scs
__scs_entry_jumppad:
0x0: {  	(pc) =	sbr.rel $0x88, $3  }
0x1: {  	(tag) =	ssettag $0x0;
	lr =	simm.s32 $0x1  }
0x2: {  	[smem:$0x3F9B] =	sst lr;
	_ =	strace $0xD0000000  }
0x3: {  	_ = 	snop  }
0x4: {  	_ = 	snop  }
0x5: {  	_ = 	snop  }
0x6: {  	_ = 	snop  }
0x7: {  	_ = 	snop  }
__scs_overlays_trampoline_lowered:
0x8: {  	[smem:$0x3FAA] =	sst s0  }
0x9: {  	[smem:$0x3FAB] =	sst s1  }
0xa: {  	[smem:$0x3FAC] =	sst s2  }
0xb: {  	[smem:$0x3FAD] =	sst s3  }
0xc: {  	[smem:$0x3FAE] =	sst s4  }
0xd: {  	[smem:$0x3FAF] =	sst s5  }
0xe: {  	[smem:$0x3FB0] =	sst s6  }
0xf: {  	[smem:$0x3FB1] =	sst s7  }
0x10: {  	[smem:$0x3FB2] =	sst s8  }
0x11: {  	[smem:$0x3FB3] =	sst s9;
	s0 =	simm.s32 @!p0 $0x0  }
0x12: {  	s1 =	sld [smem:$0x3F99];
	s0 =	simm.s32 @p0 $0x1  }
0x13: {  	[smem:$0x3FB4] =	sst s0;
	s0 =	simm.s32 @!p1 $0x0  }
0x14: {  	s2 =	sld [smem:$0x3F98];
	s0 =	simm.s32 @p1 $0x1  }
0x15: {  	[smem:$0x3FB5] =	sst s0;
	s0 =	simm.s32 @!p2 $0x0  }
0x16: {  	s3 =	sld [smem:$0x3FDB];
	s0 =	simm.s32 @p2 $0x1  }
0x17: {  	s4 =	simm.s32 $0x1BF5;
	[smem:$0x3FB7] =	sst s0  }
0x18: {  	s0 =	sld [smem:$0x3F9A];
	_ =	swait.ge [sflag:s4], $0x0  }
0x19: {  	s7 =	sld [smem:$0x3F9B]  }
0x1a: {  	s8 =	sadd.s32 $0xFFFFE003, lr  }
0x1b: {  	s9 =	sadd.s32 $0xFFFFFEF7, lr;
	s5 =	simm.s32 $0xFFFFFFFF;
	p2 =	slt.u32 s8, $0xFFFFF086  }
0x1c: {  	p1 =	slt.u32 s9, $0xF7A;
	s5 =	simm.s32 @!p2 $0x0  }
0x1d: {  	s5 =	simm.s32 @p1 $0x1;
	p0 =	seq.s32 s7, s2  }
0x1e: {  	s7 =	smul.u32 @!p0 $0xF7A, s2;
	p2 =	seq.s32 @!p0 s5, $0x0  }
0x1f: {  	s9 =	smul.u32 $0xF7A, s1;
	s8 =	simm.s32 @!p0 $0x1BF5;
	p2 =	por !p2, p0  }
0x20: {  	[sflag:s8] =	ssyncset.s32 @!p0 $0xFFFFF086;
	s6 =	sadd.s32 @!p0 s3, s7;
	s7 =	simm.s32 @!p0 $0x108  }
0x21: {  	s3 =	sadd.s32 s3, s9;
	s6 =	sadd.s32 @!p0 $0x88, s6;
	s7 =	simm.s32 @p2 $0x1082  }
0x22: {  	[simem:s7], [sflag:s8] =	dma.local @!p0 [hbm:s6], $0xF7A  }
0x23: {  	s9 =	sor.u32 $0xD0000000, s2;
	s6 =	simm.s32 $0x108;
	_ =	swait.ge @!p0 [sflag:s8], $0x0  }
0x24: {  	s3 =	sadd.s32 $0x88, s3;
	s6 =	simm.s32 @!p1 $0x1082;
	[sflag:s4] =	ssyncset.s32 $0xFFFFF086  }
0x25: {  	[simem:s6], [sflag:s4] =	dma.local [hbm:s3], $0xF7A  }
0x26: {  	[smem:$0x3F9B] =	sst s1;
	(tag) =	ssettag s2;
	_ =	strace s9  }
0x27: {  	s1 =	sld [smem:$0x3FAB]  }
0x28: {  	s2 =	sld [smem:$0x3FAC]  }
0x29: {  	s4 =	sld [smem:$0x3FAE]  }
0x2a: {  	p0 =	seq.s32 s5, $0x0;
	s5 =	sld [smem:$0x3FAF]  }
0x2b: {  	s6 =	sld [smem:$0x3FB0]  }
0x2c: {  	s7 =	sld [smem:$0x3FB1]  }
0x2d: {  	s3 =	simm.s32 $0x108;
	s8 =	sld [smem:$0x3FB2]  }
0x2e: {  	s3 =	simm.s32 @!p0 $0x1082;
	s9 =	sld [smem:$0x3FB3]  }
0x2f: {  	lr =	sadd.s32 s0, s3;
	s0 =	sld [smem:$0x3FAA]  }
0x30: {  	s3 =	sld [smem:$0x3FAD]  }
0x31: {  	[smem:$0x3FB6] =	sst s10  }
0x32: {  	s10 =	sld [smem:$0x3FB4];
	_ =	sdelay $0x3  }
0x33: {  	p0 =	seq.s32 s10, $0x1;
	s10 =	sld [smem:$0x3FB6];
	_ =	sdelay $0x3  }
0x34: {  	[smem:$0x3FB6] =	sst s10  }
0x35: {  	s10 =	sld [smem:$0x3FB5];
	_ =	sdelay $0x3  }
0x36: {  	p1 =	seq.s32 s10, $0x1;
	s10 =	sld [smem:$0x3FB6];
	_ =	sdelay $0x3  }
0x37: {  	[smem:$0x3FB6] =	sst s10  }
0x38: {  	s10 =	sld [smem:$0x3FB7]  }
0x39: {  	_ = 	snop;
	(pc) =	sbr.ind lr, $3  }
0x3a: {  	_ = 	snop  }
0x3b: {  	_ = 	snop  }
0x3c: {  	p2 =	seq.s32 s10, $0x1;
	s10 =	sld [smem:$0x3FB6]  }
0x3d: {  	_ =	shalt  }
0x3e: {  	_ =	shalt  }
0x3f: {  	_ =	shalt  }
0x40: {  	_ =	shalt  }
0x41: {  	_ =	shalt  }
0x42: {  	_ =	shalt  }
0x43: {  	_ =	shalt  }
0x44: {  	_ =	shalt  }
0x45: {  	_ =	shalt  }
0x46: {  	_ =	shalt  }
0x47: {  	_ =	shalt  }
0x48: {  	_ =	shalt  }
0x49: {  	_ =	shalt  }
0x4a: {  	_ =	shalt  }
0x4b: {  	_ =	shalt  }
0x4c: {  	_ =	shalt  }
0x4d: {  	_ =	shalt  }
0x4e: {  	_ =	shalt  }
0x4f: {  	_ =	shalt  }
0x50: {  	_ =	shalt  }
0x51: {  	_ =	shalt  }
0x52: {  	_ =	shalt  }
0x53: {  	_ =	shalt  }
0x54: {  	_ =	shalt  }
0x55: {  	_ =	shalt  }
0x56: {  	_ =	shalt  }
0x57: {  	_ =	shalt  }
0x58: {  	_ =	shalt  }
0x59: {  	_ =	shalt  }
0x5a: {  	_ =	shalt  }
0x5b: {  	_ =	shalt  }
0x5c: {  	_ =	shalt  }
0x5d: {  	_ =	shalt  }
0x5e: {  	_ =	shalt  }
0x5f: {  	_ =	shalt  }
0x60: {  	_ =	shalt  }
0x61: {  	_ =	shalt  }
0x62: {  	_ =	shalt  }
0x63: {  	_ =	shalt  }
0x64: {  	_ =	shalt  }
0x65: {  	_ =	shalt  }
0x66: {  	_ =	shalt  }
0x67: {  	_ =	shalt  }
0x68: {  	_ =	shalt  }
0x69: {  	_ =	shalt  }
0x6a: {  	_ =	shalt  }
0x6b: {  	_ =	shalt  }
0x6c: {  	_ =	shalt  }
0x6d: {  	_ =	shalt  }
0x6e: {  	_ =	shalt  }
0x6f: {  	_ =	shalt  }
0x70: {  	_ =	shalt  }
0x71: {  	_ =	shalt  }
0x72: {  	_ =	shalt  }
0x73: {  	_ =	shalt  }
0x74: {  	_ =	shalt  }
0x75: {  	_ =	shalt  }
0x76: {  	_ =	shalt  }
0x77: {  	_ =	shalt  }
0x78: {  	_ =	shalt  }
0x79: {  	_ =	shalt  }
0x7a: {  	_ =	shalt  }
0x7b: {  	_ =	shalt  }
0x7c: {  	_ =	shalt  }
0x7d: {  	_ =	shalt  }
0x7e: {  	_ =	shalt  }
0x7f: {  	_ =	shalt  }
0x80: {  	_ =	shalt  }
0x81: {  	_ =	shalt  }
0x82: {  	_ =	shalt  }
0x83: {  	_ =	shalt  }
0x84: {  	_ =	shalt  }
0x85: {  	_ =	shalt  }
0x86: {  	_ =	shalt  }
0x87: {  	_ =	shalt  }
.Lfunc_end0:
.L_simem_size_0:
called_computation.6_lowered:
.L_overlay_start_0:
0x88: {  	s2 =	sld [smem:$0x3FD9]  }
0x89: {  	s3 =	sld [smem:$0x3FFE];
	_ =	sdelay $0x1  }
0x8a: {  	s1 =	srdreg.scid  }
0x8b: {  	s0 =	sand.u32 $0x1, s1  }
0x8c: {  	s17 =	sshll.u32 s0, $0xA;
	s2 =	sadd.s32 s3, s2  }
0x8d: {  	s2 =	sadd.s32 s2, s17  }
0x8e: {  	[smem:$0x3FC2] =	sst s2  }
0x8f: {  	_ = 	snop  }
0x90: {  	s2 =	sld [smem:$0x3FD0];
	(tm) =	ssettm $0x1  }
0x91: {  	s18 =	sld [smem:$0x3FFB];
	_ =	sdelay $0x3  }
0x92: {  	_ =	strace s18  }
0x93: {  	s3 =	sld [smem:$0x3FFC];
	_ =	sdelay $0x3  }
0x94: {  	_ =	strace s3  }
0x95: {  	s3 =	sld [smem:$0x3FFD];
	_ =	sdelay $0x3  }
0x96: {  	_ =	strace s3  }
0x97: {  	_ =	strace $0x8FFFFFFF  }
0x98: {  	s19 =	sld [smem:$0x3FDB];
	_ =	sdelay $0x1  }
0x99: {  	s4 =	simm.s32 $_scs_section_size  }
0x9a: {  	s5 =	simm.s32 $_size__tile_overlayer_lowered;
	s6 =	simm.s32 $_tile_overlayer_lowered  }
0x9b: {  	s22 =	simm.s32 $0x1BFF;
	s21 =	sshll.u32 s6, $0x1;
	s3 =	sadd.s32 s4, s19  }
0x9c: {  	s7 =	simm.s32 $0x0;
	s20 =	sshll.u32 s5, $0x1;
	s5 =	sadd.s32 s21, s3  }
0x9d: {  	[timem:s7], [sflag:s22] =	dma.local [hbm:s5], s20  }
0x9e: {  	_ =	swait.ge [sflag:s22], s20  }
0x9f: {  	s4 =	ssub.s32 $0x0, s20;
	[sflag:s22] =	ssyncset.done $0x0  }
0xa0: {  	[sflag:s22] =	ssyncadd.s32 s4;
	_ =	sdelay $0x1  }
0xa1: {  	s23 =	simm.s32 $0x1B8B  }
0xa2: {  	_ =	swait.ge [sflag:s23], $0x1  }
0xa3: {  	[sflag:s23] =	ssyncset.done $0x0  }
0xa4: {  	s25 =	simm.s32 $0x1B8E;
	s24 =	sld [smem:$0x3FFE];
	[sflag:s23] =	ssyncadd.s32 $0xFFFFFFFF  }
0xa5: {  	s26 =	simm.s32 $execute0_lowered;
	[smem:$0x3FD2] =	sst s25  }
0xa6: {  	s5 =	sshll.u32 s26, $0x1;
	_ =	strace $0x80000058;
	[dreg:$0x1] =	wrdreg $0xFFFFFFFF  }
0xa7: {  	s28 =	simm.s32 $_size_execute0_lowered;
	s3 =	sadd.s32 s3, s5;
	[dreg:$0x0] =	wrdreg $0x0  }
0xa8: {  	s5 =	sshll.u32 s28, $0x1;
	[dreg:$0x2] =	wrdreg s3  }
0xa9: {  	[dreg:$0x3] =	wrdreg s5  }
0xaa: {  	[dreg:$0x4] =	wrdreg $0xC0  }
0xab: {  	_ =	task [dreg:s7], $0x5FFFF  }
0xac: {  	[dreg:$0x1] =	wrdreg $0xFFFFFFFF  }
0xad: {  	[dreg:$0x0] =	wrdreg $0x60  }
0xae: {  	[dreg:$0x2] =	wrdreg s2  }
0xaf: {  	[dreg:$0x3] =	wrdreg s24  }
0xb0: {  	[dreg:$0x4] =	wrdreg $0xA8000  }
0xb1: {  	[dreg:$0x5] =	wrdreg $0x9  }
0xb2: {  	_ =	task.clear_ibuf [dreg:s7], $0x6FFFF;
	_ =	strace $0x90000058  }
0xb3: {  	s29 =	simm.s32 $0x9;
	_ =	strace $0x8000005A  }
0xb4: {  	_ =	swait.ge [sflag:s29], $0x1  }
0xb5: {  	[sflag:s29] =	ssyncadd.s32 $0xFFFFFFFF  }
0xb6: {  	_ =	strace $0x9000005A  }
0xb7: {  	_ =	sfence  }
0xb8: {  	s30 =	sld [smem:$0x0];
	_ =	sdelay $0x2  }
0xb9: {  	s31 =	sshll.u32 s1, $0xD;
	s1 =	sshrl.u32 s1, $0x2  }
0xba: {  	s3 =	sand.u32 $0x4000, s31;
	s1 =	sadd.s32 s1, s30  }
0xbb: {  	s0 =	sor.u32 s3, s0;
	s1 =	sshll.u32 s1, $0x11  }
0xbc: {  	s0 =	sor.u32 s1, s0  }
0xbd: {  	s0 =	sadd.s32 $0x8F2B, s0  }
0xbe: {  	[sflag:s0] =	ssyncadd.remote.s32 $0x1  }
0xbf: {  	_ =	sfence.sel $0xFFFF  }
0xc0: {  	[dreg:$0x0] =	wrdreg $0xFFFFFFFF;
	(pc) =	sbr.abs _section_cstart, $3  }
0xc1: {  	[dreg:$0x1] =	wrdreg $0xFFFFFFFF  }
0xc2: {  	_ =	task.clear_ibuf [dreg:s7], $0x2FFFF;
	_ =	strace $0x9FFFFFFF  }
0xc3: {  	(tm) =	ssettm $0x7FFFFFFF  }
tec
execute0_lowered:
.L_overlay_start_1:
0x0: {  	(tag) =	ssettag $0x1  }
0x1: {  	s1 =	rddreg [dreg:$0x0]  }
0x2: {  	s6 =	rddreg [dreg:$0x1]  }
0x3: {  	s2 =	rddreg [dreg:$0x2];
	s3 =	srdreg.scid  }
0x4: {  	s0 =	rddreg [dreg:$0x3];
	s4 =	simm.s32 $0x0;
	s15 =	simm.s32 $0x1400  }
0x5: {  	s16 =	simm.s32 $0x80;
	s17 =	simm.s32 $0x2800;
	s18 =	simm.s32 $0x6800  }
0x6: {  	s19 =	simm.s32 $0x1;
	s20 =	simm.s32 $0x2;
	s21 =	simm.s32 $0x1380  }
0x7: {  	s22 =	simm.s32 $0x2700;
	s5 =	sand.u32 $0x1, s3;
	s3 =	stileid.u32  }
0x8: {  	s23 =	simm.s32 $0x2780;
	[smem:$0x7FF] =	sst s4;
	s7 =	smul.u32 $0x13C000, s5  }
0x9: {  	s9 =	sadd.s32 $0x5FA00, s6;
	s10 =	sadd.s32 $0x4200, s6;
	s8 =	smul.u32 $0x13C00, s3  }
0xa: {  	_ =	strace $0x80000059;
	s24 =	sshll.u32 s3, $0x1;
	s11 =	ssub.s32 $0x2, s5  }
0xb: {  	s25 =	smul.u32 $0x4F000, s3;
	s28 =	sshll.u32 s3, $0x6;
	s5 =	sor.u32 s5, s24  }
0xc: {  	s12 =	sshrl.u32 s11, $0x1;
	s24 =	simm.s32 $0x0;
	s7 =	sadd.s32 s8, s7  }
0xd: {  	s13 =	smul.u32 $0x2800, s5;
	s5 =	sadd.s32 $0xE200, s6;
	s26 =	sshrl.u32 s25, $0x2  }
0xe: {  	s12 =	ssub.s32 s11, s12;
	s7 =	sshrl.u32 s7, $0x3;
	s30 =	sadd.s32 s26, s2  }
0xf: {  	s12 =	smax.u32 s12, $0x1;
	s14 =	sadd.s32 s7, s6;
	s29 =	sshrl.u32 s13, $0x3  }
0x10: {  	s6 =	sor.u32 $0x1C03, s28;
	s13 =	sshrl.u32 s30, $0x3;
	s31 =	sadd.s32 $0x280, s29  }
0x11: {  	s7 =	sadd.s32 s9, s29;
	s8 =	sadd.s32 s10, s29;
	s11 =	sadd.s32 $0x10A00, s14  }
0x12: {  	s14 =	simm.s32 $0x3;
	s9 =	sadd.s32 s9, s31;
	s10 =	sadd.s32 s10, s31  }
.LBB2_1:
0x13: {  	[spmem:s13], [sflag:s6] =	dma.local [hbm:s5], $0x2780  }
0x14: {  	_ =	swait.ge [sflag:s14], $0x2780  }
0x15: {  	[sflag:s14] =	ssyncset.done $0x0  }
0x16: {  	[sflag:s14] =	ssyncadd.s32 $0xFFFFD880  }
0x17: {  	[bflag:$0x0] =	sbarrier.arrive $0xFFFF  }
0x18: {  	[tilespmem:s4], [sflag:$0x3] =	stream.linear.gather [hbm4b:s7+s4], $0x1400, $0x38;
	[tilespmem:$0x1E400] =	vst v63  }
0x19: {  	_ =	swait.ge [sflag:s14], $0x1400  }
0x1a: {  	[sflag:s14] =	ssyncset.done $0x0  }
0x1b: {  	[sflag:s14] =	ssyncadd.s32 $0xFFFFEC00  }
0x1c: {  	[tilespmem:s15], [sflag:$0x3] =	stream.linear.gather [hbm4b:s8+s4], $0x1400, $0x38;
	[tilespmem:$0x1E400] =	vst v63  }
0x1d: {  	_ =	swait.ge [sflag:s14], $0x1400  }
0x1e: {  	[sflag:s14] =	ssyncset.done $0x0  }
0x1f: {  	[sflag:s14] =	ssyncadd.s32 $0xFFFFEC00  }
0x20: {  	[tilespmem:s17], [sflag:$0x1] =	stream.indirect.gather [hbm4b:s1+s16], $0x80, s4, s16, $0xb8;
	[tilespmem:$0x1E400] =	vst v63  }
0x21: {  	s25 =	simm.s32 $0x80  }
0x22: {  	[tilespmem:s18], [sflag:$0x2] =	stream.indirect.gather [hbm4b:s1+s16], $0x80, s25, s16, $0xb8;
	[tilespmem:$0x1E400] =	vst v63  }
0x23: {  	_ =	swait.ge [sflag:s19], $0x4000  }
0x24: {  	[sflag:s19] =	ssyncset.done $0x0  }
0x25: {  	s29 =	simm.s32 $0x1400;
	[sflag:s19] =	ssyncadd.s32 $0xFFFFC000  }
0x26: {  	[spmem:s2] =	stream.indirect.scatter.add.f32 [tilespmem:s17], [sflag:$0x3], $0x80, s29, s16, $0xb8;
	[tilespmem:$0x1E400] =	vst v63  }
0x27: {  	_ =	swait.ge [sflag:s14], $0x4000  }
0x28: {  	[sflag:s14] =	ssyncset.done $0x0  }
0x29: {  	s30 =	simm.s32 $0x100;
	[sflag:s14] =	ssyncadd.s32 $0xFFFFC000  }
0x2a: {  	[tilespmem:s17], [sflag:$0x1] =	stream.indirect.gather [hbm4b:s1+s16], $0x80, s30, s16, $0xb8;
	[tilespmem:$0x1E400] =	vst v63  }
0x2b: {  	_ =	swait.ge [sflag:s20], $0x4000  }
0x2c: {  	[sflag:s20] =	ssyncset.done $0x0  }
0x2d: {  	s31 =	simm.s32 $0x1480;
	[sflag:s20] =	ssyncadd.s32 $0xFFFFC000  }
0x2e: {  	[spmem:s2] =	stream.indirect.scatter.add.f32 [tilespmem:s18], [sflag:$0x3], $0x80, s31, s16, $0xb8;
	[tilespmem:$0x1E400] =	vst v63  }
0x2f: {  	_ =	swait.ge [sflag:s14], $0x4000  }
0x30: {  	s26 =	simm.s32 $0x800;
	s25 =	simm.s32 $0x100;
	[sflag:s14] =	ssyncset.done $0x0  }
.LBB2_2:
0x31: {  	s28 =	sadd.s32 $0x80, s25  }
0x32: {  	[sflag:s14] =	ssyncadd.s32 $0xFFFFC000;
	s29 =	smov.u32 s26;
	s30 =	sadd.s32 $0x400, s26  }
0x33: {  	[tilespmem:s18], [sflag:$0x2] =	stream.indirect.gather [hbm4b:s1+s16], $0x80, s28, s16, $0xb8;
	[tilespmem:$0x1E400] =	vst v63  }
0x34: {  	p0 =	sne.s32 s26, $0x4800;
	_ =	swait.ge [sflag:s19], $0x4000  }
0x35: {  	[sflag:s19] =	ssyncset.done $0x0  }
0x36: {  	s26 =	sadd.s32 $0x1400, s25;
	[sflag:s19] =	ssyncadd.s32 $0xFFFFC000  }
0x37: {  	[spmem:s2] =	stream.indirect.scatter.add.f32 [tilespmem:s17], [sflag:$0x3], $0x80, s26, s16, $0xb8;
	[tilespmem:$0x1E400] =	vst v63  }
0x38: {  	_ =	swait.ge [sflag:s14], $0x4000  }
0x39: {  	[sflag:s14] =	ssyncset.done $0x0  }
0x3a: {  	s26 =	sadd.s32 $0x100, s25;
	[sflag:s14] =	ssyncadd.s32 $0xFFFFC000  }
0x3b: {  	[tilespmem:s17], [sflag:$0x1] =	stream.indirect.gather [hbm4b:s1+s16], $0x80, s26, s16, $0xb8;
	[tilespmem:$0x1E400] =	vst v63  }
0x3c: {  	_ =	swait.ge [sflag:s20], $0x4000  }
.Ltmp0:
0x3d: {  	[sflag:s20] =	ssyncset.done $0x0;
	(pc) =	sbr.rel @p0 .LBB2_2-.Ltmp0, $4  }
0x3e: {  	s25 =	sadd.s32 $0x1480, s25;
	[sflag:s20] =	ssyncadd.s32 $0xFFFFC000  }
0x3f: {  	[spmem:s2] =	stream.indirect.scatter.add.f32 [tilespmem:s18], [sflag:$0x3], $0x80, s25, s16, $0xb8;
	[tilespmem:$0x1E400] =	vst v63  }
0x40: {  	_ =	swait.ge [sflag:s14], $0x4000  }
0x41: {  	s26 =	smov.u32 s30;
	s25 =	sshra.s32 s29, $0x2;
	[sflag:s14] =	ssyncset.done $0x0  }
0x42: {  	s26 =	sadd.s32 $0x80, s25;
	[sflag:s14] =	ssyncadd.s32 $0xFFFFC000  }
0x43: {  	[tilespmem:s18], [sflag:$0x2] =	stream.indirect.gather [hbm4b:s1+s16], $0x80, s26, s16, $0xb8;
	[tilespmem:$0x1E400] =	vst v63  }
0x44: {  	_ =	swait.ge [sflag:s19], $0x4000  }
0x45: {  	[sflag:s19] =	ssyncset.done $0x0  }
0x46: {  	s29 =	sadd.s32 $0x1400, s25;
	[sflag:s19] =	ssyncadd.s32 $0xFFFFC000  }
0x47: {  	[spmem:s2] =	stream.indirect.scatter.add.f32 [tilespmem:s17], [sflag:$0x3], $0x80, s29, s16, $0xb8;
	[tilespmem:$0x1E400] =	vst v63  }
0x48: {  	_ =	swait.ge [sflag:s14], $0x4000  }
0x49: {  	[sflag:s14] =	ssyncset.done $0x0  }
0x4a: {  	s30 =	sadd.s32 $0x100, s25;
	[sflag:s14] =	ssyncadd.s32 $0xFFFFC000  }
0x4b: {  	[tilespmem:s17], [sflag:$0x1] =	stream.indirect.gather [hbm4b:s1+s16], $0x80, s30, s16, $0xb8;
	[tilespmem:$0x1E400] =	vst v63  }
0x4c: {  	_ =	swait.ge [sflag:s20], $0x4000  }
0x4d: {  	[sflag:s20] =	ssyncset.done $0x0  }
0x4e: {  	s31 =	sadd.s32 $0x1480, s25;
	[sflag:s20] =	ssyncadd.s32 $0xFFFFC000  }
0x4f: {  	[spmem:s2] =	stream.indirect.scatter.add.f32 [tilespmem:s18], [sflag:$0x3], $0x80, s31, s16, $0xb8;
	[tilespmem:$0x1E400] =	vst v63  }
0x50: {  	_ =	swait.ge [sflag:s14], $0x4000  }
0x51: {  	[sflag:s14] =	ssyncset.done $0x0  }
0x52: {  	[sflag:s14] =	ssyncadd.s32 $0xFFFFC000  }
0x53: {  	[tilespmem:s18], [sflag:$0x2] =	stream.indirect.gather [hbm4b:s1+s16], $0x80, s21, s16, $0xb8;
	[tilespmem:$0x1E400] =	vst v63  }
0x54: {  	_ =	swait.ge [sflag:s19], $0x4000  }
0x55: {  	[sflag:s19] =	ssyncset.done $0x0  }
0x56: {  	[sflag:s19] =	ssyncadd.s32 $0xFFFFC000  }
0x57: {  	[spmem:s2] =	stream.indirect.scatter.add.f32 [tilespmem:s17], [sflag:$0x3], $0x80, s22, s16, $0xb8;
	[tilespmem:$0x1E400] =	vst v63  }
0x58: {  	_ =	swait.ge [sflag:s14], $0x4000  }
0x59: {  	[sflag:s14] =	ssyncset.done $0x0  }
0x5a: {  	[sflag:s14] =	ssyncadd.s32 $0xFFFFC000  }
0x5b: {  	_ =	swait.ge [sflag:s20], $0x4000  }
0x5c: {  	[sflag:s20] =	ssyncset.done $0x0  }
0x5d: {  	[sflag:s20] =	ssyncadd.s32 $0xFFFFC000  }
0x5e: {  	[spmem:s2] =	stream.indirect.scatter.add.f32 [tilespmem:s18], [sflag:$0x3], $0x80, s23, s16, $0xb8;
	[tilespmem:$0x1E400] =	vst v63  }
0x5f: {  	_ =	swait.ge [sflag:s14], $0x4000  }
0x60: {  	[sflag:s14] =	ssyncset.done $0x0  }
0x61: {  	s26 =	simm.s32 $0x0;
	[sflag:s14] =	ssyncadd.s32 $0xFFFFC000  }
0x62: {  	[tilespmem:s26], [sflag:$0x3] =	stream.linear.gather [hbm4b:s9+s26], $0x1400, $0x38;
	[tilespmem:$0x1E400] =	vst v63  }
0x63: {  	_ =	swait.ge [sflag:s14], $0x1400  }
0x64: {  	[sflag:s14] =	ssyncset.done $0x0  }
0x65: {  	[sflag:s14] =	ssyncadd.s32 $0xFFFFEC00  }
0x66: {  	[tilespmem:s15], [sflag:$0x3] =	stream.linear.gather [hbm4b:s10+s26], $0x1400, $0x38;
	[tilespmem:$0x1E400] =	vst v63  }
0x67: {  	_ =	swait.ge [sflag:s14], $0x1400  }
0x68: {  	[sflag:s14] =	ssyncset.done $0x0  }
0x69: {  	[sflag:s14] =	ssyncadd.s32 $0xFFFFEC00  }
0x6a: {  	[tilespmem:s17], [sflag:$0x1] =	stream.indirect.gather [hbm4b:s1+s16], $0x80, s26, s16, $0xb8;
	[tilespmem:$0x1E400] =	vst v63  }
0x6b: {  	s28 =	simm.s32 $0x80  }
0x6c: {  	[tilespmem:s18], [sflag:$0x2] =	stream.indirect.gather [hbm4b:s1+s16], $0x80, s28, s16, $0xb8;
	[tilespmem:$0x1E400] =	vst v63  }
0x6d: {  	_ =	swait.ge [sflag:s19], $0x4000  }
0x6e: {  	[sflag:s19] =	ssyncset.done $0x0  }
0x6f: {  	s29 =	simm.s32 $0x1400;
	[sflag:s19] =	ssyncadd.s32 $0xFFFFC000  }
0x70: {  	[spmem:s2] =	stream.indirect.scatter.add.f32 [tilespmem:s17], [sflag:$0x3], $0x80, s29, s16, $0xb8;
	[tilespmem:$0x1E400] =	vst v63  }
0x71: {  	_ =	swait.ge [sflag:s14], $0x4000  }
0x72: {  	[sflag:s14] =	ssyncset.done $0x0  }
0x73: {  	s30 =	simm.s32 $0x100;
	[sflag:s14] =	ssyncadd.s32 $0xFFFFC000  }
0x74: {  	[tilespmem:s17], [sflag:$0x1] =	stream.indirect.gather [hbm4b:s1+s16], $0x80, s30, s16, $0xb8;
	[tilespmem:$0x1E400] =	vst v63  }
0x75: {  	_ =	swait.ge [sflag:s20], $0x4000  }
0x76: {  	[sflag:s20] =	ssyncset.done $0x0  }
0x77: {  	s31 =	simm.s32 $0x1480;
	[sflag:s20] =	ssyncadd.s32 $0xFFFFC000  }
0x78: {  	[spmem:s2] =	stream.indirect.scatter.add.f32 [tilespmem:s18], [sflag:$0x3], $0x80, s31, s16, $0xb8;
	[tilespmem:$0x1E400] =	vst v63  }
0x79: {  	_ =	swait.ge [sflag:s14], $0x4000  }
0x7a: {  	s25 =	simm.s32 $0x100;
	s26 =	simm.s32 $0x800;
	[sflag:s14] =	ssyncset.done $0x0  }
.LBB2_4:
0x7b: {  	s28 =	sadd.s32 $0x80, s25  }
0x7c: {  	[sflag:s14] =	ssyncadd.s32 $0xFFFFC000;
	s29 =	smov.u32 s26;
	s30 =	sadd.s32 $0x400, s26  }
0x7d: {  	[tilespmem:s18], [sflag:$0x2] =	stream.indirect.gather [hbm4b:s1+s16], $0x80, s28, s16, $0xb8;
	[tilespmem:$0x1E400] =	vst v63  }
0x7e: {  	p0 =	sne.s32 s26, $0x4800;
	_ =	swait.ge [sflag:s19], $0x4000  }
0x7f: {  	[sflag:s19] =	ssyncset.done $0x0  }
0x80: {  	s26 =	sadd.s32 $0x1400, s25;
	[sflag:s19] =	ssyncadd.s32 $0xFFFFC000  }
0x81: {  	[spmem:s2] =	stream.indirect.scatter.add.f32 [tilespmem:s17], [sflag:$0x3], $0x80, s26, s16, $0xb8;
	[tilespmem:$0x1E400] =	vst v63  }
0x82: {  	_ =	swait.ge [sflag:s14], $0x4000  }
0x83: {  	[sflag:s14] =	ssyncset.done $0x0  }
0x84: {  	s26 =	sadd.s32 $0x100, s25;
	[sflag:s14] =	ssyncadd.s32 $0xFFFFC000  }
0x85: {  	[tilespmem:s17], [sflag:$0x1] =	stream.indirect.gather [hbm4b:s1+s16], $0x80, s26, s16, $0xb8;
	[tilespmem:$0x1E400] =	vst v63  }
0x86: {  	_ =	swait.ge [sflag:s20], $0x4000  }
.Ltmp1:
0x87: {  	[sflag:s20] =	ssyncset.done $0x0;
	(pc) =	sbr.rel @p0 .LBB2_4-.Ltmp1, $4  }
0x88: {  	s25 =	sadd.s32 $0x1480, s25;
	[sflag:s20] =	ssyncadd.s32 $0xFFFFC000  }
0x89: {  	[spmem:s2] =	stream.indirect.scatter.add.f32 [tilespmem:s18], [sflag:$0x3], $0x80, s25, s16, $0xb8;
	[tilespmem:$0x1E400] =	vst v63  }
0x8a: {  	_ =	swait.ge [sflag:s14], $0x4000  }
0x8b: {  	s26 =	smov.u32 s30;
	s25 =	sshra.s32 s29, $0x2;
	[sflag:s14] =	ssyncset.done $0x0  }
0x8c: {  	s26 =	sadd.s32 $0x80, s25;
	[sflag:s14] =	ssyncadd.s32 $0xFFFFC000  }
0x8d: {  	[tilespmem:s18], [sflag:$0x2] =	stream.indirect.gather [hbm4b:s1+s16], $0x80, s26, s16, $0xb8;
	[tilespmem:$0x1E400] =	vst v63  }
0x8e: {  	_ =	swait.ge [sflag:s19], $0x4000  }
0x8f: {  	[sflag:s19] =	ssyncset.done $0x0  }
0x90: {  	s29 =	sadd.s32 $0x1400, s25;
	[sflag:s19] =	ssyncadd.s32 $0xFFFFC000  }
0x91: {  	[spmem:s2] =	stream.indirect.scatter.add.f32 [tilespmem:s17], [sflag:$0x3], $0x80, s29, s16, $0xb8;
	[tilespmem:$0x1E400] =	vst v63  }
0x92: {  	_ =	swait.ge [sflag:s14], $0x4000  }
0x93: {  	[sflag:s14] =	ssyncset.done $0x0  }
0x94: {  	s30 =	sadd.s32 $0x100, s25;
	[sflag:s14] =	ssyncadd.s32 $0xFFFFC000  }
0x95: {  	[tilespmem:s17], [sflag:$0x1] =	stream.indirect.gather [hbm4b:s1+s16], $0x80, s30, s16, $0xb8;
	[tilespmem:$0x1E400] =	vst v63  }
0x96: {  	_ =	swait.ge [sflag:s20], $0x4000  }
0x97: {  	[sflag:s20] =	ssyncset.done $0x0  }
0x98: {  	s31 =	sadd.s32 $0x1480, s25;
	[sflag:s20] =	ssyncadd.s32 $0xFFFFC000  }
0x99: {  	[spmem:s2] =	stream.indirect.scatter.add.f32 [tilespmem:s18], [sflag:$0x3], $0x80, s31, s16, $0xb8;
	[tilespmem:$0x1E400] =	vst v63  }
0x9a: {  	_ =	swait.ge [sflag:s14], $0x4000  }
0x9b: {  	[sflag:s14] =	ssyncset.done $0x0  }
0x9c: {  	[sflag:s14] =	ssyncadd.s32 $0xFFFFC000  }
0x9d: {  	[tilespmem:s18], [sflag:$0x2] =	stream.indirect.gather [hbm4b:s1+s16], $0x80, s21, s16, $0xb8;
	[tilespmem:$0x1E400] =	vst v63  }
0x9e: {  	_ =	swait.ge [sflag:s19], $0x4000  }
0x9f: {  	[sflag:s19] =	ssyncset.done $0x0  }
0xa0: {  	[sflag:s19] =	ssyncadd.s32 $0xFFFFC000  }
0xa1: {  	[spmem:s2] =	stream.indirect.scatter.add.f32 [tilespmem:s17], [sflag:$0x3], $0x80, s22, s16, $0xb8;
	[tilespmem:$0x1E400] =	vst v63  }
0xa2: {  	_ =	swait.ge [sflag:s14], $0x4000  }
0xa3: {  	[sflag:s14] =	ssyncset.done $0x0  }
0xa4: {  	[sflag:s14] =	ssyncadd.s32 $0xFFFFC000  }
0xa5: {  	_ =	swait.ge [sflag:s20], $0x4000  }
0xa6: {  	[sflag:s20] =	ssyncset.done $0x0  }
0xa7: {  	[sflag:s20] =	ssyncadd.s32 $0xFFFFC000  }
0xa8: {  	[spmem:s2] =	stream.indirect.scatter.add.f32 [tilespmem:s18], [sflag:$0x3], $0x80, s23, s16, $0xb8;
	[tilespmem:$0x1E400] =	vst v63  }
0xa9: {  	_ =	swait.ge [sflag:s14], $0x4000  }
0xaa: {  	s24 =	sadd.s32 $0x1, s24;
	[sflag:s14] =	ssyncset.done $0x0  }
0xab: {  	p0 =	sne.s32 s24, s12;
	[sflag:s14] =	ssyncadd.s32 $0xFFFFC000  }
.Ltmp2:
0xac: {  	[bflag:$0x0] =	sbarrier.arrive $0xFFFF;
	(pc) =	sbr.rel @p0 .LBB2_1-.Ltmp2, $4  }
0xad: {  	[hbm:s11], [sflag:s6] =	dma.local [spmem:s13], $0x2780  }
0xae: {  	_ =	swait.ge [sflag:s14], $0x2780  }
0xaf: {  	[sflag:s14] =	ssyncset.done $0x0  }
0xb0: {  	[sflag:s14] =	ssyncadd.s32 $0xFFFFD880  }
0xb1: {  	_ =	sfence.sel $0x180000  }
0xb2: {  	[bflag:$0x0] =	sbarrier.arrive $0xFFFF  }
0xb3: {  	p0 =	sne.s32 s3, $0x0;
	_ =	strace $0x90000059  }
0xb4: {  	s0 =	sadd.s32 @!p0 $0x100000, s0;
	[bflag:$0x2] =	sbarrier.arrive $0xFFFF  }
0xb5: {  	[sflag:s0] =	ssyncadd.tile.s32 @!p0 $0x1;
	_ =	shalt  }
.Lfunc_end2:
_tile_overlayer_lowered:
.L_overlay_start_2:
0xb6: {  	(tag) =	ssettag $0x2  }
0xb7: {  	s0 =	rddreg [dreg:$0x0];
	s2 =	stileid.u32  }
0xb8: {  	s1 =	rddreg [dreg:$0x1];
	p0 =	sne.s32 s2, $0x0  }
0xb9: {  	s3 =	rddreg [dreg:$0x2];
	[bflag:$0x3] =	sbarrier.arrive $0xFFFF;
	s2 =	simm.s32 @!p0 $0x1C03  }
0xba: {  	[timem:s3], [sflag:s2] =	dma.local @!p0 [hbm:s0], s1  }
0xbb: {  	s0 =	simm.s32 @!p0 $0x3  }
0xbc: {  	_ =	swait.ge @!p0 [sflag:s0], s1  }
0xbd: {  	s1 =	ssub.s32 @!p0 $0x0, s1;
	[sflag:s0] =	ssyncset.done @!p0 $0x0  }
0xbe: {  	[sflag:s0] =	ssyncadd.s32 @!p0 s1  }
0xbf: {  	[bflag:$0x3] =	sbarrier.arrive $0xFFFF  }
0xc0: {  	_ =	shalt  }

</sc_bundles>
